<compile_context>
chip_gen: v7x
topology: tpu7x:2x2x1
jax: 0.10.2.dev20260603
libtpu: 0.0.44.dev20260713+nightly
codegen_flags: <defaults>
</compile_context>

<pallas_src>
import functools

import jax
import jax.numpy as jnp
from jax import lax
from jax.experimental import pallas as pl
from jax.experimental.pallas import tpu as pltpu
from jax.experimental.pallas import tpu_sc as plsc

N0 = 50000
N1 = 10000
B = 2048
E0 = 160000
E1 = 32768
F = 256
HID = 256
NCLS = 40

NS = 16
NC = 2
CH = 128
DEPTH = 2


IB = 16


def _make_seg_kernel(nblk, zero_pt, out_pt):
    nch = nblk * IB
    acc_rows = NS * zero_pt
    out_rows = NS * out_pt

    mesh = plsc.VectorSubcoreMesh(core_axis_name="c", subcore_axis_name="s",
                                  num_cores=NC, num_subcores=NS)

    @functools.partial(
        pl.kernel,
        mesh=mesh,
        out_type=[
            jax.ShapeDtypeStruct((NC, out_rows, 128), jnp.float32),
        ],
        scratch_types=[
            pltpu.VMEM((IB, CH), jnp.int32),
            pltpu.VMEM((IB, CH), jnp.int32),
        ] + [pltpu.VMEM((CH, 128), jnp.float32)] * DEPTH + [
            pltpu.VMEM_SHARED((acc_rows, 128), jnp.float32),
        ] + [pltpu.SemaphoreType.DMA] * (2 * DEPTH),
    )
    def seg(x2, gsrc, dstr, zeros,
            agg_out,
            gidx_v, dst_v, *rest):
        bufs = rest[:DEPTH]
        acc_sh = rest[DEPTH]
        gsem = rest[DEPTH + 1:2 * DEPTH + 1]
        ssem = rest[2 * DEPTH + 1:]
        c = lax.axis_index("c")
        s = lax.axis_index("s")
        pltpu.sync_copy(zeros.at[pl.ds(0, zero_pt)],
                        acc_sh.at[pl.ds(s * zero_pt, zero_pt)])
        plsc.subcore_barrier()

        def blk(b, carry):
            pltpu.sync_copy(gsrc.at[c, s, pl.ds(b * IB, IB)], gidx_v)
            pltpu.sync_copy(dstr.at[s, pl.ds(b * IB, IB)], dst_v)
            gath = [None] * DEPTH
            scat = [None] * DEPTH
            for j in range(min(2, IB)):
                gath[j % DEPTH] = pltpu.async_copy(
                    x2.at[gidx_v.at[j]], bufs[j % DEPTH], gsem[j % DEPTH])
            for j in range(IB):
                cur = j % DEPTH
                gath[cur].wait()
                scat[cur] = pltpu.async_copy(bufs[cur],
                                             acc_sh.at[dst_v.at[j]],
                                             ssem[cur], add=True)
                m = j + 2
                if m < IB:
                    mb = m % DEPTH
                    if scat[mb] is not None:
                        scat[mb].wait()
                        scat[mb] = None
                    gath[mb] = pltpu.async_copy(x2.at[gidx_v.at[m]],
                                                bufs[mb], gsem[mb])
            for sc_ in scat:
                if sc_ is not None:
                    sc_.wait()
            return carry

        lax.fori_loop(0, nblk, blk, 0)
        plsc.subcore_barrier()
        pltpu.sync_copy(acc_sh.at[pl.ds(s * out_pt, out_pt)],
                        agg_out.at[c, pl.ds(s * out_pt, out_pt)])
    return seg


def _make_cnt_kernel():
    mesh = plsc.VectorSubcoreMesh(core_axis_name="c", subcore_axis_name="s",
                                  num_cores=NC, num_subcores=NS)
    r0 = NS * 632

    @functools.partial(
        pl.kernel,
        mesh=mesh,
        out_type=[
            jax.ShapeDtypeStruct((NC, r0, 128), jnp.float32),
            jax.ShapeDtypeStruct((NC, B, 128), jnp.float32),
        ],
        scratch_types=[
            pltpu.VMEM((IB, CH), jnp.int32),
            pltpu.VMEM((CH, 128), jnp.float32),
            pltpu.VMEM_SHARED((r0, 128), jnp.float32),
            pltpu.VMEM_SHARED((B, 128), jnp.float32),
            pltpu.SemaphoreType.DMA,
        ],
    )
    def cnt(dstr0, dstr1, ones, zeros, cnt0_out, cnt1_out,
            dst_v, ones_v, acc0_sh, acc1_sh, sem):
        c = lax.axis_index("c")
        s = lax.axis_index("s")
        pltpu.sync_copy(zeros.at[pl.ds(0, 632)],
                        acc0_sh.at[pl.ds(s * 632, 632)])
        pltpu.sync_copy(zeros.at[pl.ds(0, 128)],
                        acc1_sh.at[pl.ds(s * 128, 128)])
        pltpu.sync_copy(ones, ones_v)
        plsc.subcore_barrier()

        def count_into(dstr, acc_sh, nblk):
            def blk(b, carry):
                pltpu.sync_copy(dstr.at[s, pl.ds(b * IB, IB)], dst_v)
                cps = []
                for k in range(IB // 2):
                    cps.append(pltpu.async_copy(
                        ones_v, acc_sh.at[dst_v.at[2 * k + c]], sem,
                        add=True))
                for cp in cps:
                    cp.wait()
                return carry
            lax.fori_loop(0, nblk, blk, 0)

        count_into(dstr0, acc0_sh, 5)
        count_into(dstr1, acc1_sh, 1)
        plsc.subcore_barrier()
        pltpu.sync_copy(acc0_sh.at[pl.ds(s * 632, 632)],
                        cnt0_out.at[c, pl.ds(s * 632, 632)])
        pltpu.sync_copy(acc1_sh.at[pl.ds(s * 128, 128)],
                        cnt1_out.at[c, pl.ds(s * 128, 128)])

    return cnt


_E0P = NS * 5 * IB * CH
_seg_cache = {}


def _seg_kernels():
    if not _seg_cache:
        _seg_cache["l0"] = _make_seg_kernel(nblk=5, zero_pt=632, out_pt=632)
        _seg_cache["l1"] = _make_seg_kernel(nblk=1, zero_pt=128, out_pt=128)
        _seg_cache["cnt"] = _make_cnt_kernel()
    return _seg_cache["l0"], _seg_cache["l1"], _seg_cache["cnt"]


def _l0_body(agg_ref, cnt_ref, x_ref, wn_ref, ws_ref, b_ref, o_ref):
    cnt = jnp.maximum(cnt_ref[0, :, 0:1] + cnt_ref[1, :, 0:1], 1.0)
    m0 = agg_ref[0] / cnt
    m1 = agg_ref[1] / cnt
    h = (jnp.dot(m0, wn_ref[0:128, :], preferred_element_type=jnp.float32)
         + jnp.dot(m1, wn_ref[128:256, :], preferred_element_type=jnp.float32)
         + jnp.dot(x_ref[...], ws_ref[...], preferred_element_type=jnp.float32)
         + b_ref[...])
    o_ref[...] = jnp.maximum(h, 0.0)


def _l1_body(agg_ref, cnt_ref, h1_ref, wn_ref, ws_ref, b_ref, av_ref,
             wo_ref, bo_ref, o_ref, alpha_ref):
    cnt = jnp.maximum(cnt_ref[0, :, 0:1] + cnt_ref[1, :, 0:1], 1.0)
    m0 = agg_ref[0] / cnt
    m1 = agg_ref[1] / cnt
    h1b = h1_ref[...]
    h2 = (jnp.dot(m0, wn_ref[0:128, :], preferred_element_type=jnp.float32)
          + jnp.dot(m1, wn_ref[128:256, :], preferred_element_type=jnp.float32)
          + jnp.dot(h1b, ws_ref[...], preferred_element_type=jnp.float32)
          + b_ref[...])
    av = av_ref[...]
    s0 = jnp.sum(jnp.tanh(h1b) * av, axis=1, keepdims=True)
    s1 = jnp.sum(jnp.tanh(h2) * av, axis=1, keepdims=True)
    m = jnp.maximum(s0, s1)
    e0 = jnp.exp(s0 - m)
    e1 = jnp.exp(s1 - m)
    den = e0 + e1
    a0 = e0 / den
    a1 = e1 / den
    h = a0 * h1b + a1 * h2
    o_ref[...] = (jnp.dot(h, wo_ref[...], preferred_element_type=jnp.float32)
                  + bo_ref[...])
    alpha_ref[...] = jnp.concatenate([a0, a1], axis=1)


def _edge_prep(src, dst, e_pad, trash_row, nch):
    src = src.astype(jnp.int32)
    dst = dst.astype(jnp.int32)
    pad = e_pad - src.shape[0]
    if pad:
        src = jnp.concatenate([src, jnp.zeros((pad,), jnp.int32)])
        dst = jnp.concatenate([dst, jnp.full((pad,), trash_row, jnp.int32)])
    s2 = src * 2
    gsrc = jnp.stack([s2, s2 + 1]).reshape(NC, NS, nch, CH)
    dstr = dst.reshape(NS, nch, CH)
    return gsrc, dstr


def kernel(x, edge_index_0, edge_index_1, W_n0, W_s0, b0, W_n1, W_s1, b1,
           att_vec, W_out, b_out):
    f32 = jnp.float32
    ones = jnp.ones((CH, 128), f32)
    zeros = jnp.zeros((632, 128), f32)

    _seg0, _seg1, _cntk = _seg_kernels()
    gsrc0, dstr0 = _edge_prep(edge_index_0[0], edge_index_0[1], _E0P, N1,
                              5 * IB)
    gsrc1, dstr1 = _edge_prep(edge_index_1[0], edge_index_1[1], E1, B, IB)

    cnt0, cnt1 = _cntk(dstr0, dstr1, ones, zeros)
    x2 = x.reshape(2 * N0, 128)
    x2, cnt0 = lax.optimization_barrier((x2, cnt0))
    (agg0,) = _seg0(x2, gsrc0, dstr0, zeros)

    bm0 = 1000
    h1 = pl.pallas_call(
        _l0_body,
        grid=(N1 // bm0,),
        in_specs=[
            pl.BlockSpec((NC, bm0, 128), lambda i: (0, i, 0)),
            pl.BlockSpec((NC, bm0, 128), lambda i: (0, i, 0)),
            pl.BlockSpec((bm0, F), lambda i: (i, 0)),
            pl.BlockSpec((F, HID), lambda i: (0, 0)),
            pl.BlockSpec((F, HID), lambda i: (0, 0)),
            pl.BlockSpec((1, HID), lambda i: (0, 0)),
        ],
        out_specs=pl.BlockSpec((bm0, HID), lambda i: (i, 0)),
        out_shape=jax.ShapeDtypeStruct((N1, HID), f32),
    )(agg0, cnt0, x, W_n0, W_s0, b0.reshape(1, HID))

    h1_2 = h1.reshape(2 * N1, 128)
    (agg1,) = _seg1(h1_2, gsrc1, dstr1, zeros)

    bm1 = 512
    out, alpha = pl.pallas_call(
        _l1_body,
        grid=(B // bm1,),
        in_specs=[
            pl.BlockSpec((NC, bm1, 128), lambda i: (0, i, 0)),
            pl.BlockSpec((NC, bm1, 128), lambda i: (0, i, 0)),
            pl.BlockSpec((bm1, HID), lambda i: (i, 0)),
            pl.BlockSpec((HID, HID), lambda i: (0, 0)),
            pl.BlockSpec((HID, HID), lambda i: (0, 0)),
            pl.BlockSpec((1, HID), lambda i: (0, 0)),
            pl.BlockSpec((1, HID), lambda i: (0, 0)),
            pl.BlockSpec((HID, NCLS), lambda i: (0, 0)),
            pl.BlockSpec((1, NCLS), lambda i: (0, 0)),
        ],
        out_specs=[
            pl.BlockSpec((bm1, NCLS), lambda i: (i, 0)),
            pl.BlockSpec((bm1, 2), lambda i: (i, 0)),
        ],
        out_shape=[
            jax.ShapeDtypeStruct((B, NCLS), f32),
            jax.ShapeDtypeStruct((B, 2), f32),
        ],
    )(agg1, cnt1, h1, W_n1, W_s1, b1.reshape(1, HID),
      att_vec.reshape(1, HID), W_out, b_out.reshape(1, NCLS))

    return (out, alpha)

# --- scband reference (transcript-rebuilt; emitter-appended) ---
"""Pipeline reference for scband-att-gnn-sageconv-78503412236427 (READ-ONLY COPY).

The authoritative reference and input builder live on the scoring server;
editing this copy changes nothing except your own understanding.
"""

import jax, jax.numpy as jnp
import numpy as np

N0 = 50000   # layer-0 source nodes
N1 = 10000   # layer-1 nodes (targets of conv0, sources of conv1)
B = 2048     # seed batch nodes
E0 = 160000
E1 = 32768
F_IN = 256
HID = 256
NCLS = 40
TEMP = 1.0


def setup_inputs(seed: int = 0) -> dict:
    key = jax.random.key(seed)
    ks = jax.random.split(key, 14)
    x = jax.random.normal(ks[0], (N0, F_IN), dtype=jnp.float32)
    # bipartite edge_index for layer 0: src in [0, N0), dst in [0, N1)
    ei0 = jnp.stack([
        jax.random.randint(ks[1], (E0,), 0, N0),
        jax.random.randint(ks[2], (E0,), 0, N1),
    ]).astype(jnp.int64)
    # bipartite edge_index for layer 1: src in [0, N1), dst in [0, B)
    ei1 = jnp.stack([
        jax.random.randint(ks[3], (E1,), 0, N1),
        jax.random.randint(ks[4], (E1,), 0, B),
    ]).astype(jnp.int64)
    s0 = 1.0 / np.sqrt(F_IN)
    s1 = 1.0 / np.sqrt(HID)
    W_n0 = jax.random.normal(ks[5], (F_IN, HID), dtype=jnp.float32) * s0
    W_s0 = jax.random.normal(ks[6], (F_IN, HID), dtype=jnp.float32) * s0
    b0 = jnp.zeros((HID,), dtype=jnp.float32)
    W_n1 = jax.random.normal(ks[7], (HID, HID), dtype=jnp.float32) * s1
    W_s1 = jax.random.normal(ks[8], (HID, HID), dtype=jnp.float32) * s1
    b1 = jnp.zeros((HID,), dtype=jnp.float32)
    att_vec = jax.random.normal(ks[9], (HID,), dtype=jnp.float32) * s1
    W_out = jax.random.normal(ks[10], (HID, NCLS), dtype=jnp.float32) * s1
    b_out = jnp.zeros((NCLS,), dtype=jnp.float32)
    return {
        'x': x, 'edge_index_0': ei0, 'edge_index_1': ei1,
        'W_n0': W_n0, 'W_s0': W_s0, 'b0': b0,
        'W_n1': W_n1, 'W_s1': W_s1, 'b1': b1,
        'att_vec': att_vec, 'W_out': W_out, 'b_out': b_out,
    }


def _sage_conv(x_src, x_tgt, edge_index, W_n, W_s, b):
    # SAGEConv (mean aggregator) on a bipartite graph, matching
    # GeneralConv(task, 'sage_conv', ..., self_node=True)
    src = edge_index[0]
    dst = edge_index[1]
    msgs = jnp.take(x_src, src, axis=0)
    agg = jax.ops.segment_sum(msgs, dst, num_segments=x_tgt.shape[0])
    cnt = jax.ops.segment_sum(jnp.ones((src.shape[0], 1), dtype=x_src.dtype), dst,
                              num_segments=x_tgt.shape[0])
    mean = agg / jnp.maximum(cnt, 1.0)
    return mean @ W_n + x_tgt @ W_s + b


def reference(x, edge_index_0, edge_index_1, W_n0, W_s0, b0, W_n1, W_s1, b1,
              att_vec, W_out, b_out):
    # layer 0: (x_src=x[:N0], x_target=x[:N1])
    x_t = x[:N1]
    h1 = _sage_conv(x, x_t, edge_index_0, W_n0, W_s0, b0)
    h1 = jax.nn.relu(h1)  # dropout is identity in eval mode
    # layer 1: (x_src=h1[:N1], x_target=h1[:B])
    h1_t = h1[:B]
    h2 = _sage_conv(h1, h1_t, edge_index_1, W_n1, W_s1, b1)
    # truncate each layer output to the seed batch and attend over layers
    xs = jnp.stack([h1[:B], h2[:B]], axis=1)  # [B, L, HID]
    scores = jnp.einsum('blh,h->bl', jnp.tanh(xs), att_vec) / TEMP
    alpha = jax.nn.softmax(scores, axis=1)
    h = jnp.einsum('bl,blh->bh', alpha, xs)
    out = h @ W_out + b_out
    return (out, alpha)

if __name__ == "__main__":
    import jax
    _d = setup_inputs()
    print(jax.jit(kernel)(*tuple(_d.values())))

</pallas_src>

<mosaic_0001>
#map = affine_map<(d0, d1) -> (0, 0)>
#map1 = affine_map<(d0, d1) -> (0, 0, 0, 0)>
#map2 = affine_map<(d0, d1) -> (0, 0, 0)>
module attributes {stable_mosaic.version = 14 : i64} {
  func.func @seg(%arg0: i32, %arg1: i32, %arg2: memref<100000x128xf32, #tpu.memory_space<hbm>>, %arg3: memref<2x16x80x128xi32, #tpu.memory_space<hbm>>, %arg4: memref<16x80x128xi32, #tpu.memory_space<hbm>>, %arg5: memref<632x128xf32, #tpu.memory_space<hbm>>, %arg6: memref<2x10112x128xf32, #tpu.memory_space<hbm>>, %arg7: memref<16x128xi32, #tpu.memory_space<vmem>>, %arg8: memref<16x128xi32, #tpu.memory_space<vmem>>, %arg9: memref<128x128xf32, #tpu.memory_space<vmem>>, %arg10: memref<128x128xf32, #tpu.memory_space<vmem>>, %arg11: memref<10112x128xf32, #tpu.memory_space<vmem_shared>>, %arg12: memref<!tpu.dma_semaphore, #tpu.memory_space<semaphore_mem>>, %arg13: memref<!tpu.dma_semaphore, #tpu.memory_space<semaphore_mem>>, %arg14: memref<!tpu.dma_semaphore, #tpu.memory_space<semaphore_mem>>, %arg15: memref<!tpu.dma_semaphore, #tpu.memory_space<semaphore_mem>>) attributes {dimension_semantics = [#tpu.dimension_semantics<core_parallel>, #tpu.dimension_semantics<subcore_parallel>], iteration_bounds = array<i64: 2, 16>, scalar_prefetch = 0 : i64, scratch_operands = 9 : i64, tpu.core_type = #tpu.core_type<sc_vector_subcore>, window_params = [{transform_indices = #map}, {transform_indices = #map1}, {transform_indices = #map2}, {transform_indices = #map}, {transform_indices = #map2}]} {
    %mul3A = arith.constant 632 : i32
    %mul3A_0 = arith.muli %arg1, %mul3A : i32
    "tpu.region"() ({
      %run_scoped3A = tpu.sem_alloc : memref<!tpu.dma_semaphore, #tpu.memory_space<semaphore_mem>>
      %dma_start3A = arith.constant 0 : i32
      %dma_start3A_11 = tpu.memref_slice %arg11[%mul3A_0, %dma_start3A] : memref<10112x128xf32, #tpu.memory_space<vmem_shared>> -> memref<632x128xf32, #tpu.memory_space<vmem_shared>>
      %dma_start3A_12 = arith.constant 0 : i32
      %dma_start3A_13 = arith.constant 0 : i32
      %dma_start3A_14 = tpu.memref_slice %arg5[%dma_start3A_12, %dma_start3A_13] : memref<632x128xf32, #tpu.memory_space<hbm>> -> memref<632x128xf32, #tpu.memory_space<hbm>>
      tpu.enqueue_dma source(%dma_start3A_14 : memref<632x128xf32, #tpu.memory_space<hbm>>) target(%dma_start3A_11 : memref<632x128xf32, #tpu.memory_space<vmem_shared>>) target_semaphore(%run_scoped3A : memref<!tpu.dma_semaphore, #tpu.memory_space<semaphore_mem>>)
      %dma_wait3A = arith.constant 0 : i32
      %dma_wait3A_15 = tpu.memref_slice %arg11[%mul3A_0, %dma_wait3A] : memref<10112x128xf32, #tpu.memory_space<vmem_shared>> -> memref<632x128xf32, #tpu.memory_space<vmem_shared>>
      %dma_wait3A_16 = arith.constant 0 : i32
      %dma_wait3A_17 = arith.constant 0 : i32
      %dma_wait3A_18 = tpu.memref_slice %arg5[%dma_wait3A_16, %dma_wait3A_17] : memref<632x128xf32, #tpu.memory_space<hbm>> -> memref<632x128xf32, #tpu.memory_space<hbm>>
      tpu.wait_dma2 semaphore(%run_scoped3A : memref<!tpu.dma_semaphore, #tpu.memory_space<semaphore_mem>>) src(%dma_wait3A_18 : memref<632x128xf32, #tpu.memory_space<hbm>>) dst(%dma_wait3A_15 : memref<632x128xf32, #tpu.memory_space<vmem_shared>>)
      tpu.yield
    }) : () -> ()
    %barrier3A = arith.constant 0 : index
    tpu.barrier barrier_id(%barrier3A)
    %scan3A = arith.constant 0 : i32
    %scan3A_1 = arith.constant 0 : i32
    %scan3A_2 = arith.constant 5 : i32
    %scan3A_3 = arith.addi %scan3A_1, %scan3A_2 : i32
    %scan3A_4 = arith.constant 1 : i32
    scf.for %scan3A_11 = %scan3A_1 to %scan3A_3 step %scan3A_4  : i32 {
      %mul3A_12 = arith.constant 16 : i32
      %mul3A_13 = arith.muli %scan3A_11, %mul3A_12 : i32
      "tpu.region"() ({
        %run_scoped3A = tpu.sem_alloc : memref<!tpu.dma_semaphore, #tpu.memory_space<semaphore_mem>>
        %dma_start3A_462 = arith.constant 0 : i32
        %dma_start3A_463 = tpu.memref_slice %arg3[%arg0, %arg1, %mul3A_13, %dma_start3A_462] : memref<2x16x80x128xi32, #tpu.memory_space<hbm>> -> memref<1x1x16x128xi32, #tpu.memory_space<hbm>>
        %dma_start3A_464 = tpu.memref_squeeze %dma_start3A_463 : memref<1x1x16x128xi32, #tpu.memory_space<hbm>> -> memref<16x128xi32, #tpu.memory_space<hbm>>
        %dma_start3A_465 = arith.constant 0 : i32
        %dma_start3A_466 = tpu.memref_slice %arg3[%arg0, %arg1, %mul3A_13, %dma_start3A_465] : memref<2x16x80x128xi32, #tpu.memory_space<hbm>> -> memref<1x1x16x128xi32, #tpu.memory_space<hbm>>
        %dma_start3A_467 = tpu.memref_squeeze %dma_start3A_466 : memref<1x1x16x128xi32, #tpu.memory_space<hbm>> -> memref<16x128xi32, #tpu.memory_space<hbm>>
        tpu.enqueue_dma source(%dma_start3A_467 : memref<16x128xi32, #tpu.memory_space<hbm>>) target(%arg7 : memref<16x128xi32, #tpu.memory_space<vmem>>) target_semaphore(%run_scoped3A : memref<!tpu.dma_semaphore, #tpu.memory_space<semaphore_mem>>)
        %dma_wait3A_468 = arith.constant 0 : i32
        %dma_wait3A_469 = tpu.memref_slice %arg3[%arg0, %arg1, %mul3A_13, %dma_wait3A_468] : memref<2x16x80x128xi32, #tpu.memory_space<hbm>> -> memref<1x1x16x128xi32, #tpu.memory_space<hbm>>
        %dma_wait3A_470 = tpu.memref_squeeze %dma_wait3A_469 : memref<1x1x16x128xi32, #tpu.memory_space<hbm>> -> memref<16x128xi32, #tpu.memory_space<hbm>>
        %dma_wait3A_471 = arith.constant 0 : i32
        %dma_wait3A_472 = tpu.memref_slice %arg3[%arg0, %arg1, %mul3A_13, %dma_wait3A_471] : memref<2x16x80x128xi32, #tpu.memory_space<hbm>> -> memref<1x1x16x128xi32, #tpu.memory_space<hbm>>
        %dma_wait3A_473 = tpu.memref_squeeze %dma_wait3A_472 : memref<1x1x16x128xi32, #tpu.memory_space<hbm>> -> memref<16x128xi32, #tpu.memory_space<hbm>>
        tpu.wait_dma2 semaphore(%run_scoped3A : memref<!tpu.dma_semaphore, #tpu.memory_space<semaphore_mem>>) src(%dma_wait3A_473 : memref<16x128xi32, #tpu.memory_space<hbm>>) dst(%arg7 : memref<16x128xi32, #tpu.memory_space<vmem>>)
        tpu.yield
      }) : () -> ()
      %mul3A_14 = arith.constant 16 : i32
      %mul3A_15 = arith.muli %scan3A_11, %mul3A_14 : i32
      "tpu.region"() ({
        %run_scoped3A = tpu.sem_alloc : memref<!tpu.dma_semaphore, #tpu.memory_space<semaphore_mem>>
        %dma_start3A_462 = arith.constant 0 : i32
        %dma_start3A_463 = tpu.memref_slice %arg4[%arg1, %mul3A_15, %dma_start3A_462] : memref<16x80x128xi32, #tpu.memory_space<hbm>> -> memref<1x16x128xi32, #tpu.memory_space<hbm>>
        %dma_start3A_464 = tpu.memref_squeeze %dma_start3A_463 : memref<1x16x128xi32, #tpu.memory_space<hbm>> -> memref<16x128xi32, #tpu.memory_space<hbm>>
        %dma_start3A_465 = arith.constant 0 : i32
        %dma_start3A_466 = tpu.memref_slice %arg4[%arg1, %mul3A_15, %dma_start3A_465] : memref<16x80x128xi32, #tpu.memory_space<hbm>> -> memref<1x16x128xi32, #tpu.memory_space<hbm>>
        %dma_start3A_467 = tpu.memref_squeeze %dma_start3A_466 : memref<1x16x128xi32, #tpu.memory_space<hbm>> -> memref<16x128xi32, #tpu.memory_space<hbm>>
        tpu.enqueue_dma source(%dma_start3A_467 : memref<16x128xi32, #tpu.memory_space<hbm>>) target(%arg8 : memref<16x128xi32, #tpu.memory_space<vmem>>) target_semaphore(%run_scoped3A : memref<!tpu.dma_semaphore, #tpu.memory_space<semaphore_mem>>)
        %dma_wait3A_468 = arith.constant 0 : i32
        %dma_wait3A_469 = tpu.memref_slice %arg4[%arg1, %mul3A_15, %dma_wait3A_468] : memref<16x80x128xi32, #tpu.memory_space<hbm>> -> memref<1x16x128xi32, #tpu.memory_space<hbm>>
        %dma_wait3A_470 = tpu.memref_squeeze %dma_wait3A_469 : memref<1x16x128xi32, #tpu.memory_space<hbm>> -> memref<16x128xi32, #tpu.memory_space<hbm>>
        %dma_wait3A_471 = arith.constant 0 : i32
        %dma_wait3A_472 = tpu.memref_slice %arg4[%arg1, %mul3A_15, %dma_wait3A_471] : memref<16x80x128xi32, #tpu.memory_space<hbm>> -> memref<1x16x128xi32, #tpu.memory_space<hbm>>
        %dma_wait3A_473 = tpu.memref_squeeze %dma_wait3A_472 : memref<1x16x128xi32, #tpu.memory_space<hbm>> -> memref<16x128xi32, #tpu.memory_space<hbm>>
        tpu.wait_dma2 semaphore(%run_scoped3A : memref<!tpu.dma_semaphore, #tpu.memory_space<semaphore_mem>>) src(%dma_wait3A_473 : memref<16x128xi32, #tpu.memory_space<hbm>>) dst(%arg8 : memref<16x128xi32, #tpu.memory_space<vmem>>)
        tpu.yield
      }) : () -> ()
      %dma_start3A = arith.constant 0 : i32
      %dma_start3A_16 = arith.constant 0 : i32
      %dma_start3A_17 = tpu.memref_slice %arg7[%dma_start3A, %dma_start3A_16] : memref<16x128xi32, #tpu.memory_space<vmem>> -> memref<1x128xi32, #tpu.memory_space<vmem>>
      %dma_start3A_18 = tpu.memref_squeeze %dma_start3A_17 : memref<1x128xi32, #tpu.memory_space<vmem>> -> memref<128xi32, #tpu.memory_space<vmem>>
      %dma_start3A_19 = arith.constant 0 : i32
      %dma_start3A_20 = arith.constant 0 : i32
      %dma_start3A_21 = tpu.memref_slice %arg2[%dma_start3A_19, %dma_start3A_20] : memref<100000x128xf32, #tpu.memory_space<hbm>> -> memref<100000x128xf32, #tpu.memory_space<hbm>>
      tpu.enqueue_indirect_dma source(%dma_start3A_21 : memref<100000x128xf32, #tpu.memory_space<hbm>>) target(%arg9 : memref<128x128xf32, #tpu.memory_space<vmem>>) offsets(%dma_start3A_18 : memref<128xi32, #tpu.memory_space<vmem>>) semaphore(%arg12 : memref<!tpu.dma_semaphore, #tpu.memory_space<semaphore_mem>>)
      %dma_start3A_22 = arith.constant 1 : i32
      %dma_start3A_23 = arith.constant 0 : i32
      %dma_start3A_24 = tpu.memref_slice %arg7[%dma_start3A_22, %dma_start3A_23] : memref<16x128xi32, #tpu.memory_space<vmem>> -> memref<1x128xi32, #tpu.memory_space<vmem>>
      %dma_start3A_25 = tpu.memref_squeeze %dma_start3A_24 : memref<1x128xi32, #tpu.memory_space<vmem>> -> memref<128xi32, #tpu.memory_space<vmem>>
      %dma_start3A_26 = arith.constant 0 : i32
      %dma_start3A_27 = arith.constant 0 : i32
      %dma_start3A_28 = tpu.memref_slice %arg2[%dma_start3A_26, %dma_start3A_27] : memref<100000x128xf32, #tpu.memory_space<hbm>> -> memref<100000x128xf32, #tpu.memory_space<hbm>>
      tpu.enqueue_indirect_dma source(%dma_start3A_28 : memref<100000x128xf32, #tpu.memory_space<hbm>>) target(%arg10 : memref<128x128xf32, #tpu.memory_space<vmem>>) offsets(%dma_start3A_25 : memref<128xi32, #tpu.memory_space<vmem>>) semaphore(%arg13 : memref<!tpu.dma_semaphore, #tpu.memory_space<semaphore_mem>>)
      %dma_wait3A = arith.constant 0 : i32
      %dma_wait3A_29 = arith.constant 0 : i32
      %dma_wait3A_30 = tpu.memref_slice %arg7[%dma_wait3A, %dma_wait3A_29] : memref<16x128xi32, #tpu.memory_space<vmem>> -> memref<1x128xi32, #tpu.memory_space<vmem>>
      %dma_wait3A_31 = tpu.memref_squeeze %dma_wait3A_30 : memref<1x128xi32, #tpu.memory_space<vmem>> -> memref<128xi32, #tpu.memory_space<vmem>>
      %dma_wait3A_32 = arith.constant 0 : i32
      %dma_wait3A_33 = arith.constant 0 : i32
      %dma_wait3A_34 = tpu.memref_slice %arg2[%dma_wait3A_32, %dma_wait3A_33] : memref<100000x128xf32, #tpu.memory_space<hbm>> -> memref<100000x128xf32, #tpu.memory_space<hbm>>
      tpu.wait_indirect_dma semaphore(%arg12 : memref<!tpu.dma_semaphore, #tpu.memory_space<semaphore_mem>>) src(%dma_wait3A_34 : memref<100000x128xf32, #tpu.memory_space<hbm>>) dst(%arg9 : memref<128x128xf32, #tpu.memory_space<vmem>>)
      %dma_start3A_35 = arith.constant 0 : i32
      %dma_start3A_36 = arith.constant 0 : i32
      %dma_start3A_37 = tpu.memref_slice %arg8[%dma_start3A_35, %dma_start3A_36] : memref<16x128xi32, #tpu.memory_space<vmem>> -> memref<1x128xi32, #tpu.memory_space<vmem>>
      %dma_start3A_38 = tpu.memref_squeeze %dma_start3A_37 : memref<1x128xi32, #tpu.memory_space<vmem>> -> memref<128xi32, #tpu.memory_space<vmem>>
      %dma_start3A_39 = arith.constant 0 : i32
      %dma_start3A_40 = arith.constant 0 : i32
      %dma_start3A_41 = tpu.memref_slice %arg11[%dma_start3A_39, %dma_start3A_40] : memref<10112x128xf32, #tpu.memory_space<vmem_shared>> -> memref<10112x128xf32, #tpu.memory_space<vmem_shared>>
      tpu.enqueue_indirect_dma source(%arg9 : memref<128x128xf32, #tpu.memory_space<vmem>>) target(%dma_start3A_41 : memref<10112x128xf32, #tpu.memory_space<vmem_shared>>) offsets(%dma_start3A_38 : memref<128xi32, #tpu.memory_space<vmem>>) semaphore(%arg14 : memref<!tpu.dma_semaphore, #tpu.memory_space<semaphore_mem>>) {add = true}
      %dma_wait3A_42 = arith.constant 0 : i32
      %dma_wait3A_43 = arith.constant 0 : i32
      %dma_wait3A_44 = tpu.memref_slice %arg8[%dma_wait3A_42, %dma_wait3A_43] : memref<16x128xi32, #tpu.memory_space<vmem>> -> memref<1x128xi32, #tpu.memory_space<vmem>>
      %dma_wait3A_45 = tpu.memref_squeeze %dma_wait3A_44 : memref<1x128xi32, #tpu.memory_space<vmem>> -> memref<128xi32, #tpu.memory_space<vmem>>
      %dma_wait3A_46 = arith.constant 0 : i32
      %dma_wait3A_47 = arith.constant 0 : i32
      %dma_wait3A_48 = tpu.memref_slice %arg11[%dma_wait3A_46, %dma_wait3A_47] : memref<10112x128xf32, #tpu.memory_space<vmem_shared>> -> memref<10112x128xf32, #tpu.memory_space<vmem_shared>>
      tpu.wait_indirect_dma semaphore(%arg14 : memref<!tpu.dma_semaphore, #tpu.memory_space<semaphore_mem>>) src(%arg9 : memref<128x128xf32, #tpu.memory_space<vmem>>) dst(%dma_wait3A_48 : memref<10112x128xf32, #tpu.memory_space<vmem_shared>>)
      %dma_start3A_49 = arith.constant 2 : i32
      %dma_start3A_50 = arith.constant 0 : i32
      %dma_start3A_51 = tpu.memref_slice %arg7[%dma_start3A_49, %dma_start3A_50] : memref<16x128xi32, #tpu.memory_space<vmem>> -> memref<1x128xi32, #tpu.memory_space<vmem>>
      %dma_start3A_52 = tpu.memref_squeeze %dma_start3A_51 : memref<1x128xi32, #tpu.memory_space<vmem>> -> memref<128xi32, #tpu.memory_space<vmem>>
      %dma_start3A_53 = arith.constant 0 : i32
      %dma_start3A_54 = arith.constant 0 : i32
      %dma_start3A_55 = tpu.memref_slice %arg2[%dma_start3A_53, %dma_start3A_54] : memref<100000x128xf32, #tpu.memory_space<hbm>> -> memref<100000x128xf32, #tpu.memory_space<hbm>>
      tpu.enqueue_indirect_dma source(%dma_start3A_55 : memref<100000x128xf32, #tpu.memory_space<hbm>>) target(%arg9 : memref<128x128xf32, #tpu.memory_space<vmem>>) offsets(%dma_start3A_52 : memref<128xi32, #tpu.memory_space<vmem>>) semaphore(%arg12 : memref<!tpu.dma_semaphore, #tpu.memory_space<semaphore_mem>>)
      %dma_wait3A_56 = arith.constant 1 : i32
      %dma_wait3A_57 = arith.constant 0 : i32
      %dma_wait3A_58 = tpu.memref_slice %arg7[%dma_wait3A_56, %dma_wait3A_57] : memref<16x128xi32, #tpu.memory_space<vmem>> -> memref<1x128xi32, #tpu.memory_space<vmem>>
      %dma_wait3A_59 = tpu.memref_squeeze %dma_wait3A_58 : memref<1x128xi32, #tpu.memory_space<vmem>> -> memref<128xi32, #tpu.memory_space<vmem>>
      %dma_wait3A_60 = arith.constant 0 : i32
      %dma_wait3A_61 = arith.constant 0 : i32
      %dma_wait3A_62 = tpu.memref_slice %arg2[%dma_wait3A_60, %dma_wait3A_61] : memref<100000x128xf32, #tpu.memory_space<hbm>> -> memref<100000x128xf32, #tpu.memory_space<hbm>>
      tpu.wait_indirect_dma semaphore(%arg13 : memref<!tpu.dma_semaphore, #tpu.memory_space<semaphore_mem>>) src(%dma_wait3A_62 : memref<100000x128xf32, #tpu.memory_space<hbm>>) dst(%arg10 : memref<128x128xf32, #tpu.memory_space<vmem>>)
      %dma_start3A_63 = arith.constant 1 : i32
      %dma_start3A_64 = arith.constant 0 : i32
      %dma_start3A_65 = tpu.memref_slice %arg8[%dma_start3A_63, %dma_start3A_64] : memref<16x128xi32, #tpu.memory_space<vmem>> -> memref<1x128xi32, #tpu.memory_space<vmem>>
      %dma_start3A_66 = tpu.memref_squeeze %dma_start3A_65 : memref<1x128xi32, #tpu.memory_space<vmem>> -> memref<128xi32, #tpu.memory_space<vmem>>
      %dma_start3A_67 = arith.constant 0 : i32
      %dma_start3A_68 = arith.constant 0 : i32
      %dma_start3A_69 = tpu.memref_slice %arg11[%dma_start3A_67, %dma_start3A_68] : memref<10112x128xf32, #tpu.memory_space<vmem_shared>> -> memref<10112x128xf32, #tpu.memory_space<vmem_shared>>
      tpu.enqueue_indirect_dma source(%arg10 : memref<128x128xf32, #tpu.memory_space<vmem>>) target(%dma_start3A_69 : memref<10112x128xf32, #tpu.memory_space<vmem_shared>>) offsets(%dma_start3A_66 : memref<128xi32, #tpu.memory_space<vmem>>) semaphore(%arg15 : memref<!tpu.dma_semaphore, #tpu.memory_space<semaphore_mem>>) {add = true}
      %dma_wait3A_70 = arith.constant 1 : i32
      %dma_wait3A_71 = arith.constant 0 : i32
      %dma_wait3A_72 = tpu.memref_slice %arg8[%dma_wait3A_70, %dma_wait3A_71] : memref<16x128xi32, #tpu.memory_space<vmem>> -> memref<1x128xi32, #tpu.memory_space<vmem>>
      %dma_wait3A_73 = tpu.memref_squeeze %dma_wait3A_72 : memref<1x128xi32, #tpu.memory_space<vmem>> -> memref<128xi32, #tpu.memory_space<vmem>>
      %dma_wait3A_74 = arith.constant 0 : i32
      %dma_wait3A_75 = arith.constant 0 : i32
      %dma_wait3A_76 = tpu.memref_slice %arg11[%dma_wait3A_74, %dma_wait3A_75] : memref<10112x128xf32, #tpu.memory_space<vmem_shared>> -> memref<10112x128xf32, #tpu.memory_space<vmem_shared>>
      tpu.wait_indirect_dma semaphore(%arg15 : memref<!tpu.dma_semaphore, #tpu.memory_space<semaphore_mem>>) src(%arg10 : memref<128x128xf32, #tpu.memory_space<vmem>>) dst(%dma_wait3A_76 : memref<10112x128xf32, #tpu.memory_space<vmem_shared>>)
      %dma_start3A_77 = arith.constant 3 : i32
      %dma_start3A_78 = arith.constant 0 : i32
      %dma_start3A_79 = tpu.memref_slice %arg7[%dma_start3A_77, %dma_start3A_78] : memref<16x128xi32, #tpu.memory_space<vmem>> -> memref<1x128xi32, #tpu.memory_space<vmem>>
      %dma_start3A_80 = tpu.memref_squeeze %dma_start3A_79 : memref<1x128xi32, #tpu.memory_space<vmem>> -> memref<128xi32, #tpu.memory_space<vmem>>
      %dma_start3A_81 = arith.constant 0 : i32
      %dma_start3A_82 = arith.constant 0 : i32
      %dma_start3A_83 = tpu.memref_slice %arg2[%dma_start3A_81, %dma_start3A_82] : memref<100000x128xf32, #tpu.memory_space<hbm>> -> memref<100000x128xf32, #tpu.memory_space<hbm>>
      tpu.enqueue_indirect_dma source(%dma_start3A_83 : memref<100000x128xf32, #tpu.memory_space<hbm>>) target(%arg10 : memref<128x128xf32, #tpu.memory_space<vmem>>) offsets(%dma_start3A_80 : memref<128xi32, #tpu.memory_space<vmem>>) semaphore(%arg13 : memref<!tpu.dma_semaphore, #tpu.memory_space<semaphore_mem>>)
      %dma_wait3A_84 = arith.constant 2 : i32
      %dma_wait3A_85 = arith.constant 0 : i32
      %dma_wait3A_86 = tpu.memref_slice %arg7[%dma_wait3A_84, %dma_wait3A_85] : memref<16x128xi32, #tpu.memory_space<vmem>> -> memref<1x128xi32, #tpu.memory_space<vmem>>
      %dma_wait3A_87 = tpu.memref_squeeze %dma_wait3A_86 : memref<1x128xi32, #tpu.memory_space<vmem>> -> memref<128xi32, #tpu.memory_space<vmem>>
      %dma_wait3A_88 = arith.constant 0 : i32
      %dma_wait3A_89 = arith.constant 0 : i32
      %dma_wait3A_90 = tpu.memref_slice %arg2[%dma_wait3A_88, %dma_wait3A_89] : memref<100000x128xf32, #tpu.memory_space<hbm>> -> memref<100000x128xf32, #tpu.memory_space<hbm>>
      tpu.wait_indirect_dma semaphore(%arg12 : memref<!tpu.dma_semaphore, #tpu.memory_space<semaphore_mem>>) src(%dma_wait3A_90 : memref<100000x128xf32, #tpu.memory_space<hbm>>) dst(%arg9 : memref<128x128xf32, #tpu.memory_space<vmem>>)
      %dma_start3A_91 = arith.constant 2 : i32
      %dma_start3A_92 = arith.constant 0 : i32
      %dma_start3A_93 = tpu.memref_slice %arg8[%dma_start3A_91, %dma_start3A_92] : memref<16x128xi32, #tpu.memory_space<vmem>> -> memref<1x128xi32, #tpu.memory_space<vmem>>
      %dma_start3A_94 = tpu.memref_squeeze %dma_start3A_93 : memref<1x128xi32, #tpu.memory_space<vmem>> -> memref<128xi32, #tpu.memory_space<vmem>>
      %dma_start3A_95 = arith.constant 0 : i32
      %dma_start3A_96 = arith.constant 0 : i32
      %dma_start3A_97 = tpu.memref_slice %arg11[%dma_start3A_95, %dma_start3A_96] : memref<10112x128xf32, #tpu.memory_space<vmem_shared>> -> memref<10112x128xf32, #tpu.memory_space<vmem_shared>>
      tpu.enqueue_indirect_dma source(%arg9 : memref<128x128xf32, #tpu.memory_space<vmem>>) target(%dma_start3A_97 : memref<10112x128xf32, #tpu.memory_space<vmem_shared>>) offsets(%dma_start3A_94 : memref<128xi32, #tpu.memory_space<vmem>>) semaphore(%arg14 : memref<!tpu.dma_semaphore, #tpu.memory_space<semaphore_mem>>) {add = true}
      %dma_wait3A_98 = arith.constant 2 : i32
      %dma_wait3A_99 = arith.constant 0 : i32
      %dma_wait3A_100 = tpu.memref_slice %arg8[%dma_wait3A_98, %dma_wait3A_99] : memref<16x128xi32, #tpu.memory_space<vmem>> -> memref<1x128xi32, #tpu.memory_space<vmem>>
      %dma_wait3A_101 = tpu.memref_squeeze %dma_wait3A_100 : memref<1x128xi32, #tpu.memory_space<vmem>> -> memref<128xi32, #tpu.memory_space<vmem>>
      %dma_wait3A_102 = arith.constant 0 : i32
      %dma_wait3A_103 = arith.constant 0 : i32
      %dma_wait3A_104 = tpu.memref_slice %arg11[%dma_wait3A_102, %dma_wait3A_103] : memref<10112x128xf32, #tpu.memory_space<vmem_shared>> -> memref<10112x128xf32, #tpu.memory_space<vmem_shared>>
      tpu.wait_indirect_dma semaphore(%arg14 : memref<!tpu.dma_semaphore, #tpu.memory_space<semaphore_mem>>) src(%arg9 : memref<128x128xf32, #tpu.memory_space<vmem>>) dst(%dma_wait3A_104 : memref<10112x128xf32, #tpu.memory_space<vmem_shared>>)
      %dma_start3A_105 = arith.constant 4 : i32
      %dma_start3A_106 = arith.constant 0 : i32
      %dma_start3A_107 = tpu.memref_slice %arg7[%dma_start3A_105, %dma_start3A_106] : memref<16x128xi32, #tpu.memory_space<vmem>> -> memref<1x128xi32, #tpu.memory_space<vmem>>
      %dma_start3A_108 = tpu.memref_squeeze %dma_start3A_107 : memref<1x128xi32, #tpu.memory_space<vmem>> -> memref<128xi32, #tpu.memory_space<vmem>>
      %dma_start3A_109 = arith.constant 0 : i32
      %dma_start3A_110 = arith.constant 0 : i32
      %dma_start3A_111 = tpu.memref_slice %arg2[%dma_start3A_109, %dma_start3A_110] : memref<100000x128xf32, #tpu.memory_space<hbm>> -> memref<100000x128xf32, #tpu.memory_space<hbm>>
      tpu.enqueue_indirect_dma source(%dma_start3A_111 : memref<100000x128xf32, #tpu.memory_space<hbm>>) target(%arg9 : memref<128x128xf32, #tpu.memory_space<vmem>>) offsets(%dma_start3A_108 : memref<128xi32, #tpu.memory_space<vmem>>) semaphore(%arg12 : memref<!tpu.dma_semaphore, #tpu.memory_space<semaphore_mem>>)
      %dma_wait3A_112 = arith.constant 3 : i32
      %dma_wait3A_113 = arith.constant 0 : i32
      %dma_wait3A_114 = tpu.memref_slice %arg7[%dma_wait3A_112, %dma_wait3A_113] : memref<16x128xi32, #tpu.memory_space<vmem>> -> memref<1x128xi32, #tpu.memory_space<vmem>>
      %dma_wait3A_115 = tpu.memref_squeeze %dma_wait3A_114 : memref<1x128xi32, #tpu.memory_space<vmem>> -> memref<128xi32, #tpu.memory_space<vmem>>
      %dma_wait3A_116 = arith.constant 0 : i32
      %dma_wait3A_117 = arith.constant 0 : i32
      %dma_wait3A_118 = tpu.memref_slice %arg2[%dma_wait3A_116, %dma_wait3A_117] : memref<100000x128xf32, #tpu.memory_space<hbm>> -> memref<100000x128xf32, #tpu.memory_space<hbm>>
      tpu.wait_indirect_dma semaphore(%arg13 : memref<!tpu.dma_semaphore, #tpu.memory_space<semaphore_mem>>) src(%dma_wait3A_118 : memref<100000x128xf32, #tpu.memory_space<hbm>>) dst(%arg10 : memref<128x128xf32, #tpu.memory_space<vmem>>)
      %dma_start3A_119 = arith.constant 3 : i32
      %dma_start3A_120 = arith.constant 0 : i32
      %dma_start3A_121 = tpu.memref_slice %arg8[%dma_start3A_119, %dma_start3A_120] : memref<16x128xi32, #tpu.memory_space<vmem>> -> memref<1x128xi32, #tpu.memory_space<vmem>>
      %dma_start3A_122 = tpu.memref_squeeze %dma_start3A_121 : memref<1x128xi32, #tpu.memory_space<vmem>> -> memref<128xi32, #tpu.memory_space<vmem>>
      %dma_start3A_123 = arith.constant 0 : i32
      %dma_start3A_124 = arith.constant 0 : i32
      %dma_start3A_125 = tpu.memref_slice %arg11[%dma_start3A_123, %dma_start3A_124] : memref<10112x128xf32, #tpu.memory_space<vmem_shared>> -> memref<10112x128xf32, #tpu.memory_space<vmem_shared>>
      tpu.enqueue_indirect_dma source(%arg10 : memref<128x128xf32, #tpu.memory_space<vmem>>) target(%dma_start3A_125 : memref<10112x128xf32, #tpu.memory_space<vmem_shared>>) offsets(%dma_start3A_122 : memref<128xi32, #tpu.memory_space<vmem>>) semaphore(%arg15 : memref<!tpu.dma_semaphore, #tpu.memory_space<semaphore_mem>>) {add = true}
      %dma_wait3A_126 = arith.constant 3 : i32
      %dma_wait3A_127 = arith.constant 0 : i32
      %dma_wait3A_128 = tpu.memref_slice %arg8[%dma_wait3A_126, %dma_wait3A_127] : memref<16x128xi32, #tpu.memory_space<vmem>> -> memref<1x128xi32, #tpu.memory_space<vmem>>
      %dma_wait3A_129 = tpu.memref_squeeze %dma_wait3A_128 : memref<1x128xi32, #tpu.memory_space<vmem>> -> memref<128xi32, #tpu.memory_space<vmem>>
      %dma_wait3A_130 = arith.constant 0 : i32
      %dma_wait3A_131 = arith.constant 0 : i32
      %dma_wait3A_132 = tpu.memref_slice %arg11[%dma_wait3A_130, %dma_wait3A_131] : memref<10112x128xf32, #tpu.memory_space<vmem_shared>> -> memref<10112x128xf32, #tpu.memory_space<vmem_shared>>
      tpu.wait_indirect_dma semaphore(%arg15 : memref<!tpu.dma_semaphore, #tpu.memory_space<semaphore_mem>>) src(%arg10 : memref<128x128xf32, #tpu.memory_space<vmem>>) dst(%dma_wait3A_132 : memref<10112x128xf32, #tpu.memory_space<vmem_shared>>)
      %dma_start3A_133 = arith.constant 5 : i32
      %dma_start3A_134 = arith.constant 0 : i32
      %dma_start3A_135 = tpu.memref_slice %arg7[%dma_start3A_133, %dma_start3A_134] : memref<16x128xi32, #tpu.memory_space<vmem>> -> memref<1x128xi32, #tpu.memory_space<vmem>>
      %dma_start3A_136 = tpu.memref_squeeze %dma_start3A_135 : memref<1x128xi32, #tpu.memory_space<vmem>> -> memref<128xi32, #tpu.memory_space<vmem>>
      %dma_start3A_137 = arith.constant 0 : i32
      %dma_start3A_138 = arith.constant 0 : i32
      %dma_start3A_139 = tpu.memref_slice %arg2[%dma_start3A_137, %dma_start3A_138] : memref<100000x128xf32, #tpu.memory_space<hbm>> -> memref<100000x128xf32, #tpu.memory_space<hbm>>
      tpu.enqueue_indirect_dma source(%dma_start3A_139 : memref<100000x128xf32, #tpu.memory_space<hbm>>) target(%arg10 : memref<128x128xf32, #tpu.memory_space<vmem>>) offsets(%dma_start3A_136 : memref<128xi32, #tpu.memory_space<vmem>>) semaphore(%arg13 : memref<!tpu.dma_semaphore, #tpu.memory_space<semaphore_mem>>)
      %dma_wait3A_140 = arith.constant 4 : i32
      %dma_wait3A_141 = arith.constant 0 : i32
      %dma_wait3A_142 = tpu.memref_slice %arg7[%dma_wait3A_140, %dma_wait3A_141] : memref<16x128xi32, #tpu.memory_space<vmem>> -> memref<1x128xi32, #tpu.memory_space<vmem>>
      %dma_wait3A_143 = tpu.memref_squeeze %dma_wait3A_142 : memref<1x128xi32, #tpu.memory_space<vmem>> -> memref<128xi32, #tpu.memory_space<vmem>>
      %dma_wait3A_144 = arith.constant 0 : i32
      %dma_wait3A_145 = arith.constant 0 : i32
      %dma_wait3A_146 = tpu.memref_slice %arg2[%dma_wait3A_144, %dma_wait3A_145] : memref<100000x128xf32, #tpu.memory_space<hbm>> -> memref<100000x128xf32, #tpu.memory_space<hbm>>
      tpu.wait_indirect_dma semaphore(%arg12 : memref<!tpu.dma_semaphore, #tpu.memory_space<semaphore_mem>>) src(%dma_wait3A_146 : memref<100000x128xf32, #tpu.memory_space<hbm>>) dst(%arg9 : memref<128x128xf32, #tpu.memory_space<vmem>>)
      %dma_start3A_147 = arith.constant 4 : i32
      %dma_start3A_148 = arith.constant 0 : i32
      %dma_start3A_149 = tpu.memref_slice %arg8[%dma_start3A_147, %dma_start3A_148] : memref<16x128xi32, #tpu.memory_space<vmem>> -> memref<1x128xi32, #tpu.memory_space<vmem>>
      %dma_start3A_150 = tpu.memref_squeeze %dma_start3A_149 : memref<1x128xi32, #tpu.memory_space<vmem>> -> memref<128xi32, #tpu.memory_space<vmem>>
      %dma_start3A_151 = arith.constant 0 : i32
      %dma_start3A_152 = arith.constant 0 : i32
      %dma_start3A_153 = tpu.memref_slice %arg11[%dma_start3A_151, %dma_start3A_152] : memref<10112x128xf32, #tpu.memory_space<vmem_shared>> -> memref<10112x128xf32, #tpu.memory_space<vmem_shared>>
      tpu.enqueue_indirect_dma source(%arg9 : memref<128x128xf32, #tpu.memory_space<vmem>>) target(%dma_start3A_153 : memref<10112x128xf32, #tpu.memory_space<vmem_shared>>) offsets(%dma_start3A_150 : memref<128xi32, #tpu.memory_space<vmem>>) semaphore(%arg14 : memref<!tpu.dma_semaphore, #tpu.memory_space<semaphore_mem>>) {add = true}
      %dma_wait3A_154 = arith.constant 4 : i32
      %dma_wait3A_155 = arith.constant 0 : i32
      %dma_wait3A_156 = tpu.memref_slice %arg8[%dma_wait3A_154, %dma_wait3A_155] : memref<16x128xi32, #tpu.memory_space<vmem>> -> memref<1x128xi32, #tpu.memory_space<vmem>>
      %dma_wait3A_157 = tpu.memref_squeeze %dma_wait3A_156 : memref<1x128xi32, #tpu.memory_space<vmem>> -> memref<128xi32, #tpu.memory_space<vmem>>
      %dma_wait3A_158 = arith.constant 0 : i32
      %dma_wait3A_159 = arith.constant 0 : i32
      %dma_wait3A_160 = tpu.memref_slice %arg11[%dma_wait3A_158, %dma_wait3A_159] : memref<10112x128xf32, #tpu.memory_space<vmem_shared>> -> memref<10112x128xf32, #tpu.memory_space<vmem_shared>>
      tpu.wait_indirect_dma semaphore(%arg14 : memref<!tpu.dma_semaphore, #tpu.memory_space<semaphore_mem>>) src(%arg9 : memref<128x128xf32, #tpu.memory_space<vmem>>) dst(%dma_wait3A_160 : memref<10112x128xf32, #tpu.memory_space<vmem_shared>>)
      %dma_start3A_161 = arith.constant 6 : i32
      %dma_start3A_162 = arith.constant 0 : i32
      %dma_start3A_163 = tpu.memref_slice %arg7[%dma_start3A_161, %dma_start3A_162] : memref<16x128xi32, #tpu.memory_space<vmem>> -> memref<1x128xi32, #tpu.memory_space<vmem>>
      %dma_start3A_164 = tpu.memref_squeeze %dma_start3A_163 : memref<1x128xi32, #tpu.memory_space<vmem>> -> memref<128xi32, #tpu.memory_space<vmem>>
      %dma_start3A_165 = arith.constant 0 : i32
      %dma_start3A_166 = arith.constant 0 : i32
      %dma_start3A_167 = tpu.memref_slice %arg2[%dma_start3A_165, %dma_start3A_166] : memref<100000x128xf32, #tpu.memory_space<hbm>> -> memref<100000x128xf32, #tpu.memory_space<hbm>>
      tpu.enqueue_indirect_dma source(%dma_start3A_167 : memref<100000x128xf32, #tpu.memory_space<hbm>>) target(%arg9 : memref<128x128xf32, #tpu.memory_space<vmem>>) offsets(%dma_start3A_164 : memref<128xi32, #tpu.memory_space<vmem>>) semaphore(%arg12 : memref<!tpu.dma_semaphore, #tpu.memory_space<semaphore_mem>>)
      %dma_wait3A_168 = arith.constant 5 : i32
      %dma_wait3A_169 = arith.constant 0 : i32
      %dma_wait3A_170 = tpu.memref_slice %arg7[%dma_wait3A_168, %dma_wait3A_169] : memref<16x128xi32, #tpu.memory_space<vmem>> -> memref<1x128xi32, #tpu.memory_space<vmem>>
      %dma_wait3A_171 = tpu.memref_squeeze %dma_wait3A_170 : memref<1x128xi32, #tpu.memory_space<vmem>> -> memref<128xi32, #tpu.memory_space<vmem>>
      %dma_wait3A_172 = arith.constant 0 : i32
      %dma_wait3A_173 = arith.constant 0 : i32
      %dma_wait3A_174 = tpu.memref_slice %arg2[%dma_wait3A_172, %dma_wait3A_173] : memref<100000x128xf32, #tpu.memory_space<hbm>> -> memref<100000x128xf32, #tpu.memory_space<hbm>>
      tpu.wait_indirect_dma semaphore(%arg13 : memref<!tpu.dma_semaphore, #tpu.memory_space<semaphore_mem>>) src(%dma_wait3A_174 : memref<100000x128xf32, #tpu.memory_space<hbm>>) dst(%arg10 : memref<128x128xf32, #tpu.memory_space<vmem>>)
      %dma_start3A_175 = arith.constant 5 : i32
      %dma_start3A_176 = arith.constant 0 : i32
      %dma_start3A_177 = tpu.memref_slice %arg8[%dma_start3A_175, %dma_start3A_176] : memref<16x128xi32, #tpu.memory_space<vmem>> -> memref<1x128xi32, #tpu.memory_space<vmem>>
      %dma_start3A_178 = tpu.memref_squeeze %dma_start3A_177 : memref<1x128xi32, #tpu.memory_space<vmem>> -> memref<128xi32, #tpu.memory_space<vmem>>
      %dma_start3A_179 = arith.constant 0 : i32
      %dma_start3A_180 = arith.constant 0 : i32
      %dma_start3A_181 = tpu.memref_slice %arg11[%dma_start3A_179, %dma_start3A_180] : memref<10112x128xf32, #tpu.memory_space<vmem_shared>> -> memref<10112x128xf32, #tpu.memory_space<vmem_shared>>
      tpu.enqueue_indirect_dma source(%arg10 : memref<128x128xf32, #tpu.memory_space<vmem>>) target(%dma_start3A_181 : memref<10112x128xf32, #tpu.memory_space<vmem_shared>>) offsets(%dma_start3A_178 : memref<128xi32, #tpu.memory_space<vmem>>) semaphore(%arg15 : memref<!tpu.dma_semaphore, #tpu.memory_space<semaphore_mem>>) {add = true}
      %dma_wait3A_182 = arith.constant 5 : i32
      %dma_wait3A_183 = arith.constant 0 : i32
      %dma_wait3A_184 = tpu.memref_slice %arg8[%dma_wait3A_182, %dma_wait3A_183] : memref<16x128xi32, #tpu.memory_space<vmem>> -> memref<1x128xi32, #tpu.memory_space<vmem>>
      %dma_wait3A_185 = tpu.memref_squeeze %dma_wait3A_184 : memref<1x128xi32, #tpu.memory_space<vmem>> -> memref<128xi32, #tpu.memory_space<vmem>>
      %dma_wait3A_186 = arith.constant 0 : i32
      %dma_wait3A_187 = arith.constant 0 : i32
      %dma_wait3A_188 = tpu.memref_slice %arg11[%dma_wait3A_186, %dma_wait3A_187] : memref<10112x128xf32, #tpu.memory_space<vmem_shared>> -> memref<10112x128xf32, #tpu.memory_space<vmem_shared>>
      tpu.wait_indirect_dma semaphore(%arg15 : memref<!tpu.dma_semaphore, #tpu.memory_space<semaphore_mem>>) src(%arg10 : memref<128x128xf32, #tpu.memory_space<vmem>>) dst(%dma_wait3A_188 : memref<10112x128xf32, #tpu.memory_space<vmem_shared>>)
      %dma_start3A_189 = arith.constant 7 : i32
      %dma_start3A_190 = arith.constant 0 : i32
      %dma_start3A_191 = tpu.memref_slice %arg7[%dma_start3A_189, %dma_start3A_190] : memref<16x128xi32, #tpu.memory_space<vmem>> -> memref<1x128xi32, #tpu.memory_space<vmem>>
      %dma_start3A_192 = tpu.memref_squeeze %dma_start3A_191 : memref<1x128xi32, #tpu.memory_space<vmem>> -> memref<128xi32, #tpu.memory_space<vmem>>
      %dma_start3A_193 = arith.constant 0 : i32
      %dma_start3A_194 = arith.constant 0 : i32
      %dma_start3A_195 = tpu.memref_slice %arg2[%dma_start3A_193, %dma_start3A_194] : memref<100000x128xf32, #tpu.memory_space<hbm>> -> memref<100000x128xf32, #tpu.memory_space<hbm>>
      tpu.enqueue_indirect_dma source(%dma_start3A_195 : memref<100000x128xf32, #tpu.memory_space<hbm>>) target(%arg10 : memref<128x128xf32, #tpu.memory_space<vmem>>) offsets(%dma_start3A_192 : memref<128xi32, #tpu.memory_space<vmem>>) semaphore(%arg13 : memref<!tpu.dma_semaphore, #tpu.memory_space<semaphore_mem>>)
      %dma_wait3A_196 = arith.constant 6 : i32
      %dma_wait3A_197 = arith.constant 0 : i32
      %dma_wait3A_198 = tpu.memref_slice %arg7[%dma_wait3A_196, %dma_wait3A_197] : memref<16x128xi32, #tpu.memory_space<vmem>> -> memref<1x128xi32, #tpu.memory_space<vmem>>
      %dma_wait3A_199 = tpu.memref_squeeze %dma_wait3A_198 : memref<1x128xi32, #tpu.memory_space<vmem>> -> memref<128xi32, #tpu.memory_space<vmem>>
      %dma_wait3A_200 = arith.constant 0 : i32
      %dma_wait3A_201 = arith.constant 0 : i32
      %dma_wait3A_202 = tpu.memref_slice %arg2[%dma_wait3A_200, %dma_wait3A_201] : memref<100000x128xf32, #tpu.memory_space<hbm>> -> memref<100000x128xf32, #tpu.memory_space<hbm>>
      tpu.wait_indirect_dma semaphore(%arg12 : memref<!tpu.dma_semaphore, #tpu.memory_space<semaphore_mem>>) src(%dma_wait3A_202 : memref<100000x128xf32, #tpu.memory_space<hbm>>) dst(%arg9 : memref<128x128xf32, #tpu.memory_space<vmem>>)
      %dma_start3A_203 = arith.constant 6 : i32
      %dma_start3A_204 = arith.constant 0 : i32
      %dma_start3A_205 = tpu.memref_slice %arg8[%dma_start3A_203, %dma_start3A_204] : memref<16x128xi32, #tpu.memory_space<vmem>> -> memref<1x128xi32, #tpu.memory_space<vmem>>
      %dma_start3A_206 = tpu.memref_squeeze %dma_start3A_205 : memref<1x128xi32, #tpu.memory_space<vmem>> -> memref<128xi32, #tpu.memory_space<vmem>>
      %dma_start3A_207 = arith.constant 0 : i32
      %dma_start3A_208 = arith.constant 0 : i32
      %dma_start3A_209 = tpu.memref_slice %arg11[%dma_start3A_207, %dma_start3A_208] : memref<10112x128xf32, #tpu.memory_space<vmem_shared>> -> memref<10112x128xf32, #tpu.memory_space<vmem_shared>>
      tpu.enqueue_indirect_dma source(%arg9 : memref<128x128xf32, #tpu.memory_space<vmem>>) target(%dma_start3A_209 : memref<10112x128xf32, #tpu.memory_space<vmem_shared>>) offsets(%dma_start3A_206 : memref<128xi32, #tpu.memory_space<vmem>>) semaphore(%arg14 : memref<!tpu.dma_semaphore, #tpu.memory_space<semaphore_mem>>) {add = true}
      %dma_wait3A_210 = arith.constant 6 : i32
      %dma_wait3A_211 = arith.constant 0 : i32
      %dma_wait3A_212 = tpu.memref_slice %arg8[%dma_wait3A_210, %dma_wait3A_211] : memref<16x128xi32, #tpu.memory_space<vmem>> -> memref<1x128xi32, #tpu.memory_space<vmem>>
      %dma_wait3A_213 = tpu.memref_squeeze %dma_wait3A_212 : memref<1x128xi32, #tpu.memory_space<vmem>> -> memref<128xi32, #tpu.memory_space<vmem>>
      %dma_wait3A_214 = arith.constant 0 : i32
      %dma_wait3A_215 = arith.constant 0 : i32
      %dma_wait3A_216 = tpu.memref_slice %arg11[%dma_wait3A_214, %dma_wait3A_215] : memref<10112x128xf32, #tpu.memory_space<vmem_shared>> -> memref<10112x128xf32, #tpu.memory_space<vmem_shared>>
      tpu.wait_indirect_dma semaphore(%arg14 : memref<!tpu.dma_semaphore, #tpu.memory_space<semaphore_mem>>) src(%arg9 : memref<128x128xf32, #tpu.memory_space<vmem>>) dst(%dma_wait3A_216 : memref<10112x128xf32, #tpu.memory_space<vmem_shared>>)
      %dma_start3A_217 = arith.constant 8 : i32
      %dma_start3A_218 = arith.constant 0 : i32
      %dma_start3A_219 = tpu.memref_slice %arg7[%dma_start3A_217, %dma_start3A_218] : memref<16x128xi32, #tpu.memory_space<vmem>> -> memref<1x128xi32, #tpu.memory_space<vmem>>
      %dma_start3A_220 = tpu.memref_squeeze %dma_start3A_219 : memref<1x128xi32, #tpu.memory_space<vmem>> -> memref<128xi32, #tpu.memory_space<vmem>>
      %dma_start3A_221 = arith.constant 0 : i32
      %dma_start3A_222 = arith.constant 0 : i32
      %dma_start3A_223 = tpu.memref_slice %arg2[%dma_start3A_221, %dma_start3A_222] : memref<100000x128xf32, #tpu.memory_space<hbm>> -> memref<100000x128xf32, #tpu.memory_space<hbm>>
      tpu.enqueue_indirect_dma source(%dma_start3A_223 : memref<100000x128xf32, #tpu.memory_space<hbm>>) target(%arg9 : memref<128x128xf32, #tpu.memory_space<vmem>>) offsets(%dma_start3A_220 : memref<128xi32, #tpu.memory_space<vmem>>) semaphore(%arg12 : memref<!tpu.dma_semaphore, #tpu.memory_space<semaphore_mem>>)
      %dma_wait3A_224 = arith.constant 7 : i32
      %dma_wait3A_225 = arith.constant 0 : i32
      %dma_wait3A_226 = tpu.memref_slice %arg7[%dma_wait3A_224, %dma_wait3A_225] : memref<16x128xi32, #tpu.memory_space<vmem>> -> memref<1x128xi32, #tpu.memory_space<vmem>>
      %dma_wait3A_227 = tpu.memref_squeeze %dma_wait3A_226 : memref<1x128xi32, #tpu.memory_space<vmem>> -> memref<128xi32, #tpu.memory_space<vmem>>
      %dma_wait3A_228 = arith.constant 0 : i32
      %dma_wait3A_229 = arith.constant 0 : i32
      %dma_wait3A_230 = tpu.memref_slice %arg2[%dma_wait3A_228, %dma_wait3A_229] : memref<100000x128xf32, #tpu.memory_space<hbm>> -> memref<100000x128xf32, #tpu.memory_space<hbm>>
      tpu.wait_indirect_dma semaphore(%arg13 : memref<!tpu.dma_semaphore, #tpu.memory_space<semaphore_mem>>) src(%dma_wait3A_230 : memref<100000x128xf32, #tpu.memory_space<hbm>>) dst(%arg10 : memref<128x128xf32, #tpu.memory_space<vmem>>)
      %dma_start3A_231 = arith.constant 7 : i32
      %dma_start3A_232 = arith.constant 0 : i32
      %dma_start3A_233 = tpu.memref_slice %arg8[%dma_start3A_231, %dma_start3A_232] : memref<16x128xi32, #tpu.memory_space<vmem>> -> memref<1x128xi32, #tpu.memory_space<vmem>>
      %dma_start3A_234 = tpu.memref_squeeze %dma_start3A_233 : memref<1x128xi32, #tpu.memory_space<vmem>> -> memref<128xi32, #tpu.memory_space<vmem>>
      %dma_start3A_235 = arith.constant 0 : i32
      %dma_start3A_236 = arith.constant 0 : i32
      %dma_start3A_237 = tpu.memref_slice %arg11[%dma_start3A_235, %dma_start3A_236] : memref<10112x128xf32, #tpu.memory_space<vmem_shared>> -> memref<10112x128xf32, #tpu.memory_space<vmem_shared>>
      tpu.enqueue_indirect_dma source(%arg10 : memref<128x128xf32, #tpu.memory_space<vmem>>) target(%dma_start3A_237 : memref<10112x128xf32, #tpu.memory_space<vmem_shared>>) offsets(%dma_start3A_234 : memref<128xi32, #tpu.memory_space<vmem>>) semaphore(%arg15 : memref<!tpu.dma_semaphore, #tpu.memory_space<semaphore_mem>>) {add = true}
      %dma_wait3A_238 = arith.constant 7 : i32
      %dma_wait3A_239 = arith.constant 0 : i32
      %dma_wait3A_240 = tpu.memref_slice %arg8[%dma_wait3A_238, %dma_wait3A_239] : memref<16x128xi32, #tpu.memory_space<vmem>> -> memref<1x128xi32, #tpu.memory_space<vmem>>
      %dma_wait3A_241 = tpu.memref_squeeze %dma_wait3A_240 : memref<1x128xi32, #tpu.memory_space<vmem>> -> memref<128xi32, #tpu.memory_space<vmem>>
      %dma_wait3A_242 = arith.constant 0 : i32
      %dma_wait3A_243 = arith.constant 0 : i32
      %dma_wait3A_244 = tpu.memref_slice %arg11[%dma_wait3A_242, %dma_wait3A_243] : memref<10112x128xf32, #tpu.memory_space<vmem_shared>> -> memref<10112x128xf32, #tpu.memory_space<vmem_shared>>
      tpu.wait_indirect_dma semaphore(%arg15 : memref<!tpu.dma_semaphore, #tpu.memory_space<semaphore_mem>>) src(%arg10 : memref<128x128xf32, #tpu.memory_space<vmem>>) dst(%dma_wait3A_244 : memref<10112x128xf32, #tpu.memory_space<vmem_shared>>)
      %dma_start3A_245 = arith.constant 9 : i32
      %dma_start3A_246 = arith.constant 0 : i32
      %dma_start3A_247 = tpu.memref_slice %arg7[%dma_start3A_245, %dma_start3A_246] : memref<16x128xi32, #tpu.memory_space<vmem>> -> memref<1x128xi32, #tpu.memory_space<vmem>>
      %dma_start3A_248 = tpu.memref_squeeze %dma_start3A_247 : memref<1x128xi32, #tpu.memory_space<vmem>> -> memref<128xi32, #tpu.memory_space<vmem>>
      %dma_start3A_249 = arith.constant 0 : i32
      %dma_start3A_250 = arith.constant 0 : i32
      %dma_start3A_251 = tpu.memref_slice %arg2[%dma_start3A_249, %dma_start3A_250] : memref<100000x128xf32, #tpu.memory_space<hbm>> -> memref<100000x128xf32, #tpu.memory_space<hbm>>
      tpu.enqueue_indirect_dma source(%dma_start3A_251 : memref<100000x128xf32, #tpu.memory_space<hbm>>) target(%arg10 : memref<128x128xf32, #tpu.memory_space<vmem>>) offsets(%dma_start3A_248 : memref<128xi32, #tpu.memory_space<vmem>>) semaphore(%arg13 : memref<!tpu.dma_semaphore, #tpu.memory_space<semaphore_mem>>)
      %dma_wait3A_252 = arith.constant 8 : i32
      %dma_wait3A_253 = arith.constant 0 : i32
      %dma_wait3A_254 = tpu.memref_slice %arg7[%dma_wait3A_252, %dma_wait3A_253] : memref<16x128xi32, #tpu.memory_space<vmem>> -> memref<1x128xi32, #tpu.memory_space<vmem>>
      %dma_wait3A_255 = tpu.memref_squeeze %dma_wait3A_254 : memref<1x128xi32, #tpu.memory_space<vmem>> -> memref<128xi32, #tpu.memory_space<vmem>>
      %dma_wait3A_256 = arith.constant 0 : i32
      %dma_wait3A_257 = arith.constant 0 : i32
      %dma_wait3A_258 = tpu.memref_slice %arg2[%dma_wait3A_256, %dma_wait3A_257] : memref<100000x128xf32, #tpu.memory_space<hbm>> -> memref<100000x128xf32, #tpu.memory_space<hbm>>
      tpu.wait_indirect_dma semaphore(%arg12 : memref<!tpu.dma_semaphore, #tpu.memory_space<semaphore_mem>>) src(%dma_wait3A_258 : memref<100000x128xf32, #tpu.memory_space<hbm>>) dst(%arg9 : memref<128x128xf32, #tpu.memory_space<vmem>>)
      %dma_start3A_259 = arith.constant 8 : i32
      %dma_start3A_260 = arith.constant 0 : i32
      %dma_start3A_261 = tpu.memref_slice %arg8[%dma_start3A_259, %dma_start3A_260] : memref<16x128xi32, #tpu.memory_space<vmem>> -> memref<1x128xi32, #tpu.memory_space<vmem>>
      %dma_start3A_262 = tpu.memref_squeeze %dma_start3A_261 : memref<1x128xi32, #tpu.memory_space<vmem>> -> memref<128xi32, #tpu.memory_space<vmem>>
      %dma_start3A_263 = arith.constant 0 : i32
      %dma_start3A_264 = arith.constant 0 : i32
      %dma_start3A_265 = tpu.memref_slice %arg11[%dma_start3A_263, %dma_start3A_264] : memref<10112x128xf32, #tpu.memory_space<vmem_shared>> -> memref<10112x128xf32, #tpu.memory_space<vmem_shared>>
      tpu.enqueue_indirect_dma source(%arg9 : memref<128x128xf32, #tpu.memory_space<vmem>>) target(%dma_start3A_265 : memref<10112x128xf32, #tpu.memory_space<vmem_shared>>) offsets(%dma_start3A_262 : memref<128xi32, #tpu.memory_space<vmem>>) semaphore(%arg14 : memref<!tpu.dma_semaphore, #tpu.memory_space<semaphore_mem>>) {add = true}
      %dma_wait3A_266 = arith.constant 8 : i32
      %dma_wait3A_267 = arith.constant 0 : i32
      %dma_wait3A_268 = tpu.memref_slice %arg8[%dma_wait3A_266, %dma_wait3A_267] : memref<16x128xi32, #tpu.memory_space<vmem>> -> memref<1x128xi32, #tpu.memory_space<vmem>>
      %dma_wait3A_269 = tpu.memref_squeeze %dma_wait3A_268 : memref<1x128xi32, #tpu.memory_space<vmem>> -> memref<128xi32, #tpu.memory_space<vmem>>
      %dma_wait3A_270 = arith.constant 0 : i32
      %dma_wait3A_271 = arith.constant 0 : i32
      %dma_wait3A_272 = tpu.memref_slice %arg11[%dma_wait3A_270, %dma_wait3A_271] : memref<10112x128xf32, #tpu.memory_space<vmem_shared>> -> memref<10112x128xf32, #tpu.memory_space<vmem_shared>>
      tpu.wait_indirect_dma semaphore(%arg14 : memref<!tpu.dma_semaphore, #tpu.memory_space<semaphore_mem>>) src(%arg9 : memref<128x128xf32, #tpu.memory_space<vmem>>) dst(%dma_wait3A_272 : memref<10112x128xf32, #tpu.memory_space<vmem_shared>>)
      %dma_start3A_273 = arith.constant 10 : i32
      %dma_start3A_274 = arith.constant 0 : i32
      %dma_start3A_275 = tpu.memref_slice %arg7[%dma_start3A_273, %dma_start3A_274] : memref<16x128xi32, #tpu.memory_space<vmem>> -> memref<1x128xi32, #tpu.memory_space<vmem>>
      %dma_start3A_276 = tpu.memref_squeeze %dma_start3A_275 : memref<1x128xi32, #tpu.memory_space<vmem>> -> memref<128xi32, #tpu.memory_space<vmem>>
      %dma_start3A_277 = arith.constant 0 : i32
      %dma_start3A_278 = arith.constant 0 : i32
      %dma_start3A_279 = tpu.memref_slice %arg2[%dma_start3A_277, %dma_start3A_278] : memref<100000x128xf32, #tpu.memory_space<hbm>> -> memref<100000x128xf32, #tpu.memory_space<hbm>>
      tpu.enqueue_indirect_dma source(%dma_start3A_279 : memref<100000x128xf32, #tpu.memory_space<hbm>>) target(%arg9 : memref<128x128xf32, #tpu.memory_space<vmem>>) offsets(%dma_start3A_276 : memref<128xi32, #tpu.memory_space<vmem>>) semaphore(%arg12 : memref<!tpu.dma_semaphore, #tpu.memory_space<semaphore_mem>>)
      %dma_wait3A_280 = arith.constant 9 : i32
      %dma_wait3A_281 = arith.constant 0 : i32
      %dma_wait3A_282 = tpu.memref_slice %arg7[%dma_wait3A_280, %dma_wait3A_281] : memref<16x128xi32, #tpu.memory_space<vmem>> -> memref<1x128xi32, #tpu.memory_space<vmem>>
      %dma_wait3A_283 = tpu.memref_squeeze %dma_wait3A_282 : memref<1x128xi32, #tpu.memory_space<vmem>> -> memref<128xi32, #tpu.memory_space<vmem>>
      %dma_wait3A_284 = arith.constant 0 : i32
      %dma_wait3A_285 = arith.constant 0 : i32
      %dma_wait3A_286 = tpu.memref_slice %arg2[%dma_wait3A_284, %dma_wait3A_285] : memref<100000x128xf32, #tpu.memory_space<hbm>> -> memref<100000x128xf32, #tpu.memory_space<hbm>>
      tpu.wait_indirect_dma semaphore(%arg13 : memref<!tpu.dma_semaphore, #tpu.memory_space<semaphore_mem>>) src(%dma_wait3A_286 : memref<100000x128xf32, #tpu.memory_space<hbm>>) dst(%arg10 : memref<128x128xf32, #tpu.memory_space<vmem>>)
      %dma_start3A_287 = arith.constant 9 : i32
      %dma_start3A_288 = arith.constant 0 : i32
      %dma_start3A_289 = tpu.memref_slice %arg8[%dma_start3A_287, %dma_start3A_288] : memref<16x128xi32, #tpu.memory_space<vmem>> -> memref<1x128xi32, #tpu.memory_space<vmem>>
      %dma_start3A_290 = tpu.memref_squeeze %dma_start3A_289 : memref<1x128xi32, #tpu.memory_space<vmem>> -> memref<128xi32, #tpu.memory_space<vmem>>
      %dma_start3A_291 = arith.constant 0 : i32
      %dma_start3A_292 = arith.constant 0 : i32
      %dma_start3A_293 = tpu.memref_slice %arg11[%dma_start3A_291, %dma_start3A_292] : memref<10112x128xf32, #tpu.memory_space<vmem_shared>> -> memref<10112x128xf32, #tpu.memory_space<vmem_shared>>
      tpu.enqueue_indirect_dma source(%arg10 : memref<128x128xf32, #tpu.memory_space<vmem>>) target(%dma_start3A_293 : memref<10112x128xf32, #tpu.memory_space<vmem_shared>>) offsets(%dma_start3A_290 : memref<128xi32, #tpu.memory_space<vmem>>) semaphore(%arg15 : memref<!tpu.dma_semaphore, #tpu.memory_space<semaphore_mem>>) {add = true}
      %dma_wait3A_294 = arith.constant 9 : i32
      %dma_wait3A_295 = arith.constant 0 : i32
      %dma_wait3A_296 = tpu.memref_slice %arg8[%dma_wait3A_294, %dma_wait3A_295] : memref<16x128xi32, #tpu.memory_space<vmem>> -> memref<1x128xi32, #tpu.memory_space<vmem>>
      %dma_wait3A_297 = tpu.memref_squeeze %dma_wait3A_296 : memref<1x128xi32, #tpu.memory_space<vmem>> -> memref<128xi32, #tpu.memory_space<vmem>>
      %dma_wait3A_298 = arith.constant 0 : i32
      %dma_wait3A_299 = arith.constant 0 : i32
      %dma_wait3A_300 = tpu.memref_slice %arg11[%dma_wait3A_298, %dma_wait3A_299] : memref<10112x128xf32, #tpu.memory_space<vmem_shared>> -> memref<10112x128xf32, #tpu.memory_space<vmem_shared>>
      tpu.wait_indirect_dma semaphore(%arg15 : memref<!tpu.dma_semaphore, #tpu.memory_space<semaphore_mem>>) src(%arg10 : memref<128x128xf32, #tpu.memory_space<vmem>>) dst(%dma_wait3A_300 : memref<10112x128xf32, #tpu.memory_space<vmem_shared>>)
      %dma_start3A_301 = arith.constant 11 : i32
      %dma_start3A_302 = arith.constant 0 : i32
      %dma_start3A_303 = tpu.memref_slice %arg7[%dma_start3A_301, %dma_start3A_302] : memref<16x128xi32, #tpu.memory_space<vmem>> -> memref<1x128xi32, #tpu.memory_space<vmem>>
      %dma_start3A_304 = tpu.memref_squeeze %dma_start3A_303 : memref<1x128xi32, #tpu.memory_space<vmem>> -> memref<128xi32, #tpu.memory_space<vmem>>
      %dma_start3A_305 = arith.constant 0 : i32
      %dma_start3A_306 = arith.constant 0 : i32
      %dma_start3A_307 = tpu.memref_slice %arg2[%dma_start3A_305, %dma_start3A_306] : memref<100000x128xf32, #tpu.memory_space<hbm>> -> memref<100000x128xf32, #tpu.memory_space<hbm>>
      tpu.enqueue_indirect_dma source(%dma_start3A_307 : memref<100000x128xf32, #tpu.memory_space<hbm>>) target(%arg10 : memref<128x128xf32, #tpu.memory_space<vmem>>) offsets(%dma_start3A_304 : memref<128xi32, #tpu.memory_space<vmem>>) semaphore(%arg13 : memref<!tpu.dma_semaphore, #tpu.memory_space<semaphore_mem>>)
      %dma_wait3A_308 = arith.constant 10 : i32
      %dma_wait3A_309 = arith.constant 0 : i32
      %dma_wait3A_310 = tpu.memref_slice %arg7[%dma_wait3A_308, %dma_wait3A_309] : memref<16x128xi32, #tpu.memory_space<vmem>> -> memref<1x128xi32, #tpu.memory_space<vmem>>
      %dma_wait3A_311 = tpu.memref_squeeze %dma_wait3A_310 : memref<1x128xi32, #tpu.memory_space<vmem>> -> memref<128xi32, #tpu.memory_space<vmem>>
      %dma_wait3A_312 = arith.constant 0 : i32
      %dma_wait3A_313 = arith.constant 0 : i32
      %dma_wait3A_314 = tpu.memref_slice %arg2[%dma_wait3A_312, %dma_wait3A_313] : memref<100000x128xf32, #tpu.memory_space<hbm>> -> memref<100000x128xf32, #tpu.memory_space<hbm>>
      tpu.wait_indirect_dma semaphore(%arg12 : memref<!tpu.dma_semaphore, #tpu.memory_space<semaphore_mem>>) src(%dma_wait3A_314 : memref<100000x128xf32, #tpu.memory_space<hbm>>) dst(%arg9 : memref<128x128xf32, #tpu.memory_space<vmem>>)
      %dma_start3A_315 = arith.constant 10 : i32
      %dma_start3A_316 = arith.constant 0 : i32
      %dma_start3A_317 = tpu.memref_slice %arg8[%dma_start3A_315, %dma_start3A_316] : memref<16x128xi32, #tpu.memory_space<vmem>> -> memref<1x128xi32, #tpu.memory_space<vmem>>
      %dma_start3A_318 = tpu.memref_squeeze %dma_start3A_317 : memref<1x128xi32, #tpu.memory_space<vmem>> -> memref<128xi32, #tpu.memory_space<vmem>>
      %dma_start3A_319 = arith.constant 0 : i32
      %dma_start3A_320 = arith.constant 0 : i32
      %dma_start3A_321 = tpu.memref_slice %arg11[%dma_start3A_319, %dma_start3A_320] : memref<10112x128xf32, #tpu.memory_space<vmem_shared>> -> memref<10112x128xf32, #tpu.memory_space<vmem_shared>>
      tpu.enqueue_indirect_dma source(%arg9 : memref<128x128xf32, #tpu.memory_space<vmem>>) target(%dma_start3A_321 : memref<10112x128xf32, #tpu.memory_space<vmem_shared>>) offsets(%dma_start3A_318 : memref<128xi32, #tpu.memory_space<vmem>>) semaphore(%arg14 : memref<!tpu.dma_semaphore, #tpu.memory_space<semaphore_mem>>) {add = true}
      %dma_wait3A_322 = arith.constant 10 : i32
      %dma_wait3A_323 = arith.constant 0 : i32
      %dma_wait3A_324 = tpu.memref_slice %arg8[%dma_wait3A_322, %dma_wait3A_323] : memref<16x128xi32, #tpu.memory_space<vmem>> -> memref<1x128xi32, #tpu.memory_space<vmem>>
      %dma_wait3A_325 = tpu.memref_squeeze %dma_wait3A_324 : memref<1x128xi32, #tpu.memory_space<vmem>> -> memref<128xi32, #tpu.memory_space<vmem>>
      %dma_wait3A_326 = arith.constant 0 : i32
      %dma_wait3A_327 = arith.constant 0 : i32
      %dma_wait3A_328 = tpu.memref_slice %arg11[%dma_wait3A_326, %dma_wait3A_327] : memref<10112x128xf32, #tpu.memory_space<vmem_shared>> -> memref<10112x128xf32, #tpu.memory_space<vmem_shared>>
      tpu.wait_indirect_dma semaphore(%arg14 : memref<!tpu.dma_semaphore, #tpu.memory_space<semaphore_mem>>) src(%arg9 : memref<128x128xf32, #tpu.memory_space<vmem>>) dst(%dma_wait3A_328 : memref<10112x128xf32, #tpu.memory_space<vmem_shared>>)
      %dma_start3A_329 = arith.constant 12 : i32
      %dma_start3A_330 = arith.constant 0 : i32
      %dma_start3A_331 = tpu.memref_slice %arg7[%dma_start3A_329, %dma_start3A_330] : memref<16x128xi32, #tpu.memory_space<vmem>> -> memref<1x128xi32, #tpu.memory_space<vmem>>
      %dma_start3A_332 = tpu.memref_squeeze %dma_start3A_331 : memref<1x128xi32, #tpu.memory_space<vmem>> -> memref<128xi32, #tpu.memory_space<vmem>>
      %dma_start3A_333 = arith.constant 0 : i32
      %dma_start3A_334 = arith.constant 0 : i32
      %dma_start3A_335 = tpu.memref_slice %arg2[%dma_start3A_333, %dma_start3A_334] : memref<100000x128xf32, #tpu.memory_space<hbm>> -> memref<100000x128xf32, #tpu.memory_space<hbm>>
      tpu.enqueue_indirect_dma source(%dma_start3A_335 : memref<100000x128xf32, #tpu.memory_space<hbm>>) target(%arg9 : memref<128x128xf32, #tpu.memory_space<vmem>>) offsets(%dma_start3A_332 : memref<128xi32, #tpu.memory_space<vmem>>) semaphore(%arg12 : memref<!tpu.dma_semaphore, #tpu.memory_space<semaphore_mem>>)
      %dma_wait3A_336 = arith.constant 11 : i32
      %dma_wait3A_337 = arith.constant 0 : i32
      %dma_wait3A_338 = tpu.memref_slice %arg7[%dma_wait3A_336, %dma_wait3A_337] : memref<16x128xi32, #tpu.memory_space<vmem>> -> memref<1x128xi32, #tpu.memory_space<vmem>>
      %dma_wait3A_339 = tpu.memref_squeeze %dma_wait3A_338 : memref<1x128xi32, #tpu.memory_space<vmem>> -> memref<128xi32, #tpu.memory_space<vmem>>
      %dma_wait3A_340 = arith.constant 0 : i32
      %dma_wait3A_341 = arith.constant 0 : i32
      %dma_wait3A_342 = tpu.memref_slice %arg2[%dma_wait3A_340, %dma_wait3A_341] : memref<100000x128xf32, #tpu.memory_space<hbm>> -> memref<100000x128xf32, #tpu.memory_space<hbm>>
      tpu.wait_indirect_dma semaphore(%arg13 : memref<!tpu.dma_semaphore, #tpu.memory_space<semaphore_mem>>) src(%dma_wait3A_342 : memref<100000x128xf32, #tpu.memory_space<hbm>>) dst(%arg10 : memref<128x128xf32, #tpu.memory_space<vmem>>)
      %dma_start3A_343 = arith.constant 11 : i32
      %dma_start3A_344 = arith.constant 0 : i32
      %dma_start3A_345 = tpu.memref_slice %arg8[%dma_start3A_343, %dma_start3A_344] : memref<16x128xi32, #tpu.memory_space<vmem>> -> memref<1x128xi32, #tpu.memory_space<vmem>>
      %dma_start3A_346 = tpu.memref_squeeze %dma_start3A_345 : memref<1x128xi32, #tpu.memory_space<vmem>> -> memref<128xi32, #tpu.memory_space<vmem>>
      %dma_start3A_347 = arith.constant 0 : i32
      %dma_start3A_348 = arith.constant 0 : i32
      %dma_start3A_349 = tpu.memref_slice %arg11[%dma_start3A_347, %dma_start3A_348] : memref<10112x128xf32, #tpu.memory_space<vmem_shared>> -> memref<10112x128xf32, #tpu.memory_space<vmem_shared>>
      tpu.enqueue_indirect_dma source(%arg10 : memref<128x128xf32, #tpu.memory_space<vmem>>) target(%dma_start3A_349 : memref<10112x128xf32, #tpu.memory_space<vmem_shared>>) offsets(%dma_start3A_346 : memref<128xi32, #tpu.memory_space<vmem>>) semaphore(%arg15 : memref<!tpu.dma_semaphore, #tpu.memory_space<semaphore_mem>>) {add = true}
      %dma_wait3A_350 = arith.constant 11 : i32
      %dma_wait3A_351 = arith.constant 0 : i32
      %dma_wait3A_352 = tpu.memref_slice %arg8[%dma_wait3A_350, %dma_wait3A_351] : memref<16x128xi32, #tpu.memory_space<vmem>> -> memref<1x128xi32, #tpu.memory_space<vmem>>
      %dma_wait3A_353 = tpu.memref_squeeze %dma_wait3A_352 : memref<1x128xi32, #tpu.memory_space<vmem>> -> memref<128xi32, #tpu.memory_space<vmem>>
      %dma_wait3A_354 = arith.constant 0 : i32
      %dma_wait3A_355 = arith.constant 0 : i32
      %dma_wait3A_356 = tpu.memref_slice %arg11[%dma_wait3A_354, %dma_wait3A_355] : memref<10112x128xf32, #tpu.memory_space<vmem_shared>> -> memref<10112x128xf32, #tpu.memory_space<vmem_shared>>
      tpu.wait_indirect_dma semaphore(%arg15 : memref<!tpu.dma_semaphore, #tpu.memory_space<semaphore_mem>>) src(%arg10 : memref<128x128xf32, #tpu.memory_space<vmem>>) dst(%dma_wait3A_356 : memref<10112x128xf32, #tpu.memory_space<vmem_shared>>)
      %dma_start3A_357 = arith.constant 13 : i32
      %dma_start3A_358 = arith.constant 0 : i32
      %dma_start3A_359 = tpu.memref_slice %arg7[%dma_start3A_357, %dma_start3A_358] : memref<16x128xi32, #tpu.memory_space<vmem>> -> memref<1x128xi32, #tpu.memory_space<vmem>>
      %dma_start3A_360 = tpu.memref_squeeze %dma_start3A_359 : memref<1x128xi32, #tpu.memory_space<vmem>> -> memref<128xi32, #tpu.memory_space<vmem>>
      %dma_start3A_361 = arith.constant 0 : i32
      %dma_start3A_362 = arith.constant 0 : i32
      %dma_start3A_363 = tpu.memref_slice %arg2[%dma_start3A_361, %dma_start3A_362] : memref<100000x128xf32, #tpu.memory_space<hbm>> -> memref<100000x128xf32, #tpu.memory_space<hbm>>
      tpu.enqueue_indirect_dma source(%dma_start3A_363 : memref<100000x128xf32, #tpu.memory_space<hbm>>) target(%arg10 : memref<128x128xf32, #tpu.memory_space<vmem>>) offsets(%dma_start3A_360 : memref<128xi32, #tpu.memory_space<vmem>>) semaphore(%arg13 : memref<!tpu.dma_semaphore, #tpu.memory_space<semaphore_mem>>)
      %dma_wait3A_364 = arith.constant 12 : i32
      %dma_wait3A_365 = arith.constant 0 : i32
      %dma_wait3A_366 = tpu.memref_slice %arg7[%dma_wait3A_364, %dma_wait3A_365] : memref<16x128xi32, #tpu.memory_space<vmem>> -> memref<1x128xi32, #tpu.memory_space<vmem>>
      %dma_wait3A_367 = tpu.memref_squeeze %dma_wait3A_366 : memref<1x128xi32, #tpu.memory_space<vmem>> -> memref<128xi32, #tpu.memory_space<vmem>>
      %dma_wait3A_368 = arith.constant 0 : i32
      %dma_wait3A_369 = arith.constant 0 : i32
      %dma_wait3A_370 = tpu.memref_slice %arg2[%dma_wait3A_368, %dma_wait3A_369] : memref<100000x128xf32, #tpu.memory_space<hbm>> -> memref<100000x128xf32, #tpu.memory_space<hbm>>
      tpu.wait_indirect_dma semaphore(%arg12 : memref<!tpu.dma_semaphore, #tpu.memory_space<semaphore_mem>>) src(%dma_wait3A_370 : memref<100000x128xf32, #tpu.memory_space<hbm>>) dst(%arg9 : memref<128x128xf32, #tpu.memory_space<vmem>>)
      %dma_start3A_371 = arith.constant 12 : i32
      %dma_start3A_372 = arith.constant 0 : i32
      %dma_start3A_373 = tpu.memref_slice %arg8[%dma_start3A_371, %dma_start3A_372] : memref<16x128xi32, #tpu.memory_space<vmem>> -> memref<1x128xi32, #tpu.memory_space<vmem>>
      %dma_start3A_374 = tpu.memref_squeeze %dma_start3A_373 : memref<1x128xi32, #tpu.memory_space<vmem>> -> memref<128xi32, #tpu.memory_space<vmem>>
      %dma_start3A_375 = arith.constant 0 : i32
      %dma_start3A_376 = arith.constant 0 : i32
      %dma_start3A_377 = tpu.memref_slice %arg11[%dma_start3A_375, %dma_start3A_376] : memref<10112x128xf32, #tpu.memory_space<vmem_shared>> -> memref<10112x128xf32, #tpu.memory_space<vmem_shared>>
      tpu.enqueue_indirect_dma source(%arg9 : memref<128x128xf32, #tpu.memory_space<vmem>>) target(%dma_start3A_377 : memref<10112x128xf32, #tpu.memory_space<vmem_shared>>) offsets(%dma_start3A_374 : memref<128xi32, #tpu.memory_space<vmem>>) semaphore(%arg14 : memref<!tpu.dma_semaphore, #tpu.memory_space<semaphore_mem>>) {add = true}
      %dma_wait3A_378 = arith.constant 12 : i32
      %dma_wait3A_379 = arith.constant 0 : i32
      %dma_wait3A_380 = tpu.memref_slice %arg8[%dma_wait3A_378, %dma_wait3A_379] : memref<16x128xi32, #tpu.memory_space<vmem>> -> memref<1x128xi32, #tpu.memory_space<vmem>>
      %dma_wait3A_381 = tpu.memref_squeeze %dma_wait3A_380 : memref<1x128xi32, #tpu.memory_space<vmem>> -> memref<128xi32, #tpu.memory_space<vmem>>
      %dma_wait3A_382 = arith.constant 0 : i32
      %dma_wait3A_383 = arith.constant 0 : i32
      %dma_wait3A_384 = tpu.memref_slice %arg11[%dma_wait3A_382, %dma_wait3A_383] : memref<10112x128xf32, #tpu.memory_space<vmem_shared>> -> memref<10112x128xf32, #tpu.memory_space<vmem_shared>>
      tpu.wait_indirect_dma semaphore(%arg14 : memref<!tpu.dma_semaphore, #tpu.memory_space<semaphore_mem>>) src(%arg9 : memref<128x128xf32, #tpu.memory_space<vmem>>) dst(%dma_wait3A_384 : memref<10112x128xf32, #tpu.memory_space<vmem_shared>>)
      %dma_start3A_385 = arith.constant 14 : i32
      %dma_start3A_386 = arith.constant 0 : i32
      %dma_start3A_387 = tpu.memref_slice %arg7[%dma_start3A_385, %dma_start3A_386] : memref<16x128xi32, #tpu.memory_space<vmem>> -> memref<1x128xi32, #tpu.memory_space<vmem>>
      %dma_start3A_388 = tpu.memref_squeeze %dma_start3A_387 : memref<1x128xi32, #tpu.memory_space<vmem>> -> memref<128xi32, #tpu.memory_space<vmem>>
      %dma_start3A_389 = arith.constant 0 : i32
      %dma_start3A_390 = arith.constant 0 : i32
      %dma_start3A_391 = tpu.memref_slice %arg2[%dma_start3A_389, %dma_start3A_390] : memref<100000x128xf32, #tpu.memory_space<hbm>> -> memref<100000x128xf32, #tpu.memory_space<hbm>>
      tpu.enqueue_indirect_dma source(%dma_start3A_391 : memref<100000x128xf32, #tpu.memory_space<hbm>>) target(%arg9 : memref<128x128xf32, #tpu.memory_space<vmem>>) offsets(%dma_start3A_388 : memref<128xi32, #tpu.memory_space<vmem>>) semaphore(%arg12 : memref<!tpu.dma_semaphore, #tpu.memory_space<semaphore_mem>>)
      %dma_wait3A_392 = arith.constant 13 : i32
      %dma_wait3A_393 = arith.constant 0 : i32
      %dma_wait3A_394 = tpu.memref_slice %arg7[%dma_wait3A_392, %dma_wait3A_393] : memref<16x128xi32, #tpu.memory_space<vmem>> -> memref<1x128xi32, #tpu.memory_space<vmem>>
      %dma_wait3A_395 = tpu.memref_squeeze %dma_wait3A_394 : memref<1x128xi32, #tpu.memory_space<vmem>> -> memref<128xi32, #tpu.memory_space<vmem>>
      %dma_wait3A_396 = arith.constant 0 : i32
      %dma_wait3A_397 = arith.constant 0 : i32
      %dma_wait3A_398 = tpu.memref_slice %arg2[%dma_wait3A_396, %dma_wait3A_397] : memref<100000x128xf32, #tpu.memory_space<hbm>> -> memref<100000x128xf32, #tpu.memory_space<hbm>>
      tpu.wait_indirect_dma semaphore(%arg13 : memref<!tpu.dma_semaphore, #tpu.memory_space<semaphore_mem>>) src(%dma_wait3A_398 : memref<100000x128xf32, #tpu.memory_space<hbm>>) dst(%arg10 : memref<128x128xf32, #tpu.memory_space<vmem>>)
      %dma_start3A_399 = arith.constant 13 : i32
      %dma_start3A_400 = arith.constant 0 : i32
      %dma_start3A_401 = tpu.memref_slice %arg8[%dma_start3A_399, %dma_start3A_400] : memref<16x128xi32, #tpu.memory_space<vmem>> -> memref<1x128xi32, #tpu.memory_space<vmem>>
      %dma_start3A_402 = tpu.memref_squeeze %dma_start3A_401 : memref<1x128xi32, #tpu.memory_space<vmem>> -> memref<128xi32, #tpu.memory_space<vmem>>
      %dma_start3A_403 = arith.constant 0 : i32
      %dma_start3A_404 = arith.constant 0 : i32
      %dma_start3A_405 = tpu.memref_slice %arg11[%dma_start3A_403, %dma_start3A_404] : memref<10112x128xf32, #tpu.memory_space<vmem_shared>> -> memref<10112x128xf32, #tpu.memory_space<vmem_shared>>
      tpu.enqueue_indirect_dma source(%arg10 : memref<128x128xf32, #tpu.memory_space<vmem>>) target(%dma_start3A_405 : memref<10112x128xf32, #tpu.memory_space<vmem_shared>>) offsets(%dma_start3A_402 : memref<128xi32, #tpu.memory_space<vmem>>) semaphore(%arg15 : memref<!tpu.dma_semaphore, #tpu.memory_space<semaphore_mem>>) {add = true}
      %dma_wait3A_406 = arith.constant 13 : i32
      %dma_wait3A_407 = arith.constant 0 : i32
      %dma_wait3A_408 = tpu.memref_slice %arg8[%dma_wait3A_406, %dma_wait3A_407] : memref<16x128xi32, #tpu.memory_space<vmem>> -> memref<1x128xi32, #tpu.memory_space<vmem>>
      %dma_wait3A_409 = tpu.memref_squeeze %dma_wait3A_408 : memref<1x128xi32, #tpu.memory_space<vmem>> -> memref<128xi32, #tpu.memory_space<vmem>>
      %dma_wait3A_410 = arith.constant 0 : i32
      %dma_wait3A_411 = arith.constant 0 : i32
      %dma_wait3A_412 = tpu.memref_slice %arg11[%dma_wait3A_410, %dma_wait3A_411] : memref<10112x128xf32, #tpu.memory_space<vmem_shared>> -> memref<10112x128xf32, #tpu.memory_space<vmem_shared>>
      tpu.wait_indirect_dma semaphore(%arg15 : memref<!tpu.dma_semaphore, #tpu.memory_space<semaphore_mem>>) src(%arg10 : memref<128x128xf32, #tpu.memory_space<vmem>>) dst(%dma_wait3A_412 : memref<10112x128xf32, #tpu.memory_space<vmem_shared>>)
      %dma_start3A_413 = arith.constant 15 : i32
      %dma_start3A_414 = arith.constant 0 : i32
      %dma_start3A_415 = tpu.memref_slice %arg7[%dma_start3A_413, %dma_start3A_414] : memref<16x128xi32, #tpu.memory_space<vmem>> -> memref<1x128xi32, #tpu.memory_space<vmem>>
      %dma_start3A_416 = tpu.memref_squeeze %dma_start3A_415 : memref<1x128xi32, #tpu.memory_space<vmem>> -> memref<128xi32, #tpu.memory_space<vmem>>
      %dma_start3A_417 = arith.constant 0 : i32
      %dma_start3A_418 = arith.constant 0 : i32
      %dma_start3A_419 = tpu.memref_slice %arg2[%dma_start3A_417, %dma_start3A_418] : memref<100000x128xf32, #tpu.memory_space<hbm>> -> memref<100000x128xf32, #tpu.memory_space<hbm>>
      tpu.enqueue_indirect_dma source(%dma_start3A_419 : memref<100000x128xf32, #tpu.memory_space<hbm>>) target(%arg10 : memref<128x128xf32, #tpu.memory_space<vmem>>) offsets(%dma_start3A_416 : memref<128xi32, #tpu.memory_space<vmem>>) semaphore(%arg13 : memref<!tpu.dma_semaphore, #tpu.memory_space<semaphore_mem>>)
      %dma_wait3A_420 = arith.constant 14 : i32
      %dma_wait3A_421 = arith.constant 0 : i32
      %dma_wait3A_422 = tpu.memref_slice %arg7[%dma_wait3A_420, %dma_wait3A_421] : memref<16x128xi32, #tpu.memory_space<vmem>> -> memref<1x128xi32, #tpu.memory_space<vmem>>
      %dma_wait3A_423 = tpu.memref_squeeze %dma_wait3A_422 : memref<1x128xi32, #tpu.memory_space<vmem>> -> memref<128xi32, #tpu.memory_space<vmem>>
      %dma_wait3A_424 = arith.constant 0 : i32
      %dma_wait3A_425 = arith.constant 0 : i32
      %dma_wait3A_426 = tpu.memref_slice %arg2[%dma_wait3A_424, %dma_wait3A_425] : memref<100000x128xf32, #tpu.memory_space<hbm>> -> memref<100000x128xf32, #tpu.memory_space<hbm>>
      tpu.wait_indirect_dma semaphore(%arg12 : memref<!tpu.dma_semaphore, #tpu.memory_space<semaphore_mem>>) src(%dma_wait3A_426 : memref<100000x128xf32, #tpu.memory_space<hbm>>) dst(%arg9 : memref<128x128xf32, #tpu.memory_space<vmem>>)
      %dma_start3A_427 = arith.constant 14 : i32
      %dma_start3A_428 = arith.constant 0 : i32
      %dma_start3A_429 = tpu.memref_slice %arg8[%dma_start3A_427, %dma_start3A_428] : memref<16x128xi32, #tpu.memory_space<vmem>> -> memref<1x128xi32, #tpu.memory_space<vmem>>
      %dma_start3A_430 = tpu.memref_squeeze %dma_start3A_429 : memref<1x128xi32, #tpu.memory_space<vmem>> -> memref<128xi32, #tpu.memory_space<vmem>>
      %dma_start3A_431 = arith.constant 0 : i32
      %dma_start3A_432 = arith.constant 0 : i32
      %dma_start3A_433 = tpu.memref_slice %arg11[%dma_start3A_431, %dma_start3A_432] : memref<10112x128xf32, #tpu.memory_space<vmem_shared>> -> memref<10112x128xf32, #tpu.memory_space<vmem_shared>>
      tpu.enqueue_indirect_dma source(%arg9 : memref<128x128xf32, #tpu.memory_space<vmem>>) target(%dma_start3A_433 : memref<10112x128xf32, #tpu.memory_space<vmem_shared>>) offsets(%dma_start3A_430 : memref<128xi32, #tpu.memory_space<vmem>>) semaphore(%arg14 : memref<!tpu.dma_semaphore, #tpu.memory_space<semaphore_mem>>) {add = true}
      %dma_wait3A_434 = arith.constant 15 : i32
      %dma_wait3A_435 = arith.constant 0 : i32
      %dma_wait3A_436 = tpu.memref_slice %arg7[%dma_wait3A_434, %dma_wait3A_435] : memref<16x128xi32, #tpu.memory_space<vmem>> -> memref<1x128xi32, #tpu.memory_space<vmem>>
      %dma_wait3A_437 = tpu.memref_squeeze %dma_wait3A_436 : memref<1x128xi32, #tpu.memory_space<vmem>> -> memref<128xi32, #tpu.memory_space<vmem>>
      %dma_wait3A_438 = arith.constant 0 : i32
      %dma_wait3A_439 = arith.constant 0 : i32
      %dma_wait3A_440 = tpu.memref_slice %arg2[%dma_wait3A_438, %dma_wait3A_439] : memref<100000x128xf32, #tpu.memory_space<hbm>> -> memref<100000x128xf32, #tpu.memory_space<hbm>>
      tpu.wait_indirect_dma semaphore(%arg13 : memref<!tpu.dma_semaphore, #tpu.memory_space<semaphore_mem>>) src(%dma_wait3A_440 : memref<100000x128xf32, #tpu.memory_space<hbm>>) dst(%arg10 : memref<128x128xf32, #tpu.memory_space<vmem>>)
      %dma_start3A_441 = arith.constant 15 : i32
      %dma_start3A_442 = arith.constant 0 : i32
      %dma_start3A_443 = tpu.memref_slice %arg8[%dma_start3A_441, %dma_start3A_442] : memref<16x128xi32, #tpu.memory_space<vmem>> -> memref<1x128xi32, #tpu.memory_space<vmem>>
      %dma_start3A_444 = tpu.memref_squeeze %dma_start3A_443 : memref<1x128xi32, #tpu.memory_space<vmem>> -> memref<128xi32, #tpu.memory_space<vmem>>
      %dma_start3A_445 = arith.constant 0 : i32
      %dma_start3A_446 = arith.constant 0 : i32
      %dma_start3A_447 = tpu.memref_slice %arg11[%dma_start3A_445, %dma_start3A_446] : memref<10112x128xf32, #tpu.memory_space<vmem_shared>> -> memref<10112x128xf32, #tpu.memory_space<vmem_shared>>
      tpu.enqueue_indirect_dma source(%arg10 : memref<128x128xf32, #tpu.memory_space<vmem>>) target(%dma_start3A_447 : memref<10112x128xf32, #tpu.memory_space<vmem_shared>>) offsets(%dma_start3A_444 : memref<128xi32, #tpu.memory_space<vmem>>) semaphore(%arg15 : memref<!tpu.dma_semaphore, #tpu.memory_space<semaphore_mem>>) {add = true}
      %dma_wait3A_448 = arith.constant 14 : i32
      %dma_wait3A_449 = arith.constant 0 : i32
      %dma_wait3A_450 = tpu.memref_slice %arg8[%dma_wait3A_448, %dma_wait3A_449] : memref<16x128xi32, #tpu.memory_space<vmem>> -> memref<1x128xi32, #tpu.memory_space<vmem>>
      %dma_wait3A_451 = tpu.memref_squeeze %dma_wait3A_450 : memref<1x128xi32, #tpu.memory_space<vmem>> -> memref<128xi32, #tpu.memory_space<vmem>>
      %dma_wait3A_452 = arith.constant 0 : i32
      %dma_wait3A_453 = arith.constant 0 : i32
      %dma_wait3A_454 = tpu.memref_slice %arg11[%dma_wait3A_452, %dma_wait3A_453] : memref<10112x128xf32, #tpu.memory_space<vmem_shared>> -> memref<10112x128xf32, #tpu.memory_space<vmem_shared>>
      tpu.wait_indirect_dma semaphore(%arg14 : memref<!tpu.dma_semaphore, #tpu.memory_space<semaphore_mem>>) src(%arg9 : memref<128x128xf32, #tpu.memory_space<vmem>>) dst(%dma_wait3A_454 : memref<10112x128xf32, #tpu.memory_space<vmem_shared>>)
      %dma_wait3A_455 = arith.constant 15 : i32
      %dma_wait3A_456 = arith.constant 0 : i32
      %dma_wait3A_457 = tpu.memref_slice %arg8[%dma_wait3A_455, %dma_wait3A_456] : memref<16x128xi32, #tpu.memory_space<vmem>> -> memref<1x128xi32, #tpu.memory_space<vmem>>
      %dma_wait3A_458 = tpu.memref_squeeze %dma_wait3A_457 : memref<1x128xi32, #tpu.memory_space<vmem>> -> memref<128xi32, #tpu.memory_space<vmem>>
      %dma_wait3A_459 = arith.constant 0 : i32
      %dma_wait3A_460 = arith.constant 0 : i32
      %dma_wait3A_461 = tpu.memref_slice %arg11[%dma_wait3A_459, %dma_wait3A_460] : memref<10112x128xf32, #tpu.memory_space<vmem_shared>> -> memref<10112x128xf32, #tpu.memory_space<vmem_shared>>
      tpu.wait_indirect_dma semaphore(%arg15 : memref<!tpu.dma_semaphore, #tpu.memory_space<semaphore_mem>>) src(%arg10 : memref<128x128xf32, #tpu.memory_space<vmem>>) dst(%dma_wait3A_461 : memref<10112x128xf32, #tpu.memory_space<vmem_shared>>)
    }
    %scan3A_5 = arith.constant 5 : i32
    %barrier3A_6 = arith.constant 0 : index
    tpu.barrier barrier_id(%barrier3A_6)
    %mul3A_7 = arith.constant 632 : i32
    %mul3A_8 = arith.muli %arg1, %mul3A_7 : i32
    %mul3A_9 = arith.constant 632 : i32
    %mul3A_10 = arith.muli %arg1, %mul3A_9 : i32
    "tpu.region"() ({
      %run_scoped3A = tpu.sem_alloc : memref<!tpu.dma_semaphore, #tpu.memory_space<semaphore_mem>>
      %dma_start3A = arith.constant 0 : i32
      %dma_start3A_11 = tpu.memref_slice %arg6[%arg0, %mul3A_10, %dma_start3A] : memref<2x10112x128xf32, #tpu.memory_space<hbm>> -> memref<1x632x128xf32, #tpu.memory_space<hbm>>
      %dma_start3A_12 = tpu.memref_squeeze %dma_start3A_11 : memref<1x632x128xf32, #tpu.memory_space<hbm>> -> memref<632x128xf32, #tpu.memory_space<hbm>>
      %dma_start3A_13 = arith.constant 0 : i32
      %dma_start3A_14 = tpu.memref_slice %arg11[%mul3A_8, %dma_start3A_13] : memref<10112x128xf32, #tpu.memory_space<vmem_shared>> -> memref<632x128xf32, #tpu.memory_space<vmem_shared>>
      tpu.enqueue_dma source(%dma_start3A_14 : memref<632x128xf32, #tpu.memory_space<vmem_shared>>) target(%dma_start3A_12 : memref<632x128xf32, #tpu.memory_space<hbm>>) target_semaphore(%run_scoped3A : memref<!tpu.dma_semaphore, #tpu.memory_space<semaphore_mem>>)
      %dma_wait3A = arith.constant 0 : i32
      %dma_wait3A_15 = tpu.memref_slice %arg6[%arg0, %mul3A_10, %dma_wait3A] : memref<2x10112x128xf32, #tpu.memory_space<hbm>> -> memref<1x632x128xf32, #tpu.memory_space<hbm>>
      %dma_wait3A_16 = tpu.memref_squeeze %dma_wait3A_15 : memref<1x632x128xf32, #tpu.memory_space<hbm>> -> memref<632x128xf32, #tpu.memory_space<hbm>>
      %dma_wait3A_17 = arith.constant 0 : i32
      %dma_wait3A_18 = tpu.memref_slice %arg11[%mul3A_8, %dma_wait3A_17] : memref<10112x128xf32, #tpu.memory_space<vmem_shared>> -> memref<632x128xf32, #tpu.memory_space<vmem_shared>>
      tpu.wait_dma2 semaphore(%run_scoped3A : memref<!tpu.dma_semaphore, #tpu.memory_space<semaphore_mem>>) src(%dma_wait3A_18 : memref<632x128xf32, #tpu.memory_space<vmem_shared>>) dst(%dma_wait3A_16 : memref<632x128xf32, #tpu.memory_space<hbm>>)
      tpu.yield
    }) : () -> ()
    return
  }
}

#map = affine_map<(d0, d1) -> (0, 0)>
#map1 = affine_map<(d0, d1) -> (0, 0, 0, 0)>
#map2 = affine_map<(d0, d1) -> (0, 0, 0)>
module attributes {stable_mosaic.version = 14 : i64} {
  func.func @seg(%arg0: i32, %arg1: i32, %arg2: memref<20000x128xf32, #tpu.memory_space<hbm>>, %arg3: memref<2x16x16x128xi32, #tpu.memory_space<hbm>>, %arg4: memref<16x16x128xi32, #tpu.memory_space<hbm>>, %arg5: memref<632x128xf32, #tpu.memory_space<hbm>>, %arg6: memref<2x2048x128xf32, #tpu.memory_space<hbm>>, %arg7: memref<16x128xi32, #tpu.memory_space<vmem>>, %arg8: memref<16x128xi32, #tpu.memory_space<vmem>>, %arg9: memref<128x128xf32, #tpu.memory_space<vmem>>, %arg10: memref<128x128xf32, #tpu.memory_space<vmem>>, %arg11: memref<2048x128xf32, #tpu.memory_space<vmem_shared>>, %arg12: memref<!tpu.dma_semaphore, #tpu.memory_space<semaphore_mem>>, %arg13: memref<!tpu.dma_semaphore, #tpu.memory_space<semaphore_mem>>, %arg14: memref<!tpu.dma_semaphore, #tpu.memory_space<semaphore_mem>>, %arg15: memref<!tpu.dma_semaphore, #tpu.memory_space<semaphore_mem>>) attributes {dimension_semantics = [#tpu.dimension_semantics<core_parallel>, #tpu.dimension_semantics<subcore_parallel>], iteration_bounds = array<i64: 2, 16>, scalar_prefetch = 0 : i64, scratch_operands = 9 : i64, tpu.core_type = #tpu.core_type<sc_vector_subcore>, window_params = [{transform_indices = #map}, {transform_indices = #map1}, {transform_indices = #map2}, {transform_indices = #map}, {transform_indices = #map2}]} {
    %mul3A = arith.constant 128 : i32
    %mul3A_0 = arith.muli %arg1, %mul3A : i32
    "tpu.region"() ({
      %run_scoped3A = tpu.sem_alloc : memref<!tpu.dma_semaphore, #tpu.memory_space<semaphore_mem>>
      %dma_start3A_458 = arith.constant 0 : i32
      %dma_start3A_459 = tpu.memref_slice %arg11[%mul3A_0, %dma_start3A_458] : memref<2048x128xf32, #tpu.memory_space<vmem_shared>> -> memref<128x128xf32, #tpu.memory_space<vmem_shared>>
      %dma_start3A_460 = arith.constant 0 : i32
      %dma_start3A_461 = arith.constant 0 : i32
      %dma_start3A_462 = tpu.memref_slice %arg5[%dma_start3A_460, %dma_start3A_461] : memref<632x128xf32, #tpu.memory_space<hbm>> -> memref<128x128xf32, #tpu.memory_space<hbm>>
      tpu.enqueue_dma source(%dma_start3A_462 : memref<128x128xf32, #tpu.memory_space<hbm>>) target(%dma_start3A_459 : memref<128x128xf32, #tpu.memory_space<vmem_shared>>) target_semaphore(%run_scoped3A : memref<!tpu.dma_semaphore, #tpu.memory_space<semaphore_mem>>)
      %dma_wait3A_463 = arith.constant 0 : i32
      %dma_wait3A_464 = tpu.memref_slice %arg11[%mul3A_0, %dma_wait3A_463] : memref<2048x128xf32, #tpu.memory_space<vmem_shared>> -> memref<128x128xf32, #tpu.memory_space<vmem_shared>>
      %dma_wait3A_465 = arith.constant 0 : i32
      %dma_wait3A_466 = arith.constant 0 : i32
      %dma_wait3A_467 = tpu.memref_slice %arg5[%dma_wait3A_465, %dma_wait3A_466] : memref<632x128xf32, #tpu.memory_space<hbm>> -> memref<128x128xf32, #tpu.memory_space<hbm>>
      tpu.wait_dma2 semaphore(%run_scoped3A : memref<!tpu.dma_semaphore, #tpu.memory_space<semaphore_mem>>) src(%dma_wait3A_467 : memref<128x128xf32, #tpu.memory_space<hbm>>) dst(%dma_wait3A_464 : memref<128x128xf32, #tpu.memory_space<vmem_shared>>)
      tpu.yield
    }) : () -> ()
    %barrier3A = arith.constant 0 : index
    tpu.barrier barrier_id(%barrier3A)
    %scan3A = arith.constant 0 : i32
    %scan3A_1 = arith.constant 0 : i32
    %mul3A_2 = arith.constant 16 : i32
    %mul3A_3 = arith.muli %scan3A_1, %mul3A_2 : i32
    "tpu.region"() ({
      %run_scoped3A = tpu.sem_alloc : memref<!tpu.dma_semaphore, #tpu.memory_space<semaphore_mem>>
      %dma_start3A_458 = arith.constant 0 : i32
      %dma_start3A_459 = tpu.memref_slice %arg3[%arg0, %arg1, %mul3A_3, %dma_start3A_458] : memref<2x16x16x128xi32, #tpu.memory_space<hbm>> -> memref<1x1x16x128xi32, #tpu.memory_space<hbm>>
      %dma_start3A_460 = tpu.memref_squeeze %dma_start3A_459 : memref<1x1x16x128xi32, #tpu.memory_space<hbm>> -> memref<16x128xi32, #tpu.memory_space<hbm>>
      %dma_start3A_461 = arith.constant 0 : i32
      %dma_start3A_462 = tpu.memref_slice %arg3[%arg0, %arg1, %mul3A_3, %dma_start3A_461] : memref<2x16x16x128xi32, #tpu.memory_space<hbm>> -> memref<1x1x16x128xi32, #tpu.memory_space<hbm>>
      %dma_start3A_463 = tpu.memref_squeeze %dma_start3A_462 : memref<1x1x16x128xi32, #tpu.memory_space<hbm>> -> memref<16x128xi32, #tpu.memory_space<hbm>>
      tpu.enqueue_dma source(%dma_start3A_463 : memref<16x128xi32, #tpu.memory_space<hbm>>) target(%arg7 : memref<16x128xi32, #tpu.memory_space<vmem>>) target_semaphore(%run_scoped3A : memref<!tpu.dma_semaphore, #tpu.memory_space<semaphore_mem>>)
      %dma_wait3A_464 = arith.constant 0 : i32
      %dma_wait3A_465 = tpu.memref_slice %arg3[%arg0, %arg1, %mul3A_3, %dma_wait3A_464] : memref<2x16x16x128xi32, #tpu.memory_space<hbm>> -> memref<1x1x16x128xi32, #tpu.memory_space<hbm>>
      %dma_wait3A_466 = tpu.memref_squeeze %dma_wait3A_465 : memref<1x1x16x128xi32, #tpu.memory_space<hbm>> -> memref<16x128xi32, #tpu.memory_space<hbm>>
      %dma_wait3A_467 = arith.constant 0 : i32
      %dma_wait3A_468 = tpu.memref_slice %arg3[%arg0, %arg1, %mul3A_3, %dma_wait3A_467] : memref<2x16x16x128xi32, #tpu.memory_space<hbm>> -> memref<1x1x16x128xi32, #tpu.memory_space<hbm>>
      %dma_wait3A_469 = tpu.memref_squeeze %dma_wait3A_468 : memref<1x1x16x128xi32, #tpu.memory_space<hbm>> -> memref<16x128xi32, #tpu.memory_space<hbm>>
      tpu.wait_dma2 semaphore(%run_scoped3A : memref<!tpu.dma_semaphore, #tpu.memory_space<semaphore_mem>>) src(%dma_wait3A_469 : memref<16x128xi32, #tpu.memory_space<hbm>>) dst(%arg7 : memref<16x128xi32, #tpu.memory_space<vmem>>)
      tpu.yield
    }) : () -> ()
    %mul3A_4 = arith.constant 16 : i32
    %mul3A_5 = arith.muli %scan3A_1, %mul3A_4 : i32
    "tpu.region"() ({
      %run_scoped3A = tpu.sem_alloc : memref<!tpu.dma_semaphore, #tpu.memory_space<semaphore_mem>>
      %dma_start3A_458 = arith.constant 0 : i32
      %dma_start3A_459 = tpu.memref_slice %arg4[%arg1, %mul3A_5, %dma_start3A_458] : memref<16x16x128xi32, #tpu.memory_space<hbm>> -> memref<1x16x128xi32, #tpu.memory_space<hbm>>
      %dma_start3A_460 = tpu.memref_squeeze %dma_start3A_459 : memref<1x16x128xi32, #tpu.memory_space<hbm>> -> memref<16x128xi32, #tpu.memory_space<hbm>>
      %dma_start3A_461 = arith.constant 0 : i32
      %dma_start3A_462 = tpu.memref_slice %arg4[%arg1, %mul3A_5, %dma_start3A_461] : memref<16x16x128xi32, #tpu.memory_space<hbm>> -> memref<1x16x128xi32, #tpu.memory_space<hbm>>
      %dma_start3A_463 = tpu.memref_squeeze %dma_start3A_462 : memref<1x16x128xi32, #tpu.memory_space<hbm>> -> memref<16x128xi32, #tpu.memory_space<hbm>>
      tpu.enqueue_dma source(%dma_start3A_463 : memref<16x128xi32, #tpu.memory_space<hbm>>) target(%arg8 : memref<16x128xi32, #tpu.memory_space<vmem>>) target_semaphore(%run_scoped3A : memref<!tpu.dma_semaphore, #tpu.memory_space<semaphore_mem>>)
      %dma_wait3A_464 = arith.constant 0 : i32
      %dma_wait3A_465 = tpu.memref_slice %arg4[%arg1, %mul3A_5, %dma_wait3A_464] : memref<16x16x128xi32, #tpu.memory_space<hbm>> -> memref<1x16x128xi32, #tpu.memory_space<hbm>>
      %dma_wait3A_466 = tpu.memref_squeeze %dma_wait3A_465 : memref<1x16x128xi32, #tpu.memory_space<hbm>> -> memref<16x128xi32, #tpu.memory_space<hbm>>
      %dma_wait3A_467 = arith.constant 0 : i32
      %dma_wait3A_468 = tpu.memref_slice %arg4[%arg1, %mul3A_5, %dma_wait3A_467] : memref<16x16x128xi32, #tpu.memory_space<hbm>> -> memref<1x16x128xi32, #tpu.memory_space<hbm>>
      %dma_wait3A_469 = tpu.memref_squeeze %dma_wait3A_468 : memref<1x16x128xi32, #tpu.memory_space<hbm>> -> memref<16x128xi32, #tpu.memory_space<hbm>>
      tpu.wait_dma2 semaphore(%run_scoped3A : memref<!tpu.dma_semaphore, #tpu.memory_space<semaphore_mem>>) src(%dma_wait3A_469 : memref<16x128xi32, #tpu.memory_space<hbm>>) dst(%arg8 : memref<16x128xi32, #tpu.memory_space<vmem>>)
      tpu.yield
    }) : () -> ()
    %dma_start3A = arith.constant 0 : i32
    %dma_start3A_6 = arith.constant 0 : i32
    %dma_start3A_7 = tpu.memref_slice %arg7[%dma_start3A, %dma_start3A_6] : memref<16x128xi32, #tpu.memory_space<vmem>> -> memref<1x128xi32, #tpu.memory_space<vmem>>
    %dma_start3A_8 = tpu.memref_squeeze %dma_start3A_7 : memref<1x128xi32, #tpu.memory_space<vmem>> -> memref<128xi32, #tpu.memory_space<vmem>>
    %dma_start3A_9 = arith.constant 0 : i32
    %dma_start3A_10 = arith.constant 0 : i32
    %dma_start3A_11 = tpu.memref_slice %arg2[%dma_start3A_9, %dma_start3A_10] : memref<20000x128xf32, #tpu.memory_space<hbm>> -> memref<20000x128xf32, #tpu.memory_space<hbm>>
    tpu.enqueue_indirect_dma source(%dma_start3A_11 : memref<20000x128xf32, #tpu.memory_space<hbm>>) target(%arg9 : memref<128x128xf32, #tpu.memory_space<vmem>>) offsets(%dma_start3A_8 : memref<128xi32, #tpu.memory_space<vmem>>) semaphore(%arg12 : memref<!tpu.dma_semaphore, #tpu.memory_space<semaphore_mem>>)
    %dma_start3A_12 = arith.constant 1 : i32
    %dma_start3A_13 = arith.constant 0 : i32
    %dma_start3A_14 = tpu.memref_slice %arg7[%dma_start3A_12, %dma_start3A_13] : memref<16x128xi32, #tpu.memory_space<vmem>> -> memref<1x128xi32, #tpu.memory_space<vmem>>
    %dma_start3A_15 = tpu.memref_squeeze %dma_start3A_14 : memref<1x128xi32, #tpu.memory_space<vmem>> -> memref<128xi32, #tpu.memory_space<vmem>>
    %dma_start3A_16 = arith.constant 0 : i32
    %dma_start3A_17 = arith.constant 0 : i32
    %dma_start3A_18 = tpu.memref_slice %arg2[%dma_start3A_16, %dma_start3A_17] : memref<20000x128xf32, #tpu.memory_space<hbm>> -> memref<20000x128xf32, #tpu.memory_space<hbm>>
    tpu.enqueue_indirect_dma source(%dma_start3A_18 : memref<20000x128xf32, #tpu.memory_space<hbm>>) target(%arg10 : memref<128x128xf32, #tpu.memory_space<vmem>>) offsets(%dma_start3A_15 : memref<128xi32, #tpu.memory_space<vmem>>) semaphore(%arg13 : memref<!tpu.dma_semaphore, #tpu.memory_space<semaphore_mem>>)
    %dma_wait3A = arith.constant 0 : i32
    %dma_wait3A_19 = arith.constant 0 : i32
    %dma_wait3A_20 = tpu.memref_slice %arg7[%dma_wait3A, %dma_wait3A_19] : memref<16x128xi32, #tpu.memory_space<vmem>> -> memref<1x128xi32, #tpu.memory_space<vmem>>
    %dma_wait3A_21 = tpu.memref_squeeze %dma_wait3A_20 : memref<1x128xi32, #tpu.memory_space<vmem>> -> memref<128xi32, #tpu.memory_space<vmem>>
    %dma_wait3A_22 = arith.constant 0 : i32
    %dma_wait3A_23 = arith.constant 0 : i32
    %dma_wait3A_24 = tpu.memref_slice %arg2[%dma_wait3A_22, %dma_wait3A_23] : memref<20000x128xf32, #tpu.memory_space<hbm>> -> memref<20000x128xf32, #tpu.memory_space<hbm>>
    tpu.wait_indirect_dma semaphore(%arg12 : memref<!tpu.dma_semaphore, #tpu.memory_space<semaphore_mem>>) src(%dma_wait3A_24 : memref<20000x128xf32, #tpu.memory_space<hbm>>) dst(%arg9 : memref<128x128xf32, #tpu.memory_space<vmem>>)
    %dma_start3A_25 = arith.constant 0 : i32
    %dma_start3A_26 = arith.constant 0 : i32
    %dma_start3A_27 = tpu.memref_slice %arg8[%dma_start3A_25, %dma_start3A_26] : memref<16x128xi32, #tpu.memory_space<vmem>> -> memref<1x128xi32, #tpu.memory_space<vmem>>
    %dma_start3A_28 = tpu.memref_squeeze %dma_start3A_27 : memref<1x128xi32, #tpu.memory_space<vmem>> -> memref<128xi32, #tpu.memory_space<vmem>>
    %dma_start3A_29 = arith.constant 0 : i32
    %dma_start3A_30 = arith.constant 0 : i32
    %dma_start3A_31 = tpu.memref_slice %arg11[%dma_start3A_29, %dma_start3A_30] : memref<2048x128xf32, #tpu.memory_space<vmem_shared>> -> memref<2048x128xf32, #tpu.memory_space<vmem_shared>>
    tpu.enqueue_indirect_dma source(%arg9 : memref<128x128xf32, #tpu.memory_space<vmem>>) target(%dma_start3A_31 : memref<2048x128xf32, #tpu.memory_space<vmem_shared>>) offsets(%dma_start3A_28 : memref<128xi32, #tpu.memory_space<vmem>>) semaphore(%arg14 : memref<!tpu.dma_semaphore, #tpu.memory_space<semaphore_mem>>) {add = true}
    %dma_wait3A_32 = arith.constant 0 : i32
    %dma_wait3A_33 = arith.constant 0 : i32
    %dma_wait3A_34 = tpu.memref_slice %arg8[%dma_wait3A_32, %dma_wait3A_33] : memref<16x128xi32, #tpu.memory_space<vmem>> -> memref<1x128xi32, #tpu.memory_space<vmem>>
    %dma_wait3A_35 = tpu.memref_squeeze %dma_wait3A_34 : memref<1x128xi32, #tpu.memory_space<vmem>> -> memref<128xi32, #tpu.memory_space<vmem>>
    %dma_wait3A_36 = arith.constant 0 : i32
    %dma_wait3A_37 = arith.constant 0 : i32
    %dma_wait3A_38 = tpu.memref_slice %arg11[%dma_wait3A_36, %dma_wait3A_37] : memref<2048x128xf32, #tpu.memory_space<vmem_shared>> -> memref<2048x128xf32, #tpu.memory_space<vmem_shared>>
    tpu.wait_indirect_dma semaphore(%arg14 : memref<!tpu.dma_semaphore, #tpu.memory_space<semaphore_mem>>) src(%arg9 : memref<128x128xf32, #tpu.memory_space<vmem>>) dst(%dma_wait3A_38 : memref<2048x128xf32, #tpu.memory_space<vmem_shared>>)
    %dma_start3A_39 = arith.constant 2 : i32
    %dma_start3A_40 = arith.constant 0 : i32
    %dma_start3A_41 = tpu.memref_slice %arg7[%dma_start3A_39, %dma_start3A_40] : memref<16x128xi32, #tpu.memory_space<vmem>> -> memref<1x128xi32, #tpu.memory_space<vmem>>
    %dma_start3A_42 = tpu.memref_squeeze %dma_start3A_41 : memref<1x128xi32, #tpu.memory_space<vmem>> -> memref<128xi32, #tpu.memory_space<vmem>>
    %dma_start3A_43 = arith.constant 0 : i32
    %dma_start3A_44 = arith.constant 0 : i32
    %dma_start3A_45 = tpu.memref_slice %arg2[%dma_start3A_43, %dma_start3A_44] : memref<20000x128xf32, #tpu.memory_space<hbm>> -> memref<20000x128xf32, #tpu.memory_space<hbm>>
    tpu.enqueue_indirect_dma source(%dma_start3A_45 : memref<20000x128xf32, #tpu.memory_space<hbm>>) target(%arg9 : memref<128x128xf32, #tpu.memory_space<vmem>>) offsets(%dma_start3A_42 : memref<128xi32, #tpu.memory_space<vmem>>) semaphore(%arg12 : memref<!tpu.dma_semaphore, #tpu.memory_space<semaphore_mem>>)
    %dma_wait3A_46 = arith.constant 1 : i32
    %dma_wait3A_47 = arith.constant 0 : i32
    %dma_wait3A_48 = tpu.memref_slice %arg7[%dma_wait3A_46, %dma_wait3A_47] : memref<16x128xi32, #tpu.memory_space<vmem>> -> memref<1x128xi32, #tpu.memory_space<vmem>>
    %dma_wait3A_49 = tpu.memref_squeeze %dma_wait3A_48 : memref<1x128xi32, #tpu.memory_space<vmem>> -> memref<128xi32, #tpu.memory_space<vmem>>
    %dma_wait3A_50 = arith.constant 0 : i32
    %dma_wait3A_51 = arith.constant 0 : i32
    %dma_wait3A_52 = tpu.memref_slice %arg2[%dma_wait3A_50, %dma_wait3A_51] : memref<20000x128xf32, #tpu.memory_space<hbm>> -> memref<20000x128xf32, #tpu.memory_space<hbm>>
    tpu.wait_indirect_dma semaphore(%arg13 : memref<!tpu.dma_semaphore, #tpu.memory_space<semaphore_mem>>) src(%dma_wait3A_52 : memref<20000x128xf32, #tpu.memory_space<hbm>>) dst(%arg10 : memref<128x128xf32, #tpu.memory_space<vmem>>)
    %dma_start3A_53 = arith.constant 1 : i32
    %dma_start3A_54 = arith.constant 0 : i32
    %dma_start3A_55 = tpu.memref_slice %arg8[%dma_start3A_53, %dma_start3A_54] : memref<16x128xi32, #tpu.memory_space<vmem>> -> memref<1x128xi32, #tpu.memory_space<vmem>>
    %dma_start3A_56 = tpu.memref_squeeze %dma_start3A_55 : memref<1x128xi32, #tpu.memory_space<vmem>> -> memref<128xi32, #tpu.memory_space<vmem>>
    %dma_start3A_57 = arith.constant 0 : i32
    %dma_start3A_58 = arith.constant 0 : i32
    %dma_start3A_59 = tpu.memref_slice %arg11[%dma_start3A_57, %dma_start3A_58] : memref<2048x128xf32, #tpu.memory_space<vmem_shared>> -> memref<2048x128xf32, #tpu.memory_space<vmem_shared>>
    tpu.enqueue_indirect_dma source(%arg10 : memref<128x128xf32, #tpu.memory_space<vmem>>) target(%dma_start3A_59 : memref<2048x128xf32, #tpu.memory_space<vmem_shared>>) offsets(%dma_start3A_56 : memref<128xi32, #tpu.memory_space<vmem>>) semaphore(%arg15 : memref<!tpu.dma_semaphore, #tpu.memory_space<semaphore_mem>>) {add = true}
    %dma_wait3A_60 = arith.constant 1 : i32
    %dma_wait3A_61 = arith.constant 0 : i32
    %dma_wait3A_62 = tpu.memref_slice %arg8[%dma_wait3A_60, %dma_wait3A_61] : memref<16x128xi32, #tpu.memory_space<vmem>> -> memref<1x128xi32, #tpu.memory_space<vmem>>
    %dma_wait3A_63 = tpu.memref_squeeze %dma_wait3A_62 : memref<1x128xi32, #tpu.memory_space<vmem>> -> memref<128xi32, #tpu.memory_space<vmem>>
    %dma_wait3A_64 = arith.constant 0 : i32
    %dma_wait3A_65 = arith.constant 0 : i32
    %dma_wait3A_66 = tpu.memref_slice %arg11[%dma_wait3A_64, %dma_wait3A_65] : memref<2048x128xf32, #tpu.memory_space<vmem_shared>> -> memref<2048x128xf32, #tpu.memory_space<vmem_shared>>
    tpu.wait_indirect_dma semaphore(%arg15 : memref<!tpu.dma_semaphore, #tpu.memory_space<semaphore_mem>>) src(%arg10 : memref<128x128xf32, #tpu.memory_space<vmem>>) dst(%dma_wait3A_66 : memref<2048x128xf32, #tpu.memory_space<vmem_shared>>)
    %dma_start3A_67 = arith.constant 3 : i32
    %dma_start3A_68 = arith.constant 0 : i32
    %dma_start3A_69 = tpu.memref_slice %arg7[%dma_start3A_67, %dma_start3A_68] : memref<16x128xi32, #tpu.memory_space<vmem>> -> memref<1x128xi32, #tpu.memory_space<vmem>>
    %dma_start3A_70 = tpu.memref_squeeze %dma_start3A_69 : memref<1x128xi32, #tpu.memory_space<vmem>> -> memref<128xi32, #tpu.memory_space<vmem>>
    %dma_start3A_71 = arith.constant 0 : i32
    %dma_start3A_72 = arith.constant 0 : i32
    %dma_start3A_73 = tpu.memref_slice %arg2[%dma_start3A_71, %dma_start3A_72] : memref<20000x128xf32, #tpu.memory_space<hbm>> -> memref<20000x128xf32, #tpu.memory_space<hbm>>
    tpu.enqueue_indirect_dma source(%dma_start3A_73 : memref<20000x128xf32, #tpu.memory_space<hbm>>) target(%arg10 : memref<128x128xf32, #tpu.memory_space<vmem>>) offsets(%dma_start3A_70 : memref<128xi32, #tpu.memory_space<vmem>>) semaphore(%arg13 : memref<!tpu.dma_semaphore, #tpu.memory_space<semaphore_mem>>)
    %dma_wait3A_74 = arith.constant 2 : i32
    %dma_wait3A_75 = arith.constant 0 : i32
    %dma_wait3A_76 = tpu.memref_slice %arg7[%dma_wait3A_74, %dma_wait3A_75] : memref<16x128xi32, #tpu.memory_space<vmem>> -> memref<1x128xi32, #tpu.memory_space<vmem>>
    %dma_wait3A_77 = tpu.memref_squeeze %dma_wait3A_76 : memref<1x128xi32, #tpu.memory_space<vmem>> -> memref<128xi32, #tpu.memory_space<vmem>>
    %dma_wait3A_78 = arith.constant 0 : i32
    %dma_wait3A_79 = arith.constant 0 : i32
    %dma_wait3A_80 = tpu.memref_slice %arg2[%dma_wait3A_78, %dma_wait3A_79] : memref<20000x128xf32, #tpu.memory_space<hbm>> -> memref<20000x128xf32, #tpu.memory_space<hbm>>
    tpu.wait_indirect_dma semaphore(%arg12 : memref<!tpu.dma_semaphore, #tpu.memory_space<semaphore_mem>>) src(%dma_wait3A_80 : memref<20000x128xf32, #tpu.memory_space<hbm>>) dst(%arg9 : memref<128x128xf32, #tpu.memory_space<vmem>>)
    %dma_start3A_81 = arith.constant 2 : i32
    %dma_start3A_82 = arith.constant 0 : i32
    %dma_start3A_83 = tpu.memref_slice %arg8[%dma_start3A_81, %dma_start3A_82] : memref<16x128xi32, #tpu.memory_space<vmem>> -> memref<1x128xi32, #tpu.memory_space<vmem>>
    %dma_start3A_84 = tpu.memref_squeeze %dma_start3A_83 : memref<1x128xi32, #tpu.memory_space<vmem>> -> memref<128xi32, #tpu.memory_space<vmem>>
    %dma_start3A_85 = arith.constant 0 : i32
    %dma_start3A_86 = arith.constant 0 : i32
    %dma_start3A_87 = tpu.memref_slice %arg11[%dma_start3A_85, %dma_start3A_86] : memref<2048x128xf32, #tpu.memory_space<vmem_shared>> -> memref<2048x128xf32, #tpu.memory_space<vmem_shared>>
    tpu.enqueue_indirect_dma source(%arg9 : memref<128x128xf32, #tpu.memory_space<vmem>>) target(%dma_start3A_87 : memref<2048x128xf32, #tpu.memory_space<vmem_shared>>) offsets(%dma_start3A_84 : memref<128xi32, #tpu.memory_space<vmem>>) semaphore(%arg14 : memref<!tpu.dma_semaphore, #tpu.memory_space<semaphore_mem>>) {add = true}
    %dma_wait3A_88 = arith.constant 2 : i32
    %dma_wait3A_89 = arith.constant 0 : i32
    %dma_wait3A_90 = tpu.memref_slice %arg8[%dma_wait3A_88, %dma_wait3A_89] : memref<16x128xi32, #tpu.memory_space<vmem>> -> memref<1x128xi32, #tpu.memory_space<vmem>>
    %dma_wait3A_91 = tpu.memref_squeeze %dma_wait3A_90 : memref<1x128xi32, #tpu.memory_space<vmem>> -> memref<128xi32, #tpu.memory_space<vmem>>
    %dma_wait3A_92 = arith.constant 0 : i32
    %dma_wait3A_93 = arith.constant 0 : i32
    %dma_wait3A_94 = tpu.memref_slice %arg11[%dma_wait3A_92, %dma_wait3A_93] : memref<2048x128xf32, #tpu.memory_space<vmem_shared>> -> memref<2048x128xf32, #tpu.memory_space<vmem_shared>>
    tpu.wait_indirect_dma semaphore(%arg14 : memref<!tpu.dma_semaphore, #tpu.memory_space<semaphore_mem>>) src(%arg9 : memref<128x128xf32, #tpu.memory_space<vmem>>) dst(%dma_wait3A_94 : memref<2048x128xf32, #tpu.memory_space<vmem_shared>>)
    %dma_start3A_95 = arith.constant 4 : i32
    %dma_start3A_96 = arith.constant 0 : i32
    %dma_start3A_97 = tpu.memref_slice %arg7[%dma_start3A_95, %dma_start3A_96] : memref<16x128xi32, #tpu.memory_space<vmem>> -> memref<1x128xi32, #tpu.memory_space<vmem>>
    %dma_start3A_98 = tpu.memref_squeeze %dma_start3A_97 : memref<1x128xi32, #tpu.memory_space<vmem>> -> memref<128xi32, #tpu.memory_space<vmem>>
    %dma_start3A_99 = arith.constant 0 : i32
    %dma_start3A_100 = arith.constant 0 : i32
    %dma_start3A_101 = tpu.memref_slice %arg2[%dma_start3A_99, %dma_start3A_100] : memref<20000x128xf32, #tpu.memory_space<hbm>> -> memref<20000x128xf32, #tpu.memory_space<hbm>>
    tpu.enqueue_indirect_dma source(%dma_start3A_101 : memref<20000x128xf32, #tpu.memory_space<hbm>>) target(%arg9 : memref<128x128xf32, #tpu.memory_space<vmem>>) offsets(%dma_start3A_98 : memref<128xi32, #tpu.memory_space<vmem>>) semaphore(%arg12 : memref<!tpu.dma_semaphore, #tpu.memory_space<semaphore_mem>>)
    %dma_wait3A_102 = arith.constant 3 : i32
    %dma_wait3A_103 = arith.constant 0 : i32
    %dma_wait3A_104 = tpu.memref_slice %arg7[%dma_wait3A_102, %dma_wait3A_103] : memref<16x128xi32, #tpu.memory_space<vmem>> -> memref<1x128xi32, #tpu.memory_space<vmem>>
    %dma_wait3A_105 = tpu.memref_squeeze %dma_wait3A_104 : memref<1x128xi32, #tpu.memory_space<vmem>> -> memref<128xi32, #tpu.memory_space<vmem>>
    %dma_wait3A_106 = arith.constant 0 : i32
    %dma_wait3A_107 = arith.constant 0 : i32
    %dma_wait3A_108 = tpu.memref_slice %arg2[%dma_wait3A_106, %dma_wait3A_107] : memref<20000x128xf32, #tpu.memory_space<hbm>> -> memref<20000x128xf32, #tpu.memory_space<hbm>>
    tpu.wait_indirect_dma semaphore(%arg13 : memref<!tpu.dma_semaphore, #tpu.memory_space<semaphore_mem>>) src(%dma_wait3A_108 : memref<20000x128xf32, #tpu.memory_space<hbm>>) dst(%arg10 : memref<128x128xf32, #tpu.memory_space<vmem>>)
    %dma_start3A_109 = arith.constant 3 : i32
    %dma_start3A_110 = arith.constant 0 : i32
    %dma_start3A_111 = tpu.memref_slice %arg8[%dma_start3A_109, %dma_start3A_110] : memref<16x128xi32, #tpu.memory_space<vmem>> -> memref<1x128xi32, #tpu.memory_space<vmem>>
    %dma_start3A_112 = tpu.memref_squeeze %dma_start3A_111 : memref<1x128xi32, #tpu.memory_space<vmem>> -> memref<128xi32, #tpu.memory_space<vmem>>
    %dma_start3A_113 = arith.constant 0 : i32
    %dma_start3A_114 = arith.constant 0 : i32
    %dma_start3A_115 = tpu.memref_slice %arg11[%dma_start3A_113, %dma_start3A_114] : memref<2048x128xf32, #tpu.memory_space<vmem_shared>> -> memref<2048x128xf32, #tpu.memory_space<vmem_shared>>
    tpu.enqueue_indirect_dma source(%arg10 : memref<128x128xf32, #tpu.memory_space<vmem>>) target(%dma_start3A_115 : memref<2048x128xf32, #tpu.memory_space<vmem_shared>>) offsets(%dma_start3A_112 : memref<128xi32, #tpu.memory_space<vmem>>) semaphore(%arg15 : memref<!tpu.dma_semaphore, #tpu.memory_space<semaphore_mem>>) {add = true}
    %dma_wait3A_116 = arith.constant 3 : i32
    %dma_wait3A_117 = arith.constant 0 : i32
    %dma_wait3A_118 = tpu.memref_slice %arg8[%dma_wait3A_116, %dma_wait3A_117] : memref<16x128xi32, #tpu.memory_space<vmem>> -> memref<1x128xi32, #tpu.memory_space<vmem>>
    %dma_wait3A_119 = tpu.memref_squeeze %dma_wait3A_118 : memref<1x128xi32, #tpu.memory_space<vmem>> -> memref<128xi32, #tpu.memory_space<vmem>>
    %dma_wait3A_120 = arith.constant 0 : i32
    %dma_wait3A_121 = arith.constant 0 : i32
    %dma_wait3A_122 = tpu.memref_slice %arg11[%dma_wait3A_120, %dma_wait3A_121] : memref<2048x128xf32, #tpu.memory_space<vmem_shared>> -> memref<2048x128xf32, #tpu.memory_space<vmem_shared>>
    tpu.wait_indirect_dma semaphore(%arg15 : memref<!tpu.dma_semaphore, #tpu.memory_space<semaphore_mem>>) src(%arg10 : memref<128x128xf32, #tpu.memory_space<vmem>>) dst(%dma_wait3A_122 : memref<2048x128xf32, #tpu.memory_space<vmem_shared>>)
    %dma_start3A_123 = arith.constant 5 : i32
    %dma_start3A_124 = arith.constant 0 : i32
    %dma_start3A_125 = tpu.memref_slice %arg7[%dma_start3A_123, %dma_start3A_124] : memref<16x128xi32, #tpu.memory_space<vmem>> -> memref<1x128xi32, #tpu.memory_space<vmem>>
    %dma_start3A_126 = tpu.memref_squeeze %dma_start3A_125 : memref<1x128xi32, #tpu.memory_space<vmem>> -> memref<128xi32, #tpu.memory_space<vmem>>
    %dma_start3A_127 = arith.constant 0 : i32
    %dma_start3A_128 = arith.constant 0 : i32
    %dma_start3A_129 = tpu.memref_slice %arg2[%dma_start3A_127, %dma_start3A_128] : memref<20000x128xf32, #tpu.memory_space<hbm>> -> memref<20000x128xf32, #tpu.memory_space<hbm>>
    tpu.enqueue_indirect_dma source(%dma_start3A_129 : memref<20000x128xf32, #tpu.memory_space<hbm>>) target(%arg10 : memref<128x128xf32, #tpu.memory_space<vmem>>) offsets(%dma_start3A_126 : memref<128xi32, #tpu.memory_space<vmem>>) semaphore(%arg13 : memref<!tpu.dma_semaphore, #tpu.memory_space<semaphore_mem>>)
    %dma_wait3A_130 = arith.constant 4 : i32
    %dma_wait3A_131 = arith.constant 0 : i32
    %dma_wait3A_132 = tpu.memref_slice %arg7[%dma_wait3A_130, %dma_wait3A_131] : memref<16x128xi32, #tpu.memory_space<vmem>> -> memref<1x128xi32, #tpu.memory_space<vmem>>
    %dma_wait3A_133 = tpu.memref_squeeze %dma_wait3A_132 : memref<1x128xi32, #tpu.memory_space<vmem>> -> memref<128xi32, #tpu.memory_space<vmem>>
    %dma_wait3A_134 = arith.constant 0 : i32
    %dma_wait3A_135 = arith.constant 0 : i32
    %dma_wait3A_136 = tpu.memref_slice %arg2[%dma_wait3A_134, %dma_wait3A_135] : memref<20000x128xf32, #tpu.memory_space<hbm>> -> memref<20000x128xf32, #tpu.memory_space<hbm>>
    tpu.wait_indirect_dma semaphore(%arg12 : memref<!tpu.dma_semaphore, #tpu.memory_space<semaphore_mem>>) src(%dma_wait3A_136 : memref<20000x128xf32, #tpu.memory_space<hbm>>) dst(%arg9 : memref<128x128xf32, #tpu.memory_space<vmem>>)
    %dma_start3A_137 = arith.constant 4 : i32
    %dma_start3A_138 = arith.constant 0 : i32
    %dma_start3A_139 = tpu.memref_slice %arg8[%dma_start3A_137, %dma_start3A_138] : memref<16x128xi32, #tpu.memory_space<vmem>> -> memref<1x128xi32, #tpu.memory_space<vmem>>
    %dma_start3A_140 = tpu.memref_squeeze %dma_start3A_139 : memref<1x128xi32, #tpu.memory_space<vmem>> -> memref<128xi32, #tpu.memory_space<vmem>>
    %dma_start3A_141 = arith.constant 0 : i32
    %dma_start3A_142 = arith.constant 0 : i32
    %dma_start3A_143 = tpu.memref_slice %arg11[%dma_start3A_141, %dma_start3A_142] : memref<2048x128xf32, #tpu.memory_space<vmem_shared>> -> memref<2048x128xf32, #tpu.memory_space<vmem_shared>>
    tpu.enqueue_indirect_dma source(%arg9 : memref<128x128xf32, #tpu.memory_space<vmem>>) target(%dma_start3A_143 : memref<2048x128xf32, #tpu.memory_space<vmem_shared>>) offsets(%dma_start3A_140 : memref<128xi32, #tpu.memory_space<vmem>>) semaphore(%arg14 : memref<!tpu.dma_semaphore, #tpu.memory_space<semaphore_mem>>) {add = true}
    %dma_wait3A_144 = arith.constant 4 : i32
    %dma_wait3A_145 = arith.constant 0 : i32
    %dma_wait3A_146 = tpu.memref_slice %arg8[%dma_wait3A_144, %dma_wait3A_145] : memref<16x128xi32, #tpu.memory_space<vmem>> -> memref<1x128xi32, #tpu.memory_space<vmem>>
    %dma_wait3A_147 = tpu.memref_squeeze %dma_wait3A_146 : memref<1x128xi32, #tpu.memory_space<vmem>> -> memref<128xi32, #tpu.memory_space<vmem>>
    %dma_wait3A_148 = arith.constant 0 : i32
    %dma_wait3A_149 = arith.constant 0 : i32
    %dma_wait3A_150 = tpu.memref_slice %arg11[%dma_wait3A_148, %dma_wait3A_149] : memref<2048x128xf32, #tpu.memory_space<vmem_shared>> -> memref<2048x128xf32, #tpu.memory_space<vmem_shared>>
    tpu.wait_indirect_dma semaphore(%arg14 : memref<!tpu.dma_semaphore, #tpu.memory_space<semaphore_mem>>) src(%arg9 : memref<128x128xf32, #tpu.memory_space<vmem>>) dst(%dma_wait3A_150 : memref<2048x128xf32, #tpu.memory_space<vmem_shared>>)
    %dma_start3A_151 = arith.constant 6 : i32
    %dma_start3A_152 = arith.constant 0 : i32
    %dma_start3A_153 = tpu.memref_slice %arg7[%dma_start3A_151, %dma_start3A_152] : memref<16x128xi32, #tpu.memory_space<vmem>> -> memref<1x128xi32, #tpu.memory_space<vmem>>
    %dma_start3A_154 = tpu.memref_squeeze %dma_start3A_153 : memref<1x128xi32, #tpu.memory_space<vmem>> -> memref<128xi32, #tpu.memory_space<vmem>>
    %dma_start3A_155 = arith.constant 0 : i32
    %dma_start3A_156 = arith.constant 0 : i32
    %dma_start3A_157 = tpu.memref_slice %arg2[%dma_start3A_155, %dma_start3A_156] : memref<20000x128xf32, #tpu.memory_space<hbm>> -> memref<20000x128xf32, #tpu.memory_space<hbm>>
    tpu.enqueue_indirect_dma source(%dma_start3A_157 : memref<20000x128xf32, #tpu.memory_space<hbm>>) target(%arg9 : memref<128x128xf32, #tpu.memory_space<vmem>>) offsets(%dma_start3A_154 : memref<128xi32, #tpu.memory_space<vmem>>) semaphore(%arg12 : memref<!tpu.dma_semaphore, #tpu.memory_space<semaphore_mem>>)
    %dma_wait3A_158 = arith.constant 5 : i32
    %dma_wait3A_159 = arith.constant 0 : i32
    %dma_wait3A_160 = tpu.memref_slice %arg7[%dma_wait3A_158, %dma_wait3A_159] : memref<16x128xi32, #tpu.memory_space<vmem>> -> memref<1x128xi32, #tpu.memory_space<vmem>>
    %dma_wait3A_161 = tpu.memref_squeeze %dma_wait3A_160 : memref<1x128xi32, #tpu.memory_space<vmem>> -> memref<128xi32, #tpu.memory_space<vmem>>
    %dma_wait3A_162 = arith.constant 0 : i32
    %dma_wait3A_163 = arith.constant 0 : i32
    %dma_wait3A_164 = tpu.memref_slice %arg2[%dma_wait3A_162, %dma_wait3A_163] : memref<20000x128xf32, #tpu.memory_space<hbm>> -> memref<20000x128xf32, #tpu.memory_space<hbm>>
    tpu.wait_indirect_dma semaphore(%arg13 : memref<!tpu.dma_semaphore, #tpu.memory_space<semaphore_mem>>) src(%dma_wait3A_164 : memref<20000x128xf32, #tpu.memory_space<hbm>>) dst(%arg10 : memref<128x128xf32, #tpu.memory_space<vmem>>)
    %dma_start3A_165 = arith.constant 5 : i32
    %dma_start3A_166 = arith.constant 0 : i32
    %dma_start3A_167 = tpu.memref_slice %arg8[%dma_start3A_165, %dma_start3A_166] : memref<16x128xi32, #tpu.memory_space<vmem>> -> memref<1x128xi32, #tpu.memory_space<vmem>>
    %dma_start3A_168 = tpu.memref_squeeze %dma_start3A_167 : memref<1x128xi32, #tpu.memory_space<vmem>> -> memref<128xi32, #tpu.memory_space<vmem>>
    %dma_start3A_169 = arith.constant 0 : i32
    %dma_start3A_170 = arith.constant 0 : i32
    %dma_start3A_171 = tpu.memref_slice %arg11[%dma_start3A_169, %dma_start3A_170] : memref<2048x128xf32, #tpu.memory_space<vmem_shared>> -> memref<2048x128xf32, #tpu.memory_space<vmem_shared>>
    tpu.enqueue_indirect_dma source(%arg10 : memref<128x128xf32, #tpu.memory_space<vmem>>) target(%dma_start3A_171 : memref<2048x128xf32, #tpu.memory_space<vmem_shared>>) offsets(%dma_start3A_168 : memref<128xi32, #tpu.memory_space<vmem>>) semaphore(%arg15 : memref<!tpu.dma_semaphore, #tpu.memory_space<semaphore_mem>>) {add = true}
    %dma_wait3A_172 = arith.constant 5 : i32
    %dma_wait3A_173 = arith.constant 0 : i32
    %dma_wait3A_174 = tpu.memref_slice %arg8[%dma_wait3A_172, %dma_wait3A_173] : memref<16x128xi32, #tpu.memory_space<vmem>> -> memref<1x128xi32, #tpu.memory_space<vmem>>
    %dma_wait3A_175 = tpu.memref_squeeze %dma_wait3A_174 : memref<1x128xi32, #tpu.memory_space<vmem>> -> memref<128xi32, #tpu.memory_space<vmem>>
    %dma_wait3A_176 = arith.constant 0 : i32
    %dma_wait3A_177 = arith.constant 0 : i32
    %dma_wait3A_178 = tpu.memref_slice %arg11[%dma_wait3A_176, %dma_wait3A_177] : memref<2048x128xf32, #tpu.memory_space<vmem_shared>> -> memref<2048x128xf32, #tpu.memory_space<vmem_shared>>
    tpu.wait_indirect_dma semaphore(%arg15 : memref<!tpu.dma_semaphore, #tpu.memory_space<semaphore_mem>>) src(%arg10 : memref<128x128xf32, #tpu.memory_space<vmem>>) dst(%dma_wait3A_178 : memref<2048x128xf32, #tpu.memory_space<vmem_shared>>)
    %dma_start3A_179 = arith.constant 7 : i32
    %dma_start3A_180 = arith.constant 0 : i32
    %dma_start3A_181 = tpu.memref_slice %arg7[%dma_start3A_179, %dma_start3A_180] : memref<16x128xi32, #tpu.memory_space<vmem>> -> memref<1x128xi32, #tpu.memory_space<vmem>>
    %dma_start3A_182 = tpu.memref_squeeze %dma_start3A_181 : memref<1x128xi32, #tpu.memory_space<vmem>> -> memref<128xi32, #tpu.memory_space<vmem>>
    %dma_start3A_183 = arith.constant 0 : i32
    %dma_start3A_184 = arith.constant 0 : i32
    %dma_start3A_185 = tpu.memref_slice %arg2[%dma_start3A_183, %dma_start3A_184] : memref<20000x128xf32, #tpu.memory_space<hbm>> -> memref<20000x128xf32, #tpu.memory_space<hbm>>
    tpu.enqueue_indirect_dma source(%dma_start3A_185 : memref<20000x128xf32, #tpu.memory_space<hbm>>) target(%arg10 : memref<128x128xf32, #tpu.memory_space<vmem>>) offsets(%dma_start3A_182 : memref<128xi32, #tpu.memory_space<vmem>>) semaphore(%arg13 : memref<!tpu.dma_semaphore, #tpu.memory_space<semaphore_mem>>)
    %dma_wait3A_186 = arith.constant 6 : i32
    %dma_wait3A_187 = arith.constant 0 : i32
    %dma_wait3A_188 = tpu.memref_slice %arg7[%dma_wait3A_186, %dma_wait3A_187] : memref<16x128xi32, #tpu.memory_space<vmem>> -> memref<1x128xi32, #tpu.memory_space<vmem>>
    %dma_wait3A_189 = tpu.memref_squeeze %dma_wait3A_188 : memref<1x128xi32, #tpu.memory_space<vmem>> -> memref<128xi32, #tpu.memory_space<vmem>>
    %dma_wait3A_190 = arith.constant 0 : i32
    %dma_wait3A_191 = arith.constant 0 : i32
    %dma_wait3A_192 = tpu.memref_slice %arg2[%dma_wait3A_190, %dma_wait3A_191] : memref<20000x128xf32, #tpu.memory_space<hbm>> -> memref<20000x128xf32, #tpu.memory_space<hbm>>
    tpu.wait_indirect_dma semaphore(%arg12 : memref<!tpu.dma_semaphore, #tpu.memory_space<semaphore_mem>>) src(%dma_wait3A_192 : memref<20000x128xf32, #tpu.memory_space<hbm>>) dst(%arg9 : memref<128x128xf32, #tpu.memory_space<vmem>>)
    %dma_start3A_193 = arith.constant 6 : i32
    %dma_start3A_194 = arith.constant 0 : i32
    %dma_start3A_195 = tpu.memref_slice %arg8[%dma_start3A_193, %dma_start3A_194] : memref<16x128xi32, #tpu.memory_space<vmem>> -> memref<1x128xi32, #tpu.memory_space<vmem>>
    %dma_start3A_196 = tpu.memref_squeeze %dma_start3A_195 : memref<1x128xi32, #tpu.memory_space<vmem>> -> memref<128xi32, #tpu.memory_space<vmem>>
    %dma_start3A_197 = arith.constant 0 : i32
    %dma_start3A_198 = arith.constant 0 : i32
    %dma_start3A_199 = tpu.memref_slice %arg11[%dma_start3A_197, %dma_start3A_198] : memref<2048x128xf32, #tpu.memory_space<vmem_shared>> -> memref<2048x128xf32, #tpu.memory_space<vmem_shared>>
    tpu.enqueue_indirect_dma source(%arg9 : memref<128x128xf32, #tpu.memory_space<vmem>>) target(%dma_start3A_199 : memref<2048x128xf32, #tpu.memory_space<vmem_shared>>) offsets(%dma_start3A_196 : memref<128xi32, #tpu.memory_space<vmem>>) semaphore(%arg14 : memref<!tpu.dma_semaphore, #tpu.memory_space<semaphore_mem>>) {add = true}
    %dma_wait3A_200 = arith.constant 6 : i32
    %dma_wait3A_201 = arith.constant 0 : i32
    %dma_wait3A_202 = tpu.memref_slice %arg8[%dma_wait3A_200, %dma_wait3A_201] : memref<16x128xi32, #tpu.memory_space<vmem>> -> memref<1x128xi32, #tpu.memory_space<vmem>>
    %dma_wait3A_203 = tpu.memref_squeeze %dma_wait3A_202 : memref<1x128xi32, #tpu.memory_space<vmem>> -> memref<128xi32, #tpu.memory_space<vmem>>
    %dma_wait3A_204 = arith.constant 0 : i32
    %dma_wait3A_205 = arith.constant 0 : i32
    %dma_wait3A_206 = tpu.memref_slice %arg11[%dma_wait3A_204, %dma_wait3A_205] : memref<2048x128xf32, #tpu.memory_space<vmem_shared>> -> memref<2048x128xf32, #tpu.memory_space<vmem_shared>>
    tpu.wait_indirect_dma semaphore(%arg14 : memref<!tpu.dma_semaphore, #tpu.memory_space<semaphore_mem>>) src(%arg9 : memref<128x128xf32, #tpu.memory_space<vmem>>) dst(%dma_wait3A_206 : memref<2048x128xf32, #tpu.memory_space<vmem_shared>>)
    %dma_start3A_207 = arith.constant 8 : i32
    %dma_start3A_208 = arith.constant 0 : i32
    %dma_start3A_209 = tpu.memref_slice %arg7[%dma_start3A_207, %dma_start3A_208] : memref<16x128xi32, #tpu.memory_space<vmem>> -> memref<1x128xi32, #tpu.memory_space<vmem>>
    %dma_start3A_210 = tpu.memref_squeeze %dma_start3A_209 : memref<1x128xi32, #tpu.memory_space<vmem>> -> memref<128xi32, #tpu.memory_space<vmem>>
    %dma_start3A_211 = arith.constant 0 : i32
    %dma_start3A_212 = arith.constant 0 : i32
    %dma_start3A_213 = tpu.memref_slice %arg2[%dma_start3A_211, %dma_start3A_212] : memref<20000x128xf32, #tpu.memory_space<hbm>> -> memref<20000x128xf32, #tpu.memory_space<hbm>>
    tpu.enqueue_indirect_dma source(%dma_start3A_213 : memref<20000x128xf32, #tpu.memory_space<hbm>>) target(%arg9 : memref<128x128xf32, #tpu.memory_space<vmem>>) offsets(%dma_start3A_210 : memref<128xi32, #tpu.memory_space<vmem>>) semaphore(%arg12 : memref<!tpu.dma_semaphore, #tpu.memory_space<semaphore_mem>>)
    %dma_wait3A_214 = arith.constant 7 : i32
    %dma_wait3A_215 = arith.constant 0 : i32
    %dma_wait3A_216 = tpu.memref_slice %arg7[%dma_wait3A_214, %dma_wait3A_215] : memref<16x128xi32, #tpu.memory_space<vmem>> -> memref<1x128xi32, #tpu.memory_space<vmem>>
    %dma_wait3A_217 = tpu.memref_squeeze %dma_wait3A_216 : memref<1x128xi32, #tpu.memory_space<vmem>> -> memref<128xi32, #tpu.memory_space<vmem>>
    %dma_wait3A_218 = arith.constant 0 : i32
    %dma_wait3A_219 = arith.constant 0 : i32
    %dma_wait3A_220 = tpu.memref_slice %arg2[%dma_wait3A_218, %dma_wait3A_219] : memref<20000x128xf32, #tpu.memory_space<hbm>> -> memref<20000x128xf32, #tpu.memory_space<hbm>>
    tpu.wait_indirect_dma semaphore(%arg13 : memref<!tpu.dma_semaphore, #tpu.memory_space<semaphore_mem>>) src(%dma_wait3A_220 : memref<20000x128xf32, #tpu.memory_space<hbm>>) dst(%arg10 : memref<128x128xf32, #tpu.memory_space<vmem>>)
    %dma_start3A_221 = arith.constant 7 : i32
    %dma_start3A_222 = arith.constant 0 : i32
    %dma_start3A_223 = tpu.memref_slice %arg8[%dma_start3A_221, %dma_start3A_222] : memref<16x128xi32, #tpu.memory_space<vmem>> -> memref<1x128xi32, #tpu.memory_space<vmem>>
    %dma_start3A_224 = tpu.memref_squeeze %dma_start3A_223 : memref<1x128xi32, #tpu.memory_space<vmem>> -> memref<128xi32, #tpu.memory_space<vmem>>
    %dma_start3A_225 = arith.constant 0 : i32
    %dma_start3A_226 = arith.constant 0 : i32
    %dma_start3A_227 = tpu.memref_slice %arg11[%dma_start3A_225, %dma_start3A_226] : memref<2048x128xf32, #tpu.memory_space<vmem_shared>> -> memref<2048x128xf32, #tpu.memory_space<vmem_shared>>
    tpu.enqueue_indirect_dma source(%arg10 : memref<128x128xf32, #tpu.memory_space<vmem>>) target(%dma_start3A_227 : memref<2048x128xf32, #tpu.memory_space<vmem_shared>>) offsets(%dma_start3A_224 : memref<128xi32, #tpu.memory_space<vmem>>) semaphore(%arg15 : memref<!tpu.dma_semaphore, #tpu.memory_space<semaphore_mem>>) {add = true}
    %dma_wait3A_228 = arith.constant 7 : i32
    %dma_wait3A_229 = arith.constant 0 : i32
    %dma_wait3A_230 = tpu.memref_slice %arg8[%dma_wait3A_228, %dma_wait3A_229] : memref<16x128xi32, #tpu.memory_space<vmem>> -> memref<1x128xi32, #tpu.memory_space<vmem>>
    %dma_wait3A_231 = tpu.memref_squeeze %dma_wait3A_230 : memref<1x128xi32, #tpu.memory_space<vmem>> -> memref<128xi32, #tpu.memory_space<vmem>>
    %dma_wait3A_232 = arith.constant 0 : i32
    %dma_wait3A_233 = arith.constant 0 : i32
    %dma_wait3A_234 = tpu.memref_slice %arg11[%dma_wait3A_232, %dma_wait3A_233] : memref<2048x128xf32, #tpu.memory_space<vmem_shared>> -> memref<2048x128xf32, #tpu.memory_space<vmem_shared>>
    tpu.wait_indirect_dma semaphore(%arg15 : memref<!tpu.dma_semaphore, #tpu.memory_space<semaphore_mem>>) src(%arg10 : memref<128x128xf32, #tpu.memory_space<vmem>>) dst(%dma_wait3A_234 : memref<2048x128xf32, #tpu.memory_space<vmem_shared>>)
    %dma_start3A_235 = arith.constant 9 : i32
    %dma_start3A_236 = arith.constant 0 : i32
    %dma_start3A_237 = tpu.memref_slice %arg7[%dma_start3A_235, %dma_start3A_236] : memref<16x128xi32, #tpu.memory_space<vmem>> -> memref<1x128xi32, #tpu.memory_space<vmem>>
    %dma_start3A_238 = tpu.memref_squeeze %dma_start3A_237 : memref<1x128xi32, #tpu.memory_space<vmem>> -> memref<128xi32, #tpu.memory_space<vmem>>
    %dma_start3A_239 = arith.constant 0 : i32
    %dma_start3A_240 = arith.constant 0 : i32
    %dma_start3A_241 = tpu.memref_slice %arg2[%dma_start3A_239, %dma_start3A_240] : memref<20000x128xf32, #tpu.memory_space<hbm>> -> memref<20000x128xf32, #tpu.memory_space<hbm>>
    tpu.enqueue_indirect_dma source(%dma_start3A_241 : memref<20000x128xf32, #tpu.memory_space<hbm>>) target(%arg10 : memref<128x128xf32, #tpu.memory_space<vmem>>) offsets(%dma_start3A_238 : memref<128xi32, #tpu.memory_space<vmem>>) semaphore(%arg13 : memref<!tpu.dma_semaphore, #tpu.memory_space<semaphore_mem>>)
    %dma_wait3A_242 = arith.constant 8 : i32
    %dma_wait3A_243 = arith.constant 0 : i32
    %dma_wait3A_244 = tpu.memref_slice %arg7[%dma_wait3A_242, %dma_wait3A_243] : memref<16x128xi32, #tpu.memory_space<vmem>> -> memref<1x128xi32, #tpu.memory_space<vmem>>
    %dma_wait3A_245 = tpu.memref_squeeze %dma_wait3A_244 : memref<1x128xi32, #tpu.memory_space<vmem>> -> memref<128xi32, #tpu.memory_space<vmem>>
    %dma_wait3A_246 = arith.constant 0 : i32
    %dma_wait3A_247 = arith.constant 0 : i32
    %dma_wait3A_248 = tpu.memref_slice %arg2[%dma_wait3A_246, %dma_wait3A_247] : memref<20000x128xf32, #tpu.memory_space<hbm>> -> memref<20000x128xf32, #tpu.memory_space<hbm>>
    tpu.wait_indirect_dma semaphore(%arg12 : memref<!tpu.dma_semaphore, #tpu.memory_space<semaphore_mem>>) src(%dma_wait3A_248 : memref<20000x128xf32, #tpu.memory_space<hbm>>) dst(%arg9 : memref<128x128xf32, #tpu.memory_space<vmem>>)
    %dma_start3A_249 = arith.constant 8 : i32
    %dma_start3A_250 = arith.constant 0 : i32
    %dma_start3A_251 = tpu.memref_slice %arg8[%dma_start3A_249, %dma_start3A_250] : memref<16x128xi32, #tpu.memory_space<vmem>> -> memref<1x128xi32, #tpu.memory_space<vmem>>
    %dma_start3A_252 = tpu.memref_squeeze %dma_start3A_251 : memref<1x128xi32, #tpu.memory_space<vmem>> -> memref<128xi32, #tpu.memory_space<vmem>>
    %dma_start3A_253 = arith.constant 0 : i32
    %dma_start3A_254 = arith.constant 0 : i32
    %dma_start3A_255 = tpu.memref_slice %arg11[%dma_start3A_253, %dma_start3A_254] : memref<2048x128xf32, #tpu.memory_space<vmem_shared>> -> memref<2048x128xf32, #tpu.memory_space<vmem_shared>>
    tpu.enqueue_indirect_dma source(%arg9 : memref<128x128xf32, #tpu.memory_space<vmem>>) target(%dma_start3A_255 : memref<2048x128xf32, #tpu.memory_space<vmem_shared>>) offsets(%dma_start3A_252 : memref<128xi32, #tpu.memory_space<vmem>>) semaphore(%arg14 : memref<!tpu.dma_semaphore, #tpu.memory_space<semaphore_mem>>) {add = true}
    %dma_wait3A_256 = arith.constant 8 : i32
    %dma_wait3A_257 = arith.constant 0 : i32
    %dma_wait3A_258 = tpu.memref_slice %arg8[%dma_wait3A_256, %dma_wait3A_257] : memref<16x128xi32, #tpu.memory_space<vmem>> -> memref<1x128xi32, #tpu.memory_space<vmem>>
    %dma_wait3A_259 = tpu.memref_squeeze %dma_wait3A_258 : memref<1x128xi32, #tpu.memory_space<vmem>> -> memref<128xi32, #tpu.memory_space<vmem>>
    %dma_wait3A_260 = arith.constant 0 : i32
    %dma_wait3A_261 = arith.constant 0 : i32
    %dma_wait3A_262 = tpu.memref_slice %arg11[%dma_wait3A_260, %dma_wait3A_261] : memref<2048x128xf32, #tpu.memory_space<vmem_shared>> -> memref<2048x128xf32, #tpu.memory_space<vmem_shared>>
    tpu.wait_indirect_dma semaphore(%arg14 : memref<!tpu.dma_semaphore, #tpu.memory_space<semaphore_mem>>) src(%arg9 : memref<128x128xf32, #tpu.memory_space<vmem>>) dst(%dma_wait3A_262 : memref<2048x128xf32, #tpu.memory_space<vmem_shared>>)
    %dma_start3A_263 = arith.constant 10 : i32
    %dma_start3A_264 = arith.constant 0 : i32
    %dma_start3A_265 = tpu.memref_slice %arg7[%dma_start3A_263, %dma_start3A_264] : memref<16x128xi32, #tpu.memory_space<vmem>> -> memref<1x128xi32, #tpu.memory_space<vmem>>
    %dma_start3A_266 = tpu.memref_squeeze %dma_start3A_265 : memref<1x128xi32, #tpu.memory_space<vmem>> -> memref<128xi32, #tpu.memory_space<vmem>>
    %dma_start3A_267 = arith.constant 0 : i32
    %dma_start3A_268 = arith.constant 0 : i32
    %dma_start3A_269 = tpu.memref_slice %arg2[%dma_start3A_267, %dma_start3A_268] : memref<20000x128xf32, #tpu.memory_space<hbm>> -> memref<20000x128xf32, #tpu.memory_space<hbm>>
    tpu.enqueue_indirect_dma source(%dma_start3A_269 : memref<20000x128xf32, #tpu.memory_space<hbm>>) target(%arg9 : memref<128x128xf32, #tpu.memory_space<vmem>>) offsets(%dma_start3A_266 : memref<128xi32, #tpu.memory_space<vmem>>) semaphore(%arg12 : memref<!tpu.dma_semaphore, #tpu.memory_space<semaphore_mem>>)
    %dma_wait3A_270 = arith.constant 9 : i32
    %dma_wait3A_271 = arith.constant 0 : i32
    %dma_wait3A_272 = tpu.memref_slice %arg7[%dma_wait3A_270, %dma_wait3A_271] : memref<16x128xi32, #tpu.memory_space<vmem>> -> memref<1x128xi32, #tpu.memory_space<vmem>>
    %dma_wait3A_273 = tpu.memref_squeeze %dma_wait3A_272 : memref<1x128xi32, #tpu.memory_space<vmem>> -> memref<128xi32, #tpu.memory_space<vmem>>
    %dma_wait3A_274 = arith.constant 0 : i32
    %dma_wait3A_275 = arith.constant 0 : i32
    %dma_wait3A_276 = tpu.memref_slice %arg2[%dma_wait3A_274, %dma_wait3A_275] : memref<20000x128xf32, #tpu.memory_space<hbm>> -> memref<20000x128xf32, #tpu.memory_space<hbm>>
    tpu.wait_indirect_dma semaphore(%arg13 : memref<!tpu.dma_semaphore, #tpu.memory_space<semaphore_mem>>) src(%dma_wait3A_276 : memref<20000x128xf32, #tpu.memory_space<hbm>>) dst(%arg10 : memref<128x128xf32, #tpu.memory_space<vmem>>)
    %dma_start3A_277 = arith.constant 9 : i32
    %dma_start3A_278 = arith.constant 0 : i32
    %dma_start3A_279 = tpu.memref_slice %arg8[%dma_start3A_277, %dma_start3A_278] : memref<16x128xi32, #tpu.memory_space<vmem>> -> memref<1x128xi32, #tpu.memory_space<vmem>>
    %dma_start3A_280 = tpu.memref_squeeze %dma_start3A_279 : memref<1x128xi32, #tpu.memory_space<vmem>> -> memref<128xi32, #tpu.memory_space<vmem>>
    %dma_start3A_281 = arith.constant 0 : i32
    %dma_start3A_282 = arith.constant 0 : i32
    %dma_start3A_283 = tpu.memref_slice %arg11[%dma_start3A_281, %dma_start3A_282] : memref<2048x128xf32, #tpu.memory_space<vmem_shared>> -> memref<2048x128xf32, #tpu.memory_space<vmem_shared>>
    tpu.enqueue_indirect_dma source(%arg10 : memref<128x128xf32, #tpu.memory_space<vmem>>) target(%dma_start3A_283 : memref<2048x128xf32, #tpu.memory_space<vmem_shared>>) offsets(%dma_start3A_280 : memref<128xi32, #tpu.memory_space<vmem>>) semaphore(%arg15 : memref<!tpu.dma_semaphore, #tpu.memory_space<semaphore_mem>>) {add = true}
    %dma_wait3A_284 = arith.constant 9 : i32
    %dma_wait3A_285 = arith.constant 0 : i32
    %dma_wait3A_286 = tpu.memref_slice %arg8[%dma_wait3A_284, %dma_wait3A_285] : memref<16x128xi32, #tpu.memory_space<vmem>> -> memref<1x128xi32, #tpu.memory_space<vmem>>
    %dma_wait3A_287 = tpu.memref_squeeze %dma_wait3A_286 : memref<1x128xi32, #tpu.memory_space<vmem>> -> memref<128xi32, #tpu.memory_space<vmem>>
    %dma_wait3A_288 = arith.constant 0 : i32
    %dma_wait3A_289 = arith.constant 0 : i32
    %dma_wait3A_290 = tpu.memref_slice %arg11[%dma_wait3A_288, %dma_wait3A_289] : memref<2048x128xf32, #tpu.memory_space<vmem_shared>> -> memref<2048x128xf32, #tpu.memory_space<vmem_shared>>
    tpu.wait_indirect_dma semaphore(%arg15 : memref<!tpu.dma_semaphore, #tpu.memory_space<semaphore_mem>>) src(%arg10 : memref<128x128xf32, #tpu.memory_space<vmem>>) dst(%dma_wait3A_290 : memref<2048x128xf32, #tpu.memory_space<vmem_shared>>)
    %dma_start3A_291 = arith.constant 11 : i32
    %dma_start3A_292 = arith.constant 0 : i32
    %dma_start3A_293 = tpu.memref_slice %arg7[%dma_start3A_291, %dma_start3A_292] : memref<16x128xi32, #tpu.memory_space<vmem>> -> memref<1x128xi32, #tpu.memory_space<vmem>>
    %dma_start3A_294 = tpu.memref_squeeze %dma_start3A_293 : memref<1x128xi32, #tpu.memory_space<vmem>> -> memref<128xi32, #tpu.memory_space<vmem>>
    %dma_start3A_295 = arith.constant 0 : i32
    %dma_start3A_296 = arith.constant 0 : i32
    %dma_start3A_297 = tpu.memref_slice %arg2[%dma_start3A_295, %dma_start3A_296] : memref<20000x128xf32, #tpu.memory_space<hbm>> -> memref<20000x128xf32, #tpu.memory_space<hbm>>
    tpu.enqueue_indirect_dma source(%dma_start3A_297 : memref<20000x128xf32, #tpu.memory_space<hbm>>) target(%arg10 : memref<128x128xf32, #tpu.memory_space<vmem>>) offsets(%dma_start3A_294 : memref<128xi32, #tpu.memory_space<vmem>>) semaphore(%arg13 : memref<!tpu.dma_semaphore, #tpu.memory_space<semaphore_mem>>)
    %dma_wait3A_298 = arith.constant 10 : i32
    %dma_wait3A_299 = arith.constant 0 : i32
    %dma_wait3A_300 = tpu.memref_slice %arg7[%dma_wait3A_298, %dma_wait3A_299] : memref<16x128xi32, #tpu.memory_space<vmem>> -> memref<1x128xi32, #tpu.memory_space<vmem>>
    %dma_wait3A_301 = tpu.memref_squeeze %dma_wait3A_300 : memref<1x128xi32, #tpu.memory_space<vmem>> -> memref<128xi32, #tpu.memory_space<vmem>>
    %dma_wait3A_302 = arith.constant 0 : i32
    %dma_wait3A_303 = arith.constant 0 : i32
    %dma_wait3A_304 = tpu.memref_slice %arg2[%dma_wait3A_302, %dma_wait3A_303] : memref<20000x128xf32, #tpu.memory_space<hbm>> -> memref<20000x128xf32, #tpu.memory_space<hbm>>
    tpu.wait_indirect_dma semaphore(%arg12 : memref<!tpu.dma_semaphore, #tpu.memory_space<semaphore_mem>>) src(%dma_wait3A_304 : memref<20000x128xf32, #tpu.memory_space<hbm>>) dst(%arg9 : memref<128x128xf32, #tpu.memory_space<vmem>>)
    %dma_start3A_305 = arith.constant 10 : i32
    %dma_start3A_306 = arith.constant 0 : i32
    %dma_start3A_307 = tpu.memref_slice %arg8[%dma_start3A_305, %dma_start3A_306] : memref<16x128xi32, #tpu.memory_space<vmem>> -> memref<1x128xi32, #tpu.memory_space<vmem>>
    %dma_start3A_308 = tpu.memref_squeeze %dma_start3A_307 : memref<1x128xi32, #tpu.memory_space<vmem>> -> memref<128xi32, #tpu.memory_space<vmem>>
    %dma_start3A_309 = arith.constant 0 : i32
    %dma_start3A_310 = arith.constant 0 : i32
    %dma_start3A_311 = tpu.memref_slice %arg11[%dma_start3A_309, %dma_start3A_310] : memref<2048x128xf32, #tpu.memory_space<vmem_shared>> -> memref<2048x128xf32, #tpu.memory_space<vmem_shared>>
    tpu.enqueue_indirect_dma source(%arg9 : memref<128x128xf32, #tpu.memory_space<vmem>>) target(%dma_start3A_311 : memref<2048x128xf32, #tpu.memory_space<vmem_shared>>) offsets(%dma_start3A_308 : memref<128xi32, #tpu.memory_space<vmem>>) semaphore(%arg14 : memref<!tpu.dma_semaphore, #tpu.memory_space<semaphore_mem>>) {add = true}
    %dma_wait3A_312 = arith.constant 10 : i32
    %dma_wait3A_313 = arith.constant 0 : i32
    %dma_wait3A_314 = tpu.memref_slice %arg8[%dma_wait3A_312, %dma_wait3A_313] : memref<16x128xi32, #tpu.memory_space<vmem>> -> memref<1x128xi32, #tpu.memory_space<vmem>>
    %dma_wait3A_315 = tpu.memref_squeeze %dma_wait3A_314 : memref<1x128xi32, #tpu.memory_space<vmem>> -> memref<128xi32, #tpu.memory_space<vmem>>
    %dma_wait3A_316 = arith.constant 0 : i32
    %dma_wait3A_317 = arith.constant 0 : i32
    %dma_wait3A_318 = tpu.memref_slice %arg11[%dma_wait3A_316, %dma_wait3A_317] : memref<2048x128xf32, #tpu.memory_space<vmem_shared>> -> memref<2048x128xf32, #tpu.memory_space<vmem_shared>>
    tpu.wait_indirect_dma semaphore(%arg14 : memref<!tpu.dma_semaphore, #tpu.memory_space<semaphore_mem>>) src(%arg9 : memref<128x128xf32, #tpu.memory_space<vmem>>) dst(%dma_wait3A_318 : memref<2048x128xf32, #tpu.memory_space<vmem_shared>>)
    %dma_start3A_319 = arith.constant 12 : i32
    %dma_start3A_320 = arith.constant 0 : i32
    %dma_start3A_321 = tpu.memref_slice %arg7[%dma_start3A_319, %dma_start3A_320] : memref<16x128xi32, #tpu.memory_space<vmem>> -> memref<1x128xi32, #tpu.memory_space<vmem>>
    %dma_start3A_322 = tpu.memref_squeeze %dma_start3A_321 : memref<1x128xi32, #tpu.memory_space<vmem>> -> memref<128xi32, #tpu.memory_space<vmem>>
    %dma_start3A_323 = arith.constant 0 : i32
    %dma_start3A_324 = arith.constant 0 : i32
    %dma_start3A_325 = tpu.memref_slice %arg2[%dma_start3A_323, %dma_start3A_324] : memref<20000x128xf32, #tpu.memory_space<hbm>> -> memref<20000x128xf32, #tpu.memory_space<hbm>>
    tpu.enqueue_indirect_dma source(%dma_start3A_325 : memref<20000x128xf32, #tpu.memory_space<hbm>>) target(%arg9 : memref<128x128xf32, #tpu.memory_space<vmem>>) offsets(%dma_start3A_322 : memref<128xi32, #tpu.memory_space<vmem>>) semaphore(%arg12 : memref<!tpu.dma_semaphore, #tpu.memory_space<semaphore_mem>>)
    %dma_wait3A_326 = arith.constant 11 : i32
    %dma_wait3A_327 = arith.constant 0 : i32
    %dma_wait3A_328 = tpu.memref_slice %arg7[%dma_wait3A_326, %dma_wait3A_327] : memref<16x128xi32, #tpu.memory_space<vmem>> -> memref<1x128xi32, #tpu.memory_space<vmem>>
    %dma_wait3A_329 = tpu.memref_squeeze %dma_wait3A_328 : memref<1x128xi32, #tpu.memory_space<vmem>> -> memref<128xi32, #tpu.memory_space<vmem>>
    %dma_wait3A_330 = arith.constant 0 : i32
    %dma_wait3A_331 = arith.constant 0 : i32
    %dma_wait3A_332 = tpu.memref_slice %arg2[%dma_wait3A_330, %dma_wait3A_331] : memref<20000x128xf32, #tpu.memory_space<hbm>> -> memref<20000x128xf32, #tpu.memory_space<hbm>>
    tpu.wait_indirect_dma semaphore(%arg13 : memref<!tpu.dma_semaphore, #tpu.memory_space<semaphore_mem>>) src(%dma_wait3A_332 : memref<20000x128xf32, #tpu.memory_space<hbm>>) dst(%arg10 : memref<128x128xf32, #tpu.memory_space<vmem>>)
    %dma_start3A_333 = arith.constant 11 : i32
    %dma_start3A_334 = arith.constant 0 : i32
    %dma_start3A_335 = tpu.memref_slice %arg8[%dma_start3A_333, %dma_start3A_334] : memref<16x128xi32, #tpu.memory_space<vmem>> -> memref<1x128xi32, #tpu.memory_space<vmem>>
    %dma_start3A_336 = tpu.memref_squeeze %dma_start3A_335 : memref<1x128xi32, #tpu.memory_space<vmem>> -> memref<128xi32, #tpu.memory_space<vmem>>
    %dma_start3A_337 = arith.constant 0 : i32
    %dma_start3A_338 = arith.constant 0 : i32
    %dma_start3A_339 = tpu.memref_slice %arg11[%dma_start3A_337, %dma_start3A_338] : memref<2048x128xf32, #tpu.memory_space<vmem_shared>> -> memref<2048x128xf32, #tpu.memory_space<vmem_shared>>
    tpu.enqueue_indirect_dma source(%arg10 : memref<128x128xf32, #tpu.memory_space<vmem>>) target(%dma_start3A_339 : memref<2048x128xf32, #tpu.memory_space<vmem_shared>>) offsets(%dma_start3A_336 : memref<128xi32, #tpu.memory_space<vmem>>) semaphore(%arg15 : memref<!tpu.dma_semaphore, #tpu.memory_space<semaphore_mem>>) {add = true}
    %dma_wait3A_340 = arith.constant 11 : i32
    %dma_wait3A_341 = arith.constant 0 : i32
    %dma_wait3A_342 = tpu.memref_slice %arg8[%dma_wait3A_340, %dma_wait3A_341] : memref<16x128xi32, #tpu.memory_space<vmem>> -> memref<1x128xi32, #tpu.memory_space<vmem>>
    %dma_wait3A_343 = tpu.memref_squeeze %dma_wait3A_342 : memref<1x128xi32, #tpu.memory_space<vmem>> -> memref<128xi32, #tpu.memory_space<vmem>>
    %dma_wait3A_344 = arith.constant 0 : i32
    %dma_wait3A_345 = arith.constant 0 : i32
    %dma_wait3A_346 = tpu.memref_slice %arg11[%dma_wait3A_344, %dma_wait3A_345] : memref<2048x128xf32, #tpu.memory_space<vmem_shared>> -> memref<2048x128xf32, #tpu.memory_space<vmem_shared>>
    tpu.wait_indirect_dma semaphore(%arg15 : memref<!tpu.dma_semaphore, #tpu.memory_space<semaphore_mem>>) src(%arg10 : memref<128x128xf32, #tpu.memory_space<vmem>>) dst(%dma_wait3A_346 : memref<2048x128xf32, #tpu.memory_space<vmem_shared>>)
    %dma_start3A_347 = arith.constant 13 : i32
    %dma_start3A_348 = arith.constant 0 : i32
    %dma_start3A_349 = tpu.memref_slice %arg7[%dma_start3A_347, %dma_start3A_348] : memref<16x128xi32, #tpu.memory_space<vmem>> -> memref<1x128xi32, #tpu.memory_space<vmem>>
    %dma_start3A_350 = tpu.memref_squeeze %dma_start3A_349 : memref<1x128xi32, #tpu.memory_space<vmem>> -> memref<128xi32, #tpu.memory_space<vmem>>
    %dma_start3A_351 = arith.constant 0 : i32
    %dma_start3A_352 = arith.constant 0 : i32
    %dma_start3A_353 = tpu.memref_slice %arg2[%dma_start3A_351, %dma_start3A_352] : memref<20000x128xf32, #tpu.memory_space<hbm>> -> memref<20000x128xf32, #tpu.memory_space<hbm>>
    tpu.enqueue_indirect_dma source(%dma_start3A_353 : memref<20000x128xf32, #tpu.memory_space<hbm>>) target(%arg10 : memref<128x128xf32, #tpu.memory_space<vmem>>) offsets(%dma_start3A_350 : memref<128xi32, #tpu.memory_space<vmem>>) semaphore(%arg13 : memref<!tpu.dma_semaphore, #tpu.memory_space<semaphore_mem>>)
    %dma_wait3A_354 = arith.constant 12 : i32
    %dma_wait3A_355 = arith.constant 0 : i32
    %dma_wait3A_356 = tpu.memref_slice %arg7[%dma_wait3A_354, %dma_wait3A_355] : memref<16x128xi32, #tpu.memory_space<vmem>> -> memref<1x128xi32, #tpu.memory_space<vmem>>
    %dma_wait3A_357 = tpu.memref_squeeze %dma_wait3A_356 : memref<1x128xi32, #tpu.memory_space<vmem>> -> memref<128xi32, #tpu.memory_space<vmem>>
    %dma_wait3A_358 = arith.constant 0 : i32
    %dma_wait3A_359 = arith.constant 0 : i32
    %dma_wait3A_360 = tpu.memref_slice %arg2[%dma_wait3A_358, %dma_wait3A_359] : memref<20000x128xf32, #tpu.memory_space<hbm>> -> memref<20000x128xf32, #tpu.memory_space<hbm>>
    tpu.wait_indirect_dma semaphore(%arg12 : memref<!tpu.dma_semaphore, #tpu.memory_space<semaphore_mem>>) src(%dma_wait3A_360 : memref<20000x128xf32, #tpu.memory_space<hbm>>) dst(%arg9 : memref<128x128xf32, #tpu.memory_space<vmem>>)
    %dma_start3A_361 = arith.constant 12 : i32
    %dma_start3A_362 = arith.constant 0 : i32
    %dma_start3A_363 = tpu.memref_slice %arg8[%dma_start3A_361, %dma_start3A_362] : memref<16x128xi32, #tpu.memory_space<vmem>> -> memref<1x128xi32, #tpu.memory_space<vmem>>
    %dma_start3A_364 = tpu.memref_squeeze %dma_start3A_363 : memref<1x128xi32, #tpu.memory_space<vmem>> -> memref<128xi32, #tpu.memory_space<vmem>>
    %dma_start3A_365 = arith.constant 0 : i32
    %dma_start3A_366 = arith.constant 0 : i32
    %dma_start3A_367 = tpu.memref_slice %arg11[%dma_start3A_365, %dma_start3A_366] : memref<2048x128xf32, #tpu.memory_space<vmem_shared>> -> memref<2048x128xf32, #tpu.memory_space<vmem_shared>>
    tpu.enqueue_indirect_dma source(%arg9 : memref<128x128xf32, #tpu.memory_space<vmem>>) target(%dma_start3A_367 : memref<2048x128xf32, #tpu.memory_space<vmem_shared>>) offsets(%dma_start3A_364 : memref<128xi32, #tpu.memory_space<vmem>>) semaphore(%arg14 : memref<!tpu.dma_semaphore, #tpu.memory_space<semaphore_mem>>) {add = true}
    %dma_wait3A_368 = arith.constant 12 : i32
    %dma_wait3A_369 = arith.constant 0 : i32
    %dma_wait3A_370 = tpu.memref_slice %arg8[%dma_wait3A_368, %dma_wait3A_369] : memref<16x128xi32, #tpu.memory_space<vmem>> -> memref<1x128xi32, #tpu.memory_space<vmem>>
    %dma_wait3A_371 = tpu.memref_squeeze %dma_wait3A_370 : memref<1x128xi32, #tpu.memory_space<vmem>> -> memref<128xi32, #tpu.memory_space<vmem>>
    %dma_wait3A_372 = arith.constant 0 : i32
    %dma_wait3A_373 = arith.constant 0 : i32
    %dma_wait3A_374 = tpu.memref_slice %arg11[%dma_wait3A_372, %dma_wait3A_373] : memref<2048x128xf32, #tpu.memory_space<vmem_shared>> -> memref<2048x128xf32, #tpu.memory_space<vmem_shared>>
    tpu.wait_indirect_dma semaphore(%arg14 : memref<!tpu.dma_semaphore, #tpu.memory_space<semaphore_mem>>) src(%arg9 : memref<128x128xf32, #tpu.memory_space<vmem>>) dst(%dma_wait3A_374 : memref<2048x128xf32, #tpu.memory_space<vmem_shared>>)
    %dma_start3A_375 = arith.constant 14 : i32
    %dma_start3A_376 = arith.constant 0 : i32
    %dma_start3A_377 = tpu.memref_slice %arg7[%dma_start3A_375, %dma_start3A_376] : memref<16x128xi32, #tpu.memory_space<vmem>> -> memref<1x128xi32, #tpu.memory_space<vmem>>
    %dma_start3A_378 = tpu.memref_squeeze %dma_start3A_377 : memref<1x128xi32, #tpu.memory_space<vmem>> -> memref<128xi32, #tpu.memory_space<vmem>>
    %dma_start3A_379 = arith.constant 0 : i32
    %dma_start3A_380 = arith.constant 0 : i32
    %dma_start3A_381 = tpu.memref_slice %arg2[%dma_start3A_379, %dma_start3A_380] : memref<20000x128xf32, #tpu.memory_space<hbm>> -> memref<20000x128xf32, #tpu.memory_space<hbm>>
    tpu.enqueue_indirect_dma source(%dma_start3A_381 : memref<20000x128xf32, #tpu.memory_space<hbm>>) target(%arg9 : memref<128x128xf32, #tpu.memory_space<vmem>>) offsets(%dma_start3A_378 : memref<128xi32, #tpu.memory_space<vmem>>) semaphore(%arg12 : memref<!tpu.dma_semaphore, #tpu.memory_space<semaphore_mem>>)
    %dma_wait3A_382 = arith.constant 13 : i32
    %dma_wait3A_383 = arith.constant 0 : i32
    %dma_wait3A_384 = tpu.memref_slice %arg7[%dma_wait3A_382, %dma_wait3A_383] : memref<16x128xi32, #tpu.memory_space<vmem>> -> memref<1x128xi32, #tpu.memory_space<vmem>>
    %dma_wait3A_385 = tpu.memref_squeeze %dma_wait3A_384 : memref<1x128xi32, #tpu.memory_space<vmem>> -> memref<128xi32, #tpu.memory_space<vmem>>
    %dma_wait3A_386 = arith.constant 0 : i32
    %dma_wait3A_387 = arith.constant 0 : i32
    %dma_wait3A_388 = tpu.memref_slice %arg2[%dma_wait3A_386, %dma_wait3A_387] : memref<20000x128xf32, #tpu.memory_space<hbm>> -> memref<20000x128xf32, #tpu.memory_space<hbm>>
    tpu.wait_indirect_dma semaphore(%arg13 : memref<!tpu.dma_semaphore, #tpu.memory_space<semaphore_mem>>) src(%dma_wait3A_388 : memref<20000x128xf32, #tpu.memory_space<hbm>>) dst(%arg10 : memref<128x128xf32, #tpu.memory_space<vmem>>)
    %dma_start3A_389 = arith.constant 13 : i32
    %dma_start3A_390 = arith.constant 0 : i32
    %dma_start3A_391 = tpu.memref_slice %arg8[%dma_start3A_389, %dma_start3A_390] : memref<16x128xi32, #tpu.memory_space<vmem>> -> memref<1x128xi32, #tpu.memory_space<vmem>>
    %dma_start3A_392 = tpu.memref_squeeze %dma_start3A_391 : memref<1x128xi32, #tpu.memory_space<vmem>> -> memref<128xi32, #tpu.memory_space<vmem>>
    %dma_start3A_393 = arith.constant 0 : i32
    %dma_start3A_394 = arith.constant 0 : i32
    %dma_start3A_395 = tpu.memref_slice %arg11[%dma_start3A_393, %dma_start3A_394] : memref<2048x128xf32, #tpu.memory_space<vmem_shared>> -> memref<2048x128xf32, #tpu.memory_space<vmem_shared>>
    tpu.enqueue_indirect_dma source(%arg10 : memref<128x128xf32, #tpu.memory_space<vmem>>) target(%dma_start3A_395 : memref<2048x128xf32, #tpu.memory_space<vmem_shared>>) offsets(%dma_start3A_392 : memref<128xi32, #tpu.memory_space<vmem>>) semaphore(%arg15 : memref<!tpu.dma_semaphore, #tpu.memory_space<semaphore_mem>>) {add = true}
    %dma_wait3A_396 = arith.constant 13 : i32
    %dma_wait3A_397 = arith.constant 0 : i32
    %dma_wait3A_398 = tpu.memref_slice %arg8[%dma_wait3A_396, %dma_wait3A_397] : memref<16x128xi32, #tpu.memory_space<vmem>> -> memref<1x128xi32, #tpu.memory_space<vmem>>
    %dma_wait3A_399 = tpu.memref_squeeze %dma_wait3A_398 : memref<1x128xi32, #tpu.memory_space<vmem>> -> memref<128xi32, #tpu.memory_space<vmem>>
    %dma_wait3A_400 = arith.constant 0 : i32
    %dma_wait3A_401 = arith.constant 0 : i32
    %dma_wait3A_402 = tpu.memref_slice %arg11[%dma_wait3A_400, %dma_wait3A_401] : memref<2048x128xf32, #tpu.memory_space<vmem_shared>> -> memref<2048x128xf32, #tpu.memory_space<vmem_shared>>
    tpu.wait_indirect_dma semaphore(%arg15 : memref<!tpu.dma_semaphore, #tpu.memory_space<semaphore_mem>>) src(%arg10 : memref<128x128xf32, #tpu.memory_space<vmem>>) dst(%dma_wait3A_402 : memref<2048x128xf32, #tpu.memory_space<vmem_shared>>)
    %dma_start3A_403 = arith.constant 15 : i32
    %dma_start3A_404 = arith.constant 0 : i32
    %dma_start3A_405 = tpu.memref_slice %arg7[%dma_start3A_403, %dma_start3A_404] : memref<16x128xi32, #tpu.memory_space<vmem>> -> memref<1x128xi32, #tpu.memory_space<vmem>>
    %dma_start3A_406 = tpu.memref_squeeze %dma_start3A_405 : memref<1x128xi32, #tpu.memory_space<vmem>> -> memref<128xi32, #tpu.memory_space<vmem>>
    %dma_start3A_407 = arith.constant 0 : i32
    %dma_start3A_408 = arith.constant 0 : i32
    %dma_start3A_409 = tpu.memref_slice %arg2[%dma_start3A_407, %dma_start3A_408] : memref<20000x128xf32, #tpu.memory_space<hbm>> -> memref<20000x128xf32, #tpu.memory_space<hbm>>
    tpu.enqueue_indirect_dma source(%dma_start3A_409 : memref<20000x128xf32, #tpu.memory_space<hbm>>) target(%arg10 : memref<128x128xf32, #tpu.memory_space<vmem>>) offsets(%dma_start3A_406 : memref<128xi32, #tpu.memory_space<vmem>>) semaphore(%arg13 : memref<!tpu.dma_semaphore, #tpu.memory_space<semaphore_mem>>)
    %dma_wait3A_410 = arith.constant 14 : i32
    %dma_wait3A_411 = arith.constant 0 : i32
    %dma_wait3A_412 = tpu.memref_slice %arg7[%dma_wait3A_410, %dma_wait3A_411] : memref<16x128xi32, #tpu.memory_space<vmem>> -> memref<1x128xi32, #tpu.memory_space<vmem>>
    %dma_wait3A_413 = tpu.memref_squeeze %dma_wait3A_412 : memref<1x128xi32, #tpu.memory_space<vmem>> -> memref<128xi32, #tpu.memory_space<vmem>>
    %dma_wait3A_414 = arith.constant 0 : i32
    %dma_wait3A_415 = arith.constant 0 : i32
    %dma_wait3A_416 = tpu.memref_slice %arg2[%dma_wait3A_414, %dma_wait3A_415] : memref<20000x128xf32, #tpu.memory_space<hbm>> -> memref<20000x128xf32, #tpu.memory_space<hbm>>
    tpu.wait_indirect_dma semaphore(%arg12 : memref<!tpu.dma_semaphore, #tpu.memory_space<semaphore_mem>>) src(%dma_wait3A_416 : memref<20000x128xf32, #tpu.memory_space<hbm>>) dst(%arg9 : memref<128x128xf32, #tpu.memory_space<vmem>>)
    %dma_start3A_417 = arith.constant 14 : i32
    %dma_start3A_418 = arith.constant 0 : i32
    %dma_start3A_419 = tpu.memref_slice %arg8[%dma_start3A_417, %dma_start3A_418] : memref<16x128xi32, #tpu.memory_space<vmem>> -> memref<1x128xi32, #tpu.memory_space<vmem>>
    %dma_start3A_420 = tpu.memref_squeeze %dma_start3A_419 : memref<1x128xi32, #tpu.memory_space<vmem>> -> memref<128xi32, #tpu.memory_space<vmem>>
    %dma_start3A_421 = arith.constant 0 : i32
    %dma_start3A_422 = arith.constant 0 : i32
    %dma_start3A_423 = tpu.memref_slice %arg11[%dma_start3A_421, %dma_start3A_422] : memref<2048x128xf32, #tpu.memory_space<vmem_shared>> -> memref<2048x128xf32, #tpu.memory_space<vmem_shared>>
    tpu.enqueue_indirect_dma source(%arg9 : memref<128x128xf32, #tpu.memory_space<vmem>>) target(%dma_start3A_423 : memref<2048x128xf32, #tpu.memory_space<vmem_shared>>) offsets(%dma_start3A_420 : memref<128xi32, #tpu.memory_space<vmem>>) semaphore(%arg14 : memref<!tpu.dma_semaphore, #tpu.memory_space<semaphore_mem>>) {add = true}
    %dma_wait3A_424 = arith.constant 15 : i32
    %dma_wait3A_425 = arith.constant 0 : i32
    %dma_wait3A_426 = tpu.memref_slice %arg7[%dma_wait3A_424, %dma_wait3A_425] : memref<16x128xi32, #tpu.memory_space<vmem>> -> memref<1x128xi32, #tpu.memory_space<vmem>>
    %dma_wait3A_427 = tpu.memref_squeeze %dma_wait3A_426 : memref<1x128xi32, #tpu.memory_space<vmem>> -> memref<128xi32, #tpu.memory_space<vmem>>
    %dma_wait3A_428 = arith.constant 0 : i32
    %dma_wait3A_429 = arith.constant 0 : i32
    %dma_wait3A_430 = tpu.memref_slice %arg2[%dma_wait3A_428, %dma_wait3A_429] : memref<20000x128xf32, #tpu.memory_space<hbm>> -> memref<20000x128xf32, #tpu.memory_space<hbm>>
    tpu.wait_indirect_dma semaphore(%arg13 : memref<!tpu.dma_semaphore, #tpu.memory_space<semaphore_mem>>) src(%dma_wait3A_430 : memref<20000x128xf32, #tpu.memory_space<hbm>>) dst(%arg10 : memref<128x128xf32, #tpu.memory_space<vmem>>)
    %dma_start3A_431 = arith.constant 15 : i32
    %dma_start3A_432 = arith.constant 0 : i32
    %dma_start3A_433 = tpu.memref_slice %arg8[%dma_start3A_431, %dma_start3A_432] : memref<16x128xi32, #tpu.memory_space<vmem>> -> memref<1x128xi32, #tpu.memory_space<vmem>>
    %dma_start3A_434 = tpu.memref_squeeze %dma_start3A_433 : memref<1x128xi32, #tpu.memory_space<vmem>> -> memref<128xi32, #tpu.memory_space<vmem>>
    %dma_start3A_435 = arith.constant 0 : i32
    %dma_start3A_436 = arith.constant 0 : i32
    %dma_start3A_437 = tpu.memref_slice %arg11[%dma_start3A_435, %dma_start3A_436] : memref<2048x128xf32, #tpu.memory_space<vmem_shared>> -> memref<2048x128xf32, #tpu.memory_space<vmem_shared>>
    tpu.enqueue_indirect_dma source(%arg10 : memref<128x128xf32, #tpu.memory_space<vmem>>) target(%dma_start3A_437 : memref<2048x128xf32, #tpu.memory_space<vmem_shared>>) offsets(%dma_start3A_434 : memref<128xi32, #tpu.memory_space<vmem>>) semaphore(%arg15 : memref<!tpu.dma_semaphore, #tpu.memory_space<semaphore_mem>>) {add = true}
    %dma_wait3A_438 = arith.constant 14 : i32
    %dma_wait3A_439 = arith.constant 0 : i32
    %dma_wait3A_440 = tpu.memref_slice %arg8[%dma_wait3A_438, %dma_wait3A_439] : memref<16x128xi32, #tpu.memory_space<vmem>> -> memref<1x128xi32, #tpu.memory_space<vmem>>
    %dma_wait3A_441 = tpu.memref_squeeze %dma_wait3A_440 : memref<1x128xi32, #tpu.memory_space<vmem>> -> memref<128xi32, #tpu.memory_space<vmem>>
    %dma_wait3A_442 = arith.constant 0 : i32
    %dma_wait3A_443 = arith.constant 0 : i32
    %dma_wait3A_444 = tpu.memref_slice %arg11[%dma_wait3A_442, %dma_wait3A_443] : memref<2048x128xf32, #tpu.memory_space<vmem_shared>> -> memref<2048x128xf32, #tpu.memory_space<vmem_shared>>
    tpu.wait_indirect_dma semaphore(%arg14 : memref<!tpu.dma_semaphore, #tpu.memory_space<semaphore_mem>>) src(%arg9 : memref<128x128xf32, #tpu.memory_space<vmem>>) dst(%dma_wait3A_444 : memref<2048x128xf32, #tpu.memory_space<vmem_shared>>)
    %dma_wait3A_445 = arith.constant 15 : i32
    %dma_wait3A_446 = arith.constant 0 : i32
    %dma_wait3A_447 = tpu.memref_slice %arg8[%dma_wait3A_445, %dma_wait3A_446] : memref<16x128xi32, #tpu.memory_space<vmem>> -> memref<1x128xi32, #tpu.memory_space<vmem>>
    %dma_wait3A_448 = tpu.memref_squeeze %dma_wait3A_447 : memref<1x128xi32, #tpu.memory_space<vmem>> -> memref<128xi32, #tpu.memory_space<vmem>>
    %dma_wait3A_449 = arith.constant 0 : i32
    %dma_wait3A_450 = arith.constant 0 : i32
    %dma_wait3A_451 = tpu.memref_slice %arg11[%dma_wait3A_449, %dma_wait3A_450] : memref<2048x128xf32, #tpu.memory_space<vmem_shared>> -> memref<2048x128xf32, #tpu.memory_space<vmem_shared>>
    tpu.wait_indirect_dma semaphore(%arg15 : memref<!tpu.dma_semaphore, #tpu.memory_space<semaphore_mem>>) src(%arg10 : memref<128x128xf32, #tpu.memory_space<vmem>>) dst(%dma_wait3A_451 : memref<2048x128xf32, #tpu.memory_space<vmem_shared>>)
    %scan3A_452 = arith.constant 1 : i32
    %barrier3A_453 = arith.constant 0 : index
    tpu.barrier barrier_id(%barrier3A_453)
    %mul3A_454 = arith.constant 128 : i32
    %mul3A_455 = arith.muli %arg1, %mul3A_454 : i32
    %mul3A_456 = arith.constant 128 : i32
    %mul3A_457 = arith.muli %arg1, %mul3A_456 : i32
    "tpu.region"() ({
      %run_scoped3A = tpu.sem_alloc : memref<!tpu.dma_semaphore, #tpu.memory_space<semaphore_mem>>
      %dma_start3A_458 = arith.constant 0 : i32
      %dma_start3A_459 = tpu.memref_slice %arg6[%arg0, %mul3A_457, %dma_start3A_458] : memref<2x2048x128xf32, #tpu.memory_space<hbm>> -> memref<1x128x128xf32, #tpu.memory_space<hbm>>
      %dma_start3A_460 = tpu.memref_squeeze %dma_start3A_459 : memref<1x128x128xf32, #tpu.memory_space<hbm>> -> memref<128x128xf32, #tpu.memory_space<hbm>>
      %dma_start3A_461 = arith.constant 0 : i32
      %dma_start3A_462 = tpu.memref_slice %arg11[%mul3A_455, %dma_start3A_461] : memref<2048x128xf32, #tpu.memory_space<vmem_shared>> -> memref<128x128xf32, #tpu.memory_space<vmem_shared>>
      tpu.enqueue_dma source(%dma_start3A_462 : memref<128x128xf32, #tpu.memory_space<vmem_shared>>) target(%dma_start3A_460 : memref<128x128xf32, #tpu.memory_space<hbm>>) target_semaphore(%run_scoped3A : memref<!tpu.dma_semaphore, #tpu.memory_space<semaphore_mem>>)
      %dma_wait3A_463 = arith.constant 0 : i32
      %dma_wait3A_464 = tpu.memref_slice %arg6[%arg0, %mul3A_457, %dma_wait3A_463] : memref<2x2048x128xf32, #tpu.memory_space<hbm>> -> memref<1x128x128xf32, #tpu.memory_space<hbm>>
      %dma_wait3A_465 = tpu.memref_squeeze %dma_wait3A_464 : memref<1x128x128xf32, #tpu.memory_space<hbm>> -> memref<128x128xf32, #tpu.memory_space<hbm>>
      %dma_wait3A_466 = arith.constant 0 : i32
      %dma_wait3A_467 = tpu.memref_slice %arg11[%mul3A_455, %dma_wait3A_466] : memref<2048x128xf32, #tpu.memory_space<vmem_shared>> -> memref<128x128xf32, #tpu.memory_space<vmem_shared>>
      tpu.wait_dma2 semaphore(%run_scoped3A : memref<!tpu.dma_semaphore, #tpu.memory_space<semaphore_mem>>) src(%dma_wait3A_467 : memref<128x128xf32, #tpu.memory_space<vmem_shared>>) dst(%dma_wait3A_465 : memref<128x128xf32, #tpu.memory_space<hbm>>)
      tpu.yield
    }) : () -> ()
    return
  }
}

#map = affine_map<(d0, d1) -> (0, 0, 0)>
#map1 = affine_map<(d0, d1) -> (0, 0)>
module attributes {stable_mosaic.version = 14 : i64} {
  func.func @cnt(%arg0: i32, %arg1: i32, %arg2: memref<16x80x128xi32, #tpu.memory_space<hbm>>, %arg3: memref<16x16x128xi32, #tpu.memory_space<hbm>>, %arg4: memref<128x128xf32, #tpu.memory_space<hbm>>, %arg5: memref<632x128xf32, #tpu.memory_space<hbm>>, %arg6: memref<2x10112x128xf32, #tpu.memory_space<hbm>>, %arg7: memref<2x2048x128xf32, #tpu.memory_space<hbm>>, %arg8: memref<16x128xi32, #tpu.memory_space<vmem>>, %arg9: memref<128x128xf32, #tpu.memory_space<vmem>>, %arg10: memref<10112x128xf32, #tpu.memory_space<vmem_shared>>, %arg11: memref<2048x128xf32, #tpu.memory_space<vmem_shared>>, %arg12: memref<!tpu.dma_semaphore, #tpu.memory_space<semaphore_mem>>) attributes {dimension_semantics = [#tpu.dimension_semantics<core_parallel>, #tpu.dimension_semantics<subcore_parallel>], iteration_bounds = array<i64: 2, 16>, scalar_prefetch = 0 : i64, scratch_operands = 5 : i64, tpu.core_type = #tpu.core_type<sc_vector_subcore>, window_params = [{transform_indices = #map}, {transform_indices = #map}, {transform_indices = #map1}, {transform_indices = #map1}, {transform_indices = #map}, {transform_indices = #map}]} {
    %mul3A = arith.constant 632 : i32
    %mul3A_0 = arith.muli %arg1, %mul3A : i32
    "tpu.region"() ({
      %run_scoped3A = tpu.sem_alloc : memref<!tpu.dma_semaphore, #tpu.memory_space<semaphore_mem>>
      %dma_start3A_131 = arith.constant 0 : i32
      %dma_start3A_132 = tpu.memref_slice %arg10[%mul3A_0, %dma_start3A_131] : memref<10112x128xf32, #tpu.memory_space<vmem_shared>> -> memref<632x128xf32, #tpu.memory_space<vmem_shared>>
      %dma_start3A_133 = arith.constant 0 : i32
      %dma_start3A_134 = arith.constant 0 : i32
      %dma_start3A_135 = tpu.memref_slice %arg5[%dma_start3A_133, %dma_start3A_134] : memref<632x128xf32, #tpu.memory_space<hbm>> -> memref<632x128xf32, #tpu.memory_space<hbm>>
      tpu.enqueue_dma source(%dma_start3A_135 : memref<632x128xf32, #tpu.memory_space<hbm>>) target(%dma_start3A_132 : memref<632x128xf32, #tpu.memory_space<vmem_shared>>) target_semaphore(%run_scoped3A : memref<!tpu.dma_semaphore, #tpu.memory_space<semaphore_mem>>)
      %dma_wait3A_136 = arith.constant 0 : i32
      %dma_wait3A_137 = tpu.memref_slice %arg10[%mul3A_0, %dma_wait3A_136] : memref<10112x128xf32, #tpu.memory_space<vmem_shared>> -> memref<632x128xf32, #tpu.memory_space<vmem_shared>>
      %dma_wait3A_138 = arith.constant 0 : i32
      %dma_wait3A_139 = arith.constant 0 : i32
      %dma_wait3A_140 = tpu.memref_slice %arg5[%dma_wait3A_138, %dma_wait3A_139] : memref<632x128xf32, #tpu.memory_space<hbm>> -> memref<632x128xf32, #tpu.memory_space<hbm>>
      tpu.wait_dma2 semaphore(%run_scoped3A : memref<!tpu.dma_semaphore, #tpu.memory_space<semaphore_mem>>) src(%dma_wait3A_140 : memref<632x128xf32, #tpu.memory_space<hbm>>) dst(%dma_wait3A_137 : memref<632x128xf32, #tpu.memory_space<vmem_shared>>)
      tpu.yield
    }) : () -> ()
    %mul3A_1 = arith.constant 128 : i32
    %mul3A_2 = arith.muli %arg1, %mul3A_1 : i32
    "tpu.region"() ({
      %run_scoped3A = tpu.sem_alloc : memref<!tpu.dma_semaphore, #tpu.memory_space<semaphore_mem>>
      %dma_start3A_131 = arith.constant 0 : i32
      %dma_start3A_132 = tpu.memref_slice %arg11[%mul3A_2, %dma_start3A_131] : memref<2048x128xf32, #tpu.memory_space<vmem_shared>> -> memref<128x128xf32, #tpu.memory_space<vmem_shared>>
      %dma_start3A_133 = arith.constant 0 : i32
      %dma_start3A_134 = arith.constant 0 : i32
      %dma_start3A_135 = tpu.memref_slice %arg5[%dma_start3A_133, %dma_start3A_134] : memref<632x128xf32, #tpu.memory_space<hbm>> -> memref<128x128xf32, #tpu.memory_space<hbm>>
      tpu.enqueue_dma source(%dma_start3A_135 : memref<128x128xf32, #tpu.memory_space<hbm>>) target(%dma_start3A_132 : memref<128x128xf32, #tpu.memory_space<vmem_shared>>) target_semaphore(%run_scoped3A : memref<!tpu.dma_semaphore, #tpu.memory_space<semaphore_mem>>)
      %dma_wait3A_136 = arith.constant 0 : i32
      %dma_wait3A_137 = tpu.memref_slice %arg11[%mul3A_2, %dma_wait3A_136] : memref<2048x128xf32, #tpu.memory_space<vmem_shared>> -> memref<128x128xf32, #tpu.memory_space<vmem_shared>>
      %dma_wait3A_138 = arith.constant 0 : i32
      %dma_wait3A_139 = arith.constant 0 : i32
      %dma_wait3A_140 = tpu.memref_slice %arg5[%dma_wait3A_138, %dma_wait3A_139] : memref<632x128xf32, #tpu.memory_space<hbm>> -> memref<128x128xf32, #tpu.memory_space<hbm>>
      tpu.wait_dma2 semaphore(%run_scoped3A : memref<!tpu.dma_semaphore, #tpu.memory_space<semaphore_mem>>) src(%dma_wait3A_140 : memref<128x128xf32, #tpu.memory_space<hbm>>) dst(%dma_wait3A_137 : memref<128x128xf32, #tpu.memory_space<vmem_shared>>)
      tpu.yield
    }) : () -> ()
    "tpu.region"() ({
      %run_scoped3A = tpu.sem_alloc : memref<!tpu.dma_semaphore, #tpu.memory_space<semaphore_mem>>
      tpu.enqueue_dma source(%arg4 : memref<128x128xf32, #tpu.memory_space<hbm>>) target(%arg9 : memref<128x128xf32, #tpu.memory_space<vmem>>) target_semaphore(%run_scoped3A : memref<!tpu.dma_semaphore, #tpu.memory_space<semaphore_mem>>)
      tpu.wait_dma2 semaphore(%run_scoped3A : memref<!tpu.dma_semaphore, #tpu.memory_space<semaphore_mem>>) src(%arg4 : memref<128x128xf32, #tpu.memory_space<hbm>>) dst(%arg9 : memref<128x128xf32, #tpu.memory_space<vmem>>)
      tpu.yield
    }) : () -> ()
    %barrier3A = arith.constant 0 : index
    tpu.barrier barrier_id(%barrier3A)
    %scan3A = arith.constant 0 : i32
    %scan3A_3 = arith.constant 0 : i32
    %scan3A_4 = arith.constant 5 : i32
    %scan3A_5 = arith.addi %scan3A_3, %scan3A_4 : i32
    %scan3A_6 = arith.constant 1 : i32
    scf.for %scan3A_131 = %scan3A_3 to %scan3A_5 step %scan3A_6  : i32 {
      %mul3A_132 = arith.constant 16 : i32
      %mul3A_133 = arith.muli %scan3A_131, %mul3A_132 : i32
      "tpu.region"() ({
        %run_scoped3A = tpu.sem_alloc : memref<!tpu.dma_semaphore, #tpu.memory_space<semaphore_mem>>
        %dma_start3A_246 = arith.constant 0 : i32
        %dma_start3A_247 = tpu.memref_slice %arg2[%arg1, %mul3A_133, %dma_start3A_246] : memref<16x80x128xi32, #tpu.memory_space<hbm>> -> memref<1x16x128xi32, #tpu.memory_space<hbm>>
        %dma_start3A_248 = tpu.memref_squeeze %dma_start3A_247 : memref<1x16x128xi32, #tpu.memory_space<hbm>> -> memref<16x128xi32, #tpu.memory_space<hbm>>
        %dma_start3A_249 = arith.constant 0 : i32
        %dma_start3A_250 = tpu.memref_slice %arg2[%arg1, %mul3A_133, %dma_start3A_249] : memref<16x80x128xi32, #tpu.memory_space<hbm>> -> memref<1x16x128xi32, #tpu.memory_space<hbm>>
        %dma_start3A_251 = tpu.memref_squeeze %dma_start3A_250 : memref<1x16x128xi32, #tpu.memory_space<hbm>> -> memref<16x128xi32, #tpu.memory_space<hbm>>
        tpu.enqueue_dma source(%dma_start3A_251 : memref<16x128xi32, #tpu.memory_space<hbm>>) target(%arg8 : memref<16x128xi32, #tpu.memory_space<vmem>>) target_semaphore(%run_scoped3A : memref<!tpu.dma_semaphore, #tpu.memory_space<semaphore_mem>>)
        %dma_wait3A_252 = arith.constant 0 : i32
        %dma_wait3A_253 = tpu.memref_slice %arg2[%arg1, %mul3A_133, %dma_wait3A_252] : memref<16x80x128xi32, #tpu.memory_space<hbm>> -> memref<1x16x128xi32, #tpu.memory_space<hbm>>
        %dma_wait3A_254 = tpu.memref_squeeze %dma_wait3A_253 : memref<1x16x128xi32, #tpu.memory_space<hbm>> -> memref<16x128xi32, #tpu.memory_space<hbm>>
        %dma_wait3A_255 = arith.constant 0 : i32
        %dma_wait3A_256 = tpu.memref_slice %arg2[%arg1, %mul3A_133, %dma_wait3A_255] : memref<16x80x128xi32, #tpu.memory_space<hbm>> -> memref<1x16x128xi32, #tpu.memory_space<hbm>>
        %dma_wait3A_257 = tpu.memref_squeeze %dma_wait3A_256 : memref<1x16x128xi32, #tpu.memory_space<hbm>> -> memref<16x128xi32, #tpu.memory_space<hbm>>
        tpu.wait_dma2 semaphore(%run_scoped3A : memref<!tpu.dma_semaphore, #tpu.memory_space<semaphore_mem>>) src(%dma_wait3A_257 : memref<16x128xi32, #tpu.memory_space<hbm>>) dst(%arg8 : memref<16x128xi32, #tpu.memory_space<vmem>>)
        tpu.yield
      }) : () -> ()
      %add3A_134 = arith.constant 0 : i32
      %add3A_135 = arith.addi %add3A_134, %arg0 : i32
      %dma_start3A_136 = arith.constant 0 : i32
      %dma_start3A_137 = tpu.memref_slice %arg8[%add3A_135, %dma_start3A_136] : memref<16x128xi32, #tpu.memory_space<vmem>> -> memref<1x128xi32, #tpu.memory_space<vmem>>
      %dma_start3A_138 = tpu.memref_squeeze %dma_start3A_137 : memref<1x128xi32, #tpu.memory_space<vmem>> -> memref<128xi32, #tpu.memory_space<vmem>>
      %dma_start3A_139 = arith.constant 0 : i32
      %dma_start3A_140 = arith.constant 0 : i32
      %dma_start3A_141 = tpu.memref_slice %arg10[%dma_start3A_139, %dma_start3A_140] : memref<10112x128xf32, #tpu.memory_space<vmem_shared>> -> memref<10112x128xf32, #tpu.memory_space<vmem_shared>>
      tpu.enqueue_indirect_dma source(%arg9 : memref<128x128xf32, #tpu.memory_space<vmem>>) target(%dma_start3A_141 : memref<10112x128xf32, #tpu.memory_space<vmem_shared>>) offsets(%dma_start3A_138 : memref<128xi32, #tpu.memory_space<vmem>>) semaphore(%arg12 : memref<!tpu.dma_semaphore, #tpu.memory_space<semaphore_mem>>) {add = true}
      %add3A_142 = arith.constant 2 : i32
      %add3A_143 = arith.addi %add3A_142, %arg0 : i32
      %dma_start3A_144 = arith.constant 0 : i32
      %dma_start3A_145 = tpu.memref_slice %arg8[%add3A_143, %dma_start3A_144] : memref<16x128xi32, #tpu.memory_space<vmem>> -> memref<1x128xi32, #tpu.memory_space<vmem>>
      %dma_start3A_146 = tpu.memref_squeeze %dma_start3A_145 : memref<1x128xi32, #tpu.memory_space<vmem>> -> memref<128xi32, #tpu.memory_space<vmem>>
      %dma_start3A_147 = arith.constant 0 : i32
      %dma_start3A_148 = arith.constant 0 : i32
      %dma_start3A_149 = tpu.memref_slice %arg10[%dma_start3A_147, %dma_start3A_148] : memref<10112x128xf32, #tpu.memory_space<vmem_shared>> -> memref<10112x128xf32, #tpu.memory_space<vmem_shared>>
      tpu.enqueue_indirect_dma source(%arg9 : memref<128x128xf32, #tpu.memory_space<vmem>>) target(%dma_start3A_149 : memref<10112x128xf32, #tpu.memory_space<vmem_shared>>) offsets(%dma_start3A_146 : memref<128xi32, #tpu.memory_space<vmem>>) semaphore(%arg12 : memref<!tpu.dma_semaphore, #tpu.memory_space<semaphore_mem>>) {add = true}
      %add3A_150 = arith.constant 4 : i32
      %add3A_151 = arith.addi %add3A_150, %arg0 : i32
      %dma_start3A_152 = arith.constant 0 : i32
      %dma_start3A_153 = tpu.memref_slice %arg8[%add3A_151, %dma_start3A_152] : memref<16x128xi32, #tpu.memory_space<vmem>> -> memref<1x128xi32, #tpu.memory_space<vmem>>
      %dma_start3A_154 = tpu.memref_squeeze %dma_start3A_153 : memref<1x128xi32, #tpu.memory_space<vmem>> -> memref<128xi32, #tpu.memory_space<vmem>>
      %dma_start3A_155 = arith.constant 0 : i32
      %dma_start3A_156 = arith.constant 0 : i32
      %dma_start3A_157 = tpu.memref_slice %arg10[%dma_start3A_155, %dma_start3A_156] : memref<10112x128xf32, #tpu.memory_space<vmem_shared>> -> memref<10112x128xf32, #tpu.memory_space<vmem_shared>>
      tpu.enqueue_indirect_dma source(%arg9 : memref<128x128xf32, #tpu.memory_space<vmem>>) target(%dma_start3A_157 : memref<10112x128xf32, #tpu.memory_space<vmem_shared>>) offsets(%dma_start3A_154 : memref<128xi32, #tpu.memory_space<vmem>>) semaphore(%arg12 : memref<!tpu.dma_semaphore, #tpu.memory_space<semaphore_mem>>) {add = true}
      %add3A_158 = arith.constant 6 : i32
      %add3A_159 = arith.addi %add3A_158, %arg0 : i32
      %dma_start3A_160 = arith.constant 0 : i32
      %dma_start3A_161 = tpu.memref_slice %arg8[%add3A_159, %dma_start3A_160] : memref<16x128xi32, #tpu.memory_space<vmem>> -> memref<1x128xi32, #tpu.memory_space<vmem>>
      %dma_start3A_162 = tpu.memref_squeeze %dma_start3A_161 : memref<1x128xi32, #tpu.memory_space<vmem>> -> memref<128xi32, #tpu.memory_space<vmem>>
      %dma_start3A_163 = arith.constant 0 : i32
      %dma_start3A_164 = arith.constant 0 : i32
      %dma_start3A_165 = tpu.memref_slice %arg10[%dma_start3A_163, %dma_start3A_164] : memref<10112x128xf32, #tpu.memory_space<vmem_shared>> -> memref<10112x128xf32, #tpu.memory_space<vmem_shared>>
      tpu.enqueue_indirect_dma source(%arg9 : memref<128x128xf32, #tpu.memory_space<vmem>>) target(%dma_start3A_165 : memref<10112x128xf32, #tpu.memory_space<vmem_shared>>) offsets(%dma_start3A_162 : memref<128xi32, #tpu.memory_space<vmem>>) semaphore(%arg12 : memref<!tpu.dma_semaphore, #tpu.memory_space<semaphore_mem>>) {add = true}
      %add3A_166 = arith.constant 8 : i32
      %add3A_167 = arith.addi %add3A_166, %arg0 : i32
      %dma_start3A_168 = arith.constant 0 : i32
      %dma_start3A_169 = tpu.memref_slice %arg8[%add3A_167, %dma_start3A_168] : memref<16x128xi32, #tpu.memory_space<vmem>> -> memref<1x128xi32, #tpu.memory_space<vmem>>
      %dma_start3A_170 = tpu.memref_squeeze %dma_start3A_169 : memref<1x128xi32, #tpu.memory_space<vmem>> -> memref<128xi32, #tpu.memory_space<vmem>>
      %dma_start3A_171 = arith.constant 0 : i32
      %dma_start3A_172 = arith.constant 0 : i32
      %dma_start3A_173 = tpu.memref_slice %arg10[%dma_start3A_171, %dma_start3A_172] : memref<10112x128xf32, #tpu.memory_space<vmem_shared>> -> memref<10112x128xf32, #tpu.memory_space<vmem_shared>>
      tpu.enqueue_indirect_dma source(%arg9 : memref<128x128xf32, #tpu.memory_space<vmem>>) target(%dma_start3A_173 : memref<10112x128xf32, #tpu.memory_space<vmem_shared>>) offsets(%dma_start3A_170 : memref<128xi32, #tpu.memory_space<vmem>>) semaphore(%arg12 : memref<!tpu.dma_semaphore, #tpu.memory_space<semaphore_mem>>) {add = true}
      %add3A_174 = arith.constant 10 : i32
      %add3A_175 = arith.addi %add3A_174, %arg0 : i32
      %dma_start3A_176 = arith.constant 0 : i32
      %dma_start3A_177 = tpu.memref_slice %arg8[%add3A_175, %dma_start3A_176] : memref<16x128xi32, #tpu.memory_space<vmem>> -> memref<1x128xi32, #tpu.memory_space<vmem>>
      %dma_start3A_178 = tpu.memref_squeeze %dma_start3A_177 : memref<1x128xi32, #tpu.memory_space<vmem>> -> memref<128xi32, #tpu.memory_space<vmem>>
      %dma_start3A_179 = arith.constant 0 : i32
      %dma_start3A_180 = arith.constant 0 : i32
      %dma_start3A_181 = tpu.memref_slice %arg10[%dma_start3A_179, %dma_start3A_180] : memref<10112x128xf32, #tpu.memory_space<vmem_shared>> -> memref<10112x128xf32, #tpu.memory_space<vmem_shared>>
      tpu.enqueue_indirect_dma source(%arg9 : memref<128x128xf32, #tpu.memory_space<vmem>>) target(%dma_start3A_181 : memref<10112x128xf32, #tpu.memory_space<vmem_shared>>) offsets(%dma_start3A_178 : memref<128xi32, #tpu.memory_space<vmem>>) semaphore(%arg12 : memref<!tpu.dma_semaphore, #tpu.memory_space<semaphore_mem>>) {add = true}
      %add3A_182 = arith.constant 12 : i32
      %add3A_183 = arith.addi %add3A_182, %arg0 : i32
      %dma_start3A_184 = arith.constant 0 : i32
      %dma_start3A_185 = tpu.memref_slice %arg8[%add3A_183, %dma_start3A_184] : memref<16x128xi32, #tpu.memory_space<vmem>> -> memref<1x128xi32, #tpu.memory_space<vmem>>
      %dma_start3A_186 = tpu.memref_squeeze %dma_start3A_185 : memref<1x128xi32, #tpu.memory_space<vmem>> -> memref<128xi32, #tpu.memory_space<vmem>>
      %dma_start3A_187 = arith.constant 0 : i32
      %dma_start3A_188 = arith.constant 0 : i32
      %dma_start3A_189 = tpu.memref_slice %arg10[%dma_start3A_187, %dma_start3A_188] : memref<10112x128xf32, #tpu.memory_space<vmem_shared>> -> memref<10112x128xf32, #tpu.memory_space<vmem_shared>>
      tpu.enqueue_indirect_dma source(%arg9 : memref<128x128xf32, #tpu.memory_space<vmem>>) target(%dma_start3A_189 : memref<10112x128xf32, #tpu.memory_space<vmem_shared>>) offsets(%dma_start3A_186 : memref<128xi32, #tpu.memory_space<vmem>>) semaphore(%arg12 : memref<!tpu.dma_semaphore, #tpu.memory_space<semaphore_mem>>) {add = true}
      %add3A_190 = arith.constant 14 : i32
      %add3A_191 = arith.addi %add3A_190, %arg0 : i32
      %dma_start3A_192 = arith.constant 0 : i32
      %dma_start3A_193 = tpu.memref_slice %arg8[%add3A_191, %dma_start3A_192] : memref<16x128xi32, #tpu.memory_space<vmem>> -> memref<1x128xi32, #tpu.memory_space<vmem>>
      %dma_start3A_194 = tpu.memref_squeeze %dma_start3A_193 : memref<1x128xi32, #tpu.memory_space<vmem>> -> memref<128xi32, #tpu.memory_space<vmem>>
      %dma_start3A_195 = arith.constant 0 : i32
      %dma_start3A_196 = arith.constant 0 : i32
      %dma_start3A_197 = tpu.memref_slice %arg10[%dma_start3A_195, %dma_start3A_196] : memref<10112x128xf32, #tpu.memory_space<vmem_shared>> -> memref<10112x128xf32, #tpu.memory_space<vmem_shared>>
      tpu.enqueue_indirect_dma source(%arg9 : memref<128x128xf32, #tpu.memory_space<vmem>>) target(%dma_start3A_197 : memref<10112x128xf32, #tpu.memory_space<vmem_shared>>) offsets(%dma_start3A_194 : memref<128xi32, #tpu.memory_space<vmem>>) semaphore(%arg12 : memref<!tpu.dma_semaphore, #tpu.memory_space<semaphore_mem>>) {add = true}
      %dma_wait3A_198 = arith.constant 0 : i32
      %dma_wait3A_199 = tpu.memref_slice %arg8[%add3A_135, %dma_wait3A_198] : memref<16x128xi32, #tpu.memory_space<vmem>> -> memref<1x128xi32, #tpu.memory_space<vmem>>
      %dma_wait3A_200 = tpu.memref_squeeze %dma_wait3A_199 : memref<1x128xi32, #tpu.memory_space<vmem>> -> memref<128xi32, #tpu.memory_space<vmem>>
      %dma_wait3A_201 = arith.constant 0 : i32
      %dma_wait3A_202 = arith.constant 0 : i32
      %dma_wait3A_203 = tpu.memref_slice %arg10[%dma_wait3A_201, %dma_wait3A_202] : memref<10112x128xf32, #tpu.memory_space<vmem_shared>> -> memref<10112x128xf32, #tpu.memory_space<vmem_shared>>
      tpu.wait_indirect_dma semaphore(%arg12 : memref<!tpu.dma_semaphore, #tpu.memory_space<semaphore_mem>>) src(%arg9 : memref<128x128xf32, #tpu.memory_space<vmem>>) dst(%dma_wait3A_203 : memref<10112x128xf32, #tpu.memory_space<vmem_shared>>)
      %dma_wait3A_204 = arith.constant 0 : i32
      %dma_wait3A_205 = tpu.memref_slice %arg8[%add3A_143, %dma_wait3A_204] : memref<16x128xi32, #tpu.memory_space<vmem>> -> memref<1x128xi32, #tpu.memory_space<vmem>>
      %dma_wait3A_206 = tpu.memref_squeeze %dma_wait3A_205 : memref<1x128xi32, #tpu.memory_space<vmem>> -> memref<128xi32, #tpu.memory_space<vmem>>
      %dma_wait3A_207 = arith.constant 0 : i32
      %dma_wait3A_208 = arith.constant 0 : i32
      %dma_wait3A_209 = tpu.memref_slice %arg10[%dma_wait3A_207, %dma_wait3A_208] : memref<10112x128xf32, #tpu.memory_space<vmem_shared>> -> memref<10112x128xf32, #tpu.memory_space<vmem_shared>>
      tpu.wait_indirect_dma semaphore(%arg12 : memref<!tpu.dma_semaphore, #tpu.memory_space<semaphore_mem>>) src(%arg9 : memref<128x128xf32, #tpu.memory_space<vmem>>) dst(%dma_wait3A_209 : memref<10112x128xf32, #tpu.memory_space<vmem_shared>>)
      %dma_wait3A_210 = arith.constant 0 : i32
      %dma_wait3A_211 = tpu.memref_slice %arg8[%add3A_151, %dma_wait3A_210] : memref<16x128xi32, #tpu.memory_space<vmem>> -> memref<1x128xi32, #tpu.memory_space<vmem>>
      %dma_wait3A_212 = tpu.memref_squeeze %dma_wait3A_211 : memref<1x128xi32, #tpu.memory_space<vmem>> -> memref<128xi32, #tpu.memory_space<vmem>>
      %dma_wait3A_213 = arith.constant 0 : i32
      %dma_wait3A_214 = arith.constant 0 : i32
      %dma_wait3A_215 = tpu.memref_slice %arg10[%dma_wait3A_213, %dma_wait3A_214] : memref<10112x128xf32, #tpu.memory_space<vmem_shared>> -> memref<10112x128xf32, #tpu.memory_space<vmem_shared>>
      tpu.wait_indirect_dma semaphore(%arg12 : memref<!tpu.dma_semaphore, #tpu.memory_space<semaphore_mem>>) src(%arg9 : memref<128x128xf32, #tpu.memory_space<vmem>>) dst(%dma_wait3A_215 : memref<10112x128xf32, #tpu.memory_space<vmem_shared>>)
      %dma_wait3A_216 = arith.constant 0 : i32
      %dma_wait3A_217 = tpu.memref_slice %arg8[%add3A_159, %dma_wait3A_216] : memref<16x128xi32, #tpu.memory_space<vmem>> -> memref<1x128xi32, #tpu.memory_space<vmem>>
      %dma_wait3A_218 = tpu.memref_squeeze %dma_wait3A_217 : memref<1x128xi32, #tpu.memory_space<vmem>> -> memref<128xi32, #tpu.memory_space<vmem>>
      %dma_wait3A_219 = arith.constant 0 : i32
      %dma_wait3A_220 = arith.constant 0 : i32
      %dma_wait3A_221 = tpu.memref_slice %arg10[%dma_wait3A_219, %dma_wait3A_220] : memref<10112x128xf32, #tpu.memory_space<vmem_shared>> -> memref<10112x128xf32, #tpu.memory_space<vmem_shared>>
      tpu.wait_indirect_dma semaphore(%arg12 : memref<!tpu.dma_semaphore, #tpu.memory_space<semaphore_mem>>) src(%arg9 : memref<128x128xf32, #tpu.memory_space<vmem>>) dst(%dma_wait3A_221 : memref<10112x128xf32, #tpu.memory_space<vmem_shared>>)
      %dma_wait3A_222 = arith.constant 0 : i32
      %dma_wait3A_223 = tpu.memref_slice %arg8[%add3A_167, %dma_wait3A_222] : memref<16x128xi32, #tpu.memory_space<vmem>> -> memref<1x128xi32, #tpu.memory_space<vmem>>
      %dma_wait3A_224 = tpu.memref_squeeze %dma_wait3A_223 : memref<1x128xi32, #tpu.memory_space<vmem>> -> memref<128xi32, #tpu.memory_space<vmem>>
      %dma_wait3A_225 = arith.constant 0 : i32
      %dma_wait3A_226 = arith.constant 0 : i32
      %dma_wait3A_227 = tpu.memref_slice %arg10[%dma_wait3A_225, %dma_wait3A_226] : memref<10112x128xf32, #tpu.memory_space<vmem_shared>> -> memref<10112x128xf32, #tpu.memory_space<vmem_shared>>
      tpu.wait_indirect_dma semaphore(%arg12 : memref<!tpu.dma_semaphore, #tpu.memory_space<semaphore_mem>>) src(%arg9 : memref<128x128xf32, #tpu.memory_space<vmem>>) dst(%dma_wait3A_227 : memref<10112x128xf32, #tpu.memory_space<vmem_shared>>)
      %dma_wait3A_228 = arith.constant 0 : i32
      %dma_wait3A_229 = tpu.memref_slice %arg8[%add3A_175, %dma_wait3A_228] : memref<16x128xi32, #tpu.memory_space<vmem>> -> memref<1x128xi32, #tpu.memory_space<vmem>>
      %dma_wait3A_230 = tpu.memref_squeeze %dma_wait3A_229 : memref<1x128xi32, #tpu.memory_space<vmem>> -> memref<128xi32, #tpu.memory_space<vmem>>
      %dma_wait3A_231 = arith.constant 0 : i32
      %dma_wait3A_232 = arith.constant 0 : i32
      %dma_wait3A_233 = tpu.memref_slice %arg10[%dma_wait3A_231, %dma_wait3A_232] : memref<10112x128xf32, #tpu.memory_space<vmem_shared>> -> memref<10112x128xf32, #tpu.memory_space<vmem_shared>>
      tpu.wait_indirect_dma semaphore(%arg12 : memref<!tpu.dma_semaphore, #tpu.memory_space<semaphore_mem>>) src(%arg9 : memref<128x128xf32, #tpu.memory_space<vmem>>) dst(%dma_wait3A_233 : memref<10112x128xf32, #tpu.memory_space<vmem_shared>>)
      %dma_wait3A_234 = arith.constant 0 : i32
      %dma_wait3A_235 = tpu.memref_slice %arg8[%add3A_183, %dma_wait3A_234] : memref<16x128xi32, #tpu.memory_space<vmem>> -> memref<1x128xi32, #tpu.memory_space<vmem>>
      %dma_wait3A_236 = tpu.memref_squeeze %dma_wait3A_235 : memref<1x128xi32, #tpu.memory_space<vmem>> -> memref<128xi32, #tpu.memory_space<vmem>>
      %dma_wait3A_237 = arith.constant 0 : i32
      %dma_wait3A_238 = arith.constant 0 : i32
      %dma_wait3A_239 = tpu.memref_slice %arg10[%dma_wait3A_237, %dma_wait3A_238] : memref<10112x128xf32, #tpu.memory_space<vmem_shared>> -> memref<10112x128xf32, #tpu.memory_space<vmem_shared>>
      tpu.wait_indirect_dma semaphore(%arg12 : memref<!tpu.dma_semaphore, #tpu.memory_space<semaphore_mem>>) src(%arg9 : memref<128x128xf32, #tpu.memory_space<vmem>>) dst(%dma_wait3A_239 : memref<10112x128xf32, #tpu.memory_space<vmem_shared>>)
      %dma_wait3A_240 = arith.constant 0 : i32
      %dma_wait3A_241 = tpu.memref_slice %arg8[%add3A_191, %dma_wait3A_240] : memref<16x128xi32, #tpu.memory_space<vmem>> -> memref<1x128xi32, #tpu.memory_space<vmem>>
      %dma_wait3A_242 = tpu.memref_squeeze %dma_wait3A_241 : memref<1x128xi32, #tpu.memory_space<vmem>> -> memref<128xi32, #tpu.memory_space<vmem>>
      %dma_wait3A_243 = arith.constant 0 : i32
      %dma_wait3A_244 = arith.constant 0 : i32
      %dma_wait3A_245 = tpu.memref_slice %arg10[%dma_wait3A_243, %dma_wait3A_244] : memref<10112x128xf32, #tpu.memory_space<vmem_shared>> -> memref<10112x128xf32, #tpu.memory_space<vmem_shared>>
      tpu.wait_indirect_dma semaphore(%arg12 : memref<!tpu.dma_semaphore, #tpu.memory_space<semaphore_mem>>) src(%arg9 : memref<128x128xf32, #tpu.memory_space<vmem>>) dst(%dma_wait3A_245 : memref<10112x128xf32, #tpu.memory_space<vmem_shared>>)
    }
    %scan3A_7 = arith.constant 5 : i32
    %scan3A_8 = arith.constant 0 : i32
    %scan3A_9 = arith.constant 0 : i32
    %mul3A_10 = arith.constant 16 : i32
    %mul3A_11 = arith.muli %scan3A_9, %mul3A_10 : i32
    "tpu.region"() ({
      %run_scoped3A = tpu.sem_alloc : memref<!tpu.dma_semaphore, #tpu.memory_space<semaphore_mem>>
      %dma_start3A_131 = arith.constant 0 : i32
      %dma_start3A_132 = tpu.memref_slice %arg3[%arg1, %mul3A_11, %dma_start3A_131] : memref<16x16x128xi32, #tpu.memory_space<hbm>> -> memref<1x16x128xi32, #tpu.memory_space<hbm>>
      %dma_start3A_133 = tpu.memref_squeeze %dma_start3A_132 : memref<1x16x128xi32, #tpu.memory_space<hbm>> -> memref<16x128xi32, #tpu.memory_space<hbm>>
      %dma_start3A_134 = arith.constant 0 : i32
      %dma_start3A_135 = tpu.memref_slice %arg3[%arg1, %mul3A_11, %dma_start3A_134] : memref<16x16x128xi32, #tpu.memory_space<hbm>> -> memref<1x16x128xi32, #tpu.memory_space<hbm>>
      %dma_start3A_136 = tpu.memref_squeeze %dma_start3A_135 : memref<1x16x128xi32, #tpu.memory_space<hbm>> -> memref<16x128xi32, #tpu.memory_space<hbm>>
      tpu.enqueue_dma source(%dma_start3A_136 : memref<16x128xi32, #tpu.memory_space<hbm>>) target(%arg8 : memref<16x128xi32, #tpu.memory_space<vmem>>) target_semaphore(%run_scoped3A : memref<!tpu.dma_semaphore, #tpu.memory_space<semaphore_mem>>)
      %dma_wait3A_137 = arith.constant 0 : i32
      %dma_wait3A_138 = tpu.memref_slice %arg3[%arg1, %mul3A_11, %dma_wait3A_137] : memref<16x16x128xi32, #tpu.memory_space<hbm>> -> memref<1x16x128xi32, #tpu.memory_space<hbm>>
      %dma_wait3A_139 = tpu.memref_squeeze %dma_wait3A_138 : memref<1x16x128xi32, #tpu.memory_space<hbm>> -> memref<16x128xi32, #tpu.memory_space<hbm>>
      %dma_wait3A_140 = arith.constant 0 : i32
      %dma_wait3A_141 = tpu.memref_slice %arg3[%arg1, %mul3A_11, %dma_wait3A_140] : memref<16x16x128xi32, #tpu.memory_space<hbm>> -> memref<1x16x128xi32, #tpu.memory_space<hbm>>
      %dma_wait3A_142 = tpu.memref_squeeze %dma_wait3A_141 : memref<1x16x128xi32, #tpu.memory_space<hbm>> -> memref<16x128xi32, #tpu.memory_space<hbm>>
      tpu.wait_dma2 semaphore(%run_scoped3A : memref<!tpu.dma_semaphore, #tpu.memory_space<semaphore_mem>>) src(%dma_wait3A_142 : memref<16x128xi32, #tpu.memory_space<hbm>>) dst(%arg8 : memref<16x128xi32, #tpu.memory_space<vmem>>)
      tpu.yield
    }) : () -> ()
    %add3A = arith.constant 0 : i32
    %add3A_12 = arith.addi %add3A, %arg0 : i32
    %dma_start3A = arith.constant 0 : i32
    %dma_start3A_13 = tpu.memref_slice %arg8[%add3A_12, %dma_start3A] : memref<16x128xi32, #tpu.memory_space<vmem>> -> memref<1x128xi32, #tpu.memory_space<vmem>>
    %dma_start3A_14 = tpu.memref_squeeze %dma_start3A_13 : memref<1x128xi32, #tpu.memory_space<vmem>> -> memref<128xi32, #tpu.memory_space<vmem>>
    %dma_start3A_15 = arith.constant 0 : i32
    %dma_start3A_16 = arith.constant 0 : i32
    %dma_start3A_17 = tpu.memref_slice %arg11[%dma_start3A_15, %dma_start3A_16] : memref<2048x128xf32, #tpu.memory_space<vmem_shared>> -> memref<2048x128xf32, #tpu.memory_space<vmem_shared>>
    tpu.enqueue_indirect_dma source(%arg9 : memref<128x128xf32, #tpu.memory_space<vmem>>) target(%dma_start3A_17 : memref<2048x128xf32, #tpu.memory_space<vmem_shared>>) offsets(%dma_start3A_14 : memref<128xi32, #tpu.memory_space<vmem>>) semaphore(%arg12 : memref<!tpu.dma_semaphore, #tpu.memory_space<semaphore_mem>>) {add = true}
    %add3A_18 = arith.constant 2 : i32
    %add3A_19 = arith.addi %add3A_18, %arg0 : i32
    %dma_start3A_20 = arith.constant 0 : i32
    %dma_start3A_21 = tpu.memref_slice %arg8[%add3A_19, %dma_start3A_20] : memref<16x128xi32, #tpu.memory_space<vmem>> -> memref<1x128xi32, #tpu.memory_space<vmem>>
    %dma_start3A_22 = tpu.memref_squeeze %dma_start3A_21 : memref<1x128xi32, #tpu.memory_space<vmem>> -> memref<128xi32, #tpu.memory_space<vmem>>
    %dma_start3A_23 = arith.constant 0 : i32
    %dma_start3A_24 = arith.constant 0 : i32
    %dma_start3A_25 = tpu.memref_slice %arg11[%dma_start3A_23, %dma_start3A_24] : memref<2048x128xf32, #tpu.memory_space<vmem_shared>> -> memref<2048x128xf32, #tpu.memory_space<vmem_shared>>
    tpu.enqueue_indirect_dma source(%arg9 : memref<128x128xf32, #tpu.memory_space<vmem>>) target(%dma_start3A_25 : memref<2048x128xf32, #tpu.memory_space<vmem_shared>>) offsets(%dma_start3A_22 : memref<128xi32, #tpu.memory_space<vmem>>) semaphore(%arg12 : memref<!tpu.dma_semaphore, #tpu.memory_space<semaphore_mem>>) {add = true}
    %add3A_26 = arith.constant 4 : i32
    %add3A_27 = arith.addi %add3A_26, %arg0 : i32
    %dma_start3A_28 = arith.constant 0 : i32
    %dma_start3A_29 = tpu.memref_slice %arg8[%add3A_27, %dma_start3A_28] : memref<16x128xi32, #tpu.memory_space<vmem>> -> memref<1x128xi32, #tpu.memory_space<vmem>>
    %dma_start3A_30 = tpu.memref_squeeze %dma_start3A_29 : memref<1x128xi32, #tpu.memory_space<vmem>> -> memref<128xi32, #tpu.memory_space<vmem>>
    %dma_start3A_31 = arith.constant 0 : i32
    %dma_start3A_32 = arith.constant 0 : i32
    %dma_start3A_33 = tpu.memref_slice %arg11[%dma_start3A_31, %dma_start3A_32] : memref<2048x128xf32, #tpu.memory_space<vmem_shared>> -> memref<2048x128xf32, #tpu.memory_space<vmem_shared>>
    tpu.enqueue_indirect_dma source(%arg9 : memref<128x128xf32, #tpu.memory_space<vmem>>) target(%dma_start3A_33 : memref<2048x128xf32, #tpu.memory_space<vmem_shared>>) offsets(%dma_start3A_30 : memref<128xi32, #tpu.memory_space<vmem>>) semaphore(%arg12 : memref<!tpu.dma_semaphore, #tpu.memory_space<semaphore_mem>>) {add = true}
    %add3A_34 = arith.constant 6 : i32
    %add3A_35 = arith.addi %add3A_34, %arg0 : i32
    %dma_start3A_36 = arith.constant 0 : i32
    %dma_start3A_37 = tpu.memref_slice %arg8[%add3A_35, %dma_start3A_36] : memref<16x128xi32, #tpu.memory_space<vmem>> -> memref<1x128xi32, #tpu.memory_space<vmem>>
    %dma_start3A_38 = tpu.memref_squeeze %dma_start3A_37 : memref<1x128xi32, #tpu.memory_space<vmem>> -> memref<128xi32, #tpu.memory_space<vmem>>
    %dma_start3A_39 = arith.constant 0 : i32
    %dma_start3A_40 = arith.constant 0 : i32
    %dma_start3A_41 = tpu.memref_slice %arg11[%dma_start3A_39, %dma_start3A_40] : memref<2048x128xf32, #tpu.memory_space<vmem_shared>> -> memref<2048x128xf32, #tpu.memory_space<vmem_shared>>
    tpu.enqueue_indirect_dma source(%arg9 : memref<128x128xf32, #tpu.memory_space<vmem>>) target(%dma_start3A_41 : memref<2048x128xf32, #tpu.memory_space<vmem_shared>>) offsets(%dma_start3A_38 : memref<128xi32, #tpu.memory_space<vmem>>) semaphore(%arg12 : memref<!tpu.dma_semaphore, #tpu.memory_space<semaphore_mem>>) {add = true}
    %add3A_42 = arith.constant 8 : i32
    %add3A_43 = arith.addi %add3A_42, %arg0 : i32
    %dma_start3A_44 = arith.constant 0 : i32
    %dma_start3A_45 = tpu.memref_slice %arg8[%add3A_43, %dma_start3A_44] : memref<16x128xi32, #tpu.memory_space<vmem>> -> memref<1x128xi32, #tpu.memory_space<vmem>>
    %dma_start3A_46 = tpu.memref_squeeze %dma_start3A_45 : memref<1x128xi32, #tpu.memory_space<vmem>> -> memref<128xi32, #tpu.memory_space<vmem>>
    %dma_start3A_47 = arith.constant 0 : i32
    %dma_start3A_48 = arith.constant 0 : i32
    %dma_start3A_49 = tpu.memref_slice %arg11[%dma_start3A_47, %dma_start3A_48] : memref<2048x128xf32, #tpu.memory_space<vmem_shared>> -> memref<2048x128xf32, #tpu.memory_space<vmem_shared>>
    tpu.enqueue_indirect_dma source(%arg9 : memref<128x128xf32, #tpu.memory_space<vmem>>) target(%dma_start3A_49 : memref<2048x128xf32, #tpu.memory_space<vmem_shared>>) offsets(%dma_start3A_46 : memref<128xi32, #tpu.memory_space<vmem>>) semaphore(%arg12 : memref<!tpu.dma_semaphore, #tpu.memory_space<semaphore_mem>>) {add = true}
    %add3A_50 = arith.constant 10 : i32
    %add3A_51 = arith.addi %add3A_50, %arg0 : i32
    %dma_start3A_52 = arith.constant 0 : i32
    %dma_start3A_53 = tpu.memref_slice %arg8[%add3A_51, %dma_start3A_52] : memref<16x128xi32, #tpu.memory_space<vmem>> -> memref<1x128xi32, #tpu.memory_space<vmem>>
    %dma_start3A_54 = tpu.memref_squeeze %dma_start3A_53 : memref<1x128xi32, #tpu.memory_space<vmem>> -> memref<128xi32, #tpu.memory_space<vmem>>
    %dma_start3A_55 = arith.constant 0 : i32
    %dma_start3A_56 = arith.constant 0 : i32
    %dma_start3A_57 = tpu.memref_slice %arg11[%dma_start3A_55, %dma_start3A_56] : memref<2048x128xf32, #tpu.memory_space<vmem_shared>> -> memref<2048x128xf32, #tpu.memory_space<vmem_shared>>
    tpu.enqueue_indirect_dma source(%arg9 : memref<128x128xf32, #tpu.memory_space<vmem>>) target(%dma_start3A_57 : memref<2048x128xf32, #tpu.memory_space<vmem_shared>>) offsets(%dma_start3A_54 : memref<128xi32, #tpu.memory_space<vmem>>) semaphore(%arg12 : memref<!tpu.dma_semaphore, #tpu.memory_space<semaphore_mem>>) {add = true}
    %add3A_58 = arith.constant 12 : i32
    %add3A_59 = arith.addi %add3A_58, %arg0 : i32
    %dma_start3A_60 = arith.constant 0 : i32
    %dma_start3A_61 = tpu.memref_slice %arg8[%add3A_59, %dma_start3A_60] : memref<16x128xi32, #tpu.memory_space<vmem>> -> memref<1x128xi32, #tpu.memory_space<vmem>>
    %dma_start3A_62 = tpu.memref_squeeze %dma_start3A_61 : memref<1x128xi32, #tpu.memory_space<vmem>> -> memref<128xi32, #tpu.memory_space<vmem>>
    %dma_start3A_63 = arith.constant 0 : i32
    %dma_start3A_64 = arith.constant 0 : i32
    %dma_start3A_65 = tpu.memref_slice %arg11[%dma_start3A_63, %dma_start3A_64] : memref<2048x128xf32, #tpu.memory_space<vmem_shared>> -> memref<2048x128xf32, #tpu.memory_space<vmem_shared>>
    tpu.enqueue_indirect_dma source(%arg9 : memref<128x128xf32, #tpu.memory_space<vmem>>) target(%dma_start3A_65 : memref<2048x128xf32, #tpu.memory_space<vmem_shared>>) offsets(%dma_start3A_62 : memref<128xi32, #tpu.memory_space<vmem>>) semaphore(%arg12 : memref<!tpu.dma_semaphore, #tpu.memory_space<semaphore_mem>>) {add = true}
    %add3A_66 = arith.constant 14 : i32
    %add3A_67 = arith.addi %add3A_66, %arg0 : i32
    %dma_start3A_68 = arith.constant 0 : i32
    %dma_start3A_69 = tpu.memref_slice %arg8[%add3A_67, %dma_start3A_68] : memref<16x128xi32, #tpu.memory_space<vmem>> -> memref<1x128xi32, #tpu.memory_space<vmem>>
    %dma_start3A_70 = tpu.memref_squeeze %dma_start3A_69 : memref<1x128xi32, #tpu.memory_space<vmem>> -> memref<128xi32, #tpu.memory_space<vmem>>
    %dma_start3A_71 = arith.constant 0 : i32
    %dma_start3A_72 = arith.constant 0 : i32
    %dma_start3A_73 = tpu.memref_slice %arg11[%dma_start3A_71, %dma_start3A_72] : memref<2048x128xf32, #tpu.memory_space<vmem_shared>> -> memref<2048x128xf32, #tpu.memory_space<vmem_shared>>
    tpu.enqueue_indirect_dma source(%arg9 : memref<128x128xf32, #tpu.memory_space<vmem>>) target(%dma_start3A_73 : memref<2048x128xf32, #tpu.memory_space<vmem_shared>>) offsets(%dma_start3A_70 : memref<128xi32, #tpu.memory_space<vmem>>) semaphore(%arg12 : memref<!tpu.dma_semaphore, #tpu.memory_space<semaphore_mem>>) {add = true}
    %dma_wait3A = arith.constant 0 : i32
    %dma_wait3A_74 = tpu.memref_slice %arg8[%add3A_12, %dma_wait3A] : memref<16x128xi32, #tpu.memory_space<vmem>> -> memref<1x128xi32, #tpu.memory_space<vmem>>
    %dma_wait3A_75 = tpu.memref_squeeze %dma_wait3A_74 : memref<1x128xi32, #tpu.memory_space<vmem>> -> memref<128xi32, #tpu.memory_space<vmem>>
    %dma_wait3A_76 = arith.constant 0 : i32
    %dma_wait3A_77 = arith.constant 0 : i32
    %dma_wait3A_78 = tpu.memref_slice %arg11[%dma_wait3A_76, %dma_wait3A_77] : memref<2048x128xf32, #tpu.memory_space<vmem_shared>> -> memref<2048x128xf32, #tpu.memory_space<vmem_shared>>
    tpu.wait_indirect_dma semaphore(%arg12 : memref<!tpu.dma_semaphore, #tpu.memory_space<semaphore_mem>>) src(%arg9 : memref<128x128xf32, #tpu.memory_space<vmem>>) dst(%dma_wait3A_78 : memref<2048x128xf32, #tpu.memory_space<vmem_shared>>)
    %dma_wait3A_79 = arith.constant 0 : i32
    %dma_wait3A_80 = tpu.memref_slice %arg8[%add3A_19, %dma_wait3A_79] : memref<16x128xi32, #tpu.memory_space<vmem>> -> memref<1x128xi32, #tpu.memory_space<vmem>>
    %dma_wait3A_81 = tpu.memref_squeeze %dma_wait3A_80 : memref<1x128xi32, #tpu.memory_space<vmem>> -> memref<128xi32, #tpu.memory_space<vmem>>
    %dma_wait3A_82 = arith.constant 0 : i32
    %dma_wait3A_83 = arith.constant 0 : i32
    %dma_wait3A_84 = tpu.memref_slice %arg11[%dma_wait3A_82, %dma_wait3A_83] : memref<2048x128xf32, #tpu.memory_space<vmem_shared>> -> memref<2048x128xf32, #tpu.memory_space<vmem_shared>>
    tpu.wait_indirect_dma semaphore(%arg12 : memref<!tpu.dma_semaphore, #tpu.memory_space<semaphore_mem>>) src(%arg9 : memref<128x128xf32, #tpu.memory_space<vmem>>) dst(%dma_wait3A_84 : memref<2048x128xf32, #tpu.memory_space<vmem_shared>>)
    %dma_wait3A_85 = arith.constant 0 : i32
    %dma_wait3A_86 = tpu.memref_slice %arg8[%add3A_27, %dma_wait3A_85] : memref<16x128xi32, #tpu.memory_space<vmem>> -> memref<1x128xi32, #tpu.memory_space<vmem>>
    %dma_wait3A_87 = tpu.memref_squeeze %dma_wait3A_86 : memref<1x128xi32, #tpu.memory_space<vmem>> -> memref<128xi32, #tpu.memory_space<vmem>>
    %dma_wait3A_88 = arith.constant 0 : i32
    %dma_wait3A_89 = arith.constant 0 : i32
    %dma_wait3A_90 = tpu.memref_slice %arg11[%dma_wait3A_88, %dma_wait3A_89] : memref<2048x128xf32, #tpu.memory_space<vmem_shared>> -> memref<2048x128xf32, #tpu.memory_space<vmem_shared>>
    tpu.wait_indirect_dma semaphore(%arg12 : memref<!tpu.dma_semaphore, #tpu.memory_space<semaphore_mem>>) src(%arg9 : memref<128x128xf32, #tpu.memory_space<vmem>>) dst(%dma_wait3A_90 : memref<2048x128xf32, #tpu.memory_space<vmem_shared>>)
    %dma_wait3A_91 = arith.constant 0 : i32
    %dma_wait3A_92 = tpu.memref_slice %arg8[%add3A_35, %dma_wait3A_91] : memref<16x128xi32, #tpu.memory_space<vmem>> -> memref<1x128xi32, #tpu.memory_space<vmem>>
    %dma_wait3A_93 = tpu.memref_squeeze %dma_wait3A_92 : memref<1x128xi32, #tpu.memory_space<vmem>> -> memref<128xi32, #tpu.memory_space<vmem>>
    %dma_wait3A_94 = arith.constant 0 : i32
    %dma_wait3A_95 = arith.constant 0 : i32
    %dma_wait3A_96 = tpu.memref_slice %arg11[%dma_wait3A_94, %dma_wait3A_95] : memref<2048x128xf32, #tpu.memory_space<vmem_shared>> -> memref<2048x128xf32, #tpu.memory_space<vmem_shared>>
    tpu.wait_indirect_dma semaphore(%arg12 : memref<!tpu.dma_semaphore, #tpu.memory_space<semaphore_mem>>) src(%arg9 : memref<128x128xf32, #tpu.memory_space<vmem>>) dst(%dma_wait3A_96 : memref<2048x128xf32, #tpu.memory_space<vmem_shared>>)
    %dma_wait3A_97 = arith.constant 0 : i32
    %dma_wait3A_98 = tpu.memref_slice %arg8[%add3A_43, %dma_wait3A_97] : memref<16x128xi32, #tpu.memory_space<vmem>> -> memref<1x128xi32, #tpu.memory_space<vmem>>
    %dma_wait3A_99 = tpu.memref_squeeze %dma_wait3A_98 : memref<1x128xi32, #tpu.memory_space<vmem>> -> memref<128xi32, #tpu.memory_space<vmem>>
    %dma_wait3A_100 = arith.constant 0 : i32
    %dma_wait3A_101 = arith.constant 0 : i32
    %dma_wait3A_102 = tpu.memref_slice %arg11[%dma_wait3A_100, %dma_wait3A_101] : memref<2048x128xf32, #tpu.memory_space<vmem_shared>> -> memref<2048x128xf32, #tpu.memory_space<vmem_shared>>
    tpu.wait_indirect_dma semaphore(%arg12 : memref<!tpu.dma_semaphore, #tpu.memory_space<semaphore_mem>>) src(%arg9 : memref<128x128xf32, #tpu.memory_space<vmem>>) dst(%dma_wait3A_102 : memref<2048x128xf32, #tpu.memory_space<vmem_shared>>)
    %dma_wait3A_103 = arith.constant 0 : i32
    %dma_wait3A_104 = tpu.memref_slice %arg8[%add3A_51, %dma_wait3A_103] : memref<16x128xi32, #tpu.memory_space<vmem>> -> memref<1x128xi32, #tpu.memory_space<vmem>>
    %dma_wait3A_105 = tpu.memref_squeeze %dma_wait3A_104 : memref<1x128xi32, #tpu.memory_space<vmem>> -> memref<128xi32, #tpu.memory_space<vmem>>
    %dma_wait3A_106 = arith.constant 0 : i32
    %dma_wait3A_107 = arith.constant 0 : i32
    %dma_wait3A_108 = tpu.memref_slice %arg11[%dma_wait3A_106, %dma_wait3A_107] : memref<2048x128xf32, #tpu.memory_space<vmem_shared>> -> memref<2048x128xf32, #tpu.memory_space<vmem_shared>>
    tpu.wait_indirect_dma semaphore(%arg12 : memref<!tpu.dma_semaphore, #tpu.memory_space<semaphore_mem>>) src(%arg9 : memref<128x128xf32, #tpu.memory_space<vmem>>) dst(%dma_wait3A_108 : memref<2048x128xf32, #tpu.memory_space<vmem_shared>>)
    %dma_wait3A_109 = arith.constant 0 : i32
    %dma_wait3A_110 = tpu.memref_slice %arg8[%add3A_59, %dma_wait3A_109] : memref<16x128xi32, #tpu.memory_space<vmem>> -> memref<1x128xi32, #tpu.memory_space<vmem>>
    %dma_wait3A_111 = tpu.memref_squeeze %dma_wait3A_110 : memref<1x128xi32, #tpu.memory_space<vmem>> -> memref<128xi32, #tpu.memory_space<vmem>>
    %dma_wait3A_112 = arith.constant 0 : i32
    %dma_wait3A_113 = arith.constant 0 : i32
    %dma_wait3A_114 = tpu.memref_slice %arg11[%dma_wait3A_112, %dma_wait3A_113] : memref<2048x128xf32, #tpu.memory_space<vmem_shared>> -> memref<2048x128xf32, #tpu.memory_space<vmem_shared>>
    tpu.wait_indirect_dma semaphore(%arg12 : memref<!tpu.dma_semaphore, #tpu.memory_space<semaphore_mem>>) src(%arg9 : memref<128x128xf32, #tpu.memory_space<vmem>>) dst(%dma_wait3A_114 : memref<2048x128xf32, #tpu.memory_space<vmem_shared>>)
    %dma_wait3A_115 = arith.constant 0 : i32
    %dma_wait3A_116 = tpu.memref_slice %arg8[%add3A_67, %dma_wait3A_115] : memref<16x128xi32, #tpu.memory_space<vmem>> -> memref<1x128xi32, #tpu.memory_space<vmem>>
    %dma_wait3A_117 = tpu.memref_squeeze %dma_wait3A_116 : memref<1x128xi32, #tpu.memory_space<vmem>> -> memref<128xi32, #tpu.memory_space<vmem>>
    %dma_wait3A_118 = arith.constant 0 : i32
    %dma_wait3A_119 = arith.constant 0 : i32
    %dma_wait3A_120 = tpu.memref_slice %arg11[%dma_wait3A_118, %dma_wait3A_119] : memref<2048x128xf32, #tpu.memory_space<vmem_shared>> -> memref<2048x128xf32, #tpu.memory_space<vmem_shared>>
    tpu.wait_indirect_dma semaphore(%arg12 : memref<!tpu.dma_semaphore, #tpu.memory_space<semaphore_mem>>) src(%arg9 : memref<128x128xf32, #tpu.memory_space<vmem>>) dst(%dma_wait3A_120 : memref<2048x128xf32, #tpu.memory_space<vmem_shared>>)
    %scan3A_121 = arith.constant 1 : i32
    %barrier3A_122 = arith.constant 0 : index
    tpu.barrier barrier_id(%barrier3A_122)
    %mul3A_123 = arith.constant 632 : i32
    %mul3A_124 = arith.muli %arg1, %mul3A_123 : i32
    %mul3A_125 = arith.constant 632 : i32
    %mul3A_126 = arith.muli %arg1, %mul3A_125 : i32
    "tpu.region"() ({
      %run_scoped3A = tpu.sem_alloc : memref<!tpu.dma_semaphore, #tpu.memory_space<semaphore_mem>>
      %dma_start3A_131 = arith.constant 0 : i32
      %dma_start3A_132 = tpu.memref_slice %arg6[%arg0, %mul3A_126, %dma_start3A_131] : memref<2x10112x128xf32, #tpu.memory_space<hbm>> -> memref<1x632x128xf32, #tpu.memory_space<hbm>>
      %dma_start3A_133 = tpu.memref_squeeze %dma_start3A_132 : memref<1x632x128xf32, #tpu.memory_space<hbm>> -> memref<632x128xf32, #tpu.memory_space<hbm>>
      %dma_start3A_134 = arith.constant 0 : i32
      %dma_start3A_135 = tpu.memref_slice %arg10[%mul3A_124, %dma_start3A_134] : memref<10112x128xf32, #tpu.memory_space<vmem_shared>> -> memref<632x128xf32, #tpu.memory_space<vmem_shared>>
      tpu.enqueue_dma source(%dma_start3A_135 : memref<632x128xf32, #tpu.memory_space<vmem_shared>>) target(%dma_start3A_133 : memref<632x128xf32, #tpu.memory_space<hbm>>) target_semaphore(%run_scoped3A : memref<!tpu.dma_semaphore, #tpu.memory_space<semaphore_mem>>)
      %dma_wait3A_136 = arith.constant 0 : i32
      %dma_wait3A_137 = tpu.memref_slice %arg6[%arg0, %mul3A_126, %dma_wait3A_136] : memref<2x10112x128xf32, #tpu.memory_space<hbm>> -> memref<1x632x128xf32, #tpu.memory_space<hbm>>
      %dma_wait3A_138 = tpu.memref_squeeze %dma_wait3A_137 : memref<1x632x128xf32, #tpu.memory_space<hbm>> -> memref<632x128xf32, #tpu.memory_space<hbm>>
      %dma_wait3A_139 = arith.constant 0 : i32
      %dma_wait3A_140 = tpu.memref_slice %arg10[%mul3A_124, %dma_wait3A_139] : memref<10112x128xf32, #tpu.memory_space<vmem_shared>> -> memref<632x128xf32, #tpu.memory_space<vmem_shared>>
      tpu.wait_dma2 semaphore(%run_scoped3A : memref<!tpu.dma_semaphore, #tpu.memory_space<semaphore_mem>>) src(%dma_wait3A_140 : memref<632x128xf32, #tpu.memory_space<vmem_shared>>) dst(%dma_wait3A_138 : memref<632x128xf32, #tpu.memory_space<hbm>>)
      tpu.yield
    }) : () -> ()
    %mul3A_127 = arith.constant 128 : i32
    %mul3A_128 = arith.muli %arg1, %mul3A_127 : i32
    %mul3A_129 = arith.constant 128 : i32
    %mul3A_130 = arith.muli %arg1, %mul3A_129 : i32
    "tpu.region"() ({
      %run_scoped3A = tpu.sem_alloc : memref<!tpu.dma_semaphore, #tpu.memory_space<semaphore_mem>>
      %dma_start3A_131 = arith.constant 0 : i32
      %dma_start3A_132 = tpu.memref_slice %arg7[%arg0, %mul3A_130, %dma_start3A_131] : memref<2x2048x128xf32, #tpu.memory_space<hbm>> -> memref<1x128x128xf32, #tpu.memory_space<hbm>>
      %dma_start3A_133 = tpu.memref_squeeze %dma_start3A_132 : memref<1x128x128xf32, #tpu.memory_space<hbm>> -> memref<128x128xf32, #tpu.memory_space<hbm>>
      %dma_start3A_134 = arith.constant 0 : i32
      %dma_start3A_135 = tpu.memref_slice %arg11[%mul3A_128, %dma_start3A_134] : memref<2048x128xf32, #tpu.memory_space<vmem_shared>> -> memref<128x128xf32, #tpu.memory_space<vmem_shared>>
      tpu.enqueue_dma source(%dma_start3A_135 : memref<128x128xf32, #tpu.memory_space<vmem_shared>>) target(%dma_start3A_133 : memref<128x128xf32, #tpu.memory_space<hbm>>) target_semaphore(%run_scoped3A : memref<!tpu.dma_semaphore, #tpu.memory_space<semaphore_mem>>)
      %dma_wait3A_136 = arith.constant 0 : i32
      %dma_wait3A_137 = tpu.memref_slice %arg7[%arg0, %mul3A_130, %dma_wait3A_136] : memref<2x2048x128xf32, #tpu.memory_space<hbm>> -> memref<1x128x128xf32, #tpu.memory_space<hbm>>
      %dma_wait3A_138 = tpu.memref_squeeze %dma_wait3A_137 : memref<1x128x128xf32, #tpu.memory_space<hbm>> -> memref<128x128xf32, #tpu.memory_space<hbm>>
      %dma_wait3A_139 = arith.constant 0 : i32
      %dma_wait3A_140 = tpu.memref_slice %arg11[%mul3A_128, %dma_wait3A_139] : memref<2048x128xf32, #tpu.memory_space<vmem_shared>> -> memref<128x128xf32, #tpu.memory_space<vmem_shared>>
      tpu.wait_dma2 semaphore(%run_scoped3A : memref<!tpu.dma_semaphore, #tpu.memory_space<semaphore_mem>>) src(%dma_wait3A_140 : memref<128x128xf32, #tpu.memory_space<vmem_shared>>) dst(%dma_wait3A_138 : memref<128x128xf32, #tpu.memory_space<hbm>>)
      tpu.yield
    }) : () -> ()
    return
  }
}

module attributes {stable_mosaic.version = 14 : i64} {
  func.func @_l0_body(%arg0: i32, %arg1: memref<2x1000x128xf32, #tpu.memory_space<vmem>>, %arg2: memref<2x1000x128xf32, #tpu.memory_space<vmem>>, %arg3: memref<1000x256xf32, #tpu.memory_space<vmem>>, %arg4: memref<256x256xf32, #tpu.memory_space<vmem>>, %arg5: memref<256x256xf32, #tpu.memory_space<vmem>>, %arg6: memref<1x256xf32, #tpu.memory_space<vmem>>, %arg7: memref<1000x256xf32, #tpu.memory_space<vmem>>) attributes {dimension_semantics = [#tpu.dimension_semantics<arbitrary>], iteration_bounds = array<i64: 10>, scalar_prefetch = 0 : i64, scratch_operands = 0 : i64, tpu.core_type = #tpu.core_type<tc>, window_params = [{transform_indices = @transform_0, window_bounds = array<i64: 2, 1000, 128>}, {transform_indices = @transform_1, window_bounds = array<i64: 2, 1000, 128>}, {transform_indices = @transform_2, window_bounds = array<i64: 1000, 256>}, {pipeline_mode = #tpu.pipeline_mode<synchronous>, transform_indices = @transform_3, window_bounds = array<i64: 256, 256>}, {pipeline_mode = #tpu.pipeline_mode<synchronous>, transform_indices = @transform_4, window_bounds = array<i64: 256, 256>}, {pipeline_mode = #tpu.pipeline_mode<synchronous>, transform_indices = @transform_5, window_bounds = array<i64: 1, 256>}, {transform_indices = @transform_6, window_bounds = array<i64: 1000, 256>}]} {
    %get3A = arith.constant 0 : index
    %get3A_0 = arith.constant 0 : index
    %get3A_1 = arith.constant 0 : index
    %get3A_2 = vector.load %arg2[%get3A, %get3A_0, %get3A_1] : memref<2x1000x128xf32, #tpu.memory_space<vmem>>, vector<1x1000x1xf32>
    %get3A_3 = vector.shape_cast %get3A_2 : vector<1x1000x1xf32> to vector<1000x1xf32>
    %get3A_4 = arith.constant 1 : index
    %get3A_5 = arith.constant 0 : index
    %get3A_6 = arith.constant 0 : index
    %get3A_7 = vector.load %arg2[%get3A_4, %get3A_5, %get3A_6] : memref<2x1000x128xf32, #tpu.memory_space<vmem>>, vector<1x1000x1xf32>
    %get3A_8 = vector.shape_cast %get3A_7 : vector<1x1000x1xf32> to vector<1000x1xf32>
    %add3A = arith.addf %get3A_3, %get3A_8 : vector<1000x1xf32>
    %max3A = arith.constant 1.000000e+00 : f32
    %max3A_9 = vector.broadcast %max3A : f32 to vector<1000x1xf32>
    %max3A_10 = arith.maximumf %add3A, %max3A_9 : vector<1000x1xf32>
    %get3A_11 = arith.constant 0 : index
    %get3A_12 = arith.constant 0 : index
    %get3A_13 = arith.constant 0 : index
    %get3A_14 = vector.load %arg1[%get3A_11, %get3A_12, %get3A_13] : memref<2x1000x128xf32, #tpu.memory_space<vmem>>, vector<1x1000x128xf32>
    %get3A_15 = vector.shape_cast %get3A_14 : vector<1x1000x128xf32> to vector<1000x128xf32>
    %div3A = vector.broadcast %max3A_10 : vector<1000x1xf32> to vector<1000x128xf32>
    %div3A_16 = arith.divf %get3A_15, %div3A : vector<1000x128xf32>
    %get3A_17 = arith.constant 1 : index
    %get3A_18 = arith.constant 0 : index
    %get3A_19 = arith.constant 0 : index
    %get3A_20 = vector.load %arg1[%get3A_17, %get3A_18, %get3A_19] : memref<2x1000x128xf32, #tpu.memory_space<vmem>>, vector<1x1000x128xf32>
    %get3A_21 = vector.shape_cast %get3A_20 : vector<1x1000x128xf32> to vector<1000x128xf32>
    %div3A_22 = vector.broadcast %max3A_10 : vector<1000x1xf32> to vector<1000x128xf32>
    %div3A_23 = arith.divf %get3A_21, %div3A_22 : vector<1000x128xf32>
    %get3A_24 = arith.constant 0 : index
    %get3A_25 = arith.constant 0 : index
    %get3A_26 = vector.load %arg4[%get3A_24, %get3A_25] : memref<256x256xf32, #tpu.memory_space<vmem>>, vector<128x256xf32>
    %dot_general3A = arith.constant dense<0.000000e+00> : vector<1000x256xf32>
    %dot_general3A_27 = tpu.matmul %div3A_16, %get3A_26, %dot_general3A {dimension_numbers = #tpu.dot_dimension_numbers<[1], [0], [0], [1], [0, 0, 1, 1], [], []>, transpose_lhs_hint = false} : vector<1000x128xf32>, vector<128x256xf32>, vector<1000x256xf32> -> vector<1000x256xf32>
    %get3A_28 = arith.constant 128 : index
    %get3A_29 = arith.constant 0 : index
    %get3A_30 = vector.load %arg4[%get3A_28, %get3A_29] : memref<256x256xf32, #tpu.memory_space<vmem>>, vector<128x256xf32>
    %dot_general3A_31 = arith.constant dense<0.000000e+00> : vector<1000x256xf32>
    %dot_general3A_32 = tpu.matmul %div3A_23, %get3A_30, %dot_general3A_31 {dimension_numbers = #tpu.dot_dimension_numbers<[1], [0], [0], [1], [0, 0, 1, 1], [], []>, transpose_lhs_hint = false} : vector<1000x128xf32>, vector<128x256xf32>, vector<1000x256xf32> -> vector<1000x256xf32>
    %add3A_33 = arith.addf %dot_general3A_27, %dot_general3A_32 : vector<1000x256xf32>
    %get3A_34 = arith.constant 0 : index
    %get3A_35 = arith.constant 0 : index
    %get3A_36 = vector.load %arg3[%get3A_34, %get3A_35] : memref<1000x256xf32, #tpu.memory_space<vmem>>, vector<1000x256xf32>
    %get3A_37 = arith.constant 0 : index
    %get3A_38 = arith.constant 0 : index
    %get3A_39 = vector.load %arg5[%get3A_37, %get3A_38] : memref<256x256xf32, #tpu.memory_space<vmem>>, vector<256x256xf32>
    %dot_general3A_40 = arith.constant dense<0.000000e+00> : vector<1000x256xf32>
    %dot_general3A_41 = tpu.matmul %get3A_36, %get3A_39, %dot_general3A_40 {dimension_numbers = #tpu.dot_dimension_numbers<[1], [0], [0], [1], [0, 0, 1, 1], [], []>, transpose_lhs_hint = false} : vector<1000x256xf32>, vector<256x256xf32>, vector<1000x256xf32> -> vector<1000x256xf32>
    %add3A_42 = arith.addf %add3A_33, %dot_general3A_41 : vector<1000x256xf32>
    %get3A_43 = arith.constant 0 : index
    %get3A_44 = arith.constant 0 : index
    %get3A_45 = vector.load %arg6[%get3A_43, %get3A_44] : memref<1x256xf32, #tpu.memory_space<vmem>>, vector<1x256xf32>
    %add3A_46 = vector.broadcast %get3A_45 : vector<1x256xf32> to vector<1000x256xf32>
    %add3A_47 = arith.addf %add3A_42, %add3A_46 : vector<1000x256xf32>
    %max3A_48 = arith.constant 0.000000e+00 : f32
    %max3A_49 = vector.broadcast %max3A_48 : f32 to vector<1000x256xf32>
    %max3A_50 = arith.maximumf %add3A_47, %max3A_49 : vector<1000x256xf32>
    %swap3A = arith.constant 0 : index
    %swap3A_51 = arith.constant 0 : index
    %swap3A_52 = vector.load %arg7[%swap3A, %swap3A_51] : memref<1000x256xf32, #tpu.memory_space<vmem>>, vector<1000x256xf32>
    tpu.vector_store %arg7[%swap3A, %swap3A_51], %max3A_50 {strides = array<i32>} : memref<1000x256xf32, #tpu.memory_space<vmem>>, vector<1000x256xf32>,
    return
  }
  func.func @transform_0(%arg0: i32) -> (i32, i32, i32) {
    %c0_i32 = arith.constant 0 : i32
    %c0_i32_0 = arith.constant 0 : i32
    %c0_i32_1 = arith.constant 0 : i32
    return %c0_i32, %arg0, %c0_i32_0 : i32, i32, i32
  }
  func.func @transform_1(%arg0: i32) -> (i32, i32, i32) {
    %c0_i32 = arith.constant 0 : i32
    %c0_i32_0 = arith.constant 0 : i32
    %c0_i32_1 = arith.constant 0 : i32
    return %c0_i32, %arg0, %c0_i32_0 : i32, i32, i32
  }
  func.func @transform_2(%arg0: i32) -> (i32, i32) {
    %c0_i32 = arith.constant 0 : i32
    %c0_i32_0 = arith.constant 0 : i32
    return %arg0, %c0_i32 : i32, i32
  }
  func.func @transform_3(%arg0: i32) -> (i32, i32) {
    %c0_i32 = arith.constant 0 : i32
    %c0_i32_0 = arith.constant 0 : i32
    %c0_i32_1 = arith.constant 0 : i32
    return %c0_i32, %c0_i32_0 : i32, i32
  }
  func.func @transform_4(%arg0: i32) -> (i32, i32) {
    %c0_i32 = arith.constant 0 : i32
    %c0_i32_0 = arith.constant 0 : i32
    %c0_i32_1 = arith.constant 0 : i32
    return %c0_i32, %c0_i32_0 : i32, i32
  }
  func.func @transform_5(%arg0: i32) -> (i32, i32) {
    %c0_i32 = arith.constant 0 : i32
    %c0_i32_0 = arith.constant 0 : i32
    %c0_i32_1 = arith.constant 0 : i32
    return %c0_i32, %c0_i32_0 : i32, i32
  }
  func.func @transform_6(%arg0: i32) -> (i32, i32) {
    %c0_i32 = arith.constant 0 : i32
    %c0_i32_0 = arith.constant 0 : i32
    return %arg0, %c0_i32 : i32, i32
  }
}

module attributes {stable_mosaic.version = 14 : i64} {
  func.func @_l1_body(%arg0: i32, %arg1: memref<2x512x128xf32, #tpu.memory_space<vmem>>, %arg2: memref<2x512x128xf32, #tpu.memory_space<vmem>>, %arg3: memref<512x256xf32, #tpu.memory_space<vmem>>, %arg4: memref<256x256xf32, #tpu.memory_space<vmem>>, %arg5: memref<256x256xf32, #tpu.memory_space<vmem>>, %arg6: memref<1x256xf32, #tpu.memory_space<vmem>>, %arg7: memref<1x256xf32, #tpu.memory_space<vmem>>, %arg8: memref<256x40xf32, #tpu.memory_space<vmem>>, %arg9: memref<1x40xf32, #tpu.memory_space<vmem>>, %arg10: memref<512x40xf32, #tpu.memory_space<vmem>>, %arg11: memref<512x2xf32, #tpu.memory_space<vmem>>) attributes {dimension_semantics = [#tpu.dimension_semantics<arbitrary>], iteration_bounds = array<i64: 4>, scalar_prefetch = 0 : i64, scratch_operands = 0 : i64, tpu.core_type = #tpu.core_type<tc>, window_params = [{transform_indices = @transform_0, window_bounds = array<i64: 2, 512, 128>}, {transform_indices = @transform_1, window_bounds = array<i64: 2, 512, 128>}, {transform_indices = @transform_2, window_bounds = array<i64: 512, 256>}, {pipeline_mode = #tpu.pipeline_mode<synchronous>, transform_indices = @transform_3, window_bounds = array<i64: 256, 256>}, {pipeline_mode = #tpu.pipeline_mode<synchronous>, transform_indices = @transform_4, window_bounds = array<i64: 256, 256>}, {pipeline_mode = #tpu.pipeline_mode<synchronous>, transform_indices = @transform_5, window_bounds = array<i64: 1, 256>}, {pipeline_mode = #tpu.pipeline_mode<synchronous>, transform_indices = @transform_6, window_bounds = array<i64: 1, 256>}, {pipeline_mode = #tpu.pipeline_mode<synchronous>, transform_indices = @transform_7, window_bounds = array<i64: 256, 40>}, {pipeline_mode = #tpu.pipeline_mode<synchronous>, transform_indices = @transform_8, window_bounds = array<i64: 1, 40>}, {transform_indices = @transform_9, window_bounds = array<i64: 512, 40>}, {transform_indices = @transform_10, window_bounds = array<i64: 512, 2>}]} {
    %get3A = arith.constant 0 : index
    %get3A_0 = arith.constant 0 : index
    %get3A_1 = arith.constant 0 : index
    %get3A_2 = vector.load %arg2[%get3A, %get3A_0, %get3A_1] : memref<2x512x128xf32, #tpu.memory_space<vmem>>, vector<1x512x1xf32>
    %get3A_3 = vector.shape_cast %get3A_2 : vector<1x512x1xf32> to vector<512x1xf32>
    %get3A_4 = arith.constant 1 : index
    %get3A_5 = arith.constant 0 : index
    %get3A_6 = arith.constant 0 : index
    %get3A_7 = vector.load %arg2[%get3A_4, %get3A_5, %get3A_6] : memref<2x512x128xf32, #tpu.memory_space<vmem>>, vector<1x512x1xf32>
    %get3A_8 = vector.shape_cast %get3A_7 : vector<1x512x1xf32> to vector<512x1xf32>
    %add3A = arith.addf %get3A_3, %get3A_8 : vector<512x1xf32>
    %max3A = arith.constant 1.000000e+00 : f32
    %max3A_9 = vector.broadcast %max3A : f32 to vector<512x1xf32>
    %max3A_10 = arith.maximumf %add3A, %max3A_9 : vector<512x1xf32>
    %get3A_11 = arith.constant 0 : index
    %get3A_12 = arith.constant 0 : index
    %get3A_13 = arith.constant 0 : index
    %get3A_14 = vector.load %arg1[%get3A_11, %get3A_12, %get3A_13] : memref<2x512x128xf32, #tpu.memory_space<vmem>>, vector<1x512x128xf32>
    %get3A_15 = vector.shape_cast %get3A_14 : vector<1x512x128xf32> to vector<512x128xf32>
    %div3A = vector.broadcast %max3A_10 : vector<512x1xf32> to vector<512x128xf32>
    %div3A_16 = arith.divf %get3A_15, %div3A : vector<512x128xf32>
    %get3A_17 = arith.constant 1 : index
    %get3A_18 = arith.constant 0 : index
    %get3A_19 = arith.constant 0 : index
    %get3A_20 = vector.load %arg1[%get3A_17, %get3A_18, %get3A_19] : memref<2x512x128xf32, #tpu.memory_space<vmem>>, vector<1x512x128xf32>
    %get3A_21 = vector.shape_cast %get3A_20 : vector<1x512x128xf32> to vector<512x128xf32>
    %div3A_22 = vector.broadcast %max3A_10 : vector<512x1xf32> to vector<512x128xf32>
    %div3A_23 = arith.divf %get3A_21, %div3A_22 : vector<512x128xf32>
    %get3A_24 = arith.constant 0 : index
    %get3A_25 = arith.constant 0 : index
    %get3A_26 = vector.load %arg3[%get3A_24, %get3A_25] : memref<512x256xf32, #tpu.memory_space<vmem>>, vector<512x256xf32>
    %get3A_27 = arith.constant 0 : index
    %get3A_28 = arith.constant 0 : index
    %get3A_29 = vector.load %arg4[%get3A_27, %get3A_28] : memref<256x256xf32, #tpu.memory_space<vmem>>, vector<128x256xf32>
    %dot_general3A = arith.constant dense<0.000000e+00> : vector<512x256xf32>
    %dot_general3A_30 = tpu.matmul %div3A_16, %get3A_29, %dot_general3A {dimension_numbers = #tpu.dot_dimension_numbers<[1], [0], [0], [1], [0, 0, 1, 1], [], []>, transpose_lhs_hint = false} : vector<512x128xf32>, vector<128x256xf32>, vector<512x256xf32> -> vector<512x256xf32>
    %get3A_31 = arith.constant 128 : index
    %get3A_32 = arith.constant 0 : index
    %get3A_33 = vector.load %arg4[%get3A_31, %get3A_32] : memref<256x256xf32, #tpu.memory_space<vmem>>, vector<128x256xf32>
    %dot_general3A_34 = arith.constant dense<0.000000e+00> : vector<512x256xf32>
    %dot_general3A_35 = tpu.matmul %div3A_23, %get3A_33, %dot_general3A_34 {dimension_numbers = #tpu.dot_dimension_numbers<[1], [0], [0], [1], [0, 0, 1, 1], [], []>, transpose_lhs_hint = false} : vector<512x128xf32>, vector<128x256xf32>, vector<512x256xf32> -> vector<512x256xf32>
    %add3A_36 = arith.addf %dot_general3A_30, %dot_general3A_35 : vector<512x256xf32>
    %get3A_37 = arith.constant 0 : index
    %get3A_38 = arith.constant 0 : index
    %get3A_39 = vector.load %arg5[%get3A_37, %get3A_38] : memref<256x256xf32, #tpu.memory_space<vmem>>, vector<256x256xf32>
    %dot_general3A_40 = arith.constant dense<0.000000e+00> : vector<512x256xf32>
    %dot_general3A_41 = tpu.matmul %get3A_26, %get3A_39, %dot_general3A_40 {dimension_numbers = #tpu.dot_dimension_numbers<[1], [0], [0], [1], [0, 0, 1, 1], [], []>, transpose_lhs_hint = false} : vector<512x256xf32>, vector<256x256xf32>, vector<512x256xf32> -> vector<512x256xf32>
    %add3A_42 = arith.addf %add3A_36, %dot_general3A_41 : vector<512x256xf32>
    %get3A_43 = arith.constant 0 : index
    %get3A_44 = arith.constant 0 : index
    %get3A_45 = vector.load %arg6[%get3A_43, %get3A_44] : memref<1x256xf32, #tpu.memory_space<vmem>>, vector<1x256xf32>
    %add3A_46 = vector.broadcast %get3A_45 : vector<1x256xf32> to vector<512x256xf32>
    %add3A_47 = arith.addf %add3A_42, %add3A_46 : vector<512x256xf32>
    %get3A_48 = arith.constant 0 : index
    %get3A_49 = arith.constant 0 : index
    %get3A_50 = vector.load %arg7[%get3A_48, %get3A_49] : memref<1x256xf32, #tpu.memory_space<vmem>>, vector<1x256xf32>
    %tanh3A = math.tanh %get3A_26 : vector<512x256xf32>
    %mul3A = vector.broadcast %get3A_50 : vector<1x256xf32> to vector<512x256xf32>
    %mul3A_51 = arith.mulf %tanh3A, %mul3A : vector<512x256xf32>
    %reduce_sum3A = arith.constant dense<0.000000e+00> : vector<512xf32>
    %reduce_sum3A_52 = vector.multi_reduction <add>, %mul3A_51, %reduce_sum3A [1] : vector<512x256xf32> to vector<512xf32>
    %broadcast_in_dim3A = vector.shape_cast %reduce_sum3A_52 : vector<512xf32> to vector<512x1xf32>
    %tanh3A_53 = math.tanh %add3A_47 : vector<512x256xf32>
    %mul3A_54 = vector.broadcast %get3A_50 : vector<1x256xf32> to vector<512x256xf32>
    %mul3A_55 = arith.mulf %tanh3A_53, %mul3A_54 : vector<512x256xf32>
    %reduce_sum3A_56 = arith.constant dense<0.000000e+00> : vector<512xf32>
    %reduce_sum3A_57 = vector.multi_reduction <add>, %mul3A_55, %reduce_sum3A_56 [1] : vector<512x256xf32> to vector<512xf32>
    %broadcast_in_dim3A_58 = vector.shape_cast %reduce_sum3A_57 : vector<512xf32> to vector<512x1xf32>
    %max3A_59 = arith.maximumf %broadcast_in_dim3A, %broadcast_in_dim3A_58 : vector<512x1xf32>
    %sub3A = arith.subf %broadcast_in_dim3A, %max3A_59 : vector<512x1xf32>
    %exp3A = math.exp %sub3A : vector<512x1xf32>
    %sub3A_60 = arith.subf %broadcast_in_dim3A_58, %max3A_59 : vector<512x1xf32>
    %exp3A_61 = math.exp %sub3A_60 : vector<512x1xf32>
    %add3A_62 = arith.addf %exp3A, %exp3A_61 : vector<512x1xf32>
    %div3A_63 = arith.divf %exp3A, %add3A_62 : vector<512x1xf32>
    %div3A_64 = arith.divf %exp3A_61, %add3A_62 : vector<512x1xf32>
    %mul3A_65 = vector.broadcast %div3A_63 : vector<512x1xf32> to vector<512x256xf32>
    %mul3A_66 = arith.mulf %mul3A_65, %get3A_26 : vector<512x256xf32>
    %mul3A_67 = vector.broadcast %div3A_64 : vector<512x1xf32> to vector<512x256xf32>
    %mul3A_68 = arith.mulf %mul3A_67, %add3A_47 : vector<512x256xf32>
    %add3A_69 = arith.addf %mul3A_66, %mul3A_68 : vector<512x256xf32>
    %get3A_70 = arith.constant 0 : index
    %get3A_71 = arith.constant 0 : index
    %get3A_72 = vector.load %arg8[%get3A_70, %get3A_71] : memref<256x40xf32, #tpu.memory_space<vmem>>, vector<256x40xf32>
    %dot_general3A_73 = arith.constant dense<0.000000e+00> : vector<512x40xf32>
    %dot_general3A_74 = tpu.matmul %add3A_69, %get3A_72, %dot_general3A_73 {dimension_numbers = #tpu.dot_dimension_numbers<[1], [0], [0], [1], [0, 0, 1, 1], [], []>, transpose_lhs_hint = false} : vector<512x256xf32>, vector<256x40xf32>, vector<512x40xf32> -> vector<512x40xf32>
    %get3A_75 = arith.constant 0 : index
    %get3A_76 = arith.constant 0 : index
    %get3A_77 = vector.load %arg9[%get3A_75, %get3A_76] : memref<1x40xf32, #tpu.memory_space<vmem>>, vector<1x40xf32>
    %add3A_78 = vector.broadcast %get3A_77 : vector<1x40xf32> to vector<512x40xf32>
    %add3A_79 = arith.addf %dot_general3A_74, %add3A_78 : vector<512x40xf32>
    %swap3A = arith.constant 0 : index
    %swap3A_80 = arith.constant 0 : index
    %swap3A_81 = vector.load %arg10[%swap3A, %swap3A_80] : memref<512x40xf32, #tpu.memory_space<vmem>>, vector<512x40xf32>
    tpu.vector_store %arg10[%swap3A, %swap3A_80], %add3A_79 {strides = array<i32>} : memref<512x40xf32, #tpu.memory_space<vmem>>, vector<512x40xf32>,
    %concatenate3A = tpu.concatenate %div3A_63, %div3A_64 in 1 : vector<512x1xf32>, vector<512x1xf32> -> vector<512x2xf32>
    %swap3A_82 = arith.constant 0 : index
    %swap3A_83 = arith.constant 0 : index
    %swap3A_84 = vector.load %arg11[%swap3A_82, %swap3A_83] : memref<512x2xf32, #tpu.memory_space<vmem>>, vector<512x2xf32>
    tpu.vector_store %arg11[%swap3A_82, %swap3A_83], %concatenate3A {strides = array<i32>} : memref<512x2xf32, #tpu.memory_space<vmem>>, vector<512x2xf32>,
    return
  }
  func.func @transform_0(%arg0: i32) -> (i32, i32, i32) {
    %c0_i32 = arith.constant 0 : i32
    %c0_i32_0 = arith.constant 0 : i32
    %c0_i32_1 = arith.constant 0 : i32
    return %c0_i32, %arg0, %c0_i32_0 : i32, i32, i32
  }
  func.func @transform_1(%arg0: i32) -> (i32, i32, i32) {
    %c0_i32 = arith.constant 0 : i32
    %c0_i32_0 = arith.constant 0 : i32
    %c0_i32_1 = arith.constant 0 : i32
    return %c0_i32, %arg0, %c0_i32_0 : i32, i32, i32
  }
  func.func @transform_2(%arg0: i32) -> (i32, i32) {
    %c0_i32 = arith.constant 0 : i32
    %c0_i32_0 = arith.constant 0 : i32
    return %arg0, %c0_i32 : i32, i32
  }
  func.func @transform_3(%arg0: i32) -> (i32, i32) {
    %c0_i32 = arith.constant 0 : i32
    %c0_i32_0 = arith.constant 0 : i32
    %c0_i32_1 = arith.constant 0 : i32
    return %c0_i32, %c0_i32_0 : i32, i32
  }
  func.func @transform_4(%arg0: i32) -> (i32, i32) {
    %c0_i32 = arith.constant 0 : i32
    %c0_i32_0 = arith.constant 0 : i32
    %c0_i32_1 = arith.constant 0 : i32
    return %c0_i32, %c0_i32_0 : i32, i32
  }
  func.func @transform_5(%arg0: i32) -> (i32, i32) {
    %c0_i32 = arith.constant 0 : i32
    %c0_i32_0 = arith.constant 0 : i32
    %c0_i32_1 = arith.constant 0 : i32
    return %c0_i32, %c0_i32_0 : i32, i32
  }
  func.func @transform_6(%arg0: i32) -> (i32, i32) {
    %c0_i32 = arith.constant 0 : i32
    %c0_i32_0 = arith.constant 0 : i32
    %c0_i32_1 = arith.constant 0 : i32
    return %c0_i32, %c0_i32_0 : i32, i32
  }
  func.func @transform_7(%arg0: i32) -> (i32, i32) {
    %c0_i32 = arith.constant 0 : i32
    %c0_i32_0 = arith.constant 0 : i32
    %c0_i32_1 = arith.constant 0 : i32
    return %c0_i32, %c0_i32_0 : i32, i32
  }
  func.func @transform_8(%arg0: i32) -> (i32, i32) {
    %c0_i32 = arith.constant 0 : i32
    %c0_i32_0 = arith.constant 0 : i32
    %c0_i32_1 = arith.constant 0 : i32
    return %c0_i32, %c0_i32_0 : i32, i32
  }
  func.func @transform_9(%arg0: i32) -> (i32, i32) {
    %c0_i32 = arith.constant 0 : i32
    %c0_i32_0 = arith.constant 0 : i32
    return %arg0, %c0_i32 : i32, i32
  }
  func.func @transform_10(%arg0: i32) -> (i32, i32) {
    %c0_i32 = arith.constant 0 : i32
    %c0_i32_0 = arith.constant 0 : i32
    return %arg0, %c0_i32 : i32, i32
  }
}

</mosaic_0001>

<sc_bundles>
// kernel: kernel.10.cloned.1.call-start
scs
__scs_entry_jumppad:
0x0: {  	(pc) =	sbr.rel $0x88, $3  }
0x1: {  	(tag) =	ssettag $0x0;
	lr =	simm.s32 $0x1  }
0x2: {  	[smem:$0x3F95] =	sst lr;
	_ =	strace $0xD0000000  }
0x3: {  	_ = 	snop  }
0x4: {  	_ = 	snop  }
0x5: {  	_ = 	snop  }
0x6: {  	_ = 	snop  }
0x7: {  	_ = 	snop  }
__scs_overlays_trampoline_lowered:
0x8: {  	[smem:$0x3FA4] =	sst s0  }
0x9: {  	[smem:$0x3FA5] =	sst s1  }
0xa: {  	[smem:$0x3FA6] =	sst s2  }
0xb: {  	[smem:$0x3FA7] =	sst s3  }
0xc: {  	[smem:$0x3FA8] =	sst s4  }
0xd: {  	[smem:$0x3FA9] =	sst s5  }
0xe: {  	[smem:$0x3FAA] =	sst s6  }
0xf: {  	[smem:$0x3FAB] =	sst s7  }
0x10: {  	[smem:$0x3FAC] =	sst s8  }
0x11: {  	[smem:$0x3FAD] =	sst s9;
	s0 =	simm.s32 @!p0 $0x0  }
0x12: {  	s1 =	sld [smem:$0x3F93];
	s0 =	simm.s32 @p0 $0x1  }
0x13: {  	[smem:$0x3FAE] =	sst s0;
	s0 =	simm.s32 @!p1 $0x0  }
0x14: {  	s2 =	sld [smem:$0x3F92];
	s0 =	simm.s32 @p1 $0x1  }
0x15: {  	[smem:$0x3FAF] =	sst s0;
	s0 =	simm.s32 @!p2 $0x0  }
0x16: {  	s3 =	sld [smem:$0x3FDB];
	s0 =	simm.s32 @p2 $0x1  }
0x17: {  	s4 =	simm.s32 $0x1BF5;
	[smem:$0x3FB1] =	sst s0  }
0x18: {  	s0 =	sld [smem:$0x3F94];
	_ =	swait.ge [sflag:s4], $0x0  }
0x19: {  	s7 =	sld [smem:$0x3F95]  }
0x1a: {  	s8 =	sadd.s32 $0xFFFFE003, lr  }
0x1b: {  	s9 =	sadd.s32 $0xFFFFFEF7, lr;
	s5 =	simm.s32 $0xFFFFFFFF;
	p2 =	slt.u32 s8, $0xFFFFF086  }
0x1c: {  	p1 =	slt.u32 s9, $0xF7A;
	s5 =	simm.s32 @!p2 $0x0  }
0x1d: {  	s5 =	simm.s32 @p1 $0x1;
	p0 =	seq.s32 s7, s2  }
0x1e: {  	s7 =	smul.u32 @!p0 $0xF7A, s2;
	p2 =	seq.s32 @!p0 s5, $0x0  }
0x1f: {  	s9 =	smul.u32 $0xF7A, s1;
	s8 =	simm.s32 @!p0 $0x1BF5;
	p2 =	por !p2, p0  }
0x20: {  	[sflag:s8] =	ssyncset.s32 @!p0 $0xFFFFF086;
	s6 =	sadd.s32 @!p0 s3, s7;
	s7 =	simm.s32 @!p0 $0x108  }
0x21: {  	s3 =	sadd.s32 s3, s9;
	s6 =	sadd.s32 @!p0 $0x88, s6;
	s7 =	simm.s32 @p2 $0x1082  }
0x22: {  	[simem:s7], [sflag:s8] =	dma.local @!p0 [hbm:s6], $0xF7A  }
0x23: {  	s9 =	sor.u32 $0xD0000000, s2;
	s6 =	simm.s32 $0x108;
	_ =	swait.ge @!p0 [sflag:s8], $0x0  }
0x24: {  	s3 =	sadd.s32 $0x88, s3;
	s6 =	simm.s32 @!p1 $0x1082;
	[sflag:s4] =	ssyncset.s32 $0xFFFFF086  }
0x25: {  	[simem:s6], [sflag:s4] =	dma.local [hbm:s3], $0xF7A  }
0x26: {  	[smem:$0x3F95] =	sst s1;
	(tag) =	ssettag s2;
	_ =	strace s9  }
0x27: {  	s1 =	sld [smem:$0x3FA5]  }
0x28: {  	s2 =	sld [smem:$0x3FA6]  }
0x29: {  	s4 =	sld [smem:$0x3FA8]  }
0x2a: {  	p0 =	seq.s32 s5, $0x0;
	s5 =	sld [smem:$0x3FA9]  }
0x2b: {  	s6 =	sld [smem:$0x3FAA]  }
0x2c: {  	s7 =	sld [smem:$0x3FAB]  }
0x2d: {  	s3 =	simm.s32 $0x108;
	s8 =	sld [smem:$0x3FAC]  }
0x2e: {  	s3 =	simm.s32 @!p0 $0x1082;
	s9 =	sld [smem:$0x3FAD]  }
0x2f: {  	lr =	sadd.s32 s0, s3;
	s0 =	sld [smem:$0x3FA4]  }
0x30: {  	s3 =	sld [smem:$0x3FA7]  }
0x31: {  	[smem:$0x3FB0] =	sst s10  }
0x32: {  	s10 =	sld [smem:$0x3FAE];
	_ =	sdelay $0x3  }
0x33: {  	p0 =	seq.s32 s10, $0x1;
	s10 =	sld [smem:$0x3FB0];
	_ =	sdelay $0x3  }
0x34: {  	[smem:$0x3FB0] =	sst s10  }
0x35: {  	s10 =	sld [smem:$0x3FAF];
	_ =	sdelay $0x3  }
0x36: {  	p1 =	seq.s32 s10, $0x1;
	s10 =	sld [smem:$0x3FB0];
	_ =	sdelay $0x3  }
0x37: {  	[smem:$0x3FB0] =	sst s10  }
0x38: {  	s10 =	sld [smem:$0x3FB1]  }
0x39: {  	_ = 	snop;
	(pc) =	sbr.ind lr, $3  }
0x3a: {  	_ = 	snop  }
0x3b: {  	_ = 	snop  }
0x3c: {  	p2 =	seq.s32 s10, $0x1;
	s10 =	sld [smem:$0x3FB0]  }
0x3d: {  	_ =	shalt  }
0x3e: {  	_ =	shalt  }
0x3f: {  	_ =	shalt  }
0x40: {  	_ =	shalt  }
0x41: {  	_ =	shalt  }
0x42: {  	_ =	shalt  }
0x43: {  	_ =	shalt  }
0x44: {  	_ =	shalt  }
0x45: {  	_ =	shalt  }
0x46: {  	_ =	shalt  }
0x47: {  	_ =	shalt  }
0x48: {  	_ =	shalt  }
0x49: {  	_ =	shalt  }
0x4a: {  	_ =	shalt  }
0x4b: {  	_ =	shalt  }
0x4c: {  	_ =	shalt  }
0x4d: {  	_ =	shalt  }
0x4e: {  	_ =	shalt  }
0x4f: {  	_ =	shalt  }
0x50: {  	_ =	shalt  }
0x51: {  	_ =	shalt  }
0x52: {  	_ =	shalt  }
0x53: {  	_ =	shalt  }
0x54: {  	_ =	shalt  }
0x55: {  	_ =	shalt  }
0x56: {  	_ =	shalt  }
0x57: {  	_ =	shalt  }
0x58: {  	_ =	shalt  }
0x59: {  	_ =	shalt  }
0x5a: {  	_ =	shalt  }
0x5b: {  	_ =	shalt  }
0x5c: {  	_ =	shalt  }
0x5d: {  	_ =	shalt  }
0x5e: {  	_ =	shalt  }
0x5f: {  	_ =	shalt  }
0x60: {  	_ =	shalt  }
0x61: {  	_ =	shalt  }
0x62: {  	_ =	shalt  }
0x63: {  	_ =	shalt  }
0x64: {  	_ =	shalt  }
0x65: {  	_ =	shalt  }
0x66: {  	_ =	shalt  }
0x67: {  	_ =	shalt  }
0x68: {  	_ =	shalt  }
0x69: {  	_ =	shalt  }
0x6a: {  	_ =	shalt  }
0x6b: {  	_ =	shalt  }
0x6c: {  	_ =	shalt  }
0x6d: {  	_ =	shalt  }
0x6e: {  	_ =	shalt  }
0x6f: {  	_ =	shalt  }
0x70: {  	_ =	shalt  }
0x71: {  	_ =	shalt  }
0x72: {  	_ =	shalt  }
0x73: {  	_ =	shalt  }
0x74: {  	_ =	shalt  }
0x75: {  	_ =	shalt  }
0x76: {  	_ =	shalt  }
0x77: {  	_ =	shalt  }
0x78: {  	_ =	shalt  }
0x79: {  	_ =	shalt  }
0x7a: {  	_ =	shalt  }
0x7b: {  	_ =	shalt  }
0x7c: {  	_ =	shalt  }
0x7d: {  	_ =	shalt  }
0x7e: {  	_ =	shalt  }
0x7f: {  	_ =	shalt  }
0x80: {  	_ =	shalt  }
0x81: {  	_ =	shalt  }
0x82: {  	_ =	shalt  }
0x83: {  	_ =	shalt  }
0x84: {  	_ =	shalt  }
0x85: {  	_ =	shalt  }
0x86: {  	_ =	shalt  }
0x87: {  	_ =	shalt  }
.Lfunc_end0:
.L_simem_size_0:
called_computation.1_lowered:
.L_overlay_start_0:
0x88: {  	s2 =	sld [smem:$0x3FD9]  }
0x89: {  	s3 =	sld [smem:$0x3FFE];
	_ =	sdelay $0x1  }
0x8a: {  	s1 =	srdreg.scid  }
0x8b: {  	s0 =	sand.u32 $0x1, s1  }
0x8c: {  	s14 =	sshll.u32 s0, $0xA;
	s2 =	sadd.s32 s3, s2  }
0x8d: {  	s2 =	sadd.s32 s2, s14  }
0x8e: {  	[smem:$0x3FBC] =	sst s2  }
0x8f: {  	_ = 	snop  }
0x90: {  	s2 =	sld [smem:$0x3FD0];
	_ =	sdelay $0x2  }
0x91: {  	s15 =	simm.s32 $0xA;
	s4 =	simm.s32 $0x10  }
0x92: {  	[smem:s4], [sflag:s15] =	dma.local [hbm:s2], $0x1  }
0x93: {  	_ =	swait.eq [sflag:s15], $0x1  }
0x94: {  	[sflag:s15] =	ssyncset.done $0x0  }
0x95: {  	[sflag:s15] =	ssyncadd.s32 $0xFFFFFFFF  }
0x96: {  	s16 =	sld [smem:$0x10];
	(tm) =	ssettm $0x1  }
0x97: {  	s17 =	sld [smem:$0x3FFB];
	_ =	sdelay $0x3  }
0x98: {  	_ =	strace s17  }
0x99: {  	s3 =	sld [smem:$0x3FFC];
	_ =	sdelay $0x3  }
0x9a: {  	_ =	strace s3  }
0x9b: {  	s3 =	sld [smem:$0x3FFD];
	_ =	sdelay $0x3  }
0x9c: {  	_ =	strace s3  }
0x9d: {  	_ =	strace $0x8FFFFFFF  }
0x9e: {  	s18 =	sld [smem:$0x3FDB];
	_ =	sdelay $0x1  }
0x9f: {  	s19 =	simm.s32 $_scs_section_size  }
0xa0: {  	s5 =	simm.s32 $_size__tile_overlayer_lowered;
	s6 =	simm.s32 $_tile_overlayer_lowered  }
0xa1: {  	s22 =	simm.s32 $0x1BFF;
	s21 =	sshll.u32 s6, $0x1;
	s3 =	sadd.s32 s19, s18  }
0xa2: {  	s7 =	simm.s32 $0x0;
	s20 =	sshll.u32 s5, $0x1;
	s5 =	sadd.s32 s21, s3  }
0xa3: {  	[timem:s7], [sflag:s22] =	dma.local [hbm:s5], s20  }
0xa4: {  	_ =	swait.ge [sflag:s22], s20  }
0xa5: {  	s4 =	ssub.s32 $0x0, s20;
	[sflag:s22] =	ssyncset.done $0x0  }
0xa6: {  	[sflag:s22] =	ssyncadd.s32 s4;
	_ =	sdelay $0x1  }
0xa7: {  	s23 =	simm.s32 $0x1B8B  }
0xa8: {  	_ =	swait.ge [sflag:s23], $0x1  }
0xa9: {  	[sflag:s23] =	ssyncset.done $0x0  }
0xaa: {  	s25 =	simm.s32 $0x1B8E;
	s24 =	sld [smem:$0x3FFE];
	[sflag:s23] =	ssyncadd.s32 $0xFFFFFFFF  }
0xab: {  	s26 =	simm.s32 $execute0_lowered;
	[smem:$0x3FD2] =	sst s25  }
0xac: {  	s5 =	sshll.u32 s26, $0x1;
	_ =	strace $0x80000049;
	[dreg:$0x1] =	wrdreg $0xFFFFFFFF  }
0xad: {  	s28 =	simm.s32 $_size_execute0_lowered;
	s3 =	sadd.s32 s3, s5;
	[dreg:$0x0] =	wrdreg $0x0  }
0xae: {  	s5 =	sshll.u32 s28, $0x1;
	[dreg:$0x2] =	wrdreg s3  }
0xaf: {  	[dreg:$0x3] =	wrdreg s5  }
0xb0: {  	[dreg:$0x4] =	wrdreg $0xC0  }
0xb1: {  	_ =	task [dreg:s7], $0x5FFFF  }
0xb2: {  	[dreg:$0x1] =	wrdreg $0xFFFFFFFF  }
0xb3: {  	[dreg:$0x0] =	wrdreg $0x60  }
0xb4: {  	[dreg:$0x2] =	wrdreg s24  }
0xb5: {  	[dreg:$0x3] =	wrdreg s16  }
0xb6: {  	[dreg:$0x4] =	wrdreg $0x90000  }
0xb7: {  	[dreg:$0x5] =	wrdreg $0x9  }
0xb8: {  	_ =	task.clear_ibuf [dreg:s7], $0x6FFFF;
	_ =	strace $0x90000049  }
0xb9: {  	s29 =	simm.s32 $0x9;
	_ =	strace $0x8000004B  }
0xba: {  	_ =	swait.ge [sflag:s29], $0x1  }
0xbb: {  	[sflag:s29] =	ssyncadd.s32 $0xFFFFFFFF  }
0xbc: {  	_ =	strace $0x9000004B  }
0xbd: {  	_ =	sfence  }
0xbe: {  	s30 =	sld [smem:$0x0];
	_ =	sdelay $0x2  }
0xbf: {  	s31 =	sshll.u32 s1, $0xD;
	s1 =	sshrl.u32 s1, $0x2  }
0xc0: {  	s3 =	sand.u32 $0x4000, s31;
	s1 =	sadd.s32 s1, s30  }
0xc1: {  	s0 =	sor.u32 s3, s0;
	s1 =	sshll.u32 s1, $0x11  }
0xc2: {  	s0 =	sor.u32 s1, s0  }
0xc3: {  	s0 =	sadd.s32 $0x8F2B, s0  }
0xc4: {  	[sflag:s0] =	ssyncadd.remote.s32 $0x1  }
0xc5: {  	_ =	sfence.sel $0xFFFF  }
0xc6: {  	[dreg:$0x0] =	wrdreg $0xFFFFFFFF;
	(pc) =	sbr.abs _section_cstart, $3  }
0xc7: {  	[dreg:$0x1] =	wrdreg $0xFFFFFFFF  }
0xc8: {  	_ =	task.clear_ibuf [dreg:s7], $0x2FFFF;
	_ =	strace $0x9FFFFFFF  }
0xc9: {  	(tm) =	ssettm $0x7FFFFFFF  }
tec
execute0_lowered:
.L_overlay_start_1:
0x0: {  	(tag) =	ssettag $0x1  }
0x1: {  	s0 =	rddreg [dreg:$0x0]  }
0x2: {  	s1 =	srdreg.scid;
	s10 =	stileid.u32  }
0x3: {  	s3 =	rddreg [dreg:$0x2];
	s4 =	simm.s32 $0x0;
	s12 =	simm.s32 $0x100  }
0x4: {  	s14 =	simm.s32 $0x880;
	s15 =	simm.s32 $0x180;
	s16 =	simm.s32 $0x900  }
0x5: {  	s17 =	simm.s32 $0x200;
	s18 =	simm.s32 $0x980;
	s19 =	simm.s32 $0x280  }
0x6: {  	s20 =	simm.s32 $0xA00;
	s21 =	simm.s32 $0x300;
	[smem:$0x7FF] =	sst s4  }
0x7: {  	s22 =	simm.s32 $0xA80;
	_ =	strace $0x8000004A;
	[dreg:$0x6] =	wrdreg s12  }
0x8: {  	s23 =	simm.s32 $0x380;
	s24 =	simm.s32 $0xB00;
	[dreg:$0x7] =	wrdreg s14  }
0x9: {  	s25 =	simm.s32 $0x400;
	s28 =	simm.s32 $0x680;
	[dreg:$0x8] =	wrdreg s15  }
0xa: {  	s29 =	simm.s32 $0xE00;
	s5 =	smul.u32 $0x2800, s10;
	[dreg:$0x9] =	wrdreg s16  }
0xb: {  	s30 =	simm.s32 $0x700;
	s6 =	smul.u32 $0x500, s10;
	[dreg:$0xa] =	wrdreg s17  }
0xc: {  	s31 =	simm.s32 $0xE80;
	s8 =	smul.u32 $0x13C00, s10;
	[dreg:$0xb] =	wrdreg s18  }
0xd: {  	s1 =	sand.u32 $0x1, s1;
	s9 =	smul.u32 $0x4F000, s10;
	[dreg:$0xc] =	wrdreg s19  }
0xe: {  	s13 =	sshll.u32 s10, $0x6;
	s2 =	smul.u32 $0x28000, s1;
	[dreg:$0xd] =	wrdreg s20  }
0xf: {  	s10 =	simm.s32 $0x5;
	s7 =	smul.u32 $0x13C000, s1;
	[dreg:$0xe] =	wrdreg s21  }
0x10: {  	s1 =	ssub.s32 $0x2, s1;
	s12 =	simm.s32 $0x80;
	[dreg:$0xf] =	wrdreg s22  }
0x11: {  	s14 =	simm.s32 $0x5000;
	s15 =	simm.s32 $0x1;
	[dreg:$0x10] =	wrdreg s23  }
0x12: {  	s16 =	simm.s32 $0x3;
	[dreg:$0x11] =	wrdreg s24;
	s17 =	simm.s32 $0x2  }
0x13: {  	[dreg:$0x12] =	wrdreg s25;
	s18 =	simm.s32 $0x4;
	s19 =	simm.s32 $0x480  }
0x14: {  	s20 =	simm.s32 $0xC00;
	s21 =	simm.s32 $0x500;
	s22 =	simm.s32 $0xC80  }
0x15: {  	s23 =	simm.s32 $0x580;
	s24 =	simm.s32 $0xD00;
	s25 =	simm.s32 $0x600  }
0x16: {  	s6 =	sadd.s32 s6, s0;
	s26 =	sshrl.u32 s1, $0x1;
	s2 =	sadd.s32 s2, s5  }
0x17: {  	s5 =	sadd.s32 $0x67E00, s0;
	s7 =	sadd.s32 s8, s7;
	s1 =	ssub.s32 s1, s26  }
0x18: {  	s8 =	sshrl.u32 s9, $0x2;
	s9 =	sadd.s32 $0x3600, s6;
	s26 =	simm.s32 $0xB80  }
0x19: {  	s2 =	sshrl.u32 s2, $0x3;
	s7 =	sshrl.u32 s7, $0x3;
	[dreg:$0x5] =	wrdreg s9  }
0x1a: {  	s11 =	sadd.s32 s8, s3;
	s1 =	smax.u32 s1, $0x1;
	[dreg:$0x13] =	wrdreg s26  }
0x1b: {  	s26 =	simm.s32 $0xD80;
	s9 =	simm.s32 $0x0;
	s2 =	sadd.s32 s2, s0  }
0x1c: {  	s0 =	sadd.s32 s7, s0;
	s7 =	sor.u32 $0x1C05, s13;
	[dreg:$0x16] =	wrdreg s1  }
0x1d: {  	s8 =	sshrl.u32 s11, $0x3;
	s11 =	simm.s32 $0x800;
	[dreg:$0x14] =	wrdreg s7  }
0x1e: {  	s13 =	simm.s32 $0x1000;
	s2 =	sadd.s32 $0x1EE800, s2;
	[dreg:$0x17] =	wrdreg s8  }
0x1f: {  	s1 =	simm.s32 $0x780;
	s0 =	sadd.s32 $0x1F8800, s0;
	[dreg:$0x4] =	wrdreg s2  }
0x20: {  	[dreg:$0x15] =	wrdreg s0;
	s0 =	simm.s32 $0xF00;
	s2 =	simm.s32 $0xF80  }
.LBB2_1:
0x21: {  	[dreg:$0x18] =	wrdreg s9  }
0x22: {  	s6 =	rddreg [dreg:$0x1]  }
0x23: {  	[spmem:s8], [sflag:s7] =	dma.local [hbm:s6], $0x2780  }
0x24: {  	_ =	swait.ge [sflag:s10], $0x2780  }
0x25: {  	[sflag:s10] =	ssyncset.done $0x0  }
0x26: {  	[sflag:s10] =	ssyncadd.s32 $0xFFFFD880  }
0x27: {  	[bflag:$0x0] =	sbarrier.arrive $0xFFFF  }
0x28: {  	s9 =	rddreg [dreg:$0x4]  }
0x29: {  	s6 =	sadd.s32 $0x0, s9  }
0x2a: {  	[tilespmem:s4], [sflag:$0x5] =	stream.linear.gather [hbm4b:s6+s4], $0x800, $0x38;
	[tilespmem:$0x1CC00] =	vst v63  }
0x2b: {  	_ =	swait.ge [sflag:s10], $0x800  }
0x2c: {  	s7 =	rddreg [dreg:$0x5];
	[sflag:s10] =	ssyncset.done $0x0  }
0x2d: {  	[sflag:s10] =	ssyncadd.s32 $0xFFFFF800;
	s6 =	sadd.s32 $0x0, s7  }
0x2e: {  	[tilespmem:s11], [sflag:$0x5] =	stream.linear.gather [hbm4b:s6+s4], $0x800, $0x38;
	[tilespmem:$0x1CC00] =	vst v63  }
0x2f: {  	_ =	swait.ge [sflag:s10], $0x800  }
0x30: {  	[sflag:s10] =	ssyncset.done $0x0  }
0x31: {  	[sflag:s10] =	ssyncadd.s32 $0xFFFFF800  }
0x32: {  	[tilespmem:s13], [sflag:$0x1] =	stream.indirect.gather [hbm4b:s5+s12], $0x80, s4, s12, $0xb8;
	[tilespmem:$0x1CC00] =	vst v63  }
0x33: {  	_ = 	snop  }
0x34: {  	[tilespmem:s14], [sflag:$0x2] =	stream.indirect.gather [hbm4b:s5+s12], $0x80, s12, s12, $0xb8;
	[tilespmem:$0x1CC00] =	vst v63  }
0x35: {  	_ =	swait.ge [sflag:s15], $0x4000  }
0x36: {  	[sflag:s15] =	ssyncset.done $0x0  }
0x37: {  	[sflag:s15] =	ssyncadd.s32 $0xFFFFC000  }
0x38: {  	[spmem:s3] =	stream.indirect.scatter.add.f32 [tilespmem:s13], [sflag:$0x3], $0x80, s11, s12, $0xb8;
	[tilespmem:$0x1CC00] =	vst v63  }
0x39: {  	_ =	swait.ge [sflag:s16], $0x4000  }
0x3a: {  	[sflag:s16] =	ssyncset.done $0x0  }
0x3b: {  	s8 =	rddreg [dreg:$0x6];
	[sflag:s16] =	ssyncadd.s32 $0xFFFFC000  }
0x3c: {  	[tilespmem:s13], [sflag:$0x1] =	stream.indirect.gather [hbm4b:s5+s12], $0x80, s8, s12, $0xb8;
	[tilespmem:$0x1CC00] =	vst v63  }
0x3d: {  	_ =	swait.ge [sflag:s17], $0x4000  }
0x3e: {  	[sflag:s17] =	ssyncset.done $0x0  }
0x3f: {  	s9 =	rddreg [dreg:$0x7];
	[sflag:s17] =	ssyncadd.s32 $0xFFFFC000  }
0x40: {  	[spmem:s3] =	stream.indirect.scatter.add.f32 [tilespmem:s14], [sflag:$0x4], $0x80, s9, s12, $0xb8;
	[tilespmem:$0x1CC00] =	vst v63  }
0x41: {  	_ =	swait.ge [sflag:s18], $0x4000  }
0x42: {  	[sflag:s18] =	ssyncset.done $0x0  }
0x43: {  	s7 =	rddreg [dreg:$0x8];
	[sflag:s18] =	ssyncadd.s32 $0xFFFFC000  }
0x44: {  	[tilespmem:s14], [sflag:$0x2] =	stream.indirect.gather [hbm4b:s5+s12], $0x80, s7, s12, $0xb8;
	[tilespmem:$0x1CC00] =	vst v63  }
0x45: {  	_ =	swait.ge [sflag:s15], $0x4000  }
0x46: {  	[sflag:s15] =	ssyncset.done $0x0  }
0x47: {  	s8 =	rddreg [dreg:$0x9];
	[sflag:s15] =	ssyncadd.s32 $0xFFFFC000  }
0x48: {  	[spmem:s3] =	stream.indirect.scatter.add.f32 [tilespmem:s13], [sflag:$0x3], $0x80, s8, s12, $0xb8;
	[tilespmem:$0x1CC00] =	vst v63  }
0x49: {  	_ =	swait.ge [sflag:s16], $0x4000  }
0x4a: {  	[sflag:s16] =	ssyncset.done $0x0  }
0x4b: {  	s9 =	rddreg [dreg:$0xa];
	[sflag:s16] =	ssyncadd.s32 $0xFFFFC000  }
0x4c: {  	[tilespmem:s13], [sflag:$0x1] =	stream.indirect.gather [hbm4b:s5+s12], $0x80, s9, s12, $0xb8;
	[tilespmem:$0x1CC00] =	vst v63  }
0x4d: {  	_ =	swait.ge [sflag:s17], $0x4000  }
0x4e: {  	[sflag:s17] =	ssyncset.done $0x0  }
0x4f: {  	s7 =	rddreg [dreg:$0xb];
	[sflag:s17] =	ssyncadd.s32 $0xFFFFC000  }
0x50: {  	[spmem:s3] =	stream.indirect.scatter.add.f32 [tilespmem:s14], [sflag:$0x4], $0x80, s7, s12, $0xb8;
	[tilespmem:$0x1CC00] =	vst v63  }
0x51: {  	_ =	swait.ge [sflag:s18], $0x4000  }
0x52: {  	[sflag:s18] =	ssyncset.done $0x0  }
0x53: {  	s8 =	rddreg [dreg:$0xc];
	[sflag:s18] =	ssyncadd.s32 $0xFFFFC000  }
0x54: {  	[tilespmem:s14], [sflag:$0x2] =	stream.indirect.gather [hbm4b:s5+s12], $0x80, s8, s12, $0xb8;
	[tilespmem:$0x1CC00] =	vst v63  }
0x55: {  	_ =	swait.ge [sflag:s15], $0x4000  }
0x56: {  	[sflag:s15] =	ssyncset.done $0x0  }
0x57: {  	s9 =	rddreg [dreg:$0xd];
	[sflag:s15] =	ssyncadd.s32 $0xFFFFC000  }
0x58: {  	[spmem:s3] =	stream.indirect.scatter.add.f32 [tilespmem:s13], [sflag:$0x3], $0x80, s9, s12, $0xb8;
	[tilespmem:$0x1CC00] =	vst v63  }
0x59: {  	_ =	swait.ge [sflag:s16], $0x4000  }
0x5a: {  	[sflag:s16] =	ssyncset.done $0x0  }
0x5b: {  	s7 =	rddreg [dreg:$0xe];
	[sflag:s16] =	ssyncadd.s32 $0xFFFFC000  }
0x5c: {  	[tilespmem:s13], [sflag:$0x1] =	stream.indirect.gather [hbm4b:s5+s12], $0x80, s7, s12, $0xb8;
	[tilespmem:$0x1CC00] =	vst v63  }
0x5d: {  	_ =	swait.ge [sflag:s17], $0x4000  }
0x5e: {  	[sflag:s17] =	ssyncset.done $0x0  }
0x5f: {  	s8 =	rddreg [dreg:$0xf];
	[sflag:s17] =	ssyncadd.s32 $0xFFFFC000  }
0x60: {  	[spmem:s3] =	stream.indirect.scatter.add.f32 [tilespmem:s14], [sflag:$0x4], $0x80, s8, s12, $0xb8;
	[tilespmem:$0x1CC00] =	vst v63  }
0x61: {  	_ =	swait.ge [sflag:s18], $0x4000  }
0x62: {  	[sflag:s18] =	ssyncset.done $0x0  }
0x63: {  	s9 =	rddreg [dreg:$0x10];
	[sflag:s18] =	ssyncadd.s32 $0xFFFFC000  }
0x64: {  	[tilespmem:s14], [sflag:$0x2] =	stream.indirect.gather [hbm4b:s5+s12], $0x80, s9, s12, $0xb8;
	[tilespmem:$0x1CC00] =	vst v63  }
0x65: {  	_ =	swait.ge [sflag:s15], $0x4000  }
0x66: {  	[sflag:s15] =	ssyncset.done $0x0  }
0x67: {  	s7 =	rddreg [dreg:$0x11];
	[sflag:s15] =	ssyncadd.s32 $0xFFFFC000  }
0x68: {  	[spmem:s3] =	stream.indirect.scatter.add.f32 [tilespmem:s13], [sflag:$0x3], $0x80, s7, s12, $0xb8;
	[tilespmem:$0x1CC00] =	vst v63  }
0x69: {  	_ =	swait.ge [sflag:s16], $0x4000  }
0x6a: {  	[sflag:s16] =	ssyncset.done $0x0  }
0x6b: {  	s8 =	rddreg [dreg:$0x12];
	[sflag:s16] =	ssyncadd.s32 $0xFFFFC000  }
0x6c: {  	[tilespmem:s13], [sflag:$0x1] =	stream.indirect.gather [hbm4b:s5+s12], $0x80, s8, s12, $0xb8;
	[tilespmem:$0x1CC00] =	vst v63  }
0x6d: {  	_ =	swait.ge [sflag:s17], $0x4000  }
0x6e: {  	[sflag:s17] =	ssyncset.done $0x0  }
0x6f: {  	s9 =	rddreg [dreg:$0x13];
	[sflag:s17] =	ssyncadd.s32 $0xFFFFC000  }
0x70: {  	[spmem:s3] =	stream.indirect.scatter.add.f32 [tilespmem:s14], [sflag:$0x4], $0x80, s9, s12, $0xb8;
	[tilespmem:$0x1CC00] =	vst v63  }
0x71: {  	_ =	swait.ge [sflag:s18], $0x4000  }
0x72: {  	[sflag:s18] =	ssyncset.done $0x0  }
0x73: {  	[sflag:s18] =	ssyncadd.s32 $0xFFFFC000  }
0x74: {  	[tilespmem:s14], [sflag:$0x2] =	stream.indirect.gather [hbm4b:s5+s12], $0x80, s19, s12, $0xb8;
	[tilespmem:$0x1CC00] =	vst v63  }
0x75: {  	_ =	swait.ge [sflag:s15], $0x4000  }
0x76: {  	[sflag:s15] =	ssyncset.done $0x0  }
0x77: {  	[sflag:s15] =	ssyncadd.s32 $0xFFFFC000  }
0x78: {  	[spmem:s3] =	stream.indirect.scatter.add.f32 [tilespmem:s13], [sflag:$0x3], $0x80, s20, s12, $0xb8;
	[tilespmem:$0x1CC00] =	vst v63  }
0x79: {  	_ =	swait.ge [sflag:s16], $0x4000  }
0x7a: {  	[sflag:s16] =	ssyncset.done $0x0  }
0x7b: {  	[sflag:s16] =	ssyncadd.s32 $0xFFFFC000  }
0x7c: {  	[tilespmem:s13], [sflag:$0x1] =	stream.indirect.gather [hbm4b:s5+s12], $0x80, s21, s12, $0xb8;
	[tilespmem:$0x1CC00] =	vst v63  }
0x7d: {  	_ =	swait.ge [sflag:s17], $0x4000  }
0x7e: {  	[sflag:s17] =	ssyncset.done $0x0  }
0x7f: {  	[sflag:s17] =	ssyncadd.s32 $0xFFFFC000  }
0x80: {  	[spmem:s3] =	stream.indirect.scatter.add.f32 [tilespmem:s14], [sflag:$0x4], $0x80, s22, s12, $0xb8;
	[tilespmem:$0x1CC00] =	vst v63  }
0x81: {  	_ =	swait.ge [sflag:s18], $0x4000  }
0x82: {  	[sflag:s18] =	ssyncset.done $0x0  }
0x83: {  	[sflag:s18] =	ssyncadd.s32 $0xFFFFC000  }
0x84: {  	[tilespmem:s14], [sflag:$0x2] =	stream.indirect.gather [hbm4b:s5+s12], $0x80, s23, s12, $0xb8;
	[tilespmem:$0x1CC00] =	vst v63  }
0x85: {  	_ =	swait.ge [sflag:s15], $0x4000  }
0x86: {  	[sflag:s15] =	ssyncset.done $0x0  }
0x87: {  	[sflag:s15] =	ssyncadd.s32 $0xFFFFC000  }
0x88: {  	[spmem:s3] =	stream.indirect.scatter.add.f32 [tilespmem:s13], [sflag:$0x3], $0x80, s24, s12, $0xb8;
	[tilespmem:$0x1CC00] =	vst v63  }
0x89: {  	_ =	swait.ge [sflag:s16], $0x4000  }
0x8a: {  	[sflag:s16] =	ssyncset.done $0x0  }
0x8b: {  	[sflag:s16] =	ssyncadd.s32 $0xFFFFC000  }
0x8c: {  	[tilespmem:s13], [sflag:$0x1] =	stream.indirect.gather [hbm4b:s5+s12], $0x80, s25, s12, $0xb8;
	[tilespmem:$0x1CC00] =	vst v63  }
0x8d: {  	_ =	swait.ge [sflag:s17], $0x4000  }
0x8e: {  	[sflag:s17] =	ssyncset.done $0x0  }
0x8f: {  	[sflag:s17] =	ssyncadd.s32 $0xFFFFC000  }
0x90: {  	[spmem:s3] =	stream.indirect.scatter.add.f32 [tilespmem:s14], [sflag:$0x4], $0x80, s26, s12, $0xb8;
	[tilespmem:$0x1CC00] =	vst v63  }
0x91: {  	_ =	swait.ge [sflag:s18], $0x4000  }
0x92: {  	[sflag:s18] =	ssyncset.done $0x0  }
0x93: {  	[sflag:s18] =	ssyncadd.s32 $0xFFFFC000  }
0x94: {  	[tilespmem:s14], [sflag:$0x2] =	stream.indirect.gather [hbm4b:s5+s12], $0x80, s28, s12, $0xb8;
	[tilespmem:$0x1CC00] =	vst v63  }
0x95: {  	_ =	swait.ge [sflag:s15], $0x4000  }
0x96: {  	[sflag:s15] =	ssyncset.done $0x0  }
0x97: {  	[sflag:s15] =	ssyncadd.s32 $0xFFFFC000  }
0x98: {  	[spmem:s3] =	stream.indirect.scatter.add.f32 [tilespmem:s13], [sflag:$0x3], $0x80, s29, s12, $0xb8;
	[tilespmem:$0x1CC00] =	vst v63  }
0x99: {  	_ =	swait.ge [sflag:s16], $0x4000  }
0x9a: {  	[sflag:s16] =	ssyncset.done $0x0  }
0x9b: {  	[sflag:s16] =	ssyncadd.s32 $0xFFFFC000  }
0x9c: {  	[tilespmem:s13], [sflag:$0x1] =	stream.indirect.gather [hbm4b:s5+s12], $0x80, s30, s12, $0xb8;
	[tilespmem:$0x1CC00] =	vst v63  }
0x9d: {  	_ =	swait.ge [sflag:s17], $0x4000  }
0x9e: {  	[sflag:s17] =	ssyncset.done $0x0  }
0x9f: {  	[sflag:s17] =	ssyncadd.s32 $0xFFFFC000  }
0xa0: {  	[spmem:s3] =	stream.indirect.scatter.add.f32 [tilespmem:s14], [sflag:$0x4], $0x80, s31, s12, $0xb8;
	[tilespmem:$0x1CC00] =	vst v63  }
0xa1: {  	_ =	swait.ge [sflag:s18], $0x4000  }
0xa2: {  	[sflag:s18] =	ssyncset.done $0x0  }
0xa3: {  	[sflag:s18] =	ssyncadd.s32 $0xFFFFC000  }
0xa4: {  	[tilespmem:s14], [sflag:$0x2] =	stream.indirect.gather [hbm4b:s5+s12], $0x80, s1, s12, $0xb8;
	[tilespmem:$0x1CC00] =	vst v63  }
0xa5: {  	_ =	swait.ge [sflag:s15], $0x4000  }
0xa6: {  	[sflag:s15] =	ssyncset.done $0x0  }
0xa7: {  	[sflag:s15] =	ssyncadd.s32 $0xFFFFC000  }
0xa8: {  	[spmem:s3] =	stream.indirect.scatter.add.f32 [tilespmem:s13], [sflag:$0x3], $0x80, s0, s12, $0xb8;
	[tilespmem:$0x1CC00] =	vst v63  }
0xa9: {  	_ =	swait.ge [sflag:s17], $0x4000  }
0xaa: {  	[sflag:s17] =	ssyncset.done $0x0  }
0xab: {  	[sflag:s17] =	ssyncadd.s32 $0xFFFFC000  }
0xac: {  	[spmem:s3] =	stream.indirect.scatter.add.f32 [tilespmem:s14], [sflag:$0x4], $0x80, s2, s12, $0xb8;
	[tilespmem:$0x1CC00] =	vst v63  }
0xad: {  	_ =	swait.ge [sflag:s16], $0x4000  }
0xae: {  	[sflag:s16] =	ssyncset.done $0x0  }
0xaf: {  	[sflag:s16] =	ssyncadd.s32 $0xFFFFC000  }
0xb0: {  	s6 =	simm.s32 $0x200;
	_ =	swait.ge [sflag:s18], $0x4000  }
0xb1: {  	s8 =	simm.s32 $0x100;
	s9 =	rddreg [dreg:$0x4];
	[sflag:s18] =	ssyncset.done $0x0  }
.LBB2_2:
0xb2: {  	[sflag:s18] =	ssyncadd.s32 $0xFFFFC000;
	s9 =	sadd.s32 s8, s9  }
0xb3: {  	[tilespmem:s4], [sflag:$0x5] =	stream.linear.gather [hbm4b:s9+s4], $0x800, $0x38;
	[tilespmem:$0x1CC00] =	vst v63  }
0xb4: {  	_ =	swait.ge [sflag:s10], $0x800  }
0xb5: {  	s9 =	rddreg [dreg:$0x5];
	[sflag:s10] =	ssyncset.done $0x0  }
0xb6: {  	[sflag:s10] =	ssyncadd.s32 $0xFFFFF800;
	s9 =	sadd.s32 s8, s9  }
0xb7: {  	[tilespmem:s11], [sflag:$0x5] =	stream.linear.gather [hbm4b:s9+s4], $0x800, $0x38;
	[tilespmem:$0x1CC00] =	vst v63  }
0xb8: {  	_ =	swait.ge [sflag:s10], $0x800  }
0xb9: {  	[sflag:s10] =	ssyncset.done $0x0  }
0xba: {  	[sflag:s10] =	ssyncadd.s32 $0xFFFFF800  }
0xbb: {  	[tilespmem:s13], [sflag:$0x1] =	stream.indirect.gather [hbm4b:s5+s12], $0x80, s4, s12, $0xb8;
	[tilespmem:$0x1CC00] =	vst v63  }
0xbc: {  	_ = 	snop  }
0xbd: {  	[tilespmem:s14], [sflag:$0x2] =	stream.indirect.gather [hbm4b:s5+s12], $0x80, s12, s12, $0xb8;
	[tilespmem:$0x1CC00] =	vst v63  }
0xbe: {  	_ =	swait.ge [sflag:s15], $0x4000  }
0xbf: {  	[sflag:s15] =	ssyncset.done $0x0  }
0xc0: {  	[sflag:s15] =	ssyncadd.s32 $0xFFFFC000  }
0xc1: {  	[spmem:s3] =	stream.indirect.scatter.add.f32 [tilespmem:s13], [sflag:$0x3], $0x80, s11, s12, $0xb8;
	[tilespmem:$0x1CC00] =	vst v63  }
0xc2: {  	_ =	swait.ge [sflag:s16], $0x4000  }
0xc3: {  	[sflag:s16] =	ssyncset.done $0x0  }
0xc4: {  	s9 =	rddreg [dreg:$0x6];
	[sflag:s16] =	ssyncadd.s32 $0xFFFFC000  }
0xc5: {  	[tilespmem:s13], [sflag:$0x1] =	stream.indirect.gather [hbm4b:s5+s12], $0x80, s9, s12, $0xb8;
	[tilespmem:$0x1CC00] =	vst v63  }
0xc6: {  	_ =	swait.ge [sflag:s17], $0x4000  }
0xc7: {  	[sflag:s17] =	ssyncset.done $0x0  }
0xc8: {  	s9 =	rddreg [dreg:$0x7];
	[sflag:s17] =	ssyncadd.s32 $0xFFFFC000  }
0xc9: {  	[spmem:s3] =	stream.indirect.scatter.add.f32 [tilespmem:s14], [sflag:$0x4], $0x80, s9, s12, $0xb8;
	[tilespmem:$0x1CC00] =	vst v63  }
0xca: {  	_ =	swait.ge [sflag:s18], $0x4000  }
0xcb: {  	[sflag:s18] =	ssyncset.done $0x0  }
0xcc: {  	s9 =	rddreg [dreg:$0x8];
	[sflag:s18] =	ssyncadd.s32 $0xFFFFC000  }
0xcd: {  	[tilespmem:s14], [sflag:$0x2] =	stream.indirect.gather [hbm4b:s5+s12], $0x80, s9, s12, $0xb8;
	[tilespmem:$0x1CC00] =	vst v63  }
0xce: {  	_ =	swait.ge [sflag:s15], $0x4000  }
0xcf: {  	[sflag:s15] =	ssyncset.done $0x0  }
0xd0: {  	s9 =	rddreg [dreg:$0x9];
	[sflag:s15] =	ssyncadd.s32 $0xFFFFC000  }
0xd1: {  	[spmem:s3] =	stream.indirect.scatter.add.f32 [tilespmem:s13], [sflag:$0x3], $0x80, s9, s12, $0xb8;
	[tilespmem:$0x1CC00] =	vst v63  }
0xd2: {  	_ =	swait.ge [sflag:s16], $0x4000  }
0xd3: {  	[sflag:s16] =	ssyncset.done $0x0  }
0xd4: {  	s9 =	rddreg [dreg:$0xa];
	[sflag:s16] =	ssyncadd.s32 $0xFFFFC000  }
0xd5: {  	[tilespmem:s13], [sflag:$0x1] =	stream.indirect.gather [hbm4b:s5+s12], $0x80, s9, s12, $0xb8;
	[tilespmem:$0x1CC00] =	vst v63  }
0xd6: {  	_ =	swait.ge [sflag:s17], $0x4000  }
0xd7: {  	[sflag:s17] =	ssyncset.done $0x0  }
0xd8: {  	s9 =	rddreg [dreg:$0xb];
	[sflag:s17] =	ssyncadd.s32 $0xFFFFC000  }
0xd9: {  	[spmem:s3] =	stream.indirect.scatter.add.f32 [tilespmem:s14], [sflag:$0x4], $0x80, s9, s12, $0xb8;
	[tilespmem:$0x1CC00] =	vst v63  }
0xda: {  	_ =	swait.ge [sflag:s18], $0x4000  }
0xdb: {  	[sflag:s18] =	ssyncset.done $0x0  }
0xdc: {  	s9 =	rddreg [dreg:$0xc];
	[sflag:s18] =	ssyncadd.s32 $0xFFFFC000  }
0xdd: {  	[tilespmem:s14], [sflag:$0x2] =	stream.indirect.gather [hbm4b:s5+s12], $0x80, s9, s12, $0xb8;
	[tilespmem:$0x1CC00] =	vst v63  }
0xde: {  	_ =	swait.ge [sflag:s15], $0x4000  }
0xdf: {  	[sflag:s15] =	ssyncset.done $0x0  }
0xe0: {  	s9 =	rddreg [dreg:$0xd];
	[sflag:s15] =	ssyncadd.s32 $0xFFFFC000  }
0xe1: {  	[spmem:s3] =	stream.indirect.scatter.add.f32 [tilespmem:s13], [sflag:$0x3], $0x80, s9, s12, $0xb8;
	[tilespmem:$0x1CC00] =	vst v63  }
0xe2: {  	_ =	swait.ge [sflag:s16], $0x4000  }
0xe3: {  	[sflag:s16] =	ssyncset.done $0x0  }
0xe4: {  	s9 =	rddreg [dreg:$0xe];
	[sflag:s16] =	ssyncadd.s32 $0xFFFFC000  }
0xe5: {  	[tilespmem:s13], [sflag:$0x1] =	stream.indirect.gather [hbm4b:s5+s12], $0x80, s9, s12, $0xb8;
	[tilespmem:$0x1CC00] =	vst v63  }
0xe6: {  	_ =	swait.ge [sflag:s17], $0x4000  }
0xe7: {  	[sflag:s17] =	ssyncset.done $0x0  }
0xe8: {  	s9 =	rddreg [dreg:$0xf];
	[sflag:s17] =	ssyncadd.s32 $0xFFFFC000  }
0xe9: {  	[spmem:s3] =	stream.indirect.scatter.add.f32 [tilespmem:s14], [sflag:$0x4], $0x80, s9, s12, $0xb8;
	[tilespmem:$0x1CC00] =	vst v63  }
0xea: {  	_ =	swait.ge [sflag:s18], $0x4000  }
0xeb: {  	[sflag:s18] =	ssyncset.done $0x0  }
0xec: {  	s9 =	rddreg [dreg:$0x10];
	[sflag:s18] =	ssyncadd.s32 $0xFFFFC000  }
0xed: {  	[tilespmem:s14], [sflag:$0x2] =	stream.indirect.gather [hbm4b:s5+s12], $0x80, s9, s12, $0xb8;
	[tilespmem:$0x1CC00] =	vst v63  }
0xee: {  	_ =	swait.ge [sflag:s15], $0x4000  }
0xef: {  	[sflag:s15] =	ssyncset.done $0x0  }
0xf0: {  	s9 =	rddreg [dreg:$0x11];
	[sflag:s15] =	ssyncadd.s32 $0xFFFFC000  }
0xf1: {  	[spmem:s3] =	stream.indirect.scatter.add.f32 [tilespmem:s13], [sflag:$0x3], $0x80, s9, s12, $0xb8;
	[tilespmem:$0x1CC00] =	vst v63  }
0xf2: {  	_ =	swait.ge [sflag:s16], $0x4000  }
0xf3: {  	[sflag:s16] =	ssyncset.done $0x0  }
0xf4: {  	s9 =	rddreg [dreg:$0x12];
	[sflag:s16] =	ssyncadd.s32 $0xFFFFC000  }
0xf5: {  	[tilespmem:s13], [sflag:$0x1] =	stream.indirect.gather [hbm4b:s5+s12], $0x80, s9, s12, $0xb8;
	[tilespmem:$0x1CC00] =	vst v63  }
0xf6: {  	_ =	swait.ge [sflag:s17], $0x4000  }
0xf7: {  	[sflag:s17] =	ssyncset.done $0x0  }
0xf8: {  	s9 =	rddreg [dreg:$0x13];
	[sflag:s17] =	ssyncadd.s32 $0xFFFFC000  }
0xf9: {  	[spmem:s3] =	stream.indirect.scatter.add.f32 [tilespmem:s14], [sflag:$0x4], $0x80, s9, s12, $0xb8;
	[tilespmem:$0x1CC00] =	vst v63  }
0xfa: {  	_ =	swait.ge [sflag:s18], $0x4000  }
0xfb: {  	[sflag:s18] =	ssyncset.done $0x0  }
0xfc: {  	[sflag:s18] =	ssyncadd.s32 $0xFFFFC000  }
0xfd: {  	[tilespmem:s14], [sflag:$0x2] =	stream.indirect.gather [hbm4b:s5+s12], $0x80, s19, s12, $0xb8;
	[tilespmem:$0x1CC00] =	vst v63  }
0xfe: {  	_ =	swait.ge [sflag:s15], $0x4000  }
0xff: {  	[sflag:s15] =	ssyncset.done $0x0  }
0x100: {  	[sflag:s15] =	ssyncadd.s32 $0xFFFFC000  }
0x101: {  	[spmem:s3] =	stream.indirect.scatter.add.f32 [tilespmem:s13], [sflag:$0x3], $0x80, s20, s12, $0xb8;
	[tilespmem:$0x1CC00] =	vst v63  }
0x102: {  	_ =	swait.ge [sflag:s16], $0x4000  }
0x103: {  	[sflag:s16] =	ssyncset.done $0x0  }
0x104: {  	[sflag:s16] =	ssyncadd.s32 $0xFFFFC000  }
0x105: {  	[tilespmem:s13], [sflag:$0x1] =	stream.indirect.gather [hbm4b:s5+s12], $0x80, s21, s12, $0xb8;
	[tilespmem:$0x1CC00] =	vst v63  }
0x106: {  	_ =	swait.ge [sflag:s17], $0x4000  }
0x107: {  	[sflag:s17] =	ssyncset.done $0x0  }
0x108: {  	[sflag:s17] =	ssyncadd.s32 $0xFFFFC000  }
0x109: {  	[spmem:s3] =	stream.indirect.scatter.add.f32 [tilespmem:s14], [sflag:$0x4], $0x80, s22, s12, $0xb8;
	[tilespmem:$0x1CC00] =	vst v63  }
0x10a: {  	_ =	swait.ge [sflag:s18], $0x4000  }
0x10b: {  	[sflag:s18] =	ssyncset.done $0x0  }
0x10c: {  	[sflag:s18] =	ssyncadd.s32 $0xFFFFC000  }
0x10d: {  	[tilespmem:s14], [sflag:$0x2] =	stream.indirect.gather [hbm4b:s5+s12], $0x80, s23, s12, $0xb8;
	[tilespmem:$0x1CC00] =	vst v63  }
0x10e: {  	_ =	swait.ge [sflag:s15], $0x4000  }
0x10f: {  	[sflag:s15] =	ssyncset.done $0x0  }
0x110: {  	[sflag:s15] =	ssyncadd.s32 $0xFFFFC000  }
0x111: {  	[spmem:s3] =	stream.indirect.scatter.add.f32 [tilespmem:s13], [sflag:$0x3], $0x80, s24, s12, $0xb8;
	[tilespmem:$0x1CC00] =	vst v63  }
0x112: {  	_ =	swait.ge [sflag:s16], $0x4000  }
0x113: {  	[sflag:s16] =	ssyncset.done $0x0  }
0x114: {  	[sflag:s16] =	ssyncadd.s32 $0xFFFFC000  }
0x115: {  	[tilespmem:s13], [sflag:$0x1] =	stream.indirect.gather [hbm4b:s5+s12], $0x80, s25, s12, $0xb8;
	[tilespmem:$0x1CC00] =	vst v63  }
0x116: {  	_ =	swait.ge [sflag:s17], $0x4000  }
0x117: {  	[sflag:s17] =	ssyncset.done $0x0  }
0x118: {  	[sflag:s17] =	ssyncadd.s32 $0xFFFFC000  }
0x119: {  	[spmem:s3] =	stream.indirect.scatter.add.f32 [tilespmem:s14], [sflag:$0x4], $0x80, s26, s12, $0xb8;
	[tilespmem:$0x1CC00] =	vst v63  }
0x11a: {  	_ =	swait.ge [sflag:s18], $0x4000  }
0x11b: {  	[sflag:s18] =	ssyncset.done $0x0  }
0x11c: {  	[sflag:s18] =	ssyncadd.s32 $0xFFFFC000  }
0x11d: {  	[tilespmem:s14], [sflag:$0x2] =	stream.indirect.gather [hbm4b:s5+s12], $0x80, s28, s12, $0xb8;
	[tilespmem:$0x1CC00] =	vst v63  }
0x11e: {  	_ =	swait.ge [sflag:s15], $0x4000  }
0x11f: {  	[sflag:s15] =	ssyncset.done $0x0  }
0x120: {  	[sflag:s15] =	ssyncadd.s32 $0xFFFFC000  }
0x121: {  	[spmem:s3] =	stream.indirect.scatter.add.f32 [tilespmem:s13], [sflag:$0x3], $0x80, s29, s12, $0xb8;
	[tilespmem:$0x1CC00] =	vst v63  }
0x122: {  	_ =	swait.ge [sflag:s16], $0x4000  }
0x123: {  	[sflag:s16] =	ssyncset.done $0x0  }
0x124: {  	[sflag:s16] =	ssyncadd.s32 $0xFFFFC000  }
0x125: {  	[tilespmem:s13], [sflag:$0x1] =	stream.indirect.gather [hbm4b:s5+s12], $0x80, s30, s12, $0xb8;
	[tilespmem:$0x1CC00] =	vst v63  }
0x126: {  	_ =	swait.ge [sflag:s17], $0x4000  }
0x127: {  	[sflag:s17] =	ssyncset.done $0x0  }
0x128: {  	[sflag:s17] =	ssyncadd.s32 $0xFFFFC000  }
0x129: {  	[spmem:s3] =	stream.indirect.scatter.add.f32 [tilespmem:s14], [sflag:$0x4], $0x80, s31, s12, $0xb8;
	[tilespmem:$0x1CC00] =	vst v63  }
0x12a: {  	_ =	swait.ge [sflag:s18], $0x4000  }
0x12b: {  	[sflag:s18] =	ssyncset.done $0x0  }
0x12c: {  	[sflag:s18] =	ssyncadd.s32 $0xFFFFC000  }
0x12d: {  	[tilespmem:s14], [sflag:$0x2] =	stream.indirect.gather [hbm4b:s5+s12], $0x80, s1, s12, $0xb8;
	[tilespmem:$0x1CC00] =	vst v63  }
0x12e: {  	_ =	swait.ge [sflag:s15], $0x4000  }
0x12f: {  	[sflag:s15] =	ssyncset.done $0x0  }
0x130: {  	[sflag:s15] =	ssyncadd.s32 $0xFFFFC000  }
0x131: {  	[spmem:s3] =	stream.indirect.scatter.add.f32 [tilespmem:s13], [sflag:$0x3], $0x80, s0, s12, $0xb8;
	[tilespmem:$0x1CC00] =	vst v63  }
0x132: {  	_ =	swait.ge [sflag:s17], $0x4000  }
0x133: {  	[sflag:s17] =	ssyncset.done $0x0  }
0x134: {  	p0 =	sne.s32 s6, $0x400;
	[sflag:s17] =	ssyncadd.s32 $0xFFFFC000  }
0x135: {  	[spmem:s3] =	stream.indirect.scatter.add.f32 [tilespmem:s14], [sflag:$0x4], $0x80, s2, s12, $0xb8;
	[tilespmem:$0x1CC00] =	vst v63  }
.Ltmp0:
0x136: {  	_ =	swait.ge [sflag:s16], $0x4000;
	(pc) =	sbr.rel @p0 .LBB2_2-.Ltmp0, $4  }
0x137: {  	[sflag:s16] =	ssyncset.done $0x0  }
0x138: {  	[sflag:s16] =	ssyncadd.s32 $0xFFFFC000  }
0x139: {  	s7 =	smov.u32 s6;
	s6 =	sadd.s32 $0x100, s6;
	_ =	swait.ge [sflag:s18], $0x4000  }
0x13a: {  	s8 =	smov.u32 s7;
	s9 =	rddreg [dreg:$0x4];
	[sflag:s18] =	ssyncset.done $0x0  }
0x13b: {  	[sflag:s18] =	ssyncadd.s32 $0xFFFFC000;
	s6 =	sadd.s32 s8, s9  }
0x13c: {  	[tilespmem:s4], [sflag:$0x5] =	stream.linear.gather [hbm4b:s6+s4], $0x800, $0x38;
	[tilespmem:$0x1CC00] =	vst v63  }
0x13d: {  	_ =	swait.ge [sflag:s10], $0x800  }
0x13e: {  	s9 =	rddreg [dreg:$0x5];
	[sflag:s10] =	ssyncset.done $0x0  }
0x13f: {  	s6 =	sadd.s32 s8, s9;
	[sflag:s10] =	ssyncadd.s32 $0xFFFFF800  }
0x140: {  	[tilespmem:s11], [sflag:$0x5] =	stream.linear.gather [hbm4b:s6+s4], $0x800, $0x38;
	[tilespmem:$0x1CC00] =	vst v63  }
0x141: {  	_ =	swait.ge [sflag:s10], $0x800  }
0x142: {  	[sflag:s10] =	ssyncset.done $0x0  }
0x143: {  	[sflag:s10] =	ssyncadd.s32 $0xFFFFF800  }
0x144: {  	[tilespmem:s13], [sflag:$0x1] =	stream.indirect.gather [hbm4b:s5+s12], $0x80, s4, s12, $0xb8;
	[tilespmem:$0x1CC00] =	vst v63  }
0x145: {  	_ = 	snop  }
0x146: {  	[tilespmem:s14], [sflag:$0x2] =	stream.indirect.gather [hbm4b:s5+s12], $0x80, s12, s12, $0xb8;
	[tilespmem:$0x1CC00] =	vst v63  }
0x147: {  	_ =	swait.ge [sflag:s15], $0x4000  }
0x148: {  	[sflag:s15] =	ssyncset.done $0x0  }
0x149: {  	[sflag:s15] =	ssyncadd.s32 $0xFFFFC000  }
0x14a: {  	[spmem:s3] =	stream.indirect.scatter.add.f32 [tilespmem:s13], [sflag:$0x3], $0x80, s11, s12, $0xb8;
	[tilespmem:$0x1CC00] =	vst v63  }
0x14b: {  	_ =	swait.ge [sflag:s16], $0x4000  }
0x14c: {  	[sflag:s16] =	ssyncset.done $0x0  }
0x14d: {  	s7 =	rddreg [dreg:$0x6];
	[sflag:s16] =	ssyncadd.s32 $0xFFFFC000  }
0x14e: {  	[tilespmem:s13], [sflag:$0x1] =	stream.indirect.gather [hbm4b:s5+s12], $0x80, s7, s12, $0xb8;
	[tilespmem:$0x1CC00] =	vst v63  }
0x14f: {  	_ =	swait.ge [sflag:s17], $0x4000  }
0x150: {  	[sflag:s17] =	ssyncset.done $0x0  }
0x151: {  	s8 =	rddreg [dreg:$0x7];
	[sflag:s17] =	ssyncadd.s32 $0xFFFFC000  }
0x152: {  	[spmem:s3] =	stream.indirect.scatter.add.f32 [tilespmem:s14], [sflag:$0x4], $0x80, s8, s12, $0xb8;
	[tilespmem:$0x1CC00] =	vst v63  }
0x153: {  	_ =	swait.ge [sflag:s18], $0x4000  }
0x154: {  	[sflag:s18] =	ssyncset.done $0x0  }
0x155: {  	s9 =	rddreg [dreg:$0x8];
	[sflag:s18] =	ssyncadd.s32 $0xFFFFC000  }
0x156: {  	[tilespmem:s14], [sflag:$0x2] =	stream.indirect.gather [hbm4b:s5+s12], $0x80, s9, s12, $0xb8;
	[tilespmem:$0x1CC00] =	vst v63  }
0x157: {  	_ =	swait.ge [sflag:s15], $0x4000  }
0x158: {  	[sflag:s15] =	ssyncset.done $0x0  }
0x159: {  	s7 =	rddreg [dreg:$0x9];
	[sflag:s15] =	ssyncadd.s32 $0xFFFFC000  }
0x15a: {  	[spmem:s3] =	stream.indirect.scatter.add.f32 [tilespmem:s13], [sflag:$0x3], $0x80, s7, s12, $0xb8;
	[tilespmem:$0x1CC00] =	vst v63  }
0x15b: {  	_ =	swait.ge [sflag:s16], $0x4000  }
0x15c: {  	[sflag:s16] =	ssyncset.done $0x0  }
0x15d: {  	s8 =	rddreg [dreg:$0xa];
	[sflag:s16] =	ssyncadd.s32 $0xFFFFC000  }
0x15e: {  	[tilespmem:s13], [sflag:$0x1] =	stream.indirect.gather [hbm4b:s5+s12], $0x80, s8, s12, $0xb8;
	[tilespmem:$0x1CC00] =	vst v63  }
0x15f: {  	_ =	swait.ge [sflag:s17], $0x4000  }
0x160: {  	[sflag:s17] =	ssyncset.done $0x0  }
0x161: {  	s9 =	rddreg [dreg:$0xb];
	[sflag:s17] =	ssyncadd.s32 $0xFFFFC000  }
0x162: {  	[spmem:s3] =	stream.indirect.scatter.add.f32 [tilespmem:s14], [sflag:$0x4], $0x80, s9, s12, $0xb8;
	[tilespmem:$0x1CC00] =	vst v63  }
0x163: {  	_ =	swait.ge [sflag:s18], $0x4000  }
0x164: {  	[sflag:s18] =	ssyncset.done $0x0  }
0x165: {  	s7 =	rddreg [dreg:$0xc];
	[sflag:s18] =	ssyncadd.s32 $0xFFFFC000  }
0x166: {  	[tilespmem:s14], [sflag:$0x2] =	stream.indirect.gather [hbm4b:s5+s12], $0x80, s7, s12, $0xb8;
	[tilespmem:$0x1CC00] =	vst v63  }
0x167: {  	_ =	swait.ge [sflag:s15], $0x4000  }
0x168: {  	[sflag:s15] =	ssyncset.done $0x0  }
0x169: {  	s8 =	rddreg [dreg:$0xd];
	[sflag:s15] =	ssyncadd.s32 $0xFFFFC000  }
0x16a: {  	[spmem:s3] =	stream.indirect.scatter.add.f32 [tilespmem:s13], [sflag:$0x3], $0x80, s8, s12, $0xb8;
	[tilespmem:$0x1CC00] =	vst v63  }
0x16b: {  	_ =	swait.ge [sflag:s16], $0x4000  }
0x16c: {  	[sflag:s16] =	ssyncset.done $0x0  }
0x16d: {  	s9 =	rddreg [dreg:$0xe];
	[sflag:s16] =	ssyncadd.s32 $0xFFFFC000  }
0x16e: {  	[tilespmem:s13], [sflag:$0x1] =	stream.indirect.gather [hbm4b:s5+s12], $0x80, s9, s12, $0xb8;
	[tilespmem:$0x1CC00] =	vst v63  }
0x16f: {  	_ =	swait.ge [sflag:s17], $0x4000  }
0x170: {  	[sflag:s17] =	ssyncset.done $0x0  }
0x171: {  	s7 =	rddreg [dreg:$0xf];
	[sflag:s17] =	ssyncadd.s32 $0xFFFFC000  }
0x172: {  	[spmem:s3] =	stream.indirect.scatter.add.f32 [tilespmem:s14], [sflag:$0x4], $0x80, s7, s12, $0xb8;
	[tilespmem:$0x1CC00] =	vst v63  }
0x173: {  	_ =	swait.ge [sflag:s18], $0x4000  }
0x174: {  	[sflag:s18] =	ssyncset.done $0x0  }
0x175: {  	s8 =	rddreg [dreg:$0x10];
	[sflag:s18] =	ssyncadd.s32 $0xFFFFC000  }
0x176: {  	[tilespmem:s14], [sflag:$0x2] =	stream.indirect.gather [hbm4b:s5+s12], $0x80, s8, s12, $0xb8;
	[tilespmem:$0x1CC00] =	vst v63  }
0x177: {  	_ =	swait.ge [sflag:s15], $0x4000  }
0x178: {  	[sflag:s15] =	ssyncset.done $0x0  }
0x179: {  	s9 =	rddreg [dreg:$0x11];
	[sflag:s15] =	ssyncadd.s32 $0xFFFFC000  }
0x17a: {  	[spmem:s3] =	stream.indirect.scatter.add.f32 [tilespmem:s13], [sflag:$0x3], $0x80, s9, s12, $0xb8;
	[tilespmem:$0x1CC00] =	vst v63  }
0x17b: {  	_ =	swait.ge [sflag:s16], $0x4000  }
0x17c: {  	[sflag:s16] =	ssyncset.done $0x0  }
0x17d: {  	s7 =	rddreg [dreg:$0x12];
	[sflag:s16] =	ssyncadd.s32 $0xFFFFC000  }
0x17e: {  	[tilespmem:s13], [sflag:$0x1] =	stream.indirect.gather [hbm4b:s5+s12], $0x80, s7, s12, $0xb8;
	[tilespmem:$0x1CC00] =	vst v63  }
0x17f: {  	_ =	swait.ge [sflag:s17], $0x4000  }
0x180: {  	[sflag:s17] =	ssyncset.done $0x0  }
0x181: {  	s8 =	rddreg [dreg:$0x13];
	[sflag:s17] =	ssyncadd.s32 $0xFFFFC000  }
0x182: {  	[spmem:s3] =	stream.indirect.scatter.add.f32 [tilespmem:s14], [sflag:$0x4], $0x80, s8, s12, $0xb8;
	[tilespmem:$0x1CC00] =	vst v63  }
0x183: {  	_ =	swait.ge [sflag:s18], $0x4000  }
0x184: {  	[sflag:s18] =	ssyncset.done $0x0  }
0x185: {  	[sflag:s18] =	ssyncadd.s32 $0xFFFFC000  }
0x186: {  	[tilespmem:s14], [sflag:$0x2] =	stream.indirect.gather [hbm4b:s5+s12], $0x80, s19, s12, $0xb8;
	[tilespmem:$0x1CC00] =	vst v63  }
0x187: {  	_ =	swait.ge [sflag:s15], $0x4000  }
0x188: {  	[sflag:s15] =	ssyncset.done $0x0  }
0x189: {  	[sflag:s15] =	ssyncadd.s32 $0xFFFFC000  }
0x18a: {  	[spmem:s3] =	stream.indirect.scatter.add.f32 [tilespmem:s13], [sflag:$0x3], $0x80, s20, s12, $0xb8;
	[tilespmem:$0x1CC00] =	vst v63  }
0x18b: {  	_ =	swait.ge [sflag:s16], $0x4000  }
0x18c: {  	[sflag:s16] =	ssyncset.done $0x0  }
0x18d: {  	[sflag:s16] =	ssyncadd.s32 $0xFFFFC000  }
0x18e: {  	[tilespmem:s13], [sflag:$0x1] =	stream.indirect.gather [hbm4b:s5+s12], $0x80, s21, s12, $0xb8;
	[tilespmem:$0x1CC00] =	vst v63  }
0x18f: {  	_ =	swait.ge [sflag:s17], $0x4000  }
0x190: {  	[sflag:s17] =	ssyncset.done $0x0  }
0x191: {  	[sflag:s17] =	ssyncadd.s32 $0xFFFFC000  }
0x192: {  	[spmem:s3] =	stream.indirect.scatter.add.f32 [tilespmem:s14], [sflag:$0x4], $0x80, s22, s12, $0xb8;
	[tilespmem:$0x1CC00] =	vst v63  }
0x193: {  	_ =	swait.ge [sflag:s18], $0x4000  }
0x194: {  	[sflag:s18] =	ssyncset.done $0x0  }
0x195: {  	[sflag:s18] =	ssyncadd.s32 $0xFFFFC000  }
0x196: {  	[tilespmem:s14], [sflag:$0x2] =	stream.indirect.gather [hbm4b:s5+s12], $0x80, s23, s12, $0xb8;
	[tilespmem:$0x1CC00] =	vst v63  }
0x197: {  	_ =	swait.ge [sflag:s15], $0x4000  }
0x198: {  	[sflag:s15] =	ssyncset.done $0x0  }
0x199: {  	[sflag:s15] =	ssyncadd.s32 $0xFFFFC000  }
0x19a: {  	[spmem:s3] =	stream.indirect.scatter.add.f32 [tilespmem:s13], [sflag:$0x3], $0x80, s24, s12, $0xb8;
	[tilespmem:$0x1CC00] =	vst v63  }
0x19b: {  	_ =	swait.ge [sflag:s16], $0x4000  }
0x19c: {  	[sflag:s16] =	ssyncset.done $0x0  }
0x19d: {  	[sflag:s16] =	ssyncadd.s32 $0xFFFFC000  }
0x19e: {  	[tilespmem:s13], [sflag:$0x1] =	stream.indirect.gather [hbm4b:s5+s12], $0x80, s25, s12, $0xb8;
	[tilespmem:$0x1CC00] =	vst v63  }
0x19f: {  	_ =	swait.ge [sflag:s17], $0x4000  }
0x1a0: {  	[sflag:s17] =	ssyncset.done $0x0  }
0x1a1: {  	[sflag:s17] =	ssyncadd.s32 $0xFFFFC000  }
0x1a2: {  	[spmem:s3] =	stream.indirect.scatter.add.f32 [tilespmem:s14], [sflag:$0x4], $0x80, s26, s12, $0xb8;
	[tilespmem:$0x1CC00] =	vst v63  }
0x1a3: {  	_ =	swait.ge [sflag:s18], $0x4000  }
0x1a4: {  	[sflag:s18] =	ssyncset.done $0x0  }
0x1a5: {  	[sflag:s18] =	ssyncadd.s32 $0xFFFFC000  }
0x1a6: {  	[tilespmem:s14], [sflag:$0x2] =	stream.indirect.gather [hbm4b:s5+s12], $0x80, s28, s12, $0xb8;
	[tilespmem:$0x1CC00] =	vst v63  }
0x1a7: {  	_ =	swait.ge [sflag:s15], $0x4000  }
0x1a8: {  	[sflag:s15] =	ssyncset.done $0x0  }
0x1a9: {  	[sflag:s15] =	ssyncadd.s32 $0xFFFFC000  }
0x1aa: {  	[spmem:s3] =	stream.indirect.scatter.add.f32 [tilespmem:s13], [sflag:$0x3], $0x80, s29, s12, $0xb8;
	[tilespmem:$0x1CC00] =	vst v63  }
0x1ab: {  	_ =	swait.ge [sflag:s16], $0x4000  }
0x1ac: {  	[sflag:s16] =	ssyncset.done $0x0  }
0x1ad: {  	[sflag:s16] =	ssyncadd.s32 $0xFFFFC000  }
0x1ae: {  	[tilespmem:s13], [sflag:$0x1] =	stream.indirect.gather [hbm4b:s5+s12], $0x80, s30, s12, $0xb8;
	[tilespmem:$0x1CC00] =	vst v63  }
0x1af: {  	_ =	swait.ge [sflag:s17], $0x4000  }
0x1b0: {  	[sflag:s17] =	ssyncset.done $0x0  }
0x1b1: {  	[sflag:s17] =	ssyncadd.s32 $0xFFFFC000  }
0x1b2: {  	[spmem:s3] =	stream.indirect.scatter.add.f32 [tilespmem:s14], [sflag:$0x4], $0x80, s31, s12, $0xb8;
	[tilespmem:$0x1CC00] =	vst v63  }
0x1b3: {  	_ =	swait.ge [sflag:s18], $0x4000  }
0x1b4: {  	[sflag:s18] =	ssyncset.done $0x0  }
0x1b5: {  	[sflag:s18] =	ssyncadd.s32 $0xFFFFC000  }
0x1b6: {  	[tilespmem:s14], [sflag:$0x2] =	stream.indirect.gather [hbm4b:s5+s12], $0x80, s1, s12, $0xb8;
	[tilespmem:$0x1CC00] =	vst v63  }
0x1b7: {  	_ =	swait.ge [sflag:s15], $0x4000  }
0x1b8: {  	[sflag:s15] =	ssyncset.done $0x0  }
0x1b9: {  	[sflag:s15] =	ssyncadd.s32 $0xFFFFC000  }
0x1ba: {  	[spmem:s3] =	stream.indirect.scatter.add.f32 [tilespmem:s13], [sflag:$0x3], $0x80, s0, s12, $0xb8;
	[tilespmem:$0x1CC00] =	vst v63  }
0x1bb: {  	_ =	swait.ge [sflag:s17], $0x4000  }
0x1bc: {  	[sflag:s17] =	ssyncset.done $0x0  }
0x1bd: {  	[sflag:s17] =	ssyncadd.s32 $0xFFFFC000  }
0x1be: {  	[spmem:s3] =	stream.indirect.scatter.add.f32 [tilespmem:s14], [sflag:$0x4], $0x80, s2, s12, $0xb8;
	[tilespmem:$0x1CC00] =	vst v63  }
0x1bf: {  	_ =	swait.ge [sflag:s16], $0x4000  }
0x1c0: {  	[sflag:s16] =	ssyncset.done $0x0  }
0x1c1: {  	[sflag:s16] =	ssyncadd.s32 $0xFFFFC000  }
0x1c2: {  	_ =	swait.ge [sflag:s18], $0x4000  }
0x1c3: {  	[sflag:s18] =	ssyncset.done $0x0  }
0x1c4: {  	[sflag:s18] =	ssyncadd.s32 $0xFFFFC000  }
0x1c5: {  	[bflag:$0x0] =	sbarrier.arrive $0xFFFF  }
0x1c6: {  	s7 =	rddreg [dreg:$0x14]  }
0x1c7: {  	s9 =	rddreg [dreg:$0x15]  }
0x1c8: {  	s8 =	rddreg [dreg:$0x17]  }
0x1c9: {  	[hbm:s9], [sflag:s7] =	dma.local [spmem:s8], $0x2780  }
0x1ca: {  	_ =	swait.ge [sflag:s10], $0x2780  }
0x1cb: {  	s6 =	rddreg [dreg:$0x18]  }
0x1cc: {  	s9 =	sadd.s32 $0x1, s6;
	s6 =	rddreg [dreg:$0x16]  }
0x1cd: {  	p0 =	sne.s32 s9, s6  }
.Ltmp1:
0x1ce: {  	_ = 	snop;
	(pc) =	sbr.rel @p0 .LBB2_1-.Ltmp1, $3  }
0x1cf: {  	_ =	sdelay $0x1  }
0x1d0: {  	[sflag:s10] =	ssyncset.done $0x0  }
0x1d1: {  	[sflag:s10] =	ssyncadd.s32 $0xFFFFD880  }
0x1d2: {  	_ =	sfence.sel $0x180000  }
0x1d3: {  	[bflag:$0x0] =	sbarrier.arrive $0xFFFF  }
0x1d4: {  	_ =	strace $0x9000004A  }
0x1d5: {  	s0 =	stileid.u32;
	[bflag:$0x2] =	sbarrier.arrive $0xFFFF  }
0x1d6: {  	p0 =	sne.s32 s0, $0x0;
	s0 =	rddreg [dreg:$0x3]  }
0x1d7: {  	s0 =	sadd.s32 @!p0 $0x100000, s0  }
0x1d8: {  	[sflag:s0] =	ssyncadd.tile.s32 @!p0 $0x1;
	_ =	shalt  }
.Lfunc_end2:
_tile_overlayer_lowered:
.L_overlay_start_2:
0x1d9: {  	(tag) =	ssettag $0x2  }
0x1da: {  	s0 =	rddreg [dreg:$0x0];
	s2 =	stileid.u32  }
0x1db: {  	s1 =	rddreg [dreg:$0x1];
	p0 =	sne.s32 s2, $0x0  }
0x1dc: {  	s3 =	rddreg [dreg:$0x2];
	[bflag:$0x3] =	sbarrier.arrive $0xFFFF;
	s2 =	simm.s32 @!p0 $0x1C05  }
0x1dd: {  	[timem:s3], [sflag:s2] =	dma.local @!p0 [hbm:s0], s1  }
0x1de: {  	s0 =	simm.s32 @!p0 $0x5  }
0x1df: {  	_ =	swait.ge @!p0 [sflag:s0], s1  }
0x1e0: {  	s1 =	ssub.s32 @!p0 $0x0, s1;
	[sflag:s0] =	ssyncset.done @!p0 $0x0  }
0x1e1: {  	[sflag:s0] =	ssyncadd.s32 @!p0 s1  }
0x1e2: {  	[bflag:$0x3] =	sbarrier.arrive $0xFFFF  }
0x1e3: {  	_ =	shalt  }

// kernel: kernel.13.cloned.1.call-start
scs
__scs_entry_jumppad:
0x0: {  	(pc) =	sbr.rel $0x88, $3  }
0x1: {  	(tag) =	ssettag $0x0;
	lr =	simm.s32 $0x1  }
0x2: {  	[smem:$0x3F95] =	sst lr;
	_ =	strace $0xD0000000  }
0x3: {  	_ = 	snop  }
0x4: {  	_ = 	snop  }
0x5: {  	_ = 	snop  }
0x6: {  	_ = 	snop  }
0x7: {  	_ = 	snop  }
__scs_overlays_trampoline_lowered:
0x8: {  	[smem:$0x3FA4] =	sst s0  }
0x9: {  	[smem:$0x3FA5] =	sst s1  }
0xa: {  	[smem:$0x3FA6] =	sst s2  }
0xb: {  	[smem:$0x3FA7] =	sst s3  }
0xc: {  	[smem:$0x3FA8] =	sst s4  }
0xd: {  	[smem:$0x3FA9] =	sst s5  }
0xe: {  	[smem:$0x3FAA] =	sst s6  }
0xf: {  	[smem:$0x3FAB] =	sst s7  }
0x10: {  	[smem:$0x3FAC] =	sst s8  }
0x11: {  	[smem:$0x3FAD] =	sst s9;
	s0 =	simm.s32 @!p0 $0x0  }
0x12: {  	s1 =	sld [smem:$0x3F93];
	s0 =	simm.s32 @p0 $0x1  }
0x13: {  	[smem:$0x3FAE] =	sst s0;
	s0 =	simm.s32 @!p1 $0x0  }
0x14: {  	s2 =	sld [smem:$0x3F92];
	s0 =	simm.s32 @p1 $0x1  }
0x15: {  	[smem:$0x3FAF] =	sst s0;
	s0 =	simm.s32 @!p2 $0x0  }
0x16: {  	s3 =	sld [smem:$0x3FDB];
	s0 =	simm.s32 @p2 $0x1  }
0x17: {  	s4 =	simm.s32 $0x1BF5;
	[smem:$0x3FB1] =	sst s0  }
0x18: {  	s0 =	sld [smem:$0x3F94];
	_ =	swait.ge [sflag:s4], $0x0  }
0x19: {  	s7 =	sld [smem:$0x3F95]  }
0x1a: {  	s8 =	sadd.s32 $0xFFFFE003, lr  }
0x1b: {  	s9 =	sadd.s32 $0xFFFFFEF7, lr;
	s5 =	simm.s32 $0xFFFFFFFF;
	p2 =	slt.u32 s8, $0xFFFFF086  }
0x1c: {  	p1 =	slt.u32 s9, $0xF7A;
	s5 =	simm.s32 @!p2 $0x0  }
0x1d: {  	s5 =	simm.s32 @p1 $0x1;
	p0 =	seq.s32 s7, s2  }
0x1e: {  	s7 =	smul.u32 @!p0 $0xF7A, s2;
	p2 =	seq.s32 @!p0 s5, $0x0  }
0x1f: {  	s9 =	smul.u32 $0xF7A, s1;
	s8 =	simm.s32 @!p0 $0x1BF5;
	p2 =	por !p2, p0  }
0x20: {  	[sflag:s8] =	ssyncset.s32 @!p0 $0xFFFFF086;
	s6 =	sadd.s32 @!p0 s3, s7;
	s7 =	simm.s32 @!p0 $0x108  }
0x21: {  	s3 =	sadd.s32 s3, s9;
	s6 =	sadd.s32 @!p0 $0x88, s6;
	s7 =	simm.s32 @p2 $0x1082  }
0x22: {  	[simem:s7], [sflag:s8] =	dma.local @!p0 [hbm:s6], $0xF7A  }
0x23: {  	s9 =	sor.u32 $0xD0000000, s2;
	s6 =	simm.s32 $0x108;
	_ =	swait.ge @!p0 [sflag:s8], $0x0  }
0x24: {  	s3 =	sadd.s32 $0x88, s3;
	s6 =	simm.s32 @!p1 $0x1082;
	[sflag:s4] =	ssyncset.s32 $0xFFFFF086  }
0x25: {  	[simem:s6], [sflag:s4] =	dma.local [hbm:s3], $0xF7A  }
0x26: {  	[smem:$0x3F95] =	sst s1;
	(tag) =	ssettag s2;
	_ =	strace s9  }
0x27: {  	s1 =	sld [smem:$0x3FA5]  }
0x28: {  	s2 =	sld [smem:$0x3FA6]  }
0x29: {  	s4 =	sld [smem:$0x3FA8]  }
0x2a: {  	p0 =	seq.s32 s5, $0x0;
	s5 =	sld [smem:$0x3FA9]  }
0x2b: {  	s6 =	sld [smem:$0x3FAA]  }
0x2c: {  	s7 =	sld [smem:$0x3FAB]  }
0x2d: {  	s3 =	simm.s32 $0x108;
	s8 =	sld [smem:$0x3FAC]  }
0x2e: {  	s3 =	simm.s32 @!p0 $0x1082;
	s9 =	sld [smem:$0x3FAD]  }
0x2f: {  	lr =	sadd.s32 s0, s3;
	s0 =	sld [smem:$0x3FA4]  }
0x30: {  	s3 =	sld [smem:$0x3FA7]  }
0x31: {  	[smem:$0x3FB0] =	sst s10  }
0x32: {  	s10 =	sld [smem:$0x3FAE];
	_ =	sdelay $0x3  }
0x33: {  	p0 =	seq.s32 s10, $0x1;
	s10 =	sld [smem:$0x3FB0];
	_ =	sdelay $0x3  }
0x34: {  	[smem:$0x3FB0] =	sst s10  }
0x35: {  	s10 =	sld [smem:$0x3FAF];
	_ =	sdelay $0x3  }
0x36: {  	p1 =	seq.s32 s10, $0x1;
	s10 =	sld [smem:$0x3FB0];
	_ =	sdelay $0x3  }
0x37: {  	[smem:$0x3FB0] =	sst s10  }
0x38: {  	s10 =	sld [smem:$0x3FB1]  }
0x39: {  	_ = 	snop;
	(pc) =	sbr.ind lr, $3  }
0x3a: {  	_ = 	snop  }
0x3b: {  	_ = 	snop  }
0x3c: {  	p2 =	seq.s32 s10, $0x1;
	s10 =	sld [smem:$0x3FB0]  }
0x3d: {  	_ =	shalt  }
0x3e: {  	_ =	shalt  }
0x3f: {  	_ =	shalt  }
0x40: {  	_ =	shalt  }
0x41: {  	_ =	shalt  }
0x42: {  	_ =	shalt  }
0x43: {  	_ =	shalt  }
0x44: {  	_ =	shalt  }
0x45: {  	_ =	shalt  }
0x46: {  	_ =	shalt  }
0x47: {  	_ =	shalt  }
0x48: {  	_ =	shalt  }
0x49: {  	_ =	shalt  }
0x4a: {  	_ =	shalt  }
0x4b: {  	_ =	shalt  }
0x4c: {  	_ =	shalt  }
0x4d: {  	_ =	shalt  }
0x4e: {  	_ =	shalt  }
0x4f: {  	_ =	shalt  }
0x50: {  	_ =	shalt  }
0x51: {  	_ =	shalt  }
0x52: {  	_ =	shalt  }
0x53: {  	_ =	shalt  }
0x54: {  	_ =	shalt  }
0x55: {  	_ =	shalt  }
0x56: {  	_ =	shalt  }
0x57: {  	_ =	shalt  }
0x58: {  	_ =	shalt  }
0x59: {  	_ =	shalt  }
0x5a: {  	_ =	shalt  }
0x5b: {  	_ =	shalt  }
0x5c: {  	_ =	shalt  }
0x5d: {  	_ =	shalt  }
0x5e: {  	_ =	shalt  }
0x5f: {  	_ =	shalt  }
0x60: {  	_ =	shalt  }
0x61: {  	_ =	shalt  }
0x62: {  	_ =	shalt  }
0x63: {  	_ =	shalt  }
0x64: {  	_ =	shalt  }
0x65: {  	_ =	shalt  }
0x66: {  	_ =	shalt  }
0x67: {  	_ =	shalt  }
0x68: {  	_ =	shalt  }
0x69: {  	_ =	shalt  }
0x6a: {  	_ =	shalt  }
0x6b: {  	_ =	shalt  }
0x6c: {  	_ =	shalt  }
0x6d: {  	_ =	shalt  }
0x6e: {  	_ =	shalt  }
0x6f: {  	_ =	shalt  }
0x70: {  	_ =	shalt  }
0x71: {  	_ =	shalt  }
0x72: {  	_ =	shalt  }
0x73: {  	_ =	shalt  }
0x74: {  	_ =	shalt  }
0x75: {  	_ =	shalt  }
0x76: {  	_ =	shalt  }
0x77: {  	_ =	shalt  }
0x78: {  	_ =	shalt  }
0x79: {  	_ =	shalt  }
0x7a: {  	_ =	shalt  }
0x7b: {  	_ =	shalt  }
0x7c: {  	_ =	shalt  }
0x7d: {  	_ =	shalt  }
0x7e: {  	_ =	shalt  }
0x7f: {  	_ =	shalt  }
0x80: {  	_ =	shalt  }
0x81: {  	_ =	shalt  }
0x82: {  	_ =	shalt  }
0x83: {  	_ =	shalt  }
0x84: {  	_ =	shalt  }
0x85: {  	_ =	shalt  }
0x86: {  	_ =	shalt  }
0x87: {  	_ =	shalt  }
.Lfunc_end0:
.L_simem_size_0:
called_computation.2_lowered:
.L_overlay_start_0:
0x88: {  	s2 =	sld [smem:$0x3FD9]  }
0x89: {  	s3 =	sld [smem:$0x3FFE];
	_ =	sdelay $0x1  }
0x8a: {  	s1 =	srdreg.scid  }
0x8b: {  	s0 =	sand.u32 $0x1, s1  }
0x8c: {  	s14 =	sshll.u32 s0, $0xA;
	s2 =	sadd.s32 s3, s2  }
0x8d: {  	s2 =	sadd.s32 s2, s14  }
0x8e: {  	[smem:$0x3FBC] =	sst s2  }
0x8f: {  	_ = 	snop  }
0x90: {  	s2 =	sld [smem:$0x3FD0];
	_ =	sdelay $0x2  }
0x91: {  	s15 =	simm.s32 $0xA;
	s4 =	simm.s32 $0x10  }
0x92: {  	[smem:s4], [sflag:s15] =	dma.local [hbm:s2], $0x1  }
0x93: {  	_ =	swait.eq [sflag:s15], $0x1  }
0x94: {  	[sflag:s15] =	ssyncset.done $0x0  }
0x95: {  	[sflag:s15] =	ssyncadd.s32 $0xFFFFFFFF  }
0x96: {  	s16 =	sld [smem:$0x10];
	(tm) =	ssettm $0x1  }
0x97: {  	s17 =	sld [smem:$0x3FFB];
	_ =	sdelay $0x3  }
0x98: {  	_ =	strace s17  }
0x99: {  	s3 =	sld [smem:$0x3FFC];
	_ =	sdelay $0x3  }
0x9a: {  	_ =	strace s3  }
0x9b: {  	s3 =	sld [smem:$0x3FFD];
	_ =	sdelay $0x3  }
0x9c: {  	_ =	strace s3  }
0x9d: {  	_ =	strace $0x8FFFFFFF  }
0x9e: {  	s18 =	sld [smem:$0x3FDB];
	_ =	sdelay $0x1  }
0x9f: {  	s19 =	simm.s32 $_scs_section_size  }
0xa0: {  	s5 =	simm.s32 $_size__tile_overlayer_lowered;
	s6 =	simm.s32 $_tile_overlayer_lowered  }
0xa1: {  	s22 =	simm.s32 $0x1BFF;
	s21 =	sshll.u32 s6, $0x1;
	s3 =	sadd.s32 s19, s18  }
0xa2: {  	s7 =	simm.s32 $0x0;
	s20 =	sshll.u32 s5, $0x1;
	s5 =	sadd.s32 s21, s3  }
0xa3: {  	[timem:s7], [sflag:s22] =	dma.local [hbm:s5], s20  }
0xa4: {  	_ =	swait.ge [sflag:s22], s20  }
0xa5: {  	s4 =	ssub.s32 $0x0, s20;
	[sflag:s22] =	ssyncset.done $0x0  }
0xa6: {  	[sflag:s22] =	ssyncadd.s32 s4;
	_ =	sdelay $0x1  }
0xa7: {  	s23 =	simm.s32 $0x1B8B  }
0xa8: {  	_ =	swait.ge [sflag:s23], $0x1  }
0xa9: {  	[sflag:s23] =	ssyncset.done $0x0  }
0xaa: {  	s25 =	simm.s32 $0x1B8E;
	s24 =	sld [smem:$0x3FFE];
	[sflag:s23] =	ssyncadd.s32 $0xFFFFFFFF  }
0xab: {  	s26 =	simm.s32 $execute0_lowered;
	[smem:$0x3FD2] =	sst s25  }
0xac: {  	s5 =	sshll.u32 s26, $0x1;
	_ =	strace $0x8000004C;
	[dreg:$0x1] =	wrdreg $0xFFFFFFFF  }
0xad: {  	s28 =	simm.s32 $_size_execute0_lowered;
	s3 =	sadd.s32 s3, s5;
	[dreg:$0x0] =	wrdreg $0x0  }
0xae: {  	s5 =	sshll.u32 s28, $0x1;
	[dreg:$0x2] =	wrdreg s3  }
0xaf: {  	[dreg:$0x3] =	wrdreg s5  }
0xb0: {  	[dreg:$0x4] =	wrdreg $0xC0  }
0xb1: {  	_ =	task [dreg:s7], $0x5FFFF  }
0xb2: {  	[dreg:$0x1] =	wrdreg $0xFFFFFFFF  }
0xb3: {  	[dreg:$0x0] =	wrdreg $0x60  }
0xb4: {  	[dreg:$0x2] =	wrdreg s24  }
0xb5: {  	[dreg:$0x3] =	wrdreg s16  }
0xb6: {  	[dreg:$0x4] =	wrdreg $0x90000  }
0xb7: {  	[dreg:$0x5] =	wrdreg $0x9  }
0xb8: {  	_ =	task.clear_ibuf [dreg:s7], $0x6FFFF;
	_ =	strace $0x9000004C  }
0xb9: {  	s29 =	simm.s32 $0x9;
	_ =	strace $0x8000004E  }
0xba: {  	_ =	swait.ge [sflag:s29], $0x1  }
0xbb: {  	[sflag:s29] =	ssyncadd.s32 $0xFFFFFFFF  }
0xbc: {  	_ =	strace $0x9000004E  }
0xbd: {  	_ =	sfence  }
0xbe: {  	s30 =	sld [smem:$0x0];
	_ =	sdelay $0x2  }
0xbf: {  	s31 =	sshll.u32 s1, $0xD;
	s1 =	sshrl.u32 s1, $0x2  }
0xc0: {  	s3 =	sand.u32 $0x4000, s31;
	s1 =	sadd.s32 s1, s30  }
0xc1: {  	s0 =	sor.u32 s3, s0;
	s1 =	sshll.u32 s1, $0x11  }
0xc2: {  	s0 =	sor.u32 s1, s0  }
0xc3: {  	s0 =	sadd.s32 $0x8F2B, s0  }
0xc4: {  	[sflag:s0] =	ssyncadd.remote.s32 $0x1  }
0xc5: {  	_ =	sfence.sel $0xFFFF  }
0xc6: {  	[dreg:$0x0] =	wrdreg $0xFFFFFFFF;
	(pc) =	sbr.abs _section_cstart, $3  }
0xc7: {  	[dreg:$0x1] =	wrdreg $0xFFFFFFFF  }
0xc8: {  	_ =	task.clear_ibuf [dreg:s7], $0x2FFFF;
	_ =	strace $0x9FFFFFFF  }
0xc9: {  	(tm) =	ssettm $0x7FFFFFFF  }
tec
execute0_lowered:
.L_overlay_start_1:
0x0: {  	(tag) =	ssettag $0x1  }
0x1: {  	s0 =	rddreg [dreg:$0x0]  }
0x2: {  	s1 =	rddreg [dreg:$0x1]  }
0x3: {  	s2 =	rddreg [dreg:$0x2];
	s30 =	simm.s32 $0x0  }
0x4: {  	s8 =	stileid.u32;
	s25 =	srdreg.scid;
	s11 =	simm.s32 $0x100  }
0x5: {  	s13 =	simm.s32 $0x880;
	s15 =	simm.s32 $0x180;
	s16 =	simm.s32 $0x900  }
0x6: {  	s17 =	simm.s32 $0x200;
	s18 =	simm.s32 $0x980;
	[dreg:$0x4] =	wrdreg s1  }
0x7: {  	s19 =	simm.s32 $0x280;
	s31 =	simm.s32 $0x800;
	[smem:$0x7FF] =	sst s30  }
0x8: {  	s20 =	simm.s32 $0xA00;
	_ =	strace $0x8000004D;
	[dreg:$0x8] =	wrdreg s11  }
0x9: {  	s21 =	simm.s32 $0x300;
	s22 =	simm.s32 $0xA80;
	[dreg:$0x9] =	wrdreg s13  }
0xa: {  	s23 =	simm.s32 $0x380;
	s24 =	simm.s32 $0xB00;
	[dreg:$0xa] =	wrdreg s15  }
0xb: {  	s29 =	simm.s32 $0x480;
	s28 =	simm.s32 $0xC00;
	[dreg:$0xb] =	wrdreg s16  }
0xc: {  	p0 =	por $0x0, $0x0;
	s3 =	sadd.s32 $0x3600, s0;
	[dreg:$0xc] =	wrdreg s17  }
0xd: {  	s4 =	sshll.u32 s8, $0x8;
	s1 =	sand.u32 $0x1, s25;
	[dreg:$0xd] =	wrdreg s18  }
0xe: {  	s5 =	sshll.u32 s8, $0xB;
	s10 =	sshll.u32 s8, $0xE;
	[dreg:$0xe] =	wrdreg s19  }
0xf: {  	s14 =	sshll.u32 s8, $0x6;
	s8 =	simm.s32 $0x5000;
	[dreg:$0xf] =	wrdreg s20  }
0x10: {  	s25 =	simm.s32 $0x400;
	s4 =	sadd.s32 s4, s0;
	[dreg:$0x10] =	wrdreg s21  }
0x11: {  	s6 =	sshll.u32 s1, $0xC;
	s0 =	sadd.s32 s5, s0;
	[dreg:$0x11] =	wrdreg s22  }
0x12: {  	s26 =	ssub.s32 $0x2, s1;
	s1 =	sshll.u32 s1, $0xF;
	[dreg:$0x12] =	wrdreg s23  }
0x13: {  	s12 =	sadd.s32 s10, s2;
	s10 =	simm.s32 $0x3;
	[dreg:$0x13] =	wrdreg s24  }
0x14: {  	s13 =	simm.s32 $0x2;
	[dreg:$0x14] =	wrdreg s25;
	s11 =	simm.s32 $0x4  }
0x15: {  	s25 =	simm.s32 $0xC80;
	s24 =	simm.s32 $0x580;
	s23 =	simm.s32 $0xD00  }
0x16: {  	s22 =	simm.s32 $0x600;
	s21 =	simm.s32 $0xD80;
	s19 =	simm.s32 $0x680  }
0x17: {  	s20 =	simm.s32 $0xE00;
	s18 =	simm.s32 $0x700;
	s17 =	simm.s32 $0xE80  }
0x18: {  	s16 =	simm.s32 $0x780;
	s15 =	simm.s32 $0xF00;
	s7 =	sshrl.u32 s26, $0x1  }
0x19: {  	s6 =	sadd.s32 s6, s4;
	s4 =	sadd.s32 $0x2600, s4;
	s9 =	ssub.s32 s26, s7  }
0x1a: {  	s0 =	sadd.s32 s1, s0;
	s5 =	sshrl.u32 s12, $0x3;
	s1 =	smax.u32 s9, $0x1  }
0x1b: {  	s12 =	simm.s32 $0x1;
	s6 =	sadd.s32 $0x247800, s6;
	p1 =	sne.s32 s1, $0x1  }
.Ltmp0:
0x1c: {  	[dreg:$0x6] =	wrdreg s4;
	s0 =	sadd.s32 $0x67E00, s0;
	(pc) =	sbr.rel @!p1 .LBB2_3-.Ltmp0, $4  }
0x1d: {  	s4 =	sor.u32 $0x1C05, s14;
	s7 =	simm.s32 $0x80;
	[dreg:$0x5] =	wrdreg s6  }
0x1e: {  	s26 =	simm.s32 $0xB80;
	s14 =	simm.s32 $0xF80;
	[dreg:$0x7] =	wrdreg s0  }
0x1f: {  	s6 =	simm.s32 $0x5;
	s9 =	simm.s32 $0x1000;
	[dreg:$0x15] =	wrdreg s26  }
0x20: {  	s26 =	simm.s32 $0x500;
	s0 =	sadd.s32 $0xFFFFFFFF, s1;
	s1 =	rddreg [dreg:$0x4]  }
0x21: {  	[spmem:s5], [sflag:s4] =	dma.local [hbm:s1], $0x800  }
0x22: {  	_ =	swait.ge [sflag:s6], $0x800  }
0x23: {  	[sflag:s6] =	ssyncset.done $0x0  }
0x24: {  	[sflag:s6] =	ssyncadd.s32 $0xFFFFF800  }
0x25: {  	[bflag:$0x0] =	sbarrier.arrive $0xFFFF  }
0x26: {  	s1 =	rddreg [dreg:$0x5]  }
0x27: {  	[tilespmem:s30], [sflag:$0x5] =	stream.linear.gather [hbm4b:s1+s30], $0x800, $0x38;
	[tilespmem:$0xD000] =	vst v63  }
0x28: {  	_ =	swait.ge [sflag:s6], $0x800  }
0x29: {  	[sflag:s6] =	ssyncset.done $0x0  }
0x2a: {  	s1 =	rddreg [dreg:$0x6];
	[sflag:s6] =	ssyncadd.s32 $0xFFFFF800  }
0x2b: {  	[tilespmem:s31], [sflag:$0x5] =	stream.linear.gather [hbm4b:s1+s30], $0x800, $0x38;
	[tilespmem:$0xD000] =	vst v63  }
0x2c: {  	_ =	swait.ge [sflag:s6], $0x800  }
0x2d: {  	[sflag:s6] =	ssyncset.done $0x0  }
0x2e: {  	[sflag:s6] =	ssyncadd.s32 $0xFFFFF800  }
0x2f: {  	[tilespmem:s9], [sflag:$0x1] =	stream.indirect.gather [hbm4b:s3+s7], $0x80, s30, s7, $0xb8;
	[tilespmem:$0xD000] =	vst v63  }
0x30: {  	_ = 	snop  }
0x31: {  	[tilespmem:s8], [sflag:$0x2] =	stream.indirect.gather [hbm4b:s3+s7], $0x80, s7, s7, $0xb8;
	[tilespmem:$0xD000] =	vst v63  }
0x32: {  	_ =	swait.ge [sflag:s12], $0x4000  }
0x33: {  	[sflag:s12] =	ssyncset.done $0x0  }
0x34: {  	[sflag:s12] =	ssyncadd.s32 $0xFFFFC000  }
0x35: {  	[spmem:s2] =	stream.indirect.scatter.add.f32 [tilespmem:s9], [sflag:$0x3], $0x80, s31, s7, $0xb8;
	[tilespmem:$0xD000] =	vst v63  }
0x36: {  	_ =	swait.ge [sflag:s10], $0x4000  }
0x37: {  	[sflag:s10] =	ssyncset.done $0x0  }
0x38: {  	s1 =	rddreg [dreg:$0x8];
	[sflag:s10] =	ssyncadd.s32 $0xFFFFC000  }
0x39: {  	[tilespmem:s9], [sflag:$0x1] =	stream.indirect.gather [hbm4b:s3+s7], $0x80, s1, s7, $0xb8;
	[tilespmem:$0xD000] =	vst v63  }
0x3a: {  	_ =	swait.ge [sflag:s13], $0x4000  }
0x3b: {  	[sflag:s13] =	ssyncset.done $0x0  }
0x3c: {  	s1 =	rddreg [dreg:$0x9];
	[sflag:s13] =	ssyncadd.s32 $0xFFFFC000  }
0x3d: {  	[spmem:s2] =	stream.indirect.scatter.add.f32 [tilespmem:s8], [sflag:$0x4], $0x80, s1, s7, $0xb8;
	[tilespmem:$0xD000] =	vst v63  }
0x3e: {  	_ =	swait.ge [sflag:s11], $0x4000  }
0x3f: {  	[sflag:s11] =	ssyncset.done $0x0  }
0x40: {  	s1 =	rddreg [dreg:$0xa];
	[sflag:s11] =	ssyncadd.s32 $0xFFFFC000  }
0x41: {  	[tilespmem:s8], [sflag:$0x2] =	stream.indirect.gather [hbm4b:s3+s7], $0x80, s1, s7, $0xb8;
	[tilespmem:$0xD000] =	vst v63  }
0x42: {  	_ =	swait.ge [sflag:s12], $0x4000  }
0x43: {  	[sflag:s12] =	ssyncset.done $0x0  }
0x44: {  	s1 =	rddreg [dreg:$0xb];
	[sflag:s12] =	ssyncadd.s32 $0xFFFFC000  }
0x45: {  	[spmem:s2] =	stream.indirect.scatter.add.f32 [tilespmem:s9], [sflag:$0x3], $0x80, s1, s7, $0xb8;
	[tilespmem:$0xD000] =	vst v63  }
0x46: {  	_ =	swait.ge [sflag:s10], $0x4000  }
0x47: {  	[sflag:s10] =	ssyncset.done $0x0  }
0x48: {  	s1 =	rddreg [dreg:$0xc];
	[sflag:s10] =	ssyncadd.s32 $0xFFFFC000  }
0x49: {  	[tilespmem:s9], [sflag:$0x1] =	stream.indirect.gather [hbm4b:s3+s7], $0x80, s1, s7, $0xb8;
	[tilespmem:$0xD000] =	vst v63  }
0x4a: {  	_ =	swait.ge [sflag:s13], $0x4000  }
0x4b: {  	[sflag:s13] =	ssyncset.done $0x0  }
0x4c: {  	s1 =	rddreg [dreg:$0xd];
	[sflag:s13] =	ssyncadd.s32 $0xFFFFC000  }
0x4d: {  	[spmem:s2] =	stream.indirect.scatter.add.f32 [tilespmem:s8], [sflag:$0x4], $0x80, s1, s7, $0xb8;
	[tilespmem:$0xD000] =	vst v63  }
0x4e: {  	_ =	swait.ge [sflag:s11], $0x4000  }
0x4f: {  	[sflag:s11] =	ssyncset.done $0x0  }
0x50: {  	s1 =	rddreg [dreg:$0xe];
	[sflag:s11] =	ssyncadd.s32 $0xFFFFC000  }
0x51: {  	[tilespmem:s8], [sflag:$0x2] =	stream.indirect.gather [hbm4b:s3+s7], $0x80, s1, s7, $0xb8;
	[tilespmem:$0xD000] =	vst v63  }
0x52: {  	_ =	swait.ge [sflag:s12], $0x4000  }
0x53: {  	[sflag:s12] =	ssyncset.done $0x0  }
0x54: {  	s1 =	rddreg [dreg:$0xf];
	[sflag:s12] =	ssyncadd.s32 $0xFFFFC000  }
0x55: {  	[spmem:s2] =	stream.indirect.scatter.add.f32 [tilespmem:s9], [sflag:$0x3], $0x80, s1, s7, $0xb8;
	[tilespmem:$0xD000] =	vst v63  }
0x56: {  	_ =	swait.ge [sflag:s10], $0x4000  }
0x57: {  	[sflag:s10] =	ssyncset.done $0x0  }
0x58: {  	s1 =	rddreg [dreg:$0x10];
	[sflag:s10] =	ssyncadd.s32 $0xFFFFC000  }
0x59: {  	[tilespmem:s9], [sflag:$0x1] =	stream.indirect.gather [hbm4b:s3+s7], $0x80, s1, s7, $0xb8;
	[tilespmem:$0xD000] =	vst v63  }
0x5a: {  	_ =	swait.ge [sflag:s13], $0x4000  }
0x5b: {  	[sflag:s13] =	ssyncset.done $0x0  }
0x5c: {  	s1 =	rddreg [dreg:$0x11];
	[sflag:s13] =	ssyncadd.s32 $0xFFFFC000  }
0x5d: {  	[spmem:s2] =	stream.indirect.scatter.add.f32 [tilespmem:s8], [sflag:$0x4], $0x80, s1, s7, $0xb8;
	[tilespmem:$0xD000] =	vst v63  }
0x5e: {  	_ =	swait.ge [sflag:s11], $0x4000  }
0x5f: {  	[sflag:s11] =	ssyncset.done $0x0  }
0x60: {  	s1 =	rddreg [dreg:$0x12];
	[sflag:s11] =	ssyncadd.s32 $0xFFFFC000  }
0x61: {  	[tilespmem:s8], [sflag:$0x2] =	stream.indirect.gather [hbm4b:s3+s7], $0x80, s1, s7, $0xb8;
	[tilespmem:$0xD000] =	vst v63  }
0x62: {  	_ =	swait.ge [sflag:s12], $0x4000  }
0x63: {  	[sflag:s12] =	ssyncset.done $0x0  }
0x64: {  	s1 =	rddreg [dreg:$0x13];
	[sflag:s12] =	ssyncadd.s32 $0xFFFFC000  }
0x65: {  	[spmem:s2] =	stream.indirect.scatter.add.f32 [tilespmem:s9], [sflag:$0x3], $0x80, s1, s7, $0xb8;
	[tilespmem:$0xD000] =	vst v63  }
0x66: {  	_ =	swait.ge [sflag:s10], $0x4000  }
0x67: {  	[sflag:s10] =	ssyncset.done $0x0  }
0x68: {  	s1 =	rddreg [dreg:$0x14];
	[sflag:s10] =	ssyncadd.s32 $0xFFFFC000  }
0x69: {  	[tilespmem:s9], [sflag:$0x1] =	stream.indirect.gather [hbm4b:s3+s7], $0x80, s1, s7, $0xb8;
	[tilespmem:$0xD000] =	vst v63  }
0x6a: {  	_ =	swait.ge [sflag:s13], $0x4000  }
0x6b: {  	[sflag:s13] =	ssyncset.done $0x0  }
0x6c: {  	s1 =	rddreg [dreg:$0x15];
	[sflag:s13] =	ssyncadd.s32 $0xFFFFC000  }
0x6d: {  	[spmem:s2] =	stream.indirect.scatter.add.f32 [tilespmem:s8], [sflag:$0x4], $0x80, s1, s7, $0xb8;
	[tilespmem:$0xD000] =	vst v63  }
0x6e: {  	_ =	swait.ge [sflag:s11], $0x4000  }
0x6f: {  	[sflag:s11] =	ssyncset.done $0x0  }
0x70: {  	[sflag:s11] =	ssyncadd.s32 $0xFFFFC000  }
0x71: {  	[tilespmem:s8], [sflag:$0x2] =	stream.indirect.gather [hbm4b:s3+s7], $0x80, s29, s7, $0xb8;
	[tilespmem:$0xD000] =	vst v63  }
0x72: {  	_ =	swait.ge [sflag:s12], $0x4000  }
0x73: {  	[sflag:s12] =	ssyncset.done $0x0  }
0x74: {  	[sflag:s12] =	ssyncadd.s32 $0xFFFFC000  }
0x75: {  	[spmem:s2] =	stream.indirect.scatter.add.f32 [tilespmem:s9], [sflag:$0x3], $0x80, s28, s7, $0xb8;
	[tilespmem:$0xD000] =	vst v63  }
0x76: {  	_ =	swait.ge [sflag:s10], $0x4000  }
0x77: {  	[sflag:s10] =	ssyncset.done $0x0  }
0x78: {  	[sflag:s10] =	ssyncadd.s32 $0xFFFFC000  }
0x79: {  	[tilespmem:s9], [sflag:$0x1] =	stream.indirect.gather [hbm4b:s3+s7], $0x80, s26, s7, $0xb8;
	[tilespmem:$0xD000] =	vst v63  }
0x7a: {  	_ =	swait.ge [sflag:s13], $0x4000  }
0x7b: {  	[sflag:s13] =	ssyncset.done $0x0  }
0x7c: {  	[sflag:s13] =	ssyncadd.s32 $0xFFFFC000  }
0x7d: {  	[spmem:s2] =	stream.indirect.scatter.add.f32 [tilespmem:s8], [sflag:$0x4], $0x80, s25, s7, $0xb8;
	[tilespmem:$0xD000] =	vst v63  }
0x7e: {  	_ =	swait.ge [sflag:s11], $0x4000  }
0x7f: {  	[sflag:s11] =	ssyncset.done $0x0  }
0x80: {  	[sflag:s11] =	ssyncadd.s32 $0xFFFFC000  }
0x81: {  	[tilespmem:s8], [sflag:$0x2] =	stream.indirect.gather [hbm4b:s3+s7], $0x80, s24, s7, $0xb8;
	[tilespmem:$0xD000] =	vst v63  }
0x82: {  	_ =	swait.ge [sflag:s12], $0x4000  }
0x83: {  	[sflag:s12] =	ssyncset.done $0x0  }
0x84: {  	[sflag:s12] =	ssyncadd.s32 $0xFFFFC000  }
0x85: {  	[spmem:s2] =	stream.indirect.scatter.add.f32 [tilespmem:s9], [sflag:$0x3], $0x80, s23, s7, $0xb8;
	[tilespmem:$0xD000] =	vst v63  }
0x86: {  	_ =	swait.ge [sflag:s10], $0x4000  }
0x87: {  	[sflag:s10] =	ssyncset.done $0x0  }
0x88: {  	[sflag:s10] =	ssyncadd.s32 $0xFFFFC000  }
0x89: {  	[tilespmem:s9], [sflag:$0x1] =	stream.indirect.gather [hbm4b:s3+s7], $0x80, s22, s7, $0xb8;
	[tilespmem:$0xD000] =	vst v63  }
0x8a: {  	_ =	swait.ge [sflag:s13], $0x4000  }
0x8b: {  	[sflag:s13] =	ssyncset.done $0x0  }
0x8c: {  	[sflag:s13] =	ssyncadd.s32 $0xFFFFC000  }
0x8d: {  	[spmem:s2] =	stream.indirect.scatter.add.f32 [tilespmem:s8], [sflag:$0x4], $0x80, s21, s7, $0xb8;
	[tilespmem:$0xD000] =	vst v63  }
0x8e: {  	_ =	swait.ge [sflag:s11], $0x4000  }
0x8f: {  	[sflag:s11] =	ssyncset.done $0x0  }
0x90: {  	[sflag:s11] =	ssyncadd.s32 $0xFFFFC000  }
0x91: {  	[tilespmem:s8], [sflag:$0x2] =	stream.indirect.gather [hbm4b:s3+s7], $0x80, s19, s7, $0xb8;
	[tilespmem:$0xD000] =	vst v63  }
0x92: {  	_ =	swait.ge [sflag:s12], $0x4000  }
0x93: {  	[sflag:s12] =	ssyncset.done $0x0  }
0x94: {  	[sflag:s12] =	ssyncadd.s32 $0xFFFFC000  }
0x95: {  	[spmem:s2] =	stream.indirect.scatter.add.f32 [tilespmem:s9], [sflag:$0x3], $0x80, s20, s7, $0xb8;
	[tilespmem:$0xD000] =	vst v63  }
0x96: {  	_ =	swait.ge [sflag:s10], $0x4000  }
0x97: {  	[sflag:s10] =	ssyncset.done $0x0  }
0x98: {  	[sflag:s10] =	ssyncadd.s32 $0xFFFFC000  }
0x99: {  	[tilespmem:s9], [sflag:$0x1] =	stream.indirect.gather [hbm4b:s3+s7], $0x80, s18, s7, $0xb8;
	[tilespmem:$0xD000] =	vst v63  }
0x9a: {  	_ =	swait.ge [sflag:s13], $0x4000  }
0x9b: {  	[sflag:s13] =	ssyncset.done $0x0  }
0x9c: {  	[sflag:s13] =	ssyncadd.s32 $0xFFFFC000  }
0x9d: {  	[spmem:s2] =	stream.indirect.scatter.add.f32 [tilespmem:s8], [sflag:$0x4], $0x80, s17, s7, $0xb8;
	[tilespmem:$0xD000] =	vst v63  }
0x9e: {  	_ =	swait.ge [sflag:s11], $0x4000  }
0x9f: {  	[sflag:s11] =	ssyncset.done $0x0  }
0xa0: {  	[sflag:s11] =	ssyncadd.s32 $0xFFFFC000  }
0xa1: {  	[tilespmem:s8], [sflag:$0x2] =	stream.indirect.gather [hbm4b:s3+s7], $0x80, s16, s7, $0xb8;
	[tilespmem:$0xD000] =	vst v63  }
0xa2: {  	_ =	swait.ge [sflag:s12], $0x4000  }
0xa3: {  	[sflag:s12] =	ssyncset.done $0x0  }
0xa4: {  	[sflag:s12] =	ssyncadd.s32 $0xFFFFC000  }
0xa5: {  	[spmem:s2] =	stream.indirect.scatter.add.f32 [tilespmem:s9], [sflag:$0x3], $0x80, s15, s7, $0xb8;
	[tilespmem:$0xD000] =	vst v63  }
0xa6: {  	_ =	swait.ge [sflag:s13], $0x4000  }
0xa7: {  	[sflag:s13] =	ssyncset.done $0x0  }
0xa8: {  	[sflag:s13] =	ssyncadd.s32 $0xFFFFC000  }
0xa9: {  	[spmem:s2] =	stream.indirect.scatter.add.f32 [tilespmem:s8], [sflag:$0x4], $0x80, s14, s7, $0xb8;
	[tilespmem:$0xD000] =	vst v63  }
0xaa: {  	_ =	swait.ge [sflag:s10], $0x4000  }
0xab: {  	[sflag:s10] =	ssyncset.done $0x0  }
0xac: {  	[sflag:s10] =	ssyncadd.s32 $0xFFFFC000  }
0xad: {  	_ =	swait.ge [sflag:s11], $0x4000  }
0xae: {  	[sflag:s11] =	ssyncset.done $0x0  }
0xaf: {  	p1 =	sne.s32 s0, $0x1;
	[sflag:s11] =	ssyncadd.s32 $0xFFFFC000  }
.Ltmp1:
0xb0: {  	[bflag:$0x0] =	sbarrier.arrive $0xFFFF;
	(pc) =	sbr.rel @!p1 .LBB2_3-.Ltmp1, $4  }
0xb1: {  	s1 =	rddreg [dreg:$0x7]  }
0xb2: {  	[hbm:s1], [sflag:s4] =	dma.local [spmem:s5], $0x800  }
0xb3: {  	s0 =	sadd.s32 $0xFFFFFFFF, s0;
	_ =	swait.ge [sflag:s6], $0x800  }
0xb4: {  	p0 =	por $0x1, $0x1;
	s1 =	rddreg [dreg:$0x4];
	[sflag:s6] =	ssyncset.done $0x0  }
.LBB2_2:
0xb5: {  	[sflag:s6] =	ssyncadd.s32 $0xFFFFF800  }
0xb6: {  	[spmem:s5], [sflag:s4] =	dma.local [hbm:s1], $0x800  }
0xb7: {  	_ =	swait.ge [sflag:s6], $0x800  }
0xb8: {  	[sflag:s6] =	ssyncset.done $0x0  }
0xb9: {  	[sflag:s6] =	ssyncadd.s32 $0xFFFFF800  }
0xba: {  	[bflag:$0x0] =	sbarrier.arrive $0xFFFF  }
0xbb: {  	s1 =	rddreg [dreg:$0x5]  }
0xbc: {  	[tilespmem:s30], [sflag:$0x5] =	stream.linear.gather [hbm4b:s1+s30], $0x800, $0x38;
	[tilespmem:$0xD000] =	vst v63  }
0xbd: {  	_ =	swait.ge [sflag:s6], $0x800  }
0xbe: {  	[sflag:s6] =	ssyncset.done $0x0  }
0xbf: {  	s1 =	rddreg [dreg:$0x6];
	[sflag:s6] =	ssyncadd.s32 $0xFFFFF800  }
0xc0: {  	[tilespmem:s31], [sflag:$0x5] =	stream.linear.gather [hbm4b:s1+s30], $0x800, $0x38;
	[tilespmem:$0xD000] =	vst v63  }
0xc1: {  	_ =	swait.ge [sflag:s6], $0x800  }
0xc2: {  	[sflag:s6] =	ssyncset.done $0x0  }
0xc3: {  	[sflag:s6] =	ssyncadd.s32 $0xFFFFF800  }
0xc4: {  	[tilespmem:s9], [sflag:$0x1] =	stream.indirect.gather [hbm4b:s3+s7], $0x80, s30, s7, $0xb8;
	[tilespmem:$0xD000] =	vst v63  }
0xc5: {  	_ = 	snop  }
0xc6: {  	[tilespmem:s8], [sflag:$0x2] =	stream.indirect.gather [hbm4b:s3+s7], $0x80, s7, s7, $0xb8;
	[tilespmem:$0xD000] =	vst v63  }
0xc7: {  	_ =	swait.ge [sflag:s12], $0x4000  }
0xc8: {  	[sflag:s12] =	ssyncset.done $0x0  }
0xc9: {  	[sflag:s12] =	ssyncadd.s32 $0xFFFFC000  }
0xca: {  	[spmem:s2] =	stream.indirect.scatter.add.f32 [tilespmem:s9], [sflag:$0x3], $0x80, s31, s7, $0xb8;
	[tilespmem:$0xD000] =	vst v63  }
0xcb: {  	_ =	swait.ge [sflag:s10], $0x4000  }
0xcc: {  	[sflag:s10] =	ssyncset.done $0x0  }
0xcd: {  	s1 =	rddreg [dreg:$0x8];
	[sflag:s10] =	ssyncadd.s32 $0xFFFFC000  }
0xce: {  	[tilespmem:s9], [sflag:$0x1] =	stream.indirect.gather [hbm4b:s3+s7], $0x80, s1, s7, $0xb8;
	[tilespmem:$0xD000] =	vst v63  }
0xcf: {  	_ =	swait.ge [sflag:s13], $0x4000  }
0xd0: {  	[sflag:s13] =	ssyncset.done $0x0  }
0xd1: {  	s1 =	rddreg [dreg:$0x9];
	[sflag:s13] =	ssyncadd.s32 $0xFFFFC000  }
0xd2: {  	[spmem:s2] =	stream.indirect.scatter.add.f32 [tilespmem:s8], [sflag:$0x4], $0x80, s1, s7, $0xb8;
	[tilespmem:$0xD000] =	vst v63  }
0xd3: {  	_ =	swait.ge [sflag:s11], $0x4000  }
0xd4: {  	[sflag:s11] =	ssyncset.done $0x0  }
0xd5: {  	s1 =	rddreg [dreg:$0xa];
	[sflag:s11] =	ssyncadd.s32 $0xFFFFC000  }
0xd6: {  	[tilespmem:s8], [sflag:$0x2] =	stream.indirect.gather [hbm4b:s3+s7], $0x80, s1, s7, $0xb8;
	[tilespmem:$0xD000] =	vst v63  }
0xd7: {  	_ =	swait.ge [sflag:s12], $0x4000  }
0xd8: {  	[sflag:s12] =	ssyncset.done $0x0  }
0xd9: {  	s1 =	rddreg [dreg:$0xb];
	[sflag:s12] =	ssyncadd.s32 $0xFFFFC000  }
0xda: {  	[spmem:s2] =	stream.indirect.scatter.add.f32 [tilespmem:s9], [sflag:$0x3], $0x80, s1, s7, $0xb8;
	[tilespmem:$0xD000] =	vst v63  }
0xdb: {  	_ =	swait.ge [sflag:s10], $0x4000  }
0xdc: {  	[sflag:s10] =	ssyncset.done $0x0  }
0xdd: {  	s1 =	rddreg [dreg:$0xc];
	[sflag:s10] =	ssyncadd.s32 $0xFFFFC000  }
0xde: {  	[tilespmem:s9], [sflag:$0x1] =	stream.indirect.gather [hbm4b:s3+s7], $0x80, s1, s7, $0xb8;
	[tilespmem:$0xD000] =	vst v63  }
0xdf: {  	_ =	swait.ge [sflag:s13], $0x4000  }
0xe0: {  	[sflag:s13] =	ssyncset.done $0x0  }
0xe1: {  	s1 =	rddreg [dreg:$0xd];
	[sflag:s13] =	ssyncadd.s32 $0xFFFFC000  }
0xe2: {  	[spmem:s2] =	stream.indirect.scatter.add.f32 [tilespmem:s8], [sflag:$0x4], $0x80, s1, s7, $0xb8;
	[tilespmem:$0xD000] =	vst v63  }
0xe3: {  	_ =	swait.ge [sflag:s11], $0x4000  }
0xe4: {  	[sflag:s11] =	ssyncset.done $0x0  }
0xe5: {  	s1 =	rddreg [dreg:$0xe];
	[sflag:s11] =	ssyncadd.s32 $0xFFFFC000  }
0xe6: {  	[tilespmem:s8], [sflag:$0x2] =	stream.indirect.gather [hbm4b:s3+s7], $0x80, s1, s7, $0xb8;
	[tilespmem:$0xD000] =	vst v63  }
0xe7: {  	_ =	swait.ge [sflag:s12], $0x4000  }
0xe8: {  	[sflag:s12] =	ssyncset.done $0x0  }
0xe9: {  	s1 =	rddreg [dreg:$0xf];
	[sflag:s12] =	ssyncadd.s32 $0xFFFFC000  }
0xea: {  	[spmem:s2] =	stream.indirect.scatter.add.f32 [tilespmem:s9], [sflag:$0x3], $0x80, s1, s7, $0xb8;
	[tilespmem:$0xD000] =	vst v63  }
0xeb: {  	_ =	swait.ge [sflag:s10], $0x4000  }
0xec: {  	[sflag:s10] =	ssyncset.done $0x0  }
0xed: {  	s1 =	rddreg [dreg:$0x10];
	[sflag:s10] =	ssyncadd.s32 $0xFFFFC000  }
0xee: {  	[tilespmem:s9], [sflag:$0x1] =	stream.indirect.gather [hbm4b:s3+s7], $0x80, s1, s7, $0xb8;
	[tilespmem:$0xD000] =	vst v63  }
0xef: {  	_ =	swait.ge [sflag:s13], $0x4000  }
0xf0: {  	[sflag:s13] =	ssyncset.done $0x0  }
0xf1: {  	s1 =	rddreg [dreg:$0x11];
	[sflag:s13] =	ssyncadd.s32 $0xFFFFC000  }
0xf2: {  	[spmem:s2] =	stream.indirect.scatter.add.f32 [tilespmem:s8], [sflag:$0x4], $0x80, s1, s7, $0xb8;
	[tilespmem:$0xD000] =	vst v63  }
0xf3: {  	_ =	swait.ge [sflag:s11], $0x4000  }
0xf4: {  	[sflag:s11] =	ssyncset.done $0x0  }
0xf5: {  	s1 =	rddreg [dreg:$0x12];
	[sflag:s11] =	ssyncadd.s32 $0xFFFFC000  }
0xf6: {  	[tilespmem:s8], [sflag:$0x2] =	stream.indirect.gather [hbm4b:s3+s7], $0x80, s1, s7, $0xb8;
	[tilespmem:$0xD000] =	vst v63  }
0xf7: {  	_ =	swait.ge [sflag:s12], $0x4000  }
0xf8: {  	[sflag:s12] =	ssyncset.done $0x0  }
0xf9: {  	s1 =	rddreg [dreg:$0x13];
	[sflag:s12] =	ssyncadd.s32 $0xFFFFC000  }
0xfa: {  	[spmem:s2] =	stream.indirect.scatter.add.f32 [tilespmem:s9], [sflag:$0x3], $0x80, s1, s7, $0xb8;
	[tilespmem:$0xD000] =	vst v63  }
0xfb: {  	_ =	swait.ge [sflag:s10], $0x4000  }
0xfc: {  	[sflag:s10] =	ssyncset.done $0x0  }
0xfd: {  	s1 =	rddreg [dreg:$0x14];
	[sflag:s10] =	ssyncadd.s32 $0xFFFFC000  }
0xfe: {  	[tilespmem:s9], [sflag:$0x1] =	stream.indirect.gather [hbm4b:s3+s7], $0x80, s1, s7, $0xb8;
	[tilespmem:$0xD000] =	vst v63  }
0xff: {  	_ =	swait.ge [sflag:s13], $0x4000  }
0x100: {  	[sflag:s13] =	ssyncset.done $0x0  }
0x101: {  	s1 =	rddreg [dreg:$0x15];
	[sflag:s13] =	ssyncadd.s32 $0xFFFFC000  }
0x102: {  	[spmem:s2] =	stream.indirect.scatter.add.f32 [tilespmem:s8], [sflag:$0x4], $0x80, s1, s7, $0xb8;
	[tilespmem:$0xD000] =	vst v63  }
0x103: {  	_ =	swait.ge [sflag:s11], $0x4000  }
0x104: {  	[sflag:s11] =	ssyncset.done $0x0  }
0x105: {  	[sflag:s11] =	ssyncadd.s32 $0xFFFFC000  }
0x106: {  	[tilespmem:s8], [sflag:$0x2] =	stream.indirect.gather [hbm4b:s3+s7], $0x80, s29, s7, $0xb8;
	[tilespmem:$0xD000] =	vst v63  }
0x107: {  	_ =	swait.ge [sflag:s12], $0x4000  }
0x108: {  	[sflag:s12] =	ssyncset.done $0x0  }
0x109: {  	[sflag:s12] =	ssyncadd.s32 $0xFFFFC000  }
0x10a: {  	[spmem:s2] =	stream.indirect.scatter.add.f32 [tilespmem:s9], [sflag:$0x3], $0x80, s28, s7, $0xb8;
	[tilespmem:$0xD000] =	vst v63  }
0x10b: {  	_ =	swait.ge [sflag:s10], $0x4000  }
0x10c: {  	[sflag:s10] =	ssyncset.done $0x0  }
0x10d: {  	[sflag:s10] =	ssyncadd.s32 $0xFFFFC000  }
0x10e: {  	[tilespmem:s9], [sflag:$0x1] =	stream.indirect.gather [hbm4b:s3+s7], $0x80, s26, s7, $0xb8;
	[tilespmem:$0xD000] =	vst v63  }
0x10f: {  	_ =	swait.ge [sflag:s13], $0x4000  }
0x110: {  	[sflag:s13] =	ssyncset.done $0x0  }
0x111: {  	[sflag:s13] =	ssyncadd.s32 $0xFFFFC000  }
0x112: {  	[spmem:s2] =	stream.indirect.scatter.add.f32 [tilespmem:s8], [sflag:$0x4], $0x80, s25, s7, $0xb8;
	[tilespmem:$0xD000] =	vst v63  }
0x113: {  	_ =	swait.ge [sflag:s11], $0x4000  }
0x114: {  	[sflag:s11] =	ssyncset.done $0x0  }
0x115: {  	[sflag:s11] =	ssyncadd.s32 $0xFFFFC000  }
0x116: {  	[tilespmem:s8], [sflag:$0x2] =	stream.indirect.gather [hbm4b:s3+s7], $0x80, s24, s7, $0xb8;
	[tilespmem:$0xD000] =	vst v63  }
0x117: {  	_ =	swait.ge [sflag:s12], $0x4000  }
0x118: {  	[sflag:s12] =	ssyncset.done $0x0  }
0x119: {  	[sflag:s12] =	ssyncadd.s32 $0xFFFFC000  }
0x11a: {  	[spmem:s2] =	stream.indirect.scatter.add.f32 [tilespmem:s9], [sflag:$0x3], $0x80, s23, s7, $0xb8;
	[tilespmem:$0xD000] =	vst v63  }
0x11b: {  	_ =	swait.ge [sflag:s10], $0x4000  }
0x11c: {  	[sflag:s10] =	ssyncset.done $0x0  }
0x11d: {  	[sflag:s10] =	ssyncadd.s32 $0xFFFFC000  }
0x11e: {  	[tilespmem:s9], [sflag:$0x1] =	stream.indirect.gather [hbm4b:s3+s7], $0x80, s22, s7, $0xb8;
	[tilespmem:$0xD000] =	vst v63  }
0x11f: {  	_ =	swait.ge [sflag:s13], $0x4000  }
0x120: {  	[sflag:s13] =	ssyncset.done $0x0  }
0x121: {  	[sflag:s13] =	ssyncadd.s32 $0xFFFFC000  }
0x122: {  	[spmem:s2] =	stream.indirect.scatter.add.f32 [tilespmem:s8], [sflag:$0x4], $0x80, s21, s7, $0xb8;
	[tilespmem:$0xD000] =	vst v63  }
0x123: {  	_ =	swait.ge [sflag:s11], $0x4000  }
0x124: {  	[sflag:s11] =	ssyncset.done $0x0  }
0x125: {  	[sflag:s11] =	ssyncadd.s32 $0xFFFFC000  }
0x126: {  	[tilespmem:s8], [sflag:$0x2] =	stream.indirect.gather [hbm4b:s3+s7], $0x80, s19, s7, $0xb8;
	[tilespmem:$0xD000] =	vst v63  }
0x127: {  	_ =	swait.ge [sflag:s12], $0x4000  }
0x128: {  	[sflag:s12] =	ssyncset.done $0x0  }
0x129: {  	[sflag:s12] =	ssyncadd.s32 $0xFFFFC000  }
0x12a: {  	[spmem:s2] =	stream.indirect.scatter.add.f32 [tilespmem:s9], [sflag:$0x3], $0x80, s20, s7, $0xb8;
	[tilespmem:$0xD000] =	vst v63  }
0x12b: {  	_ =	swait.ge [sflag:s10], $0x4000  }
0x12c: {  	[sflag:s10] =	ssyncset.done $0x0  }
0x12d: {  	[sflag:s10] =	ssyncadd.s32 $0xFFFFC000  }
0x12e: {  	[tilespmem:s9], [sflag:$0x1] =	stream.indirect.gather [hbm4b:s3+s7], $0x80, s18, s7, $0xb8;
	[tilespmem:$0xD000] =	vst v63  }
0x12f: {  	_ =	swait.ge [sflag:s13], $0x4000  }
0x130: {  	[sflag:s13] =	ssyncset.done $0x0  }
0x131: {  	[sflag:s13] =	ssyncadd.s32 $0xFFFFC000  }
0x132: {  	[spmem:s2] =	stream.indirect.scatter.add.f32 [tilespmem:s8], [sflag:$0x4], $0x80, s17, s7, $0xb8;
	[tilespmem:$0xD000] =	vst v63  }
0x133: {  	_ =	swait.ge [sflag:s11], $0x4000  }
0x134: {  	[sflag:s11] =	ssyncset.done $0x0  }
0x135: {  	[sflag:s11] =	ssyncadd.s32 $0xFFFFC000  }
0x136: {  	[tilespmem:s8], [sflag:$0x2] =	stream.indirect.gather [hbm4b:s3+s7], $0x80, s16, s7, $0xb8;
	[tilespmem:$0xD000] =	vst v63  }
0x137: {  	_ =	swait.ge [sflag:s12], $0x4000  }
0x138: {  	[sflag:s12] =	ssyncset.done $0x0  }
0x139: {  	[sflag:s12] =	ssyncadd.s32 $0xFFFFC000  }
0x13a: {  	[spmem:s2] =	stream.indirect.scatter.add.f32 [tilespmem:s9], [sflag:$0x3], $0x80, s15, s7, $0xb8;
	[tilespmem:$0xD000] =	vst v63  }
0x13b: {  	_ =	swait.ge [sflag:s13], $0x4000  }
0x13c: {  	[sflag:s13] =	ssyncset.done $0x0  }
0x13d: {  	[sflag:s13] =	ssyncadd.s32 $0xFFFFC000  }
0x13e: {  	[spmem:s2] =	stream.indirect.scatter.add.f32 [tilespmem:s8], [sflag:$0x4], $0x80, s14, s7, $0xb8;
	[tilespmem:$0xD000] =	vst v63  }
0x13f: {  	_ =	swait.ge [sflag:s10], $0x4000  }
0x140: {  	[sflag:s10] =	ssyncset.done $0x0  }
0x141: {  	[sflag:s10] =	ssyncadd.s32 $0xFFFFC000  }
0x142: {  	_ =	swait.ge [sflag:s11], $0x4000  }
0x143: {  	[sflag:s11] =	ssyncset.done $0x0  }
0x144: {  	p1 =	sne.s32 s0, $0x1;
	[sflag:s11] =	ssyncadd.s32 $0xFFFFC000  }
.Ltmp2:
0x145: {  	[bflag:$0x0] =	sbarrier.arrive $0xFFFF;
	(pc) =	sbr.rel @p1 .LBB2_2-.Ltmp2, $4  }
0x146: {  	s1 =	rddreg [dreg:$0x7]  }
0x147: {  	[hbm:s1], [sflag:s4] =	dma.local [spmem:s5], $0x800  }
0x148: {  	_ =	swait.ge [sflag:s6], $0x800  }
0x149: {  	s0 =	sadd.s32 $0xFFFFFFFF, s0;
	s1 =	rddreg [dreg:$0x4];
	[sflag:s6] =	ssyncset.done $0x0  }
.LBB2_3:
0x14a: {  	[sflag:s6] =	ssyncadd.s32 @p0 $0xFFFFF800  }
0x14b: {  	[spmem:s5], [sflag:s4] =	dma.local [hbm:s1], $0x800  }
0x14c: {  	_ =	swait.ge [sflag:s6], $0x800  }
0x14d: {  	[sflag:s6] =	ssyncset.done $0x0  }
0x14e: {  	[sflag:s6] =	ssyncadd.s32 $0xFFFFF800  }
0x14f: {  	[bflag:$0x0] =	sbarrier.arrive $0xFFFF  }
0x150: {  	s0 =	rddreg [dreg:$0x5]  }
0x151: {  	[tilespmem:s30], [sflag:$0x5] =	stream.linear.gather [hbm4b:s0+s30], $0x800, $0x38;
	[tilespmem:$0xD000] =	vst v63  }
0x152: {  	_ =	swait.ge [sflag:s6], $0x800  }
0x153: {  	[sflag:s6] =	ssyncset.done $0x0  }
0x154: {  	s1 =	rddreg [dreg:$0x6];
	[sflag:s6] =	ssyncadd.s32 $0xFFFFF800  }
0x155: {  	[tilespmem:s31], [sflag:$0x5] =	stream.linear.gather [hbm4b:s1+s30], $0x800, $0x38;
	[tilespmem:$0xD000] =	vst v63  }
0x156: {  	_ =	swait.ge [sflag:s6], $0x800  }
0x157: {  	[sflag:s6] =	ssyncset.done $0x0  }
0x158: {  	[sflag:s6] =	ssyncadd.s32 $0xFFFFF800  }
0x159: {  	[tilespmem:s9], [sflag:$0x1] =	stream.indirect.gather [hbm4b:s3+s7], $0x80, s30, s7, $0xb8;
	[tilespmem:$0xD000] =	vst v63  }
0x15a: {  	_ = 	snop  }
0x15b: {  	[tilespmem:s8], [sflag:$0x2] =	stream.indirect.gather [hbm4b:s3+s7], $0x80, s7, s7, $0xb8;
	[tilespmem:$0xD000] =	vst v63  }
0x15c: {  	_ =	swait.ge [sflag:s12], $0x4000  }
0x15d: {  	[sflag:s12] =	ssyncset.done $0x0  }
0x15e: {  	[sflag:s12] =	ssyncadd.s32 $0xFFFFC000  }
0x15f: {  	[spmem:s2] =	stream.indirect.scatter.add.f32 [tilespmem:s9], [sflag:$0x3], $0x80, s31, s7, $0xb8;
	[tilespmem:$0xD000] =	vst v63  }
0x160: {  	_ =	swait.ge [sflag:s10], $0x4000  }
0x161: {  	[sflag:s10] =	ssyncset.done $0x0  }
0x162: {  	s31 =	rddreg [dreg:$0x8];
	[sflag:s10] =	ssyncadd.s32 $0xFFFFC000  }
0x163: {  	[tilespmem:s9], [sflag:$0x1] =	stream.indirect.gather [hbm4b:s3+s7], $0x80, s31, s7, $0xb8;
	[tilespmem:$0xD000] =	vst v63  }
0x164: {  	_ =	swait.ge [sflag:s13], $0x4000  }
0x165: {  	[sflag:s13] =	ssyncset.done $0x0  }
0x166: {  	s1 =	rddreg [dreg:$0x9];
	[sflag:s13] =	ssyncadd.s32 $0xFFFFC000  }
0x167: {  	[spmem:s2] =	stream.indirect.scatter.add.f32 [tilespmem:s8], [sflag:$0x4], $0x80, s1, s7, $0xb8;
	[tilespmem:$0xD000] =	vst v63  }
0x168: {  	_ =	swait.ge [sflag:s11], $0x4000  }
0x169: {  	[sflag:s11] =	ssyncset.done $0x0  }
0x16a: {  	s30 =	rddreg [dreg:$0xa];
	[sflag:s11] =	ssyncadd.s32 $0xFFFFC000  }
0x16b: {  	[tilespmem:s8], [sflag:$0x2] =	stream.indirect.gather [hbm4b:s3+s7], $0x80, s30, s7, $0xb8;
	[tilespmem:$0xD000] =	vst v63  }
0x16c: {  	_ =	swait.ge [sflag:s12], $0x4000  }
0x16d: {  	[sflag:s12] =	ssyncset.done $0x0  }
0x16e: {  	s31 =	rddreg [dreg:$0xb];
	[sflag:s12] =	ssyncadd.s32 $0xFFFFC000  }
0x16f: {  	[spmem:s2] =	stream.indirect.scatter.add.f32 [tilespmem:s9], [sflag:$0x3], $0x80, s31, s7, $0xb8;
	[tilespmem:$0xD000] =	vst v63  }
0x170: {  	_ =	swait.ge [sflag:s10], $0x4000  }
0x171: {  	[sflag:s10] =	ssyncset.done $0x0  }
0x172: {  	s1 =	rddreg [dreg:$0xc];
	[sflag:s10] =	ssyncadd.s32 $0xFFFFC000  }
0x173: {  	[tilespmem:s9], [sflag:$0x1] =	stream.indirect.gather [hbm4b:s3+s7], $0x80, s1, s7, $0xb8;
	[tilespmem:$0xD000] =	vst v63  }
0x174: {  	_ =	swait.ge [sflag:s13], $0x4000  }
0x175: {  	[sflag:s13] =	ssyncset.done $0x0  }
0x176: {  	s30 =	rddreg [dreg:$0xd];
	[sflag:s13] =	ssyncadd.s32 $0xFFFFC000  }
0x177: {  	[spmem:s2] =	stream.indirect.scatter.add.f32 [tilespmem:s8], [sflag:$0x4], $0x80, s30, s7, $0xb8;
	[tilespmem:$0xD000] =	vst v63  }
0x178: {  	_ =	swait.ge [sflag:s11], $0x4000  }
0x179: {  	[sflag:s11] =	ssyncset.done $0x0  }
0x17a: {  	s31 =	rddreg [dreg:$0xe];
	[sflag:s11] =	ssyncadd.s32 $0xFFFFC000  }
0x17b: {  	[tilespmem:s8], [sflag:$0x2] =	stream.indirect.gather [hbm4b:s3+s7], $0x80, s31, s7, $0xb8;
	[tilespmem:$0xD000] =	vst v63  }
0x17c: {  	_ =	swait.ge [sflag:s12], $0x4000  }
0x17d: {  	[sflag:s12] =	ssyncset.done $0x0  }
0x17e: {  	s1 =	rddreg [dreg:$0xf];
	[sflag:s12] =	ssyncadd.s32 $0xFFFFC000  }
0x17f: {  	[spmem:s2] =	stream.indirect.scatter.add.f32 [tilespmem:s9], [sflag:$0x3], $0x80, s1, s7, $0xb8;
	[tilespmem:$0xD000] =	vst v63  }
0x180: {  	_ =	swait.ge [sflag:s10], $0x4000  }
0x181: {  	[sflag:s10] =	ssyncset.done $0x0  }
0x182: {  	s30 =	rddreg [dreg:$0x10];
	[sflag:s10] =	ssyncadd.s32 $0xFFFFC000  }
0x183: {  	[tilespmem:s9], [sflag:$0x1] =	stream.indirect.gather [hbm4b:s3+s7], $0x80, s30, s7, $0xb8;
	[tilespmem:$0xD000] =	vst v63  }
0x184: {  	_ =	swait.ge [sflag:s13], $0x4000  }
0x185: {  	[sflag:s13] =	ssyncset.done $0x0  }
0x186: {  	s31 =	rddreg [dreg:$0x11];
	[sflag:s13] =	ssyncadd.s32 $0xFFFFC000  }
0x187: {  	[spmem:s2] =	stream.indirect.scatter.add.f32 [tilespmem:s8], [sflag:$0x4], $0x80, s31, s7, $0xb8;
	[tilespmem:$0xD000] =	vst v63  }
0x188: {  	_ =	swait.ge [sflag:s11], $0x4000  }
0x189: {  	[sflag:s11] =	ssyncset.done $0x0  }
0x18a: {  	s1 =	rddreg [dreg:$0x12];
	[sflag:s11] =	ssyncadd.s32 $0xFFFFC000  }
0x18b: {  	[tilespmem:s8], [sflag:$0x2] =	stream.indirect.gather [hbm4b:s3+s7], $0x80, s1, s7, $0xb8;
	[tilespmem:$0xD000] =	vst v63  }
0x18c: {  	_ =	swait.ge [sflag:s12], $0x4000  }
0x18d: {  	[sflag:s12] =	ssyncset.done $0x0  }
0x18e: {  	s30 =	rddreg [dreg:$0x13];
	[sflag:s12] =	ssyncadd.s32 $0xFFFFC000  }
0x18f: {  	[spmem:s2] =	stream.indirect.scatter.add.f32 [tilespmem:s9], [sflag:$0x3], $0x80, s30, s7, $0xb8;
	[tilespmem:$0xD000] =	vst v63  }
0x190: {  	_ =	swait.ge [sflag:s10], $0x4000  }
0x191: {  	[sflag:s10] =	ssyncset.done $0x0  }
0x192: {  	s31 =	rddreg [dreg:$0x14];
	[sflag:s10] =	ssyncadd.s32 $0xFFFFC000  }
0x193: {  	[tilespmem:s9], [sflag:$0x1] =	stream.indirect.gather [hbm4b:s3+s7], $0x80, s31, s7, $0xb8;
	[tilespmem:$0xD000] =	vst v63  }
0x194: {  	_ =	swait.ge [sflag:s13], $0x4000  }
0x195: {  	[sflag:s13] =	ssyncset.done $0x0  }
0x196: {  	s1 =	rddreg [dreg:$0x15];
	[sflag:s13] =	ssyncadd.s32 $0xFFFFC000  }
0x197: {  	[spmem:s2] =	stream.indirect.scatter.add.f32 [tilespmem:s8], [sflag:$0x4], $0x80, s1, s7, $0xb8;
	[tilespmem:$0xD000] =	vst v63  }
0x198: {  	_ =	swait.ge [sflag:s11], $0x4000  }
0x199: {  	[sflag:s11] =	ssyncset.done $0x0  }
0x19a: {  	[sflag:s11] =	ssyncadd.s32 $0xFFFFC000  }
0x19b: {  	[tilespmem:s8], [sflag:$0x2] =	stream.indirect.gather [hbm4b:s3+s7], $0x80, s29, s7, $0xb8;
	[tilespmem:$0xD000] =	vst v63  }
0x19c: {  	_ =	swait.ge [sflag:s12], $0x4000  }
0x19d: {  	[sflag:s12] =	ssyncset.done $0x0  }
0x19e: {  	[sflag:s12] =	ssyncadd.s32 $0xFFFFC000  }
0x19f: {  	[spmem:s2] =	stream.indirect.scatter.add.f32 [tilespmem:s9], [sflag:$0x3], $0x80, s28, s7, $0xb8;
	[tilespmem:$0xD000] =	vst v63  }
0x1a0: {  	_ =	swait.ge [sflag:s10], $0x4000  }
0x1a1: {  	[sflag:s10] =	ssyncset.done $0x0  }
0x1a2: {  	[sflag:s10] =	ssyncadd.s32 $0xFFFFC000  }
0x1a3: {  	[tilespmem:s9], [sflag:$0x1] =	stream.indirect.gather [hbm4b:s3+s7], $0x80, s26, s7, $0xb8;
	[tilespmem:$0xD000] =	vst v63  }
0x1a4: {  	_ =	swait.ge [sflag:s13], $0x4000  }
0x1a5: {  	[sflag:s13] =	ssyncset.done $0x0  }
0x1a6: {  	[sflag:s13] =	ssyncadd.s32 $0xFFFFC000  }
0x1a7: {  	[spmem:s2] =	stream.indirect.scatter.add.f32 [tilespmem:s8], [sflag:$0x4], $0x80, s25, s7, $0xb8;
	[tilespmem:$0xD000] =	vst v63  }
0x1a8: {  	_ =	swait.ge [sflag:s11], $0x4000  }
0x1a9: {  	[sflag:s11] =	ssyncset.done $0x0  }
0x1aa: {  	[sflag:s11] =	ssyncadd.s32 $0xFFFFC000  }
0x1ab: {  	[tilespmem:s8], [sflag:$0x2] =	stream.indirect.gather [hbm4b:s3+s7], $0x80, s24, s7, $0xb8;
	[tilespmem:$0xD000] =	vst v63  }
0x1ac: {  	_ =	swait.ge [sflag:s12], $0x4000  }
0x1ad: {  	[sflag:s12] =	ssyncset.done $0x0  }
0x1ae: {  	[sflag:s12] =	ssyncadd.s32 $0xFFFFC000  }
0x1af: {  	[spmem:s2] =	stream.indirect.scatter.add.f32 [tilespmem:s9], [sflag:$0x3], $0x80, s23, s7, $0xb8;
	[tilespmem:$0xD000] =	vst v63  }
0x1b0: {  	_ =	swait.ge [sflag:s10], $0x4000  }
0x1b1: {  	[sflag:s10] =	ssyncset.done $0x0  }
0x1b2: {  	[sflag:s10] =	ssyncadd.s32 $0xFFFFC000  }
0x1b3: {  	[tilespmem:s9], [sflag:$0x1] =	stream.indirect.gather [hbm4b:s3+s7], $0x80, s22, s7, $0xb8;
	[tilespmem:$0xD000] =	vst v63  }
0x1b4: {  	_ =	swait.ge [sflag:s13], $0x4000  }
0x1b5: {  	[sflag:s13] =	ssyncset.done $0x0  }
0x1b6: {  	[sflag:s13] =	ssyncadd.s32 $0xFFFFC000  }
0x1b7: {  	[spmem:s2] =	stream.indirect.scatter.add.f32 [tilespmem:s8], [sflag:$0x4], $0x80, s21, s7, $0xb8;
	[tilespmem:$0xD000] =	vst v63  }
0x1b8: {  	_ =	swait.ge [sflag:s11], $0x4000  }
0x1b9: {  	[sflag:s11] =	ssyncset.done $0x0  }
0x1ba: {  	[sflag:s11] =	ssyncadd.s32 $0xFFFFC000  }
0x1bb: {  	[tilespmem:s8], [sflag:$0x2] =	stream.indirect.gather [hbm4b:s3+s7], $0x80, s19, s7, $0xb8;
	[tilespmem:$0xD000] =	vst v63  }
0x1bc: {  	_ =	swait.ge [sflag:s12], $0x4000  }
0x1bd: {  	[sflag:s12] =	ssyncset.done $0x0  }
0x1be: {  	[sflag:s12] =	ssyncadd.s32 $0xFFFFC000  }
0x1bf: {  	[spmem:s2] =	stream.indirect.scatter.add.f32 [tilespmem:s9], [sflag:$0x3], $0x80, s20, s7, $0xb8;
	[tilespmem:$0xD000] =	vst v63  }
0x1c0: {  	_ =	swait.ge [sflag:s10], $0x4000  }
0x1c1: {  	[sflag:s10] =	ssyncset.done $0x0  }
0x1c2: {  	[sflag:s10] =	ssyncadd.s32 $0xFFFFC000  }
0x1c3: {  	[tilespmem:s9], [sflag:$0x1] =	stream.indirect.gather [hbm4b:s3+s7], $0x80, s18, s7, $0xb8;
	[tilespmem:$0xD000] =	vst v63  }
0x1c4: {  	_ =	swait.ge [sflag:s13], $0x4000  }
0x1c5: {  	[sflag:s13] =	ssyncset.done $0x0  }
0x1c6: {  	[sflag:s13] =	ssyncadd.s32 $0xFFFFC000  }
0x1c7: {  	[spmem:s2] =	stream.indirect.scatter.add.f32 [tilespmem:s8], [sflag:$0x4], $0x80, s17, s7, $0xb8;
	[tilespmem:$0xD000] =	vst v63  }
0x1c8: {  	_ =	swait.ge [sflag:s11], $0x4000  }
0x1c9: {  	[sflag:s11] =	ssyncset.done $0x0  }
0x1ca: {  	[sflag:s11] =	ssyncadd.s32 $0xFFFFC000  }
0x1cb: {  	[tilespmem:s8], [sflag:$0x2] =	stream.indirect.gather [hbm4b:s3+s7], $0x80, s16, s7, $0xb8;
	[tilespmem:$0xD000] =	vst v63  }
0x1cc: {  	_ =	swait.ge [sflag:s12], $0x4000  }
0x1cd: {  	[sflag:s12] =	ssyncset.done $0x0  }
0x1ce: {  	[sflag:s12] =	ssyncadd.s32 $0xFFFFC000  }
0x1cf: {  	[spmem:s2] =	stream.indirect.scatter.add.f32 [tilespmem:s9], [sflag:$0x3], $0x80, s15, s7, $0xb8;
	[tilespmem:$0xD000] =	vst v63  }
0x1d0: {  	_ =	swait.ge [sflag:s13], $0x4000  }
0x1d1: {  	[sflag:s13] =	ssyncset.done $0x0  }
0x1d2: {  	[sflag:s13] =	ssyncadd.s32 $0xFFFFC000  }
0x1d3: {  	[spmem:s2] =	stream.indirect.scatter.add.f32 [tilespmem:s8], [sflag:$0x4], $0x80, s14, s7, $0xb8;
	[tilespmem:$0xD000] =	vst v63  }
0x1d4: {  	_ =	swait.ge [sflag:s10], $0x4000  }
0x1d5: {  	[sflag:s10] =	ssyncset.done $0x0  }
0x1d6: {  	[sflag:s10] =	ssyncadd.s32 $0xFFFFC000  }
0x1d7: {  	_ =	swait.ge [sflag:s11], $0x4000  }
0x1d8: {  	[sflag:s11] =	ssyncset.done $0x0  }
0x1d9: {  	[sflag:s11] =	ssyncadd.s32 $0xFFFFC000  }
0x1da: {  	[bflag:$0x0] =	sbarrier.arrive $0xFFFF  }
0x1db: {  	s30 =	rddreg [dreg:$0x7]  }
0x1dc: {  	[hbm:s30], [sflag:s4] =	dma.local [spmem:s5], $0x800  }
0x1dd: {  	_ =	swait.ge [sflag:s6], $0x800  }
0x1de: {  	[sflag:s6] =	ssyncset.done $0x0  }
0x1df: {  	[sflag:s6] =	ssyncadd.s32 $0xFFFFF800  }
0x1e0: {  	_ =	sfence.sel $0x180000  }
0x1e1: {  	[bflag:$0x0] =	sbarrier.arrive $0xFFFF  }
0x1e2: {  	_ =	strace $0x9000004D  }
0x1e3: {  	s31 =	stileid.u32;
	[bflag:$0x2] =	sbarrier.arrive $0xFFFF  }
0x1e4: {  	p0 =	sne.s32 s31, $0x0;
	s0 =	rddreg [dreg:$0x3]  }
0x1e5: {  	s0 =	sadd.s32 @!p0 $0x100000, s0  }
0x1e6: {  	[sflag:s0] =	ssyncadd.tile.s32 @!p0 $0x1;
	_ =	shalt  }
.Lfunc_end2:
_tile_overlayer_lowered:
.L_overlay_start_2:
0x1e7: {  	(tag) =	ssettag $0x2  }
0x1e8: {  	s0 =	rddreg [dreg:$0x0];
	s2 =	stileid.u32  }
0x1e9: {  	s1 =	rddreg [dreg:$0x1];
	p0 =	sne.s32 s2, $0x0  }
0x1ea: {  	s3 =	rddreg [dreg:$0x2];
	[bflag:$0x3] =	sbarrier.arrive $0xFFFF;
	s2 =	simm.s32 @!p0 $0x1C05  }
0x1eb: {  	[timem:s3], [sflag:s2] =	dma.local @!p0 [hbm:s0], s1  }
0x1ec: {  	s0 =	simm.s32 @!p0 $0x5  }
0x1ed: {  	_ =	swait.ge @!p0 [sflag:s0], s1  }
0x1ee: {  	s1 =	ssub.s32 @!p0 $0x0, s1;
	[sflag:s0] =	ssyncset.done @!p0 $0x0  }
0x1ef: {  	[sflag:s0] =	ssyncadd.s32 @!p0 s1  }
0x1f0: {  	[bflag:$0x3] =	sbarrier.arrive $0xFFFF  }
0x1f1: {  	_ =	shalt  }

// kernel: kernel.7.cloned.1.call-start
scs
__scs_entry_jumppad:
0x0: {  	(pc) =	sbr.rel $0x88, $3  }
0x1: {  	(tag) =	ssettag $0x0;
	lr =	simm.s32 $0x1  }
0x2: {  	[smem:$0x3F95] =	sst lr;
	_ =	strace $0xD0000000  }
0x3: {  	_ = 	snop  }
0x4: {  	_ = 	snop  }
0x5: {  	_ = 	snop  }
0x6: {  	_ = 	snop  }
0x7: {  	_ = 	snop  }
__scs_overlays_trampoline_lowered:
0x8: {  	[smem:$0x3FA4] =	sst s0  }
0x9: {  	[smem:$0x3FA5] =	sst s1  }
0xa: {  	[smem:$0x3FA6] =	sst s2  }
0xb: {  	[smem:$0x3FA7] =	sst s3  }
0xc: {  	[smem:$0x3FA8] =	sst s4  }
0xd: {  	[smem:$0x3FA9] =	sst s5  }
0xe: {  	[smem:$0x3FAA] =	sst s6  }
0xf: {  	[smem:$0x3FAB] =	sst s7  }
0x10: {  	[smem:$0x3FAC] =	sst s8  }
0x11: {  	[smem:$0x3FAD] =	sst s9;
	s0 =	simm.s32 @!p0 $0x0  }
0x12: {  	s1 =	sld [smem:$0x3F93];
	s0 =	simm.s32 @p0 $0x1  }
0x13: {  	[smem:$0x3FAE] =	sst s0;
	s0 =	simm.s32 @!p1 $0x0  }
0x14: {  	s2 =	sld [smem:$0x3F92];
	s0 =	simm.s32 @p1 $0x1  }
0x15: {  	[smem:$0x3FAF] =	sst s0;
	s0 =	simm.s32 @!p2 $0x0  }
0x16: {  	s3 =	sld [smem:$0x3FDB];
	s0 =	simm.s32 @p2 $0x1  }
0x17: {  	s4 =	simm.s32 $0x1BF5;
	[smem:$0x3FB1] =	sst s0  }
0x18: {  	s0 =	sld [smem:$0x3F94];
	_ =	swait.ge [sflag:s4], $0x0  }
0x19: {  	s7 =	sld [smem:$0x3F95]  }
0x1a: {  	s8 =	sadd.s32 $0xFFFFE003, lr  }
0x1b: {  	s9 =	sadd.s32 $0xFFFFFEF7, lr;
	s5 =	simm.s32 $0xFFFFFFFF;
	p2 =	slt.u32 s8, $0xFFFFF086  }
0x1c: {  	p1 =	slt.u32 s9, $0xF7A;
	s5 =	simm.s32 @!p2 $0x0  }
0x1d: {  	s5 =	simm.s32 @p1 $0x1;
	p0 =	seq.s32 s7, s2  }
0x1e: {  	s7 =	smul.u32 @!p0 $0xF7A, s2;
	p2 =	seq.s32 @!p0 s5, $0x0  }
0x1f: {  	s9 =	smul.u32 $0xF7A, s1;
	s8 =	simm.s32 @!p0 $0x1BF5;
	p2 =	por !p2, p0  }
0x20: {  	[sflag:s8] =	ssyncset.s32 @!p0 $0xFFFFF086;
	s6 =	sadd.s32 @!p0 s3, s7;
	s7 =	simm.s32 @!p0 $0x108  }
0x21: {  	s3 =	sadd.s32 s3, s9;
	s6 =	sadd.s32 @!p0 $0x88, s6;
	s7 =	simm.s32 @p2 $0x1082  }
0x22: {  	[simem:s7], [sflag:s8] =	dma.local @!p0 [hbm:s6], $0xF7A  }
0x23: {  	s9 =	sor.u32 $0xD0000000, s2;
	s6 =	simm.s32 $0x108;
	_ =	swait.ge @!p0 [sflag:s8], $0x0  }
0x24: {  	s3 =	sadd.s32 $0x88, s3;
	s6 =	simm.s32 @!p1 $0x1082;
	[sflag:s4] =	ssyncset.s32 $0xFFFFF086  }
0x25: {  	[simem:s6], [sflag:s4] =	dma.local [hbm:s3], $0xF7A  }
0x26: {  	[smem:$0x3F95] =	sst s1;
	(tag) =	ssettag s2;
	_ =	strace s9  }
0x27: {  	s1 =	sld [smem:$0x3FA5]  }
0x28: {  	s2 =	sld [smem:$0x3FA6]  }
0x29: {  	s4 =	sld [smem:$0x3FA8]  }
0x2a: {  	p0 =	seq.s32 s5, $0x0;
	s5 =	sld [smem:$0x3FA9]  }
0x2b: {  	s6 =	sld [smem:$0x3FAA]  }
0x2c: {  	s7 =	sld [smem:$0x3FAB]  }
0x2d: {  	s3 =	simm.s32 $0x108;
	s8 =	sld [smem:$0x3FAC]  }
0x2e: {  	s3 =	simm.s32 @!p0 $0x1082;
	s9 =	sld [smem:$0x3FAD]  }
0x2f: {  	lr =	sadd.s32 s0, s3;
	s0 =	sld [smem:$0x3FA4]  }
0x30: {  	s3 =	sld [smem:$0x3FA7]  }
0x31: {  	[smem:$0x3FB0] =	sst s10  }
0x32: {  	s10 =	sld [smem:$0x3FAE];
	_ =	sdelay $0x3  }
0x33: {  	p0 =	seq.s32 s10, $0x1;
	s10 =	sld [smem:$0x3FB0];
	_ =	sdelay $0x3  }
0x34: {  	[smem:$0x3FB0] =	sst s10  }
0x35: {  	s10 =	sld [smem:$0x3FAF];
	_ =	sdelay $0x3  }
0x36: {  	p1 =	seq.s32 s10, $0x1;
	s10 =	sld [smem:$0x3FB0];
	_ =	sdelay $0x3  }
0x37: {  	[smem:$0x3FB0] =	sst s10  }
0x38: {  	s10 =	sld [smem:$0x3FB1]  }
0x39: {  	_ = 	snop;
	(pc) =	sbr.ind lr, $3  }
0x3a: {  	_ = 	snop  }
0x3b: {  	_ = 	snop  }
0x3c: {  	p2 =	seq.s32 s10, $0x1;
	s10 =	sld [smem:$0x3FB0]  }
0x3d: {  	_ =	shalt  }
0x3e: {  	_ =	shalt  }
0x3f: {  	_ =	shalt  }
0x40: {  	_ =	shalt  }
0x41: {  	_ =	shalt  }
0x42: {  	_ =	shalt  }
0x43: {  	_ =	shalt  }
0x44: {  	_ =	shalt  }
0x45: {  	_ =	shalt  }
0x46: {  	_ =	shalt  }
0x47: {  	_ =	shalt  }
0x48: {  	_ =	shalt  }
0x49: {  	_ =	shalt  }
0x4a: {  	_ =	shalt  }
0x4b: {  	_ =	shalt  }
0x4c: {  	_ =	shalt  }
0x4d: {  	_ =	shalt  }
0x4e: {  	_ =	shalt  }
0x4f: {  	_ =	shalt  }
0x50: {  	_ =	shalt  }
0x51: {  	_ =	shalt  }
0x52: {  	_ =	shalt  }
0x53: {  	_ =	shalt  }
0x54: {  	_ =	shalt  }
0x55: {  	_ =	shalt  }
0x56: {  	_ =	shalt  }
0x57: {  	_ =	shalt  }
0x58: {  	_ =	shalt  }
0x59: {  	_ =	shalt  }
0x5a: {  	_ =	shalt  }
0x5b: {  	_ =	shalt  }
0x5c: {  	_ =	shalt  }
0x5d: {  	_ =	shalt  }
0x5e: {  	_ =	shalt  }
0x5f: {  	_ =	shalt  }
0x60: {  	_ =	shalt  }
0x61: {  	_ =	shalt  }
0x62: {  	_ =	shalt  }
0x63: {  	_ =	shalt  }
0x64: {  	_ =	shalt  }
0x65: {  	_ =	shalt  }
0x66: {  	_ =	shalt  }
0x67: {  	_ =	shalt  }
0x68: {  	_ =	shalt  }
0x69: {  	_ =	shalt  }
0x6a: {  	_ =	shalt  }
0x6b: {  	_ =	shalt  }
0x6c: {  	_ =	shalt  }
0x6d: {  	_ =	shalt  }
0x6e: {  	_ =	shalt  }
0x6f: {  	_ =	shalt  }
0x70: {  	_ =	shalt  }
0x71: {  	_ =	shalt  }
0x72: {  	_ =	shalt  }
0x73: {  	_ =	shalt  }
0x74: {  	_ =	shalt  }
0x75: {  	_ =	shalt  }
0x76: {  	_ =	shalt  }
0x77: {  	_ =	shalt  }
0x78: {  	_ =	shalt  }
0x79: {  	_ =	shalt  }
0x7a: {  	_ =	shalt  }
0x7b: {  	_ =	shalt  }
0x7c: {  	_ =	shalt  }
0x7d: {  	_ =	shalt  }
0x7e: {  	_ =	shalt  }
0x7f: {  	_ =	shalt  }
0x80: {  	_ =	shalt  }
0x81: {  	_ =	shalt  }
0x82: {  	_ =	shalt  }
0x83: {  	_ =	shalt  }
0x84: {  	_ =	shalt  }
0x85: {  	_ =	shalt  }
0x86: {  	_ =	shalt  }
0x87: {  	_ =	shalt  }
.Lfunc_end0:
.L_simem_size_0:
called_computation_lowered:
.L_overlay_start_0:
0x88: {  	s2 =	sld [smem:$0x3FD9]  }
0x89: {  	s3 =	sld [smem:$0x3FFE];
	_ =	sdelay $0x1  }
0x8a: {  	s1 =	srdreg.scid  }
0x8b: {  	s0 =	sand.u32 $0x1, s1  }
0x8c: {  	s14 =	sshll.u32 s0, $0xA;
	s2 =	sadd.s32 s3, s2  }
0x8d: {  	s2 =	sadd.s32 s2, s14  }
0x8e: {  	[smem:$0x3FBC] =	sst s2  }
0x8f: {  	_ = 	snop  }
0x90: {  	s2 =	sld [smem:$0x3FD0];
	_ =	sdelay $0x2  }
0x91: {  	s15 =	simm.s32 $0xA;
	s4 =	simm.s32 $0x10  }
0x92: {  	[smem:s4], [sflag:s15] =	dma.local [hbm:s2], $0x1  }
0x93: {  	_ =	swait.eq [sflag:s15], $0x1  }
0x94: {  	[sflag:s15] =	ssyncset.done $0x0  }
0x95: {  	[sflag:s15] =	ssyncadd.s32 $0xFFFFFFFF  }
0x96: {  	s16 =	sld [smem:$0x10];
	(tm) =	ssettm $0x1  }
0x97: {  	s17 =	sld [smem:$0x3FFB];
	_ =	sdelay $0x3  }
0x98: {  	_ =	strace s17  }
0x99: {  	s3 =	sld [smem:$0x3FFC];
	_ =	sdelay $0x3  }
0x9a: {  	_ =	strace s3  }
0x9b: {  	s3 =	sld [smem:$0x3FFD];
	_ =	sdelay $0x3  }
0x9c: {  	_ =	strace s3  }
0x9d: {  	_ =	strace $0x8FFFFFFF  }
0x9e: {  	s18 =	sld [smem:$0x3FDB];
	_ =	sdelay $0x1  }
0x9f: {  	s19 =	simm.s32 $_scs_section_size  }
0xa0: {  	s5 =	simm.s32 $_size__tile_overlayer_lowered;
	s6 =	simm.s32 $_tile_overlayer_lowered  }
0xa1: {  	s22 =	simm.s32 $0x1BFF;
	s21 =	sshll.u32 s6, $0x1;
	s3 =	sadd.s32 s19, s18  }
0xa2: {  	s7 =	simm.s32 $0x0;
	s20 =	sshll.u32 s5, $0x1;
	s5 =	sadd.s32 s21, s3  }
0xa3: {  	[timem:s7], [sflag:s22] =	dma.local [hbm:s5], s20  }
0xa4: {  	_ =	swait.ge [sflag:s22], s20  }
0xa5: {  	s4 =	ssub.s32 $0x0, s20;
	[sflag:s22] =	ssyncset.done $0x0  }
0xa6: {  	[sflag:s22] =	ssyncadd.s32 s4;
	_ =	sdelay $0x1  }
0xa7: {  	s23 =	simm.s32 $0x1B8B  }
0xa8: {  	_ =	swait.ge [sflag:s23], $0x1  }
0xa9: {  	[sflag:s23] =	ssyncset.done $0x0  }
0xaa: {  	s25 =	simm.s32 $0x1B8E;
	s24 =	sld [smem:$0x3FFE];
	[sflag:s23] =	ssyncadd.s32 $0xFFFFFFFF  }
0xab: {  	s26 =	simm.s32 $execute0_lowered;
	[smem:$0x3FD2] =	sst s25  }
0xac: {  	s5 =	sshll.u32 s26, $0x1;
	_ =	strace $0x80000046;
	[dreg:$0x1] =	wrdreg $0xFFFFFFFF  }
0xad: {  	s28 =	simm.s32 $_size_execute0_lowered;
	s3 =	sadd.s32 s3, s5;
	[dreg:$0x0] =	wrdreg $0x0  }
0xae: {  	s5 =	sshll.u32 s28, $0x1;
	[dreg:$0x2] =	wrdreg s3  }
0xaf: {  	[dreg:$0x3] =	wrdreg s5  }
0xb0: {  	[dreg:$0x4] =	wrdreg $0xC0  }
0xb1: {  	_ =	task [dreg:s7], $0x5FFFF  }
0xb2: {  	[dreg:$0x1] =	wrdreg $0xFFFFFFFF  }
0xb3: {  	[dreg:$0x0] =	wrdreg $0x60  }
0xb4: {  	[dreg:$0x2] =	wrdreg s24  }
0xb5: {  	[dreg:$0x3] =	wrdreg s16  }
0xb6: {  	[dreg:$0x4] =	wrdreg $0x48000  }
0xb7: {  	[dreg:$0x5] =	wrdreg $0x184000  }
0xb8: {  	[dreg:$0x6] =	wrdreg $0x9  }
0xb9: {  	_ =	task.clear_ibuf [dreg:s7], $0x7FFFF;
	_ =	strace $0x90000046  }
0xba: {  	s29 =	simm.s32 $0x9;
	_ =	strace $0x80000048  }
0xbb: {  	_ =	swait.ge [sflag:s29], $0x1  }
0xbc: {  	[sflag:s29] =	ssyncadd.s32 $0xFFFFFFFF  }
0xbd: {  	_ =	strace $0x90000048  }
0xbe: {  	_ =	sfence  }
0xbf: {  	s30 =	sld [smem:$0x0];
	_ =	sdelay $0x2  }
0xc0: {  	s31 =	sshll.u32 s1, $0xD;
	s1 =	sshrl.u32 s1, $0x2  }
0xc1: {  	s3 =	sand.u32 $0x4000, s31;
	s1 =	sadd.s32 s1, s30  }
0xc2: {  	s0 =	sor.u32 s3, s0;
	s1 =	sshll.u32 s1, $0x11  }
0xc3: {  	s0 =	sor.u32 s1, s0  }
0xc4: {  	s0 =	sadd.s32 $0x8F2B, s0  }
0xc5: {  	[sflag:s0] =	ssyncadd.remote.s32 $0x1  }
0xc6: {  	_ =	sfence.sel $0xFFFF  }
0xc7: {  	[dreg:$0x0] =	wrdreg $0xFFFFFFFF;
	(pc) =	sbr.abs _section_cstart, $3  }
0xc8: {  	[dreg:$0x1] =	wrdreg $0xFFFFFFFF  }
0xc9: {  	_ =	task.clear_ibuf [dreg:s7], $0x2FFFF;
	_ =	strace $0x9FFFFFFF  }
0xca: {  	(tm) =	ssettm $0x7FFFFFFF  }
0xcb: {  	_ =	shalt  }
tec
execute0_lowered:
.L_overlay_start_1:
0x0: {  	(tag) =	ssettag $0x1  }
0x1: {  	s7 =	rddreg [dreg:$0x0]  }
0x2: {  	s1 =	rddreg [dreg:$0x1]  }
0x3: {  	s3 =	rddreg [dreg:$0x2];
	s0 =	stileid.u32  }
0x4: {  	s2 =	srdreg.scid;
	s4 =	rddreg [dreg:$0x3]  }
0x5: {  	s5 =	simm.s32 $0x0;
	s28 =	simm.s32 $0x0;
	s6 =	smul.u32 $0x500, s0  }
0x6: {  	s14 =	sand.u32 $0x1, s2;
	[smem:$0x7FF] =	sst s5;
	s9 =	smul.u32 $0x13C00, s0  }
0x7: {  	s24 =	sshll.u32 s0, $0x8;
	s10 =	smul.u32 $0x4F000, s0;
	s26 =	sshll.u32 s0, $0xB  }
0x8: {  	s30 =	sshll.u32 s0, $0x6;
	s31 =	sshll.u32 s0, $0xE;
	s8 =	smul.u32 $0x13C000, s14  }
0x9: {  	_ =	strace $0x80000047;
	s16 =	sadd.s32 s24, s7;
	s25 =	ssub.s32 $0x2, s14  }
0xa: {  	s18 =	sadd.s32 s26, s7;
	s23 =	sadd.s32 s31, s4;
	s22 =	sshll.u32 s14, $0xF  }
0xb: {  	s24 =	simm.s32 $0x800;
	s26 =	simm.s32 $0x1;
	s20 =	sadd.s32 s6, s7  }
0xc: {  	s6 =	sadd.s32 $0x8600, s7;
	s11 =	sshrl.u32 s25, $0x1;
	s29 =	sshrl.u32 s10, $0x2  }
0xd: {  	s18 =	sadd.s32 s22, s18;
	s16 =	sadd.s32 $0x2600, s16;
	s22 =	simm.s32 $0x2  }
0xe: {  	s23 =	sshrl.u32 s23, $0x3;
	s8 =	sadd.s32 s9, s8;
	s19 =	ssub.s32 s25, s11  }
0xf: {  	s21 =	sadd.s32 s29, s3;
	s18 =	sadd.s32 $0x57E00, s18;
	s20 =	sadd.s32 $0x3600, s20  }
0x10: {  	s25 =	simm.s32 $0x80;
	s8 =	sshrl.u32 s8, $0x3;
	s19 =	smax.u32 s19, $0x1  }
0x11: {  	s21 =	sshrl.u32 s21, $0x3;
	s17 =	sadd.s32 s8, s7;
	s8 =	sshll.u32 s14, $0x7  }
0x12: {  	s7 =	sor.u32 $0x1C02, s30;
	s9 =	sor.u32 $0x100, s8;
	s10 =	sor.u32 $0x200, s8  }
0x13: {  	s11 =	sor.u32 $0x300, s8;
	s12 =	sor.u32 $0x400, s8;
	s13 =	sor.u32 $0x500, s8  }
0x14: {  	s14 =	sor.u32 $0x600, s8;
	s15 =	sor.u32 $0x700, s8;
	s17 =	sadd.s32 $0x8E00, s17  }
.LBB2_1:
0x15: {  	[spmem:s21], [sflag:s7] =	dma.local [hbm:s1], $0x2780  }
0x16: {  	_ =	swait.ge [sflag:s22], $0x2780  }
0x17: {  	[sflag:s22] =	ssyncset.done $0x0  }
0x18: {  	[sflag:s22] =	ssyncadd.s32 $0xFFFFD880  }
0x19: {  	[spmem:s23], [sflag:s7] =	dma.local [hbm:s1], $0x800  }
0x1a: {  	_ =	swait.ge [sflag:s22], $0x800  }
0x1b: {  	[sflag:s22] =	ssyncset.done $0x0  }
0x1c: {  	[sflag:s22] =	ssyncadd.s32 $0xFFFFF800  }
0x1d: {  	[tilespmem:s24], [sflag:$0x2] =	stream.linear.gather [hbm4b:s6+s5], $0x4000, $0x38;
	[tilespmem:$0x1C400] =	vst v63  }
0x1e: {  	_ =	swait.ge [sflag:s22], $0x4000  }
0x1f: {  	[sflag:s22] =	ssyncset.done $0x0  }
0x20: {  	[sflag:s22] =	ssyncadd.s32 $0xFFFFC000  }
0x21: {  	s29 =	sadd.s32 $0x0, s20;
	[bflag:$0x0] =	sbarrier.arrive $0xFFFF  }
0x22: {  	[tilespmem:s5], [sflag:$0x2] =	stream.linear.gather [hbm4b:s29+s5], $0x800, $0x38;
	[tilespmem:$0x1C400] =	vst v63  }
0x23: {  	_ =	swait.ge [sflag:s22], $0x800  }
0x24: {  	[sflag:s22] =	ssyncset.done $0x0  }
0x25: {  	[sflag:s22] =	ssyncadd.s32 $0xFFFFF800  }
0x26: {  	[spmem:s3] =	stream.indirect.scatter.add.f32 [tilespmem:s24], [sflag:$0x1], $0x80, s8, s25, $0xb8;
	[tilespmem:$0x1C400] =	vst v63  }
0x27: {  	_ = 	snop  }
0x28: {  	[spmem:s3] =	stream.indirect.scatter.add.f32 [tilespmem:s24], [sflag:$0x1], $0x80, s9, s25, $0xb8;
	[tilespmem:$0x1C400] =	vst v63  }
0x29: {  	_ = 	snop  }
0x2a: {  	[spmem:s3] =	stream.indirect.scatter.add.f32 [tilespmem:s24], [sflag:$0x1], $0x80, s10, s25, $0xb8;
	[tilespmem:$0x1C400] =	vst v63  }
0x2b: {  	_ = 	snop  }
0x2c: {  	[spmem:s3] =	stream.indirect.scatter.add.f32 [tilespmem:s24], [sflag:$0x1], $0x80, s11, s25, $0xb8;
	[tilespmem:$0x1C400] =	vst v63  }
0x2d: {  	_ = 	snop  }
0x2e: {  	[spmem:s3] =	stream.indirect.scatter.add.f32 [tilespmem:s24], [sflag:$0x1], $0x80, s12, s25, $0xb8;
	[tilespmem:$0x1C400] =	vst v63  }
0x2f: {  	_ = 	snop  }
0x30: {  	[spmem:s3] =	stream.indirect.scatter.add.f32 [tilespmem:s24], [sflag:$0x1], $0x80, s13, s25, $0xb8;
	[tilespmem:$0x1C400] =	vst v63  }
0x31: {  	_ = 	snop  }
0x32: {  	[spmem:s3] =	stream.indirect.scatter.add.f32 [tilespmem:s24], [sflag:$0x1], $0x80, s14, s25, $0xb8;
	[tilespmem:$0x1C400] =	vst v63  }
0x33: {  	_ = 	snop  }
0x34: {  	[spmem:s3] =	stream.indirect.scatter.add.f32 [tilespmem:s24], [sflag:$0x1], $0x80, s15, s25, $0xb8;
	[tilespmem:$0x1C400] =	vst v63  }
0x35: {  	_ =	swait.ge [sflag:s26], $0x4000  }
0x36: {  	[sflag:s26] =	ssyncset.done $0x0  }
0x37: {  	[sflag:s26] =	ssyncadd.s32 $0xFFFFC000  }
0x38: {  	_ =	swait.ge [sflag:s26], $0x4000  }
0x39: {  	[sflag:s26] =	ssyncset.done $0x0  }
0x3a: {  	[sflag:s26] =	ssyncadd.s32 $0xFFFFC000  }
0x3b: {  	_ =	swait.ge [sflag:s26], $0x4000  }
0x3c: {  	[sflag:s26] =	ssyncset.done $0x0  }
0x3d: {  	[sflag:s26] =	ssyncadd.s32 $0xFFFFC000  }
0x3e: {  	_ =	swait.ge [sflag:s26], $0x4000  }
0x3f: {  	[sflag:s26] =	ssyncset.done $0x0  }
0x40: {  	[sflag:s26] =	ssyncadd.s32 $0xFFFFC000  }
0x41: {  	_ =	swait.ge [sflag:s26], $0x4000  }
0x42: {  	[sflag:s26] =	ssyncset.done $0x0  }
0x43: {  	[sflag:s26] =	ssyncadd.s32 $0xFFFFC000  }
0x44: {  	_ =	swait.ge [sflag:s26], $0x4000  }
0x45: {  	[sflag:s26] =	ssyncset.done $0x0  }
0x46: {  	[sflag:s26] =	ssyncadd.s32 $0xFFFFC000  }
0x47: {  	_ =	swait.ge [sflag:s26], $0x4000  }
0x48: {  	[sflag:s26] =	ssyncset.done $0x0  }
0x49: {  	[sflag:s26] =	ssyncadd.s32 $0xFFFFC000  }
0x4a: {  	_ =	swait.ge [sflag:s26], $0x4000  }
0x4b: {  	s31 =	simm.s32 $0x200;
	s29 =	simm.s32 $0x100;
	[sflag:s26] =	ssyncset.done $0x0  }
.LBB2_2:
0x4c: {  	s2 =	sadd.s32 s29, s20  }
0x4d: {  	[sflag:s26] =	ssyncadd.s32 $0xFFFFC000;
	s29 =	smov.u32 s31;
	s30 =	sadd.s32 $0x100, s31  }
0x4e: {  	[tilespmem:s5], [sflag:$0x2] =	stream.linear.gather [hbm4b:s2+s5], $0x800, $0x38;
	[tilespmem:$0x1C400] =	vst v63  }
0x4f: {  	p0 =	sne.s32 s31, $0x400;
	_ =	swait.ge [sflag:s22], $0x800  }
0x50: {  	[sflag:s22] =	ssyncset.done $0x0  }
0x51: {  	[sflag:s22] =	ssyncadd.s32 $0xFFFFF800  }
0x52: {  	[spmem:s3] =	stream.indirect.scatter.add.f32 [tilespmem:s24], [sflag:$0x1], $0x80, s8, s25, $0xb8;
	[tilespmem:$0x1C400] =	vst v63  }
0x53: {  	_ = 	snop  }
0x54: {  	[spmem:s3] =	stream.indirect.scatter.add.f32 [tilespmem:s24], [sflag:$0x1], $0x80, s9, s25, $0xb8;
	[tilespmem:$0x1C400] =	vst v63  }
0x55: {  	_ = 	snop  }
0x56: {  	[spmem:s3] =	stream.indirect.scatter.add.f32 [tilespmem:s24], [sflag:$0x1], $0x80, s10, s25, $0xb8;
	[tilespmem:$0x1C400] =	vst v63  }
0x57: {  	_ = 	snop  }
0x58: {  	[spmem:s3] =	stream.indirect.scatter.add.f32 [tilespmem:s24], [sflag:$0x1], $0x80, s11, s25, $0xb8;
	[tilespmem:$0x1C400] =	vst v63  }
0x59: {  	_ = 	snop  }
0x5a: {  	[spmem:s3] =	stream.indirect.scatter.add.f32 [tilespmem:s24], [sflag:$0x1], $0x80, s12, s25, $0xb8;
	[tilespmem:$0x1C400] =	vst v63  }
0x5b: {  	_ = 	snop  }
0x5c: {  	[spmem:s3] =	stream.indirect.scatter.add.f32 [tilespmem:s24], [sflag:$0x1], $0x80, s13, s25, $0xb8;
	[tilespmem:$0x1C400] =	vst v63  }
0x5d: {  	_ = 	snop  }
0x5e: {  	[spmem:s3] =	stream.indirect.scatter.add.f32 [tilespmem:s24], [sflag:$0x1], $0x80, s14, s25, $0xb8;
	[tilespmem:$0x1C400] =	vst v63  }
0x5f: {  	_ = 	snop  }
0x60: {  	[spmem:s3] =	stream.indirect.scatter.add.f32 [tilespmem:s24], [sflag:$0x1], $0x80, s15, s25, $0xb8;
	[tilespmem:$0x1C400] =	vst v63  }
0x61: {  	_ =	swait.ge [sflag:s26], $0x4000  }
0x62: {  	[sflag:s26] =	ssyncset.done $0x0  }
0x63: {  	[sflag:s26] =	ssyncadd.s32 $0xFFFFC000  }
0x64: {  	_ =	swait.ge [sflag:s26], $0x4000  }
0x65: {  	[sflag:s26] =	ssyncset.done $0x0  }
0x66: {  	[sflag:s26] =	ssyncadd.s32 $0xFFFFC000  }
0x67: {  	_ =	swait.ge [sflag:s26], $0x4000  }
0x68: {  	[sflag:s26] =	ssyncset.done $0x0  }
0x69: {  	[sflag:s26] =	ssyncadd.s32 $0xFFFFC000  }
0x6a: {  	_ =	swait.ge [sflag:s26], $0x4000  }
0x6b: {  	[sflag:s26] =	ssyncset.done $0x0  }
0x6c: {  	[sflag:s26] =	ssyncadd.s32 $0xFFFFC000  }
0x6d: {  	_ =	swait.ge [sflag:s26], $0x4000  }
0x6e: {  	[sflag:s26] =	ssyncset.done $0x0  }
0x6f: {  	[sflag:s26] =	ssyncadd.s32 $0xFFFFC000  }
0x70: {  	_ =	swait.ge [sflag:s26], $0x4000  }
0x71: {  	[sflag:s26] =	ssyncset.done $0x0  }
0x72: {  	[sflag:s26] =	ssyncadd.s32 $0xFFFFC000  }
.Ltmp0:
0x73: {  	_ =	swait.ge [sflag:s26], $0x4000;
	(pc) =	sbr.rel @p0 .LBB2_2-.Ltmp0, $4  }
0x74: {  	[sflag:s26] =	ssyncset.done $0x0  }
0x75: {  	[sflag:s26] =	ssyncadd.s32 $0xFFFFC000  }
0x76: {  	_ =	swait.ge [sflag:s26], $0x4000  }
0x77: {  	s31 =	smov.u32 s30;
	[sflag:s26] =	ssyncset.done $0x0  }
0x78: {  	s2 =	sadd.s32 s29, s20;
	[sflag:s26] =	ssyncadd.s32 $0xFFFFC000  }
0x79: {  	[tilespmem:s5], [sflag:$0x2] =	stream.linear.gather [hbm4b:s2+s5], $0x800, $0x38;
	[tilespmem:$0x1C400] =	vst v63  }
0x7a: {  	_ =	swait.ge [sflag:s22], $0x800  }
0x7b: {  	[sflag:s22] =	ssyncset.done $0x0  }
0x7c: {  	[sflag:s22] =	ssyncadd.s32 $0xFFFFF800  }
0x7d: {  	[spmem:s3] =	stream.indirect.scatter.add.f32 [tilespmem:s24], [sflag:$0x1], $0x80, s8, s25, $0xb8;
	[tilespmem:$0x1C400] =	vst v63  }
0x7e: {  	_ = 	snop  }
0x7f: {  	[spmem:s3] =	stream.indirect.scatter.add.f32 [tilespmem:s24], [sflag:$0x1], $0x80, s9, s25, $0xb8;
	[tilespmem:$0x1C400] =	vst v63  }
0x80: {  	_ = 	snop  }
0x81: {  	[spmem:s3] =	stream.indirect.scatter.add.f32 [tilespmem:s24], [sflag:$0x1], $0x80, s10, s25, $0xb8;
	[tilespmem:$0x1C400] =	vst v63  }
0x82: {  	_ = 	snop  }
0x83: {  	[spmem:s3] =	stream.indirect.scatter.add.f32 [tilespmem:s24], [sflag:$0x1], $0x80, s11, s25, $0xb8;
	[tilespmem:$0x1C400] =	vst v63  }
0x84: {  	_ = 	snop  }
0x85: {  	[spmem:s3] =	stream.indirect.scatter.add.f32 [tilespmem:s24], [sflag:$0x1], $0x80, s12, s25, $0xb8;
	[tilespmem:$0x1C400] =	vst v63  }
0x86: {  	_ = 	snop  }
0x87: {  	[spmem:s3] =	stream.indirect.scatter.add.f32 [tilespmem:s24], [sflag:$0x1], $0x80, s13, s25, $0xb8;
	[tilespmem:$0x1C400] =	vst v63  }
0x88: {  	_ = 	snop  }
0x89: {  	[spmem:s3] =	stream.indirect.scatter.add.f32 [tilespmem:s24], [sflag:$0x1], $0x80, s14, s25, $0xb8;
	[tilespmem:$0x1C400] =	vst v63  }
0x8a: {  	_ = 	snop  }
0x8b: {  	[spmem:s3] =	stream.indirect.scatter.add.f32 [tilespmem:s24], [sflag:$0x1], $0x80, s15, s25, $0xb8;
	[tilespmem:$0x1C400] =	vst v63  }
0x8c: {  	_ =	swait.ge [sflag:s26], $0x4000  }
0x8d: {  	[sflag:s26] =	ssyncset.done $0x0  }
0x8e: {  	[sflag:s26] =	ssyncadd.s32 $0xFFFFC000  }
0x8f: {  	_ =	swait.ge [sflag:s26], $0x4000  }
0x90: {  	[sflag:s26] =	ssyncset.done $0x0  }
0x91: {  	[sflag:s26] =	ssyncadd.s32 $0xFFFFC000  }
0x92: {  	_ =	swait.ge [sflag:s26], $0x4000  }
0x93: {  	[sflag:s26] =	ssyncset.done $0x0  }
0x94: {  	[sflag:s26] =	ssyncadd.s32 $0xFFFFC000  }
0x95: {  	_ =	swait.ge [sflag:s26], $0x4000  }
0x96: {  	[sflag:s26] =	ssyncset.done $0x0  }
0x97: {  	[sflag:s26] =	ssyncadd.s32 $0xFFFFC000  }
0x98: {  	_ =	swait.ge [sflag:s26], $0x4000  }
0x99: {  	[sflag:s26] =	ssyncset.done $0x0  }
0x9a: {  	[sflag:s26] =	ssyncadd.s32 $0xFFFFC000  }
0x9b: {  	_ =	swait.ge [sflag:s26], $0x4000  }
0x9c: {  	[sflag:s26] =	ssyncset.done $0x0  }
0x9d: {  	[sflag:s26] =	ssyncadd.s32 $0xFFFFC000  }
0x9e: {  	_ =	swait.ge [sflag:s26], $0x4000  }
0x9f: {  	[sflag:s26] =	ssyncset.done $0x0  }
0xa0: {  	[sflag:s26] =	ssyncadd.s32 $0xFFFFC000  }
0xa1: {  	_ =	swait.ge [sflag:s26], $0x4000  }
0xa2: {  	[sflag:s26] =	ssyncset.done $0x0  }
0xa3: {  	[sflag:s26] =	ssyncadd.s32 $0xFFFFC000  }
0xa4: {  	[tilespmem:s5], [sflag:$0x2] =	stream.linear.gather [hbm4b:s16+s5], $0x800, $0x38;
	[tilespmem:$0x1C400] =	vst v63  }
0xa5: {  	_ =	swait.ge [sflag:s22], $0x800  }
0xa6: {  	[sflag:s22] =	ssyncset.done $0x0  }
0xa7: {  	[sflag:s22] =	ssyncadd.s32 $0xFFFFF800  }
0xa8: {  	[spmem:s4] =	stream.indirect.scatter.add.f32 [tilespmem:s24], [sflag:$0x1], $0x80, s8, s25, $0xb8;
	[tilespmem:$0x1C400] =	vst v63  }
0xa9: {  	_ = 	snop  }
0xaa: {  	[spmem:s4] =	stream.indirect.scatter.add.f32 [tilespmem:s24], [sflag:$0x1], $0x80, s9, s25, $0xb8;
	[tilespmem:$0x1C400] =	vst v63  }
0xab: {  	_ = 	snop  }
0xac: {  	[spmem:s4] =	stream.indirect.scatter.add.f32 [tilespmem:s24], [sflag:$0x1], $0x80, s10, s25, $0xb8;
	[tilespmem:$0x1C400] =	vst v63  }
0xad: {  	_ = 	snop  }
0xae: {  	[spmem:s4] =	stream.indirect.scatter.add.f32 [tilespmem:s24], [sflag:$0x1], $0x80, s11, s25, $0xb8;
	[tilespmem:$0x1C400] =	vst v63  }
0xaf: {  	_ = 	snop  }
0xb0: {  	[spmem:s4] =	stream.indirect.scatter.add.f32 [tilespmem:s24], [sflag:$0x1], $0x80, s12, s25, $0xb8;
	[tilespmem:$0x1C400] =	vst v63  }
0xb1: {  	_ = 	snop  }
0xb2: {  	[spmem:s4] =	stream.indirect.scatter.add.f32 [tilespmem:s24], [sflag:$0x1], $0x80, s13, s25, $0xb8;
	[tilespmem:$0x1C400] =	vst v63  }
0xb3: {  	_ = 	snop  }
0xb4: {  	[spmem:s4] =	stream.indirect.scatter.add.f32 [tilespmem:s24], [sflag:$0x1], $0x80, s14, s25, $0xb8;
	[tilespmem:$0x1C400] =	vst v63  }
0xb5: {  	_ = 	snop  }
0xb6: {  	[spmem:s4] =	stream.indirect.scatter.add.f32 [tilespmem:s24], [sflag:$0x1], $0x80, s15, s25, $0xb8;
	[tilespmem:$0x1C400] =	vst v63  }
0xb7: {  	_ =	swait.ge [sflag:s26], $0x4000  }
0xb8: {  	[sflag:s26] =	ssyncset.done $0x0  }
0xb9: {  	[sflag:s26] =	ssyncadd.s32 $0xFFFFC000  }
0xba: {  	_ =	swait.ge [sflag:s26], $0x4000  }
0xbb: {  	[sflag:s26] =	ssyncset.done $0x0  }
0xbc: {  	[sflag:s26] =	ssyncadd.s32 $0xFFFFC000  }
0xbd: {  	_ =	swait.ge [sflag:s26], $0x4000  }
0xbe: {  	[sflag:s26] =	ssyncset.done $0x0  }
0xbf: {  	[sflag:s26] =	ssyncadd.s32 $0xFFFFC000  }
0xc0: {  	_ =	swait.ge [sflag:s26], $0x4000  }
0xc1: {  	[sflag:s26] =	ssyncset.done $0x0  }
0xc2: {  	[sflag:s26] =	ssyncadd.s32 $0xFFFFC000  }
0xc3: {  	_ =	swait.ge [sflag:s26], $0x4000  }
0xc4: {  	[sflag:s26] =	ssyncset.done $0x0  }
0xc5: {  	[sflag:s26] =	ssyncadd.s32 $0xFFFFC000  }
0xc6: {  	_ =	swait.ge [sflag:s26], $0x4000  }
0xc7: {  	[sflag:s26] =	ssyncset.done $0x0  }
0xc8: {  	[sflag:s26] =	ssyncadd.s32 $0xFFFFC000  }
0xc9: {  	_ =	swait.ge [sflag:s26], $0x4000  }
0xca: {  	[sflag:s26] =	ssyncset.done $0x0  }
0xcb: {  	[sflag:s26] =	ssyncadd.s32 $0xFFFFC000  }
0xcc: {  	_ =	swait.ge [sflag:s26], $0x4000  }
0xcd: {  	[sflag:s26] =	ssyncset.done $0x0  }
0xce: {  	[sflag:s26] =	ssyncadd.s32 $0xFFFFC000  }
0xcf: {  	[bflag:$0x0] =	sbarrier.arrive $0xFFFF  }
0xd0: {  	[hbm:s17], [sflag:s7] =	dma.local [spmem:s21], $0x2780  }
0xd1: {  	s28 =	sadd.s32 $0x1, s28;
	_ =	swait.ge [sflag:s22], $0x2780  }
0xd2: {  	p0 =	sne.s32 s28, s19;
	[sflag:s22] =	ssyncset.done $0x0  }
.Ltmp1:
0xd3: {  	[sflag:s22] =	ssyncadd.s32 $0xFFFFD880;
	(pc) =	sbr.rel @p0 .LBB2_1-.Ltmp1, $4  }
0xd4: {  	[hbm:s18], [sflag:s7] =	dma.local [spmem:s23], $0x800  }
0xd5: {  	_ =	swait.ge [sflag:s22], $0x800  }
0xd6: {  	[sflag:s22] =	ssyncset.done $0x0  }
0xd7: {  	[sflag:s22] =	ssyncadd.s32 $0xFFFFF800  }
0xd8: {  	_ =	sfence.sel $0x180000  }
0xd9: {  	[bflag:$0x0] =	sbarrier.arrive $0xFFFF  }
0xda: {  	_ =	strace $0x90000047  }
0xdb: {  	[bflag:$0x2] =	sbarrier.arrive $0xFFFF  }
0xdc: {  	p0 =	sne.s32 s0, $0x0;
	s0 =	rddreg [dreg:$0x4]  }
0xdd: {  	s0 =	sadd.s32 @!p0 $0x100000, s0  }
0xde: {  	[sflag:s0] =	ssyncadd.tile.s32 @!p0 $0x1;
	_ =	shalt  }
.Lfunc_end2:
_tile_overlayer_lowered:
.L_overlay_start_2:
0xdf: {  	(tag) =	ssettag $0x2  }
0xe0: {  	s0 =	rddreg [dreg:$0x0];
	s2 =	stileid.u32  }
0xe1: {  	s1 =	rddreg [dreg:$0x1];
	p0 =	sne.s32 s2, $0x0  }
0xe2: {  	s3 =	rddreg [dreg:$0x2];
	[bflag:$0x3] =	sbarrier.arrive $0xFFFF;
	s2 =	simm.s32 @!p0 $0x1C02  }
0xe3: {  	[timem:s3], [sflag:s2] =	dma.local @!p0 [hbm:s0], s1  }
0xe4: {  	s0 =	simm.s32 @!p0 $0x2  }
0xe5: {  	_ =	swait.ge @!p0 [sflag:s0], s1  }
0xe6: {  	s1 =	ssub.s32 @!p0 $0x0, s1;
	[sflag:s0] =	ssyncset.done @!p0 $0x0  }
0xe7: {  	[sflag:s0] =	ssyncadd.s32 @!p0 s1  }
0xe8: {  	[bflag:$0x3] =	sbarrier.arrive $0xFFFF  }
0xe9: {  	_ =	shalt  }

</sc_bundles>
